<compile_context>
chip_gen: v7x
topology: tpu7x:2x2x1
jax: 0.10.2.dev20260603
libtpu: 0.0.44.dev20260713+nightly
codegen_flags: <defaults>
</compile_context>

<pallas_src>
import functools

import jax
import jax.numpy as jnp
from jax import lax
from jax.experimental import pallas as pl
from jax.experimental.pallas import tpu as pltpu
from jax.experimental.pallas import tpu_sc as plsc

NC = 2
NS = 16
NW = NC * NS
K = 128
NBUF = 7
RG = 3
NB = 25


@functools.cache
def _build(n, v, d):
    tail = n % K

    mesh = plsc.VectorSubcoreMesh(
        core_axis_name="c", subcore_axis_name="s",
        num_cores=NC, num_subcores=NS,
    )

    @functools.partial(
        pl.kernel,
        out_type=jax.ShapeDtypeStruct((n, d), jnp.float32),
        mesh=mesh,
        scratch_types=[
            pltpu.VMEM((NB * K,), jnp.int32),
            pltpu.VMEM((NBUF, K, d), jnp.float32),
            pltpu.VMEM_SHARED((v, d), jnp.float32),
            pltpu.SemaphoreType.DMA((NBUF,)),
            pltpu.SemaphoreType.DMA((NBUF,)),
        ],
    )
    def gather_kernel(x_hbm, tab_hbm, out_hbm, idx_v, rows_v, tab_s,
                      sem_g, sem_w):
        cid = lax.axis_index("c")
        sid = lax.axis_index("s")

        @pl.when(sid == 0)
        def _stage():
            pltpu.sync_copy(tab_hbm, tab_s)

        plsc.subcore_barrier()

        wid = sid * NC + cid
        start = wid * NB

        pltpu.sync_copy(x_hbm.at[pl.ds(start * K, NB * K)], idx_v)

        def start_gather(b, s):
            return pltpu.async_copy(
                tab_s.at[idx_v.at[pl.ds(b * K, K)]],
                rows_v.at[s], sem_g.at[s])

        def write(b, s, wait):
            row0 = (start + b) * K

            @pl.when(row0 + K <= n)
            def _full():
                dsc = pltpu.make_async_copy(
                    rows_v.at[s], out_hbm.at[pl.ds(row0, K), :],
                    sem_w.at[s])
                dsc.wait() if wait else dsc.start()

            if tail:
                @pl.when((row0 < n) & (row0 + K > n))
                def _part():
                    dsc = pltpu.make_async_copy(
                        rows_v.at[s, pl.ds(0, tail)],
                        out_hbm.at[pl.ds(row0, tail), :],
                        sem_w.at[s])
                    dsc.wait() if wait else dsc.start()

        gathers = [None] * NBUF
        rg = min(RG, NB)
        for j in range(rg):
            gathers[j % NBUF] = start_gather(j, j % NBUF)

        for b in range(NB):
            s = b % NBUF
            gathers[s].wait()
            write(b, s, wait=False)
            j = b + rg
            if j < NB:
                sj = j % NBUF
                if j - NBUF >= 0:
                    write(j - NBUF, sj, wait=True)
                gathers[sj] = start_gather(j, sj)

        for b in range(max(0, NB - NBUF), NB):
            write(b, b % NBUF, wait=True)

    return gather_kernel


def kernel(x, table):
    n = x.shape[0]
    v, d = table.shape
    npad = NW * NB * K
    xp = jnp.pad(x.astype(jnp.int32), (0, npad - n))
    return _build(n, v, d)(xp, table.astype(jnp.float32))

# --- scband reference (transcript-rebuilt; emitter-appended) ---
"""Pipeline reference for scband-atom-encoder-14989435863724 (READ-ONLY COPY).

The authoritative reference and input builder live on the scoring server;
editing this copy changes nothing except your own understanding.
"""

import jax, jax.numpy as jnp
import numpy as np

HID_DIM = 128
VOCAB = 100
N = 100000

def setup_inputs(seed: int = 0) -> dict:
    key = jax.random.key(seed)
    k_idx, k_tab = jax.random.split(key)
    x = jax.random.randint(k_idx, (N,), 0, VOCAB, dtype=jnp.int64 if jax.config.jax_enable_x64 else jnp.int32)
    table = jax.random.normal(k_tab, (VOCAB, HID_DIM), dtype=jnp.float32)
    return {"x": x, "table": table}

def reference(x, table):
    # Faithful translation of Atom_encoder.forward: batch.atom = self.encoder(batch.x)
    # nn.Embedding lookup == row gather from the embedding table.
    atom = jnp.take(table, x, axis=0)
    return atom

if __name__ == "__main__":
    import jax
    _d = setup_inputs()
    print(jax.jit(kernel)(*tuple(_d.values())))

</pallas_src>

<mosaic_0001>
#map = affine_map<(d0, d1) -> (0)>
#map1 = affine_map<(d0, d1) -> (0, 0)>
module attributes {stable_mosaic.version = 14 : i64} {
  func.func @gather_kernel(%arg0: i32, %arg1: i32, %arg2: memref<102400xi32, #tpu.memory_space<hbm>>, %arg3: memref<100x128xf32, #tpu.memory_space<hbm>>, %arg4: memref<100000x128xf32, #tpu.memory_space<hbm>>, %arg5: memref<3200xi32, #tpu.memory_space<vmem>>, %arg6: memref<7x128x128xf32, #tpu.memory_space<vmem>>, %arg7: memref<100x128xf32, #tpu.memory_space<vmem_shared>>, %arg8: memref<7x!tpu.dma_semaphore, #tpu.memory_space<semaphore_mem>>, %arg9: memref<7x!tpu.dma_semaphore, #tpu.memory_space<semaphore_mem>>) attributes {dimension_semantics = [#tpu.dimension_semantics<core_parallel>, #tpu.dimension_semantics<subcore_parallel>], iteration_bounds = array<i64: 2, 16>, scalar_prefetch = 0 : i64, scratch_operands = 5 : i64, tpu.core_type = #tpu.core_type<sc_vector_subcore>, window_params = [{transform_indices = #map}, {transform_indices = #map1}, {transform_indices = #map1}]} {
    %eq3A = arith.constant 0 : i32
    %eq3A_0 = arith.cmpi eq, %arg1, %eq3A : i32
    %convert_element_type3A = arith.extui %eq3A_0 : i1 to i32
    %cond3A = arith.constant 0 : i32
    %cond3A_1 = arith.cmpi ne, %convert_element_type3A, %cond3A : i32
    scf.if %cond3A_1 {
      "tpu.region"() ({
        %run_scoped3A = tpu.sem_alloc : memref<!tpu.dma_semaphore, #tpu.memory_space<semaphore_mem>>
        tpu.enqueue_dma source(%arg3 : memref<100x128xf32, #tpu.memory_space<hbm>>) target(%arg7 : memref<100x128xf32, #tpu.memory_space<vmem_shared>>) target_semaphore(%run_scoped3A : memref<!tpu.dma_semaphore, #tpu.memory_space<semaphore_mem>>)
        tpu.wait_dma2 semaphore(%run_scoped3A : memref<!tpu.dma_semaphore, #tpu.memory_space<semaphore_mem>>) src(%arg3 : memref<100x128xf32, #tpu.memory_space<hbm>>) dst(%arg7 : memref<100x128xf32, #tpu.memory_space<vmem_shared>>)
        tpu.yield
      }) : () -> ()
    } else {
    }
    %barrier3A = arith.constant 0 : index
    tpu.barrier barrier_id(%barrier3A)
    %mul3A = arith.constant 2 : i32
    %mul3A_2 = arith.muli %arg1, %mul3A : i32
    %add3A = arith.addi %mul3A_2, %arg0 : i32
    %mul3A_3 = arith.constant 25 : i32
    %mul3A_4 = arith.muli %add3A, %mul3A_3 : i32
    %mul3A_5 = arith.constant 128 : i32
    %mul3A_6 = arith.muli %mul3A_4, %mul3A_5 : i32
    "tpu.region"() ({
      %run_scoped3A = tpu.sem_alloc : memref<!tpu.dma_semaphore, #tpu.memory_space<semaphore_mem>>
      %dma_start3A_1701 = tpu.memref_slice %arg2[%mul3A_6] : memref<102400xi32, #tpu.memory_space<hbm>> -> memref<3200xi32, #tpu.memory_space<hbm>>
      %dma_start3A_1702 = tpu.memref_slice %arg2[%mul3A_6] : memref<102400xi32, #tpu.memory_space<hbm>> -> memref<3200xi32, #tpu.memory_space<hbm>>
      tpu.enqueue_dma source(%dma_start3A_1702 : memref<3200xi32, #tpu.memory_space<hbm>>) target(%arg5 : memref<3200xi32, #tpu.memory_space<vmem>>) target_semaphore(%run_scoped3A : memref<!tpu.dma_semaphore, #tpu.memory_space<semaphore_mem>>)
      %dma_wait3A_1703 = tpu.memref_slice %arg2[%mul3A_6] : memref<102400xi32, #tpu.memory_space<hbm>> -> memref<3200xi32, #tpu.memory_space<hbm>>
      %dma_wait3A_1704 = tpu.memref_slice %arg2[%mul3A_6] : memref<102400xi32, #tpu.memory_space<hbm>> -> memref<3200xi32, #tpu.memory_space<hbm>>
      tpu.wait_dma2 semaphore(%run_scoped3A : memref<!tpu.dma_semaphore, #tpu.memory_space<semaphore_mem>>) src(%dma_wait3A_1704 : memref<3200xi32, #tpu.memory_space<hbm>>) dst(%arg5 : memref<3200xi32, #tpu.memory_space<vmem>>)
      tpu.yield
    }) : () -> ()
    %dma_start3A = arith.constant 0 : i32
    %dma_start3A_7 = arith.constant 0 : i32
    %dma_start3A_8 = arith.constant 0 : i32
    %dma_start3A_9 = arith.constant 0 : i32
    %dma_start3A_10 = tpu.memref_slice %arg6[%dma_start3A, %dma_start3A_8, %dma_start3A_9] : memref<7x128x128xf32, #tpu.memory_space<vmem>> -> memref<1x128x128xf32, #tpu.memory_space<vmem>>
    %dma_start3A_11 = tpu.memref_squeeze %dma_start3A_10 : memref<1x128x128xf32, #tpu.memory_space<vmem>> -> memref<128x128xf32, #tpu.memory_space<vmem>>
    %dma_start3A_12 = arith.constant 0 : i32
    %dma_start3A_13 = tpu.memref_slice %arg5[%dma_start3A_12] : memref<3200xi32, #tpu.memory_space<vmem>> -> memref<128xi32, #tpu.memory_space<vmem>>
    %dma_start3A_14 = arith.constant 0 : i32
    %dma_start3A_15 = arith.constant 0 : i32
    %dma_start3A_16 = tpu.memref_slice %arg7[%dma_start3A_14, %dma_start3A_15] : memref<100x128xf32, #tpu.memory_space<vmem_shared>> -> memref<100x128xf32, #tpu.memory_space<vmem_shared>>
    %dma_start3A_17 = tpu.memref_slice %arg8[%dma_start3A_7] : memref<7x!tpu.dma_semaphore, #tpu.memory_space<semaphore_mem>> -> memref<1x!tpu.dma_semaphore, #tpu.memory_space<semaphore_mem>>
    %dma_start3A_18 = tpu.memref_squeeze %dma_start3A_17 : memref<1x!tpu.dma_semaphore, #tpu.memory_space<semaphore_mem>> -> memref<!tpu.dma_semaphore, #tpu.memory_space<semaphore_mem>>
    tpu.enqueue_indirect_dma source(%dma_start3A_16 : memref<100x128xf32, #tpu.memory_space<vmem_shared>>) target(%dma_start3A_11 : memref<128x128xf32, #tpu.memory_space<vmem>>) offsets(%dma_start3A_13 : memref<128xi32, #tpu.memory_space<vmem>>) semaphore(%dma_start3A_18 : memref<!tpu.dma_semaphore, #tpu.memory_space<semaphore_mem>>)
    %dma_start3A_19 = arith.constant 1 : i32
    %dma_start3A_20 = arith.constant 1 : i32
    %dma_start3A_21 = arith.constant 0 : i32
    %dma_start3A_22 = arith.constant 0 : i32
    %dma_start3A_23 = tpu.memref_slice %arg6[%dma_start3A_19, %dma_start3A_21, %dma_start3A_22] : memref<7x128x128xf32, #tpu.memory_space<vmem>> -> memref<1x128x128xf32, #tpu.memory_space<vmem>>
    %dma_start3A_24 = tpu.memref_squeeze %dma_start3A_23 : memref<1x128x128xf32, #tpu.memory_space<vmem>> -> memref<128x128xf32, #tpu.memory_space<vmem>>
    %dma_start3A_25 = arith.constant 128 : i32
    %dma_start3A_26 = tpu.memref_slice %arg5[%dma_start3A_25] : memref<3200xi32, #tpu.memory_space<vmem>> -> memref<128xi32, #tpu.memory_space<vmem>>
    %dma_start3A_27 = arith.constant 0 : i32
    %dma_start3A_28 = arith.constant 0 : i32
    %dma_start3A_29 = tpu.memref_slice %arg7[%dma_start3A_27, %dma_start3A_28] : memref<100x128xf32, #tpu.memory_space<vmem_shared>> -> memref<100x128xf32, #tpu.memory_space<vmem_shared>>
    %dma_start3A_30 = tpu.memref_slice %arg8[%dma_start3A_20] : memref<7x!tpu.dma_semaphore, #tpu.memory_space<semaphore_mem>> -> memref<1x!tpu.dma_semaphore, #tpu.memory_space<semaphore_mem>>
    %dma_start3A_31 = tpu.memref_squeeze %dma_start3A_30 : memref<1x!tpu.dma_semaphore, #tpu.memory_space<semaphore_mem>> -> memref<!tpu.dma_semaphore, #tpu.memory_space<semaphore_mem>>
    tpu.enqueue_indirect_dma source(%dma_start3A_29 : memref<100x128xf32, #tpu.memory_space<vmem_shared>>) target(%dma_start3A_24 : memref<128x128xf32, #tpu.memory_space<vmem>>) offsets(%dma_start3A_26 : memref<128xi32, #tpu.memory_space<vmem>>) semaphore(%dma_start3A_31 : memref<!tpu.dma_semaphore, #tpu.memory_space<semaphore_mem>>)
    %dma_start3A_32 = arith.constant 2 : i32
    %dma_start3A_33 = arith.constant 2 : i32
    %dma_start3A_34 = arith.constant 0 : i32
    %dma_start3A_35 = arith.constant 0 : i32
    %dma_start3A_36 = tpu.memref_slice %arg6[%dma_start3A_32, %dma_start3A_34, %dma_start3A_35] : memref<7x128x128xf32, #tpu.memory_space<vmem>> -> memref<1x128x128xf32, #tpu.memory_space<vmem>>
    %dma_start3A_37 = tpu.memref_squeeze %dma_start3A_36 : memref<1x128x128xf32, #tpu.memory_space<vmem>> -> memref<128x128xf32, #tpu.memory_space<vmem>>
    %dma_start3A_38 = arith.constant 256 : i32
    %dma_start3A_39 = tpu.memref_slice %arg5[%dma_start3A_38] : memref<3200xi32, #tpu.memory_space<vmem>> -> memref<128xi32, #tpu.memory_space<vmem>>
    %dma_start3A_40 = arith.constant 0 : i32
    %dma_start3A_41 = arith.constant 0 : i32
    %dma_start3A_42 = tpu.memref_slice %arg7[%dma_start3A_40, %dma_start3A_41] : memref<100x128xf32, #tpu.memory_space<vmem_shared>> -> memref<100x128xf32, #tpu.memory_space<vmem_shared>>
    %dma_start3A_43 = tpu.memref_slice %arg8[%dma_start3A_33] : memref<7x!tpu.dma_semaphore, #tpu.memory_space<semaphore_mem>> -> memref<1x!tpu.dma_semaphore, #tpu.memory_space<semaphore_mem>>
    %dma_start3A_44 = tpu.memref_squeeze %dma_start3A_43 : memref<1x!tpu.dma_semaphore, #tpu.memory_space<semaphore_mem>> -> memref<!tpu.dma_semaphore, #tpu.memory_space<semaphore_mem>>
    tpu.enqueue_indirect_dma source(%dma_start3A_42 : memref<100x128xf32, #tpu.memory_space<vmem_shared>>) target(%dma_start3A_37 : memref<128x128xf32, #tpu.memory_space<vmem>>) offsets(%dma_start3A_39 : memref<128xi32, #tpu.memory_space<vmem>>) semaphore(%dma_start3A_44 : memref<!tpu.dma_semaphore, #tpu.memory_space<semaphore_mem>>)
    %dma_wait3A = arith.constant 0 : i32
    %dma_wait3A_45 = arith.constant 0 : i32
    %dma_wait3A_46 = arith.constant 0 : i32
    %dma_wait3A_47 = arith.constant 0 : i32
    %dma_wait3A_48 = tpu.memref_slice %arg6[%dma_wait3A, %dma_wait3A_46, %dma_wait3A_47] : memref<7x128x128xf32, #tpu.memory_space<vmem>> -> memref<1x128x128xf32, #tpu.memory_space<vmem>>
    %dma_wait3A_49 = tpu.memref_squeeze %dma_wait3A_48 : memref<1x128x128xf32, #tpu.memory_space<vmem>> -> memref<128x128xf32, #tpu.memory_space<vmem>>
    %dma_wait3A_50 = arith.constant 0 : i32
    %dma_wait3A_51 = tpu.memref_slice %arg5[%dma_wait3A_50] : memref<3200xi32, #tpu.memory_space<vmem>> -> memref<128xi32, #tpu.memory_space<vmem>>
    %dma_wait3A_52 = arith.constant 0 : i32
    %dma_wait3A_53 = arith.constant 0 : i32
    %dma_wait3A_54 = tpu.memref_slice %arg7[%dma_wait3A_52, %dma_wait3A_53] : memref<100x128xf32, #tpu.memory_space<vmem_shared>> -> memref<100x128xf32, #tpu.memory_space<vmem_shared>>
    %dma_wait3A_55 = tpu.memref_slice %arg8[%dma_wait3A_45] : memref<7x!tpu.dma_semaphore, #tpu.memory_space<semaphore_mem>> -> memref<1x!tpu.dma_semaphore, #tpu.memory_space<semaphore_mem>>
    %dma_wait3A_56 = tpu.memref_squeeze %dma_wait3A_55 : memref<1x!tpu.dma_semaphore, #tpu.memory_space<semaphore_mem>> -> memref<!tpu.dma_semaphore, #tpu.memory_space<semaphore_mem>>
    tpu.wait_indirect_dma semaphore(%dma_wait3A_56 : memref<!tpu.dma_semaphore, #tpu.memory_space<semaphore_mem>>) src(%dma_wait3A_54 : memref<100x128xf32, #tpu.memory_space<vmem_shared>>) dst(%dma_wait3A_49 : memref<128x128xf32, #tpu.memory_space<vmem>>)
    %add3A_57 = arith.constant 0 : i32
    %add3A_58 = arith.addi %mul3A_4, %add3A_57 : i32
    %mul3A_59 = arith.constant 128 : i32
    %mul3A_60 = arith.muli %add3A_58, %mul3A_59 : i32
    %add3A_61 = arith.constant 128 : i32
    %add3A_62 = arith.addi %mul3A_60, %add3A_61 : i32
    %le3A = arith.constant 100000 : i32
    %le3A_63 = arith.cmpi sle, %add3A_62, %le3A : i32
    %convert_element_type3A_64 = arith.extui %le3A_63 : i1 to i32
    %cond3A_65 = arith.constant 0 : i32
    %cond3A_66 = arith.cmpi ne, %convert_element_type3A_64, %cond3A_65 : i32
    scf.if %cond3A_66 {
      %dma_start3A_1701 = arith.constant 0 : i32
      %dma_start3A_1702 = arith.constant 0 : i32
      %dma_start3A_1703 = arith.constant 0 : i32
      %dma_start3A_1704 = arith.constant 0 : i32
      %dma_start3A_1705 = tpu.memref_slice %arg6[%dma_start3A_1701, %dma_start3A_1703, %dma_start3A_1704] : memref<7x128x128xf32, #tpu.memory_space<vmem>> -> memref<1x128x128xf32, #tpu.memory_space<vmem>>
      %dma_start3A_1706 = tpu.memref_squeeze %dma_start3A_1705 : memref<1x128x128xf32, #tpu.memory_space<vmem>> -> memref<128x128xf32, #tpu.memory_space<vmem>>
      %dma_start3A_1707 = arith.constant 0 : i32
      %dma_start3A_1708 = tpu.memref_slice %arg4[%mul3A_60, %dma_start3A_1707] : memref<100000x128xf32, #tpu.memory_space<hbm>> -> memref<128x128xf32, #tpu.memory_space<hbm>>
      %dma_start3A_1709 = tpu.memref_slice %arg9[%dma_start3A_1702] : memref<7x!tpu.dma_semaphore, #tpu.memory_space<semaphore_mem>> -> memref<1x!tpu.dma_semaphore, #tpu.memory_space<semaphore_mem>>
      %dma_start3A_1710 = tpu.memref_squeeze %dma_start3A_1709 : memref<1x!tpu.dma_semaphore, #tpu.memory_space<semaphore_mem>> -> memref<!tpu.dma_semaphore, #tpu.memory_space<semaphore_mem>>
      %dma_start3A_1711 = arith.constant 0 : i32
      %dma_start3A_1712 = tpu.memref_slice %arg4[%mul3A_60, %dma_start3A_1711] : memref<100000x128xf32, #tpu.memory_space<hbm>> -> memref<128x128xf32, #tpu.memory_space<hbm>>
      %dma_start3A_1713 = arith.constant 0 : i32
      %dma_start3A_1714 = arith.constant 0 : i32
      %dma_start3A_1715 = tpu.memref_slice %arg6[%dma_start3A_1701, %dma_start3A_1713, %dma_start3A_1714] : memref<7x128x128xf32, #tpu.memory_space<vmem>> -> memref<1x128x128xf32, #tpu.memory_space<vmem>>
      %dma_start3A_1716 = tpu.memref_squeeze %dma_start3A_1715 : memref<1x128x128xf32, #tpu.memory_space<vmem>> -> memref<128x128xf32, #tpu.memory_space<vmem>>
      tpu.enqueue_dma source(%dma_start3A_1716 : memref<128x128xf32, #tpu.memory_space<vmem>>) target(%dma_start3A_1712 : memref<128x128xf32, #tpu.memory_space<hbm>>) target_semaphore(%dma_start3A_1710 : memref<!tpu.dma_semaphore, #tpu.memory_space<semaphore_mem>>)
    } else {
    }
    %lt3A = arith.constant 100000 : i32
    %lt3A_67 = arith.cmpi slt, %mul3A_60, %lt3A : i32
    %add3A_68 = arith.constant 128 : i32
    %add3A_69 = arith.addi %mul3A_60, %add3A_68 : i32
    %gt3A = arith.constant 100000 : i32
    %gt3A_70 = arith.cmpi sgt, %add3A_69, %gt3A : i32
    %and3A = arith.andi %lt3A_67, %gt3A_70 : i1
    %convert_element_type3A_71 = arith.extui %and3A : i1 to i32
    %cond3A_72 = arith.constant 0 : i32
    %cond3A_73 = arith.cmpi ne, %convert_element_type3A_71, %cond3A_72 : i32
    scf.if %cond3A_73 {
      %dma_start3A_1701 = arith.constant 0 : i32
      %dma_start3A_1702 = arith.constant 0 : i32
      %dma_start3A_1703 = arith.constant 0 : i32
      %dma_start3A_1704 = arith.constant 0 : i32
      %dma_start3A_1705 = tpu.memref_slice %arg6[%dma_start3A_1701, %dma_start3A_1703, %dma_start3A_1704] : memref<7x128x128xf32, #tpu.memory_space<vmem>> -> memref<1x32x128xf32, #tpu.memory_space<vmem>>
      %dma_start3A_1706 = tpu.memref_squeeze %dma_start3A_1705 : memref<1x32x128xf32, #tpu.memory_space<vmem>> -> memref<32x128xf32, #tpu.memory_space<vmem>>
      %dma_start3A_1707 = arith.constant 0 : i32
      %dma_start3A_1708 = tpu.memref_slice %arg4[%mul3A_60, %dma_start3A_1707] : memref<100000x128xf32, #tpu.memory_space<hbm>> -> memref<32x128xf32, #tpu.memory_space<hbm>>
      %dma_start3A_1709 = tpu.memref_slice %arg9[%dma_start3A_1702] : memref<7x!tpu.dma_semaphore, #tpu.memory_space<semaphore_mem>> -> memref<1x!tpu.dma_semaphore, #tpu.memory_space<semaphore_mem>>
      %dma_start3A_1710 = tpu.memref_squeeze %dma_start3A_1709 : memref<1x!tpu.dma_semaphore, #tpu.memory_space<semaphore_mem>> -> memref<!tpu.dma_semaphore, #tpu.memory_space<semaphore_mem>>
      %dma_start3A_1711 = arith.constant 0 : i32
      %dma_start3A_1712 = tpu.memref_slice %arg4[%mul3A_60, %dma_start3A_1711] : memref<100000x128xf32, #tpu.memory_space<hbm>> -> memref<32x128xf32, #tpu.memory_space<hbm>>
      %dma_start3A_1713 = arith.constant 0 : i32
      %dma_start3A_1714 = arith.constant 0 : i32
      %dma_start3A_1715 = tpu.memref_slice %arg6[%dma_start3A_1701, %dma_start3A_1713, %dma_start3A_1714] : memref<7x128x128xf32, #tpu.memory_space<vmem>> -> memref<1x32x128xf32, #tpu.memory_space<vmem>>
      %dma_start3A_1716 = tpu.memref_squeeze %dma_start3A_1715 : memref<1x32x128xf32, #tpu.memory_space<vmem>> -> memref<32x128xf32, #tpu.memory_space<vmem>>
      tpu.enqueue_dma source(%dma_start3A_1716 : memref<32x128xf32, #tpu.memory_space<vmem>>) target(%dma_start3A_1712 : memref<32x128xf32, #tpu.memory_space<hbm>>) target_semaphore(%dma_start3A_1710 : memref<!tpu.dma_semaphore, #tpu.memory_space<semaphore_mem>>)
    } else {
    }
    %dma_start3A_74 = arith.constant 3 : i32
    %dma_start3A_75 = arith.constant 3 : i32
    %dma_start3A_76 = arith.constant 0 : i32
    %dma_start3A_77 = arith.constant 0 : i32
    %dma_start3A_78 = tpu.memref_slice %arg6[%dma_start3A_74, %dma_start3A_76, %dma_start3A_77] : memref<7x128x128xf32, #tpu.memory_space<vmem>> -> memref<1x128x128xf32, #tpu.memory_space<vmem>>
    %dma_start3A_79 = tpu.memref_squeeze %dma_start3A_78 : memref<1x128x128xf32, #tpu.memory_space<vmem>> -> memref<128x128xf32, #tpu.memory_space<vmem>>
    %dma_start3A_80 = arith.constant 384 : i32
    %dma_start3A_81 = tpu.memref_slice %arg5[%dma_start3A_80] : memref<3200xi32, #tpu.memory_space<vmem>> -> memref<128xi32, #tpu.memory_space<vmem>>
    %dma_start3A_82 = arith.constant 0 : i32
    %dma_start3A_83 = arith.constant 0 : i32
    %dma_start3A_84 = tpu.memref_slice %arg7[%dma_start3A_82, %dma_start3A_83] : memref<100x128xf32, #tpu.memory_space<vmem_shared>> -> memref<100x128xf32, #tpu.memory_space<vmem_shared>>
    %dma_start3A_85 = tpu.memref_slice %arg8[%dma_start3A_75] : memref<7x!tpu.dma_semaphore, #tpu.memory_space<semaphore_mem>> -> memref<1x!tpu.dma_semaphore, #tpu.memory_space<semaphore_mem>>
    %dma_start3A_86 = tpu.memref_squeeze %dma_start3A_85 : memref<1x!tpu.dma_semaphore, #tpu.memory_space<semaphore_mem>> -> memref<!tpu.dma_semaphore, #tpu.memory_space<semaphore_mem>>
    tpu.enqueue_indirect_dma source(%dma_start3A_84 : memref<100x128xf32, #tpu.memory_space<vmem_shared>>) target(%dma_start3A_79 : memref<128x128xf32, #tpu.memory_space<vmem>>) offsets(%dma_start3A_81 : memref<128xi32, #tpu.memory_space<vmem>>) semaphore(%dma_start3A_86 : memref<!tpu.dma_semaphore, #tpu.memory_space<semaphore_mem>>)
    %dma_wait3A_87 = arith.constant 1 : i32
    %dma_wait3A_88 = arith.constant 1 : i32
    %dma_wait3A_89 = arith.constant 0 : i32
    %dma_wait3A_90 = arith.constant 0 : i32
    %dma_wait3A_91 = tpu.memref_slice %arg6[%dma_wait3A_87, %dma_wait3A_89, %dma_wait3A_90] : memref<7x128x128xf32, #tpu.memory_space<vmem>> -> memref<1x128x128xf32, #tpu.memory_space<vmem>>
    %dma_wait3A_92 = tpu.memref_squeeze %dma_wait3A_91 : memref<1x128x128xf32, #tpu.memory_space<vmem>> -> memref<128x128xf32, #tpu.memory_space<vmem>>
    %dma_wait3A_93 = arith.constant 128 : i32
    %dma_wait3A_94 = tpu.memref_slice %arg5[%dma_wait3A_93] : memref<3200xi32, #tpu.memory_space<vmem>> -> memref<128xi32, #tpu.memory_space<vmem>>
    %dma_wait3A_95 = arith.constant 0 : i32
    %dma_wait3A_96 = arith.constant 0 : i32
    %dma_wait3A_97 = tpu.memref_slice %arg7[%dma_wait3A_95, %dma_wait3A_96] : memref<100x128xf32, #tpu.memory_space<vmem_shared>> -> memref<100x128xf32, #tpu.memory_space<vmem_shared>>
    %dma_wait3A_98 = tpu.memref_slice %arg8[%dma_wait3A_88] : memref<7x!tpu.dma_semaphore, #tpu.memory_space<semaphore_mem>> -> memref<1x!tpu.dma_semaphore, #tpu.memory_space<semaphore_mem>>
    %dma_wait3A_99 = tpu.memref_squeeze %dma_wait3A_98 : memref<1x!tpu.dma_semaphore, #tpu.memory_space<semaphore_mem>> -> memref<!tpu.dma_semaphore, #tpu.memory_space<semaphore_mem>>
    tpu.wait_indirect_dma semaphore(%dma_wait3A_99 : memref<!tpu.dma_semaphore, #tpu.memory_space<semaphore_mem>>) src(%dma_wait3A_97 : memref<100x128xf32, #tpu.memory_space<vmem_shared>>) dst(%dma_wait3A_92 : memref<128x128xf32, #tpu.memory_space<vmem>>)
    %add3A_100 = arith.constant 1 : i32
    %add3A_101 = arith.addi %mul3A_4, %add3A_100 : i32
    %mul3A_102 = arith.constant 128 : i32
    %mul3A_103 = arith.muli %add3A_101, %mul3A_102 : i32
    %add3A_104 = arith.constant 128 : i32
    %add3A_105 = arith.addi %mul3A_103, %add3A_104 : i32
    %le3A_106 = arith.constant 100000 : i32
    %le3A_107 = arith.cmpi sle, %add3A_105, %le3A_106 : i32
    %convert_element_type3A_108 = arith.extui %le3A_107 : i1 to i32
    %cond3A_109 = arith.constant 0 : i32
    %cond3A_110 = arith.cmpi ne, %convert_element_type3A_108, %cond3A_109 : i32
    scf.if %cond3A_110 {
      %dma_start3A_1701 = arith.constant 1 : i32
      %dma_start3A_1702 = arith.constant 1 : i32
      %dma_start3A_1703 = arith.constant 0 : i32
      %dma_start3A_1704 = arith.constant 0 : i32
      %dma_start3A_1705 = tpu.memref_slice %arg6[%dma_start3A_1701, %dma_start3A_1703, %dma_start3A_1704] : memref<7x128x128xf32, #tpu.memory_space<vmem>> -> memref<1x128x128xf32, #tpu.memory_space<vmem>>
      %dma_start3A_1706 = tpu.memref_squeeze %dma_start3A_1705 : memref<1x128x128xf32, #tpu.memory_space<vmem>> -> memref<128x128xf32, #tpu.memory_space<vmem>>
      %dma_start3A_1707 = arith.constant 0 : i32
      %dma_start3A_1708 = tpu.memref_slice %arg4[%mul3A_103, %dma_start3A_1707] : memref<100000x128xf32, #tpu.memory_space<hbm>> -> memref<128x128xf32, #tpu.memory_space<hbm>>
      %dma_start3A_1709 = tpu.memref_slice %arg9[%dma_start3A_1702] : memref<7x!tpu.dma_semaphore, #tpu.memory_space<semaphore_mem>> -> memref<1x!tpu.dma_semaphore, #tpu.memory_space<semaphore_mem>>
      %dma_start3A_1710 = tpu.memref_squeeze %dma_start3A_1709 : memref<1x!tpu.dma_semaphore, #tpu.memory_space<semaphore_mem>> -> memref<!tpu.dma_semaphore, #tpu.memory_space<semaphore_mem>>
      %dma_start3A_1711 = arith.constant 0 : i32
      %dma_start3A_1712 = tpu.memref_slice %arg4[%mul3A_103, %dma_start3A_1711] : memref<100000x128xf32, #tpu.memory_space<hbm>> -> memref<128x128xf32, #tpu.memory_space<hbm>>
      %dma_start3A_1713 = arith.constant 0 : i32
      %dma_start3A_1714 = arith.constant 0 : i32
      %dma_start3A_1715 = tpu.memref_slice %arg6[%dma_start3A_1701, %dma_start3A_1713, %dma_start3A_1714] : memref<7x128x128xf32, #tpu.memory_space<vmem>> -> memref<1x128x128xf32, #tpu.memory_space<vmem>>
      %dma_start3A_1716 = tpu.memref_squeeze %dma_start3A_1715 : memref<1x128x128xf32, #tpu.memory_space<vmem>> -> memref<128x128xf32, #tpu.memory_space<vmem>>
      tpu.enqueue_dma source(%dma_start3A_1716 : memref<128x128xf32, #tpu.memory_space<vmem>>) target(%dma_start3A_1712 : memref<128x128xf32, #tpu.memory_space<hbm>>) target_semaphore(%dma_start3A_1710 : memref<!tpu.dma_semaphore, #tpu.memory_space<semaphore_mem>>)
    } else {
    }
    %lt3A_111 = arith.constant 100000 : i32
    %lt3A_112 = arith.cmpi slt, %mul3A_103, %lt3A_111 : i32
    %add3A_113 = arith.constant 128 : i32
    %add3A_114 = arith.addi %mul3A_103, %add3A_113 : i32
    %gt3A_115 = arith.constant 100000 : i32
    %gt3A_116 = arith.cmpi sgt, %add3A_114, %gt3A_115 : i32
    %and3A_117 = arith.andi %lt3A_112, %gt3A_116 : i1
    %convert_element_type3A_118 = arith.extui %and3A_117 : i1 to i32
    %cond3A_119 = arith.constant 0 : i32
    %cond3A_120 = arith.cmpi ne, %convert_element_type3A_118, %cond3A_119 : i32
    scf.if %cond3A_120 {
      %dma_start3A_1701 = arith.constant 1 : i32
      %dma_start3A_1702 = arith.constant 1 : i32
      %dma_start3A_1703 = arith.constant 0 : i32
      %dma_start3A_1704 = arith.constant 0 : i32
      %dma_start3A_1705 = tpu.memref_slice %arg6[%dma_start3A_1701, %dma_start3A_1703, %dma_start3A_1704] : memref<7x128x128xf32, #tpu.memory_space<vmem>> -> memref<1x32x128xf32, #tpu.memory_space<vmem>>
      %dma_start3A_1706 = tpu.memref_squeeze %dma_start3A_1705 : memref<1x32x128xf32, #tpu.memory_space<vmem>> -> memref<32x128xf32, #tpu.memory_space<vmem>>
      %dma_start3A_1707 = arith.constant 0 : i32
      %dma_start3A_1708 = tpu.memref_slice %arg4[%mul3A_103, %dma_start3A_1707] : memref<100000x128xf32, #tpu.memory_space<hbm>> -> memref<32x128xf32, #tpu.memory_space<hbm>>
      %dma_start3A_1709 = tpu.memref_slice %arg9[%dma_start3A_1702] : memref<7x!tpu.dma_semaphore, #tpu.memory_space<semaphore_mem>> -> memref<1x!tpu.dma_semaphore, #tpu.memory_space<semaphore_mem>>
      %dma_start3A_1710 = tpu.memref_squeeze %dma_start3A_1709 : memref<1x!tpu.dma_semaphore, #tpu.memory_space<semaphore_mem>> -> memref<!tpu.dma_semaphore, #tpu.memory_space<semaphore_mem>>
      %dma_start3A_1711 = arith.constant 0 : i32
      %dma_start3A_1712 = tpu.memref_slice %arg4[%mul3A_103, %dma_start3A_1711] : memref<100000x128xf32, #tpu.memory_space<hbm>> -> memref<32x128xf32, #tpu.memory_space<hbm>>
      %dma_start3A_1713 = arith.constant 0 : i32
      %dma_start3A_1714 = arith.constant 0 : i32
      %dma_start3A_1715 = tpu.memref_slice %arg6[%dma_start3A_1701, %dma_start3A_1713, %dma_start3A_1714] : memref<7x128x128xf32, #tpu.memory_space<vmem>> -> memref<1x32x128xf32, #tpu.memory_space<vmem>>
      %dma_start3A_1716 = tpu.memref_squeeze %dma_start3A_1715 : memref<1x32x128xf32, #tpu.memory_space<vmem>> -> memref<32x128xf32, #tpu.memory_space<vmem>>
      tpu.enqueue_dma source(%dma_start3A_1716 : memref<32x128xf32, #tpu.memory_space<vmem>>) target(%dma_start3A_1712 : memref<32x128xf32, #tpu.memory_space<hbm>>) target_semaphore(%dma_start3A_1710 : memref<!tpu.dma_semaphore, #tpu.memory_space<semaphore_mem>>)
    } else {
    }
    %dma_start3A_121 = arith.constant 4 : i32
    %dma_start3A_122 = arith.constant 4 : i32
    %dma_start3A_123 = arith.constant 0 : i32
    %dma_start3A_124 = arith.constant 0 : i32
    %dma_start3A_125 = tpu.memref_slice %arg6[%dma_start3A_121, %dma_start3A_123, %dma_start3A_124] : memref<7x128x128xf32, #tpu.memory_space<vmem>> -> memref<1x128x128xf32, #tpu.memory_space<vmem>>
    %dma_start3A_126 = tpu.memref_squeeze %dma_start3A_125 : memref<1x128x128xf32, #tpu.memory_space<vmem>> -> memref<128x128xf32, #tpu.memory_space<vmem>>
    %dma_start3A_127 = arith.constant 512 : i32
    %dma_start3A_128 = tpu.memref_slice %arg5[%dma_start3A_127] : memref<3200xi32, #tpu.memory_space<vmem>> -> memref<128xi32, #tpu.memory_space<vmem>>
    %dma_start3A_129 = arith.constant 0 : i32
    %dma_start3A_130 = arith.constant 0 : i32
    %dma_start3A_131 = tpu.memref_slice %arg7[%dma_start3A_129, %dma_start3A_130] : memref<100x128xf32, #tpu.memory_space<vmem_shared>> -> memref<100x128xf32, #tpu.memory_space<vmem_shared>>
    %dma_start3A_132 = tpu.memref_slice %arg8[%dma_start3A_122] : memref<7x!tpu.dma_semaphore, #tpu.memory_space<semaphore_mem>> -> memref<1x!tpu.dma_semaphore, #tpu.memory_space<semaphore_mem>>
    %dma_start3A_133 = tpu.memref_squeeze %dma_start3A_132 : memref<1x!tpu.dma_semaphore, #tpu.memory_space<semaphore_mem>> -> memref<!tpu.dma_semaphore, #tpu.memory_space<semaphore_mem>>
    tpu.enqueue_indirect_dma source(%dma_start3A_131 : memref<100x128xf32, #tpu.memory_space<vmem_shared>>) target(%dma_start3A_126 : memref<128x128xf32, #tpu.memory_space<vmem>>) offsets(%dma_start3A_128 : memref<128xi32, #tpu.memory_space<vmem>>) semaphore(%dma_start3A_133 : memref<!tpu.dma_semaphore, #tpu.memory_space<semaphore_mem>>)
    %dma_wait3A_134 = arith.constant 2 : i32
    %dma_wait3A_135 = arith.constant 2 : i32
    %dma_wait3A_136 = arith.constant 0 : i32
    %dma_wait3A_137 = arith.constant 0 : i32
    %dma_wait3A_138 = tpu.memref_slice %arg6[%dma_wait3A_134, %dma_wait3A_136, %dma_wait3A_137] : memref<7x128x128xf32, #tpu.memory_space<vmem>> -> memref<1x128x128xf32, #tpu.memory_space<vmem>>
    %dma_wait3A_139 = tpu.memref_squeeze %dma_wait3A_138 : memref<1x128x128xf32, #tpu.memory_space<vmem>> -> memref<128x128xf32, #tpu.memory_space<vmem>>
    %dma_wait3A_140 = arith.constant 256 : i32
    %dma_wait3A_141 = tpu.memref_slice %arg5[%dma_wait3A_140] : memref<3200xi32, #tpu.memory_space<vmem>> -> memref<128xi32, #tpu.memory_space<vmem>>
    %dma_wait3A_142 = arith.constant 0 : i32
    %dma_wait3A_143 = arith.constant 0 : i32
    %dma_wait3A_144 = tpu.memref_slice %arg7[%dma_wait3A_142, %dma_wait3A_143] : memref<100x128xf32, #tpu.memory_space<vmem_shared>> -> memref<100x128xf32, #tpu.memory_space<vmem_shared>>
    %dma_wait3A_145 = tpu.memref_slice %arg8[%dma_wait3A_135] : memref<7x!tpu.dma_semaphore, #tpu.memory_space<semaphore_mem>> -> memref<1x!tpu.dma_semaphore, #tpu.memory_space<semaphore_mem>>
    %dma_wait3A_146 = tpu.memref_squeeze %dma_wait3A_145 : memref<1x!tpu.dma_semaphore, #tpu.memory_space<semaphore_mem>> -> memref<!tpu.dma_semaphore, #tpu.memory_space<semaphore_mem>>
    tpu.wait_indirect_dma semaphore(%dma_wait3A_146 : memref<!tpu.dma_semaphore, #tpu.memory_space<semaphore_mem>>) src(%dma_wait3A_144 : memref<100x128xf32, #tpu.memory_space<vmem_shared>>) dst(%dma_wait3A_139 : memref<128x128xf32, #tpu.memory_space<vmem>>)
    %add3A_147 = arith.constant 2 : i32
    %add3A_148 = arith.addi %mul3A_4, %add3A_147 : i32
    %mul3A_149 = arith.constant 128 : i32
    %mul3A_150 = arith.muli %add3A_148, %mul3A_149 : i32
    %add3A_151 = arith.constant 128 : i32
    %add3A_152 = arith.addi %mul3A_150, %add3A_151 : i32
    %le3A_153 = arith.constant 100000 : i32
    %le3A_154 = arith.cmpi sle, %add3A_152, %le3A_153 : i32
    %convert_element_type3A_155 = arith.extui %le3A_154 : i1 to i32
    %cond3A_156 = arith.constant 0 : i32
    %cond3A_157 = arith.cmpi ne, %convert_element_type3A_155, %cond3A_156 : i32
    scf.if %cond3A_157 {
      %dma_start3A_1701 = arith.constant 2 : i32
      %dma_start3A_1702 = arith.constant 2 : i32
      %dma_start3A_1703 = arith.constant 0 : i32
      %dma_start3A_1704 = arith.constant 0 : i32
      %dma_start3A_1705 = tpu.memref_slice %arg6[%dma_start3A_1701, %dma_start3A_1703, %dma_start3A_1704] : memref<7x128x128xf32, #tpu.memory_space<vmem>> -> memref<1x128x128xf32, #tpu.memory_space<vmem>>
      %dma_start3A_1706 = tpu.memref_squeeze %dma_start3A_1705 : memref<1x128x128xf32, #tpu.memory_space<vmem>> -> memref<128x128xf32, #tpu.memory_space<vmem>>
      %dma_start3A_1707 = arith.constant 0 : i32
      %dma_start3A_1708 = tpu.memref_slice %arg4[%mul3A_150, %dma_start3A_1707] : memref<100000x128xf32, #tpu.memory_space<hbm>> -> memref<128x128xf32, #tpu.memory_space<hbm>>
      %dma_start3A_1709 = tpu.memref_slice %arg9[%dma_start3A_1702] : memref<7x!tpu.dma_semaphore, #tpu.memory_space<semaphore_mem>> -> memref<1x!tpu.dma_semaphore, #tpu.memory_space<semaphore_mem>>
      %dma_start3A_1710 = tpu.memref_squeeze %dma_start3A_1709 : memref<1x!tpu.dma_semaphore, #tpu.memory_space<semaphore_mem>> -> memref<!tpu.dma_semaphore, #tpu.memory_space<semaphore_mem>>
      %dma_start3A_1711 = arith.constant 0 : i32
      %dma_start3A_1712 = tpu.memref_slice %arg4[%mul3A_150, %dma_start3A_1711] : memref<100000x128xf32, #tpu.memory_space<hbm>> -> memref<128x128xf32, #tpu.memory_space<hbm>>
      %dma_start3A_1713 = arith.constant 0 : i32
      %dma_start3A_1714 = arith.constant 0 : i32
      %dma_start3A_1715 = tpu.memref_slice %arg6[%dma_start3A_1701, %dma_start3A_1713, %dma_start3A_1714] : memref<7x128x128xf32, #tpu.memory_space<vmem>> -> memref<1x128x128xf32, #tpu.memory_space<vmem>>
      %dma_start3A_1716 = tpu.memref_squeeze %dma_start3A_1715 : memref<1x128x128xf32, #tpu.memory_space<vmem>> -> memref<128x128xf32, #tpu.memory_space<vmem>>
      tpu.enqueue_dma source(%dma_start3A_1716 : memref<128x128xf32, #tpu.memory_space<vmem>>) target(%dma_start3A_1712 : memref<128x128xf32, #tpu.memory_space<hbm>>) target_semaphore(%dma_start3A_1710 : memref<!tpu.dma_semaphore, #tpu.memory_space<semaphore_mem>>)
    } else {
    }
    %lt3A_158 = arith.constant 100000 : i32
    %lt3A_159 = arith.cmpi slt, %mul3A_150, %lt3A_158 : i32
    %add3A_160 = arith.constant 128 : i32
    %add3A_161 = arith.addi %mul3A_150, %add3A_160 : i32
    %gt3A_162 = arith.constant 100000 : i32
    %gt3A_163 = arith.cmpi sgt, %add3A_161, %gt3A_162 : i32
    %and3A_164 = arith.andi %lt3A_159, %gt3A_163 : i1
    %convert_element_type3A_165 = arith.extui %and3A_164 : i1 to i32
    %cond3A_166 = arith.constant 0 : i32
    %cond3A_167 = arith.cmpi ne, %convert_element_type3A_165, %cond3A_166 : i32
    scf.if %cond3A_167 {
      %dma_start3A_1701 = arith.constant 2 : i32
      %dma_start3A_1702 = arith.constant 2 : i32
      %dma_start3A_1703 = arith.constant 0 : i32
      %dma_start3A_1704 = arith.constant 0 : i32
      %dma_start3A_1705 = tpu.memref_slice %arg6[%dma_start3A_1701, %dma_start3A_1703, %dma_start3A_1704] : memref<7x128x128xf32, #tpu.memory_space<vmem>> -> memref<1x32x128xf32, #tpu.memory_space<vmem>>
      %dma_start3A_1706 = tpu.memref_squeeze %dma_start3A_1705 : memref<1x32x128xf32, #tpu.memory_space<vmem>> -> memref<32x128xf32, #tpu.memory_space<vmem>>
      %dma_start3A_1707 = arith.constant 0 : i32
      %dma_start3A_1708 = tpu.memref_slice %arg4[%mul3A_150, %dma_start3A_1707] : memref<100000x128xf32, #tpu.memory_space<hbm>> -> memref<32x128xf32, #tpu.memory_space<hbm>>
      %dma_start3A_1709 = tpu.memref_slice %arg9[%dma_start3A_1702] : memref<7x!tpu.dma_semaphore, #tpu.memory_space<semaphore_mem>> -> memref<1x!tpu.dma_semaphore, #tpu.memory_space<semaphore_mem>>
      %dma_start3A_1710 = tpu.memref_squeeze %dma_start3A_1709 : memref<1x!tpu.dma_semaphore, #tpu.memory_space<semaphore_mem>> -> memref<!tpu.dma_semaphore, #tpu.memory_space<semaphore_mem>>
      %dma_start3A_1711 = arith.constant 0 : i32
      %dma_start3A_1712 = tpu.memref_slice %arg4[%mul3A_150, %dma_start3A_1711] : memref<100000x128xf32, #tpu.memory_space<hbm>> -> memref<32x128xf32, #tpu.memory_space<hbm>>
      %dma_start3A_1713 = arith.constant 0 : i32
      %dma_start3A_1714 = arith.constant 0 : i32
      %dma_start3A_1715 = tpu.memref_slice %arg6[%dma_start3A_1701, %dma_start3A_1713, %dma_start3A_1714] : memref<7x128x128xf32, #tpu.memory_space<vmem>> -> memref<1x32x128xf32, #tpu.memory_space<vmem>>
      %dma_start3A_1716 = tpu.memref_squeeze %dma_start3A_1715 : memref<1x32x128xf32, #tpu.memory_space<vmem>> -> memref<32x128xf32, #tpu.memory_space<vmem>>
      tpu.enqueue_dma source(%dma_start3A_1716 : memref<32x128xf32, #tpu.memory_space<vmem>>) target(%dma_start3A_1712 : memref<32x128xf32, #tpu.memory_space<hbm>>) target_semaphore(%dma_start3A_1710 : memref<!tpu.dma_semaphore, #tpu.memory_space<semaphore_mem>>)
    } else {
    }
    %dma_start3A_168 = arith.constant 5 : i32
    %dma_start3A_169 = arith.constant 5 : i32
    %dma_start3A_170 = arith.constant 0 : i32
    %dma_start3A_171 = arith.constant 0 : i32
    %dma_start3A_172 = tpu.memref_slice %arg6[%dma_start3A_168, %dma_start3A_170, %dma_start3A_171] : memref<7x128x128xf32, #tpu.memory_space<vmem>> -> memref<1x128x128xf32, #tpu.memory_space<vmem>>
    %dma_start3A_173 = tpu.memref_squeeze %dma_start3A_172 : memref<1x128x128xf32, #tpu.memory_space<vmem>> -> memref<128x128xf32, #tpu.memory_space<vmem>>
    %dma_start3A_174 = arith.constant 640 : i32
    %dma_start3A_175 = tpu.memref_slice %arg5[%dma_start3A_174] : memref<3200xi32, #tpu.memory_space<vmem>> -> memref<128xi32, #tpu.memory_space<vmem>>
    %dma_start3A_176 = arith.constant 0 : i32
    %dma_start3A_177 = arith.constant 0 : i32
    %dma_start3A_178 = tpu.memref_slice %arg7[%dma_start3A_176, %dma_start3A_177] : memref<100x128xf32, #tpu.memory_space<vmem_shared>> -> memref<100x128xf32, #tpu.memory_space<vmem_shared>>
    %dma_start3A_179 = tpu.memref_slice %arg8[%dma_start3A_169] : memref<7x!tpu.dma_semaphore, #tpu.memory_space<semaphore_mem>> -> memref<1x!tpu.dma_semaphore, #tpu.memory_space<semaphore_mem>>
    %dma_start3A_180 = tpu.memref_squeeze %dma_start3A_179 : memref<1x!tpu.dma_semaphore, #tpu.memory_space<semaphore_mem>> -> memref<!tpu.dma_semaphore, #tpu.memory_space<semaphore_mem>>
    tpu.enqueue_indirect_dma source(%dma_start3A_178 : memref<100x128xf32, #tpu.memory_space<vmem_shared>>) target(%dma_start3A_173 : memref<128x128xf32, #tpu.memory_space<vmem>>) offsets(%dma_start3A_175 : memref<128xi32, #tpu.memory_space<vmem>>) semaphore(%dma_start3A_180 : memref<!tpu.dma_semaphore, #tpu.memory_space<semaphore_mem>>)
    %dma_wait3A_181 = arith.constant 3 : i32
    %dma_wait3A_182 = arith.constant 3 : i32
    %dma_wait3A_183 = arith.constant 0 : i32
    %dma_wait3A_184 = arith.constant 0 : i32
    %dma_wait3A_185 = tpu.memref_slice %arg6[%dma_wait3A_181, %dma_wait3A_183, %dma_wait3A_184] : memref<7x128x128xf32, #tpu.memory_space<vmem>> -> memref<1x128x128xf32, #tpu.memory_space<vmem>>
    %dma_wait3A_186 = tpu.memref_squeeze %dma_wait3A_185 : memref<1x128x128xf32, #tpu.memory_space<vmem>> -> memref<128x128xf32, #tpu.memory_space<vmem>>
    %dma_wait3A_187 = arith.constant 384 : i32
    %dma_wait3A_188 = tpu.memref_slice %arg5[%dma_wait3A_187] : memref<3200xi32, #tpu.memory_space<vmem>> -> memref<128xi32, #tpu.memory_space<vmem>>
    %dma_wait3A_189 = arith.constant 0 : i32
    %dma_wait3A_190 = arith.constant 0 : i32
    %dma_wait3A_191 = tpu.memref_slice %arg7[%dma_wait3A_189, %dma_wait3A_190] : memref<100x128xf32, #tpu.memory_space<vmem_shared>> -> memref<100x128xf32, #tpu.memory_space<vmem_shared>>
    %dma_wait3A_192 = tpu.memref_slice %arg8[%dma_wait3A_182] : memref<7x!tpu.dma_semaphore, #tpu.memory_space<semaphore_mem>> -> memref<1x!tpu.dma_semaphore, #tpu.memory_space<semaphore_mem>>
    %dma_wait3A_193 = tpu.memref_squeeze %dma_wait3A_192 : memref<1x!tpu.dma_semaphore, #tpu.memory_space<semaphore_mem>> -> memref<!tpu.dma_semaphore, #tpu.memory_space<semaphore_mem>>
    tpu.wait_indirect_dma semaphore(%dma_wait3A_193 : memref<!tpu.dma_semaphore, #tpu.memory_space<semaphore_mem>>) src(%dma_wait3A_191 : memref<100x128xf32, #tpu.memory_space<vmem_shared>>) dst(%dma_wait3A_186 : memref<128x128xf32, #tpu.memory_space<vmem>>)
    %add3A_194 = arith.constant 3 : i32
    %add3A_195 = arith.addi %mul3A_4, %add3A_194 : i32
    %mul3A_196 = arith.constant 128 : i32
    %mul3A_197 = arith.muli %add3A_195, %mul3A_196 : i32
    %add3A_198 = arith.constant 128 : i32
    %add3A_199 = arith.addi %mul3A_197, %add3A_198 : i32
    %le3A_200 = arith.constant 100000 : i32
    %le3A_201 = arith.cmpi sle, %add3A_199, %le3A_200 : i32
    %convert_element_type3A_202 = arith.extui %le3A_201 : i1 to i32
    %cond3A_203 = arith.constant 0 : i32
    %cond3A_204 = arith.cmpi ne, %convert_element_type3A_202, %cond3A_203 : i32
    scf.if %cond3A_204 {
      %dma_start3A_1701 = arith.constant 3 : i32
      %dma_start3A_1702 = arith.constant 3 : i32
      %dma_start3A_1703 = arith.constant 0 : i32
      %dma_start3A_1704 = arith.constant 0 : i32
      %dma_start3A_1705 = tpu.memref_slice %arg6[%dma_start3A_1701, %dma_start3A_1703, %dma_start3A_1704] : memref<7x128x128xf32, #tpu.memory_space<vmem>> -> memref<1x128x128xf32, #tpu.memory_space<vmem>>
      %dma_start3A_1706 = tpu.memref_squeeze %dma_start3A_1705 : memref<1x128x128xf32, #tpu.memory_space<vmem>> -> memref<128x128xf32, #tpu.memory_space<vmem>>
      %dma_start3A_1707 = arith.constant 0 : i32
      %dma_start3A_1708 = tpu.memref_slice %arg4[%mul3A_197, %dma_start3A_1707] : memref<100000x128xf32, #tpu.memory_space<hbm>> -> memref<128x128xf32, #tpu.memory_space<hbm>>
      %dma_start3A_1709 = tpu.memref_slice %arg9[%dma_start3A_1702] : memref<7x!tpu.dma_semaphore, #tpu.memory_space<semaphore_mem>> -> memref<1x!tpu.dma_semaphore, #tpu.memory_space<semaphore_mem>>
      %dma_start3A_1710 = tpu.memref_squeeze %dma_start3A_1709 : memref<1x!tpu.dma_semaphore, #tpu.memory_space<semaphore_mem>> -> memref<!tpu.dma_semaphore, #tpu.memory_space<semaphore_mem>>
      %dma_start3A_1711 = arith.constant 0 : i32
      %dma_start3A_1712 = tpu.memref_slice %arg4[%mul3A_197, %dma_start3A_1711] : memref<100000x128xf32, #tpu.memory_space<hbm>> -> memref<128x128xf32, #tpu.memory_space<hbm>>
      %dma_start3A_1713 = arith.constant 0 : i32
      %dma_start3A_1714 = arith.constant 0 : i32
      %dma_start3A_1715 = tpu.memref_slice %arg6[%dma_start3A_1701, %dma_start3A_1713, %dma_start3A_1714] : memref<7x128x128xf32, #tpu.memory_space<vmem>> -> memref<1x128x128xf32, #tpu.memory_space<vmem>>
      %dma_start3A_1716 = tpu.memref_squeeze %dma_start3A_1715 : memref<1x128x128xf32, #tpu.memory_space<vmem>> -> memref<128x128xf32, #tpu.memory_space<vmem>>
      tpu.enqueue_dma source(%dma_start3A_1716 : memref<128x128xf32, #tpu.memory_space<vmem>>) target(%dma_start3A_1712 : memref<128x128xf32, #tpu.memory_space<hbm>>) target_semaphore(%dma_start3A_1710 : memref<!tpu.dma_semaphore, #tpu.memory_space<semaphore_mem>>)
    } else {
    }
    %lt3A_205 = arith.constant 100000 : i32
    %lt3A_206 = arith.cmpi slt, %mul3A_197, %lt3A_205 : i32
    %add3A_207 = arith.constant 128 : i32
    %add3A_208 = arith.addi %mul3A_197, %add3A_207 : i32
    %gt3A_209 = arith.constant 100000 : i32
    %gt3A_210 = arith.cmpi sgt, %add3A_208, %gt3A_209 : i32
    %and3A_211 = arith.andi %lt3A_206, %gt3A_210 : i1
    %convert_element_type3A_212 = arith.extui %and3A_211 : i1 to i32
    %cond3A_213 = arith.constant 0 : i32
    %cond3A_214 = arith.cmpi ne, %convert_element_type3A_212, %cond3A_213 : i32
    scf.if %cond3A_214 {
      %dma_start3A_1701 = arith.constant 3 : i32
      %dma_start3A_1702 = arith.constant 3 : i32
      %dma_start3A_1703 = arith.constant 0 : i32
      %dma_start3A_1704 = arith.constant 0 : i32
      %dma_start3A_1705 = tpu.memref_slice %arg6[%dma_start3A_1701, %dma_start3A_1703, %dma_start3A_1704] : memref<7x128x128xf32, #tpu.memory_space<vmem>> -> memref<1x32x128xf32, #tpu.memory_space<vmem>>
      %dma_start3A_1706 = tpu.memref_squeeze %dma_start3A_1705 : memref<1x32x128xf32, #tpu.memory_space<vmem>> -> memref<32x128xf32, #tpu.memory_space<vmem>>
      %dma_start3A_1707 = arith.constant 0 : i32
      %dma_start3A_1708 = tpu.memref_slice %arg4[%mul3A_197, %dma_start3A_1707] : memref<100000x128xf32, #tpu.memory_space<hbm>> -> memref<32x128xf32, #tpu.memory_space<hbm>>
      %dma_start3A_1709 = tpu.memref_slice %arg9[%dma_start3A_1702] : memref<7x!tpu.dma_semaphore, #tpu.memory_space<semaphore_mem>> -> memref<1x!tpu.dma_semaphore, #tpu.memory_space<semaphore_mem>>
      %dma_start3A_1710 = tpu.memref_squeeze %dma_start3A_1709 : memref<1x!tpu.dma_semaphore, #tpu.memory_space<semaphore_mem>> -> memref<!tpu.dma_semaphore, #tpu.memory_space<semaphore_mem>>
      %dma_start3A_1711 = arith.constant 0 : i32
      %dma_start3A_1712 = tpu.memref_slice %arg4[%mul3A_197, %dma_start3A_1711] : memref<100000x128xf32, #tpu.memory_space<hbm>> -> memref<32x128xf32, #tpu.memory_space<hbm>>
      %dma_start3A_1713 = arith.constant 0 : i32
      %dma_start3A_1714 = arith.constant 0 : i32
      %dma_start3A_1715 = tpu.memref_slice %arg6[%dma_start3A_1701, %dma_start3A_1713, %dma_start3A_1714] : memref<7x128x128xf32, #tpu.memory_space<vmem>> -> memref<1x32x128xf32, #tpu.memory_space<vmem>>
      %dma_start3A_1716 = tpu.memref_squeeze %dma_start3A_1715 : memref<1x32x128xf32, #tpu.memory_space<vmem>> -> memref<32x128xf32, #tpu.memory_space<vmem>>
      tpu.enqueue_dma source(%dma_start3A_1716 : memref<32x128xf32, #tpu.memory_space<vmem>>) target(%dma_start3A_1712 : memref<32x128xf32, #tpu.memory_space<hbm>>) target_semaphore(%dma_start3A_1710 : memref<!tpu.dma_semaphore, #tpu.memory_space<semaphore_mem>>)
    } else {
    }
    %dma_start3A_215 = arith.constant 6 : i32
    %dma_start3A_216 = arith.constant 6 : i32
    %dma_start3A_217 = arith.constant 0 : i32
    %dma_start3A_218 = arith.constant 0 : i32
    %dma_start3A_219 = tpu.memref_slice %arg6[%dma_start3A_215, %dma_start3A_217, %dma_start3A_218] : memref<7x128x128xf32, #tpu.memory_space<vmem>> -> memref<1x128x128xf32, #tpu.memory_space<vmem>>
    %dma_start3A_220 = tpu.memref_squeeze %dma_start3A_219 : memref<1x128x128xf32, #tpu.memory_space<vmem>> -> memref<128x128xf32, #tpu.memory_space<vmem>>
    %dma_start3A_221 = arith.constant 768 : i32
    %dma_start3A_222 = tpu.memref_slice %arg5[%dma_start3A_221] : memref<3200xi32, #tpu.memory_space<vmem>> -> memref<128xi32, #tpu.memory_space<vmem>>
    %dma_start3A_223 = arith.constant 0 : i32
    %dma_start3A_224 = arith.constant 0 : i32
    %dma_start3A_225 = tpu.memref_slice %arg7[%dma_start3A_223, %dma_start3A_224] : memref<100x128xf32, #tpu.memory_space<vmem_shared>> -> memref<100x128xf32, #tpu.memory_space<vmem_shared>>
    %dma_start3A_226 = tpu.memref_slice %arg8[%dma_start3A_216] : memref<7x!tpu.dma_semaphore, #tpu.memory_space<semaphore_mem>> -> memref<1x!tpu.dma_semaphore, #tpu.memory_space<semaphore_mem>>
    %dma_start3A_227 = tpu.memref_squeeze %dma_start3A_226 : memref<1x!tpu.dma_semaphore, #tpu.memory_space<semaphore_mem>> -> memref<!tpu.dma_semaphore, #tpu.memory_space<semaphore_mem>>
    tpu.enqueue_indirect_dma source(%dma_start3A_225 : memref<100x128xf32, #tpu.memory_space<vmem_shared>>) target(%dma_start3A_220 : memref<128x128xf32, #tpu.memory_space<vmem>>) offsets(%dma_start3A_222 : memref<128xi32, #tpu.memory_space<vmem>>) semaphore(%dma_start3A_227 : memref<!tpu.dma_semaphore, #tpu.memory_space<semaphore_mem>>)
    %dma_wait3A_228 = arith.constant 4 : i32
    %dma_wait3A_229 = arith.constant 4 : i32
    %dma_wait3A_230 = arith.constant 0 : i32
    %dma_wait3A_231 = arith.constant 0 : i32
    %dma_wait3A_232 = tpu.memref_slice %arg6[%dma_wait3A_228, %dma_wait3A_230, %dma_wait3A_231] : memref<7x128x128xf32, #tpu.memory_space<vmem>> -> memref<1x128x128xf32, #tpu.memory_space<vmem>>
    %dma_wait3A_233 = tpu.memref_squeeze %dma_wait3A_232 : memref<1x128x128xf32, #tpu.memory_space<vmem>> -> memref<128x128xf32, #tpu.memory_space<vmem>>
    %dma_wait3A_234 = arith.constant 512 : i32
    %dma_wait3A_235 = tpu.memref_slice %arg5[%dma_wait3A_234] : memref<3200xi32, #tpu.memory_space<vmem>> -> memref<128xi32, #tpu.memory_space<vmem>>
    %dma_wait3A_236 = arith.constant 0 : i32
    %dma_wait3A_237 = arith.constant 0 : i32
    %dma_wait3A_238 = tpu.memref_slice %arg7[%dma_wait3A_236, %dma_wait3A_237] : memref<100x128xf32, #tpu.memory_space<vmem_shared>> -> memref<100x128xf32, #tpu.memory_space<vmem_shared>>
    %dma_wait3A_239 = tpu.memref_slice %arg8[%dma_wait3A_229] : memref<7x!tpu.dma_semaphore, #tpu.memory_space<semaphore_mem>> -> memref<1x!tpu.dma_semaphore, #tpu.memory_space<semaphore_mem>>
    %dma_wait3A_240 = tpu.memref_squeeze %dma_wait3A_239 : memref<1x!tpu.dma_semaphore, #tpu.memory_space<semaphore_mem>> -> memref<!tpu.dma_semaphore, #tpu.memory_space<semaphore_mem>>
    tpu.wait_indirect_dma semaphore(%dma_wait3A_240 : memref<!tpu.dma_semaphore, #tpu.memory_space<semaphore_mem>>) src(%dma_wait3A_238 : memref<100x128xf32, #tpu.memory_space<vmem_shared>>) dst(%dma_wait3A_233 : memref<128x128xf32, #tpu.memory_space<vmem>>)
    %add3A_241 = arith.constant 4 : i32
    %add3A_242 = arith.addi %mul3A_4, %add3A_241 : i32
    %mul3A_243 = arith.constant 128 : i32
    %mul3A_244 = arith.muli %add3A_242, %mul3A_243 : i32
    %add3A_245 = arith.constant 128 : i32
    %add3A_246 = arith.addi %mul3A_244, %add3A_245 : i32
    %le3A_247 = arith.constant 100000 : i32
    %le3A_248 = arith.cmpi sle, %add3A_246, %le3A_247 : i32
    %convert_element_type3A_249 = arith.extui %le3A_248 : i1 to i32
    %cond3A_250 = arith.constant 0 : i32
    %cond3A_251 = arith.cmpi ne, %convert_element_type3A_249, %cond3A_250 : i32
    scf.if %cond3A_251 {
      %dma_start3A_1701 = arith.constant 4 : i32
      %dma_start3A_1702 = arith.constant 4 : i32
      %dma_start3A_1703 = arith.constant 0 : i32
      %dma_start3A_1704 = arith.constant 0 : i32
      %dma_start3A_1705 = tpu.memref_slice %arg6[%dma_start3A_1701, %dma_start3A_1703, %dma_start3A_1704] : memref<7x128x128xf32, #tpu.memory_space<vmem>> -> memref<1x128x128xf32, #tpu.memory_space<vmem>>
      %dma_start3A_1706 = tpu.memref_squeeze %dma_start3A_1705 : memref<1x128x128xf32, #tpu.memory_space<vmem>> -> memref<128x128xf32, #tpu.memory_space<vmem>>
      %dma_start3A_1707 = arith.constant 0 : i32
      %dma_start3A_1708 = tpu.memref_slice %arg4[%mul3A_244, %dma_start3A_1707] : memref<100000x128xf32, #tpu.memory_space<hbm>> -> memref<128x128xf32, #tpu.memory_space<hbm>>
      %dma_start3A_1709 = tpu.memref_slice %arg9[%dma_start3A_1702] : memref<7x!tpu.dma_semaphore, #tpu.memory_space<semaphore_mem>> -> memref<1x!tpu.dma_semaphore, #tpu.memory_space<semaphore_mem>>
      %dma_start3A_1710 = tpu.memref_squeeze %dma_start3A_1709 : memref<1x!tpu.dma_semaphore, #tpu.memory_space<semaphore_mem>> -> memref<!tpu.dma_semaphore, #tpu.memory_space<semaphore_mem>>
      %dma_start3A_1711 = arith.constant 0 : i32
      %dma_start3A_1712 = tpu.memref_slice %arg4[%mul3A_244, %dma_start3A_1711] : memref<100000x128xf32, #tpu.memory_space<hbm>> -> memref<128x128xf32, #tpu.memory_space<hbm>>
      %dma_start3A_1713 = arith.constant 0 : i32
      %dma_start3A_1714 = arith.constant 0 : i32
      %dma_start3A_1715 = tpu.memref_slice %arg6[%dma_start3A_1701, %dma_start3A_1713, %dma_start3A_1714] : memref<7x128x128xf32, #tpu.memory_space<vmem>> -> memref<1x128x128xf32, #tpu.memory_space<vmem>>
      %dma_start3A_1716 = tpu.memref_squeeze %dma_start3A_1715 : memref<1x128x128xf32, #tpu.memory_space<vmem>> -> memref<128x128xf32, #tpu.memory_space<vmem>>
      tpu.enqueue_dma source(%dma_start3A_1716 : memref<128x128xf32, #tpu.memory_space<vmem>>) target(%dma_start3A_1712 : memref<128x128xf32, #tpu.memory_space<hbm>>) target_semaphore(%dma_start3A_1710 : memref<!tpu.dma_semaphore, #tpu.memory_space<semaphore_mem>>)
    } else {
    }
    %lt3A_252 = arith.constant 100000 : i32
    %lt3A_253 = arith.cmpi slt, %mul3A_244, %lt3A_252 : i32
    %add3A_254 = arith.constant 128 : i32
    %add3A_255 = arith.addi %mul3A_244, %add3A_254 : i32
    %gt3A_256 = arith.constant 100000 : i32
    %gt3A_257 = arith.cmpi sgt, %add3A_255, %gt3A_256 : i32
    %and3A_258 = arith.andi %lt3A_253, %gt3A_257 : i1
    %convert_element_type3A_259 = arith.extui %and3A_258 : i1 to i32
    %cond3A_260 = arith.constant 0 : i32
    %cond3A_261 = arith.cmpi ne, %convert_element_type3A_259, %cond3A_260 : i32
    scf.if %cond3A_261 {
      %dma_start3A_1701 = arith.constant 4 : i32
      %dma_start3A_1702 = arith.constant 4 : i32
      %dma_start3A_1703 = arith.constant 0 : i32
      %dma_start3A_1704 = arith.constant 0 : i32
      %dma_start3A_1705 = tpu.memref_slice %arg6[%dma_start3A_1701, %dma_start3A_1703, %dma_start3A_1704] : memref<7x128x128xf32, #tpu.memory_space<vmem>> -> memref<1x32x128xf32, #tpu.memory_space<vmem>>
      %dma_start3A_1706 = tpu.memref_squeeze %dma_start3A_1705 : memref<1x32x128xf32, #tpu.memory_space<vmem>> -> memref<32x128xf32, #tpu.memory_space<vmem>>
      %dma_start3A_1707 = arith.constant 0 : i32
      %dma_start3A_1708 = tpu.memref_slice %arg4[%mul3A_244, %dma_start3A_1707] : memref<100000x128xf32, #tpu.memory_space<hbm>> -> memref<32x128xf32, #tpu.memory_space<hbm>>
      %dma_start3A_1709 = tpu.memref_slice %arg9[%dma_start3A_1702] : memref<7x!tpu.dma_semaphore, #tpu.memory_space<semaphore_mem>> -> memref<1x!tpu.dma_semaphore, #tpu.memory_space<semaphore_mem>>
      %dma_start3A_1710 = tpu.memref_squeeze %dma_start3A_1709 : memref<1x!tpu.dma_semaphore, #tpu.memory_space<semaphore_mem>> -> memref<!tpu.dma_semaphore, #tpu.memory_space<semaphore_mem>>
      %dma_start3A_1711 = arith.constant 0 : i32
      %dma_start3A_1712 = tpu.memref_slice %arg4[%mul3A_244, %dma_start3A_1711] : memref<100000x128xf32, #tpu.memory_space<hbm>> -> memref<32x128xf32, #tpu.memory_space<hbm>>
      %dma_start3A_1713 = arith.constant 0 : i32
      %dma_start3A_1714 = arith.constant 0 : i32
      %dma_start3A_1715 = tpu.memref_slice %arg6[%dma_start3A_1701, %dma_start3A_1713, %dma_start3A_1714] : memref<7x128x128xf32, #tpu.memory_space<vmem>> -> memref<1x32x128xf32, #tpu.memory_space<vmem>>
      %dma_start3A_1716 = tpu.memref_squeeze %dma_start3A_1715 : memref<1x32x128xf32, #tpu.memory_space<vmem>> -> memref<32x128xf32, #tpu.memory_space<vmem>>
      tpu.enqueue_dma source(%dma_start3A_1716 : memref<32x128xf32, #tpu.memory_space<vmem>>) target(%dma_start3A_1712 : memref<32x128xf32, #tpu.memory_space<hbm>>) target_semaphore(%dma_start3A_1710 : memref<!tpu.dma_semaphore, #tpu.memory_space<semaphore_mem>>)
    } else {
    }
    %add3A_262 = arith.constant 0 : i32
    %add3A_263 = arith.addi %mul3A_4, %add3A_262 : i32
    %mul3A_264 = arith.constant 128 : i32
    %mul3A_265 = arith.muli %add3A_263, %mul3A_264 : i32
    %add3A_266 = arith.constant 128 : i32
    %add3A_267 = arith.addi %mul3A_265, %add3A_266 : i32
    %le3A_268 = arith.constant 100000 : i32
    %le3A_269 = arith.cmpi sle, %add3A_267, %le3A_268 : i32
    %convert_element_type3A_270 = arith.extui %le3A_269 : i1 to i32
    %cond3A_271 = arith.constant 0 : i32
    %cond3A_272 = arith.cmpi ne, %convert_element_type3A_270, %cond3A_271 : i32
    scf.if %cond3A_272 {
      %dma_wait3A_1701 = arith.constant 0 : i32
      %dma_wait3A_1702 = arith.constant 0 : i32
      %dma_wait3A_1703 = arith.constant 0 : i32
      %dma_wait3A_1704 = arith.constant 0 : i32
      %dma_wait3A_1705 = tpu.memref_slice %arg6[%dma_wait3A_1701, %dma_wait3A_1703, %dma_wait3A_1704] : memref<7x128x128xf32, #tpu.memory_space<vmem>> -> memref<1x128x128xf32, #tpu.memory_space<vmem>>
      %dma_wait3A_1706 = tpu.memref_squeeze %dma_wait3A_1705 : memref<1x128x128xf32, #tpu.memory_space<vmem>> -> memref<128x128xf32, #tpu.memory_space<vmem>>
      %dma_wait3A_1707 = arith.constant 0 : i32
      %dma_wait3A_1708 = tpu.memref_slice %arg4[%mul3A_265, %dma_wait3A_1707] : memref<100000x128xf32, #tpu.memory_space<hbm>> -> memref<128x128xf32, #tpu.memory_space<hbm>>
      %dma_wait3A_1709 = tpu.memref_slice %arg9[%dma_wait3A_1702] : memref<7x!tpu.dma_semaphore, #tpu.memory_space<semaphore_mem>> -> memref<1x!tpu.dma_semaphore, #tpu.memory_space<semaphore_mem>>
      %dma_wait3A_1710 = tpu.memref_squeeze %dma_wait3A_1709 : memref<1x!tpu.dma_semaphore, #tpu.memory_space<semaphore_mem>> -> memref<!tpu.dma_semaphore, #tpu.memory_space<semaphore_mem>>
      %dma_wait3A_1711 = arith.constant 0 : i32
      %dma_wait3A_1712 = tpu.memref_slice %arg4[%mul3A_265, %dma_wait3A_1711] : memref<100000x128xf32, #tpu.memory_space<hbm>> -> memref<128x128xf32, #tpu.memory_space<hbm>>
      %dma_wait3A_1713 = arith.constant 0 : i32
      %dma_wait3A_1714 = arith.constant 0 : i32
      %dma_wait3A_1715 = tpu.memref_slice %arg6[%dma_wait3A_1701, %dma_wait3A_1713, %dma_wait3A_1714] : memref<7x128x128xf32, #tpu.memory_space<vmem>> -> memref<1x128x128xf32, #tpu.memory_space<vmem>>
      %dma_wait3A_1716 = tpu.memref_squeeze %dma_wait3A_1715 : memref<1x128x128xf32, #tpu.memory_space<vmem>> -> memref<128x128xf32, #tpu.memory_space<vmem>>
      tpu.wait_dma2 semaphore(%dma_wait3A_1710 : memref<!tpu.dma_semaphore, #tpu.memory_space<semaphore_mem>>) src(%dma_wait3A_1716 : memref<128x128xf32, #tpu.memory_space<vmem>>) dst(%dma_wait3A_1712 : memref<128x128xf32, #tpu.memory_space<hbm>>)
    } else {
    }
    %lt3A_273 = arith.constant 100000 : i32
    %lt3A_274 = arith.cmpi slt, %mul3A_265, %lt3A_273 : i32
    %add3A_275 = arith.constant 128 : i32
    %add3A_276 = arith.addi %mul3A_265, %add3A_275 : i32
    %gt3A_277 = arith.constant 100000 : i32
    %gt3A_278 = arith.cmpi sgt, %add3A_276, %gt3A_277 : i32
    %and3A_279 = arith.andi %lt3A_274, %gt3A_278 : i1
    %convert_element_type3A_280 = arith.extui %and3A_279 : i1 to i32
    %cond3A_281 = arith.constant 0 : i32
    %cond3A_282 = arith.cmpi ne, %convert_element_type3A_280, %cond3A_281 : i32
    scf.if %cond3A_282 {
      %dma_wait3A_1701 = arith.constant 0 : i32
      %dma_wait3A_1702 = arith.constant 0 : i32
      %dma_wait3A_1703 = arith.constant 0 : i32
      %dma_wait3A_1704 = arith.constant 0 : i32
      %dma_wait3A_1705 = tpu.memref_slice %arg6[%dma_wait3A_1701, %dma_wait3A_1703, %dma_wait3A_1704] : memref<7x128x128xf32, #tpu.memory_space<vmem>> -> memref<1x32x128xf32, #tpu.memory_space<vmem>>
      %dma_wait3A_1706 = tpu.memref_squeeze %dma_wait3A_1705 : memref<1x32x128xf32, #tpu.memory_space<vmem>> -> memref<32x128xf32, #tpu.memory_space<vmem>>
      %dma_wait3A_1707 = arith.constant 0 : i32
      %dma_wait3A_1708 = tpu.memref_slice %arg4[%mul3A_265, %dma_wait3A_1707] : memref<100000x128xf32, #tpu.memory_space<hbm>> -> memref<32x128xf32, #tpu.memory_space<hbm>>
      %dma_wait3A_1709 = tpu.memref_slice %arg9[%dma_wait3A_1702] : memref<7x!tpu.dma_semaphore, #tpu.memory_space<semaphore_mem>> -> memref<1x!tpu.dma_semaphore, #tpu.memory_space<semaphore_mem>>
      %dma_wait3A_1710 = tpu.memref_squeeze %dma_wait3A_1709 : memref<1x!tpu.dma_semaphore, #tpu.memory_space<semaphore_mem>> -> memref<!tpu.dma_semaphore, #tpu.memory_space<semaphore_mem>>
      %dma_wait3A_1711 = arith.constant 0 : i32
      %dma_wait3A_1712 = tpu.memref_slice %arg4[%mul3A_265, %dma_wait3A_1711] : memref<100000x128xf32, #tpu.memory_space<hbm>> -> memref<32x128xf32, #tpu.memory_space<hbm>>
      %dma_wait3A_1713 = arith.constant 0 : i32
      %dma_wait3A_1714 = arith.constant 0 : i32
      %dma_wait3A_1715 = tpu.memref_slice %arg6[%dma_wait3A_1701, %dma_wait3A_1713, %dma_wait3A_1714] : memref<7x128x128xf32, #tpu.memory_space<vmem>> -> memref<1x32x128xf32, #tpu.memory_space<vmem>>
      %dma_wait3A_1716 = tpu.memref_squeeze %dma_wait3A_1715 : memref<1x32x128xf32, #tpu.memory_space<vmem>> -> memref<32x128xf32, #tpu.memory_space<vmem>>
      tpu.wait_dma2 semaphore(%dma_wait3A_1710 : memref<!tpu.dma_semaphore, #tpu.memory_space<semaphore_mem>>) src(%dma_wait3A_1716 : memref<32x128xf32, #tpu.memory_space<vmem>>) dst(%dma_wait3A_1712 : memref<32x128xf32, #tpu.memory_space<hbm>>)
    } else {
    }
    %dma_start3A_283 = arith.constant 0 : i32
    %dma_start3A_284 = arith.constant 0 : i32
    %dma_start3A_285 = arith.constant 0 : i32
    %dma_start3A_286 = arith.constant 0 : i32
    %dma_start3A_287 = tpu.memref_slice %arg6[%dma_start3A_283, %dma_start3A_285, %dma_start3A_286] : memref<7x128x128xf32, #tpu.memory_space<vmem>> -> memref<1x128x128xf32, #tpu.memory_space<vmem>>
    %dma_start3A_288 = tpu.memref_squeeze %dma_start3A_287 : memref<1x128x128xf32, #tpu.memory_space<vmem>> -> memref<128x128xf32, #tpu.memory_space<vmem>>
    %dma_start3A_289 = arith.constant 896 : i32
    %dma_start3A_290 = tpu.memref_slice %arg5[%dma_start3A_289] : memref<3200xi32, #tpu.memory_space<vmem>> -> memref<128xi32, #tpu.memory_space<vmem>>
    %dma_start3A_291 = arith.constant 0 : i32
    %dma_start3A_292 = arith.constant 0 : i32
    %dma_start3A_293 = tpu.memref_slice %arg7[%dma_start3A_291, %dma_start3A_292] : memref<100x128xf32, #tpu.memory_space<vmem_shared>> -> memref<100x128xf32, #tpu.memory_space<vmem_shared>>
    %dma_start3A_294 = tpu.memref_slice %arg8[%dma_start3A_284] : memref<7x!tpu.dma_semaphore, #tpu.memory_space<semaphore_mem>> -> memref<1x!tpu.dma_semaphore, #tpu.memory_space<semaphore_mem>>
    %dma_start3A_295 = tpu.memref_squeeze %dma_start3A_294 : memref<1x!tpu.dma_semaphore, #tpu.memory_space<semaphore_mem>> -> memref<!tpu.dma_semaphore, #tpu.memory_space<semaphore_mem>>
    tpu.enqueue_indirect_dma source(%dma_start3A_293 : memref<100x128xf32, #tpu.memory_space<vmem_shared>>) target(%dma_start3A_288 : memref<128x128xf32, #tpu.memory_space<vmem>>) offsets(%dma_start3A_290 : memref<128xi32, #tpu.memory_space<vmem>>) semaphore(%dma_start3A_295 : memref<!tpu.dma_semaphore, #tpu.memory_space<semaphore_mem>>)
    %dma_wait3A_296 = arith.constant 5 : i32
    %dma_wait3A_297 = arith.constant 5 : i32
    %dma_wait3A_298 = arith.constant 0 : i32
    %dma_wait3A_299 = arith.constant 0 : i32
    %dma_wait3A_300 = tpu.memref_slice %arg6[%dma_wait3A_296, %dma_wait3A_298, %dma_wait3A_299] : memref<7x128x128xf32, #tpu.memory_space<vmem>> -> memref<1x128x128xf32, #tpu.memory_space<vmem>>
    %dma_wait3A_301 = tpu.memref_squeeze %dma_wait3A_300 : memref<1x128x128xf32, #tpu.memory_space<vmem>> -> memref<128x128xf32, #tpu.memory_space<vmem>>
    %dma_wait3A_302 = arith.constant 640 : i32
    %dma_wait3A_303 = tpu.memref_slice %arg5[%dma_wait3A_302] : memref<3200xi32, #tpu.memory_space<vmem>> -> memref<128xi32, #tpu.memory_space<vmem>>
    %dma_wait3A_304 = arith.constant 0 : i32
    %dma_wait3A_305 = arith.constant 0 : i32
    %dma_wait3A_306 = tpu.memref_slice %arg7[%dma_wait3A_304, %dma_wait3A_305] : memref<100x128xf32, #tpu.memory_space<vmem_shared>> -> memref<100x128xf32, #tpu.memory_space<vmem_shared>>
    %dma_wait3A_307 = tpu.memref_slice %arg8[%dma_wait3A_297] : memref<7x!tpu.dma_semaphore, #tpu.memory_space<semaphore_mem>> -> memref<1x!tpu.dma_semaphore, #tpu.memory_space<semaphore_mem>>
    %dma_wait3A_308 = tpu.memref_squeeze %dma_wait3A_307 : memref<1x!tpu.dma_semaphore, #tpu.memory_space<semaphore_mem>> -> memref<!tpu.dma_semaphore, #tpu.memory_space<semaphore_mem>>
    tpu.wait_indirect_dma semaphore(%dma_wait3A_308 : memref<!tpu.dma_semaphore, #tpu.memory_space<semaphore_mem>>) src(%dma_wait3A_306 : memref<100x128xf32, #tpu.memory_space<vmem_shared>>) dst(%dma_wait3A_301 : memref<128x128xf32, #tpu.memory_space<vmem>>)
    %add3A_309 = arith.constant 5 : i32
    %add3A_310 = arith.addi %mul3A_4, %add3A_309 : i32
    %mul3A_311 = arith.constant 128 : i32
    %mul3A_312 = arith.muli %add3A_310, %mul3A_311 : i32
    %add3A_313 = arith.constant 128 : i32
    %add3A_314 = arith.addi %mul3A_312, %add3A_313 : i32
    %le3A_315 = arith.constant 100000 : i32
    %le3A_316 = arith.cmpi sle, %add3A_314, %le3A_315 : i32
    %convert_element_type3A_317 = arith.extui %le3A_316 : i1 to i32
    %cond3A_318 = arith.constant 0 : i32
    %cond3A_319 = arith.cmpi ne, %convert_element_type3A_317, %cond3A_318 : i32
    scf.if %cond3A_319 {
      %dma_start3A_1701 = arith.constant 5 : i32
      %dma_start3A_1702 = arith.constant 5 : i32
      %dma_start3A_1703 = arith.constant 0 : i32
      %dma_start3A_1704 = arith.constant 0 : i32
      %dma_start3A_1705 = tpu.memref_slice %arg6[%dma_start3A_1701, %dma_start3A_1703, %dma_start3A_1704] : memref<7x128x128xf32, #tpu.memory_space<vmem>> -> memref<1x128x128xf32, #tpu.memory_space<vmem>>
      %dma_start3A_1706 = tpu.memref_squeeze %dma_start3A_1705 : memref<1x128x128xf32, #tpu.memory_space<vmem>> -> memref<128x128xf32, #tpu.memory_space<vmem>>
      %dma_start3A_1707 = arith.constant 0 : i32
      %dma_start3A_1708 = tpu.memref_slice %arg4[%mul3A_312, %dma_start3A_1707] : memref<100000x128xf32, #tpu.memory_space<hbm>> -> memref<128x128xf32, #tpu.memory_space<hbm>>
      %dma_start3A_1709 = tpu.memref_slice %arg9[%dma_start3A_1702] : memref<7x!tpu.dma_semaphore, #tpu.memory_space<semaphore_mem>> -> memref<1x!tpu.dma_semaphore, #tpu.memory_space<semaphore_mem>>
      %dma_start3A_1710 = tpu.memref_squeeze %dma_start3A_1709 : memref<1x!tpu.dma_semaphore, #tpu.memory_space<semaphore_mem>> -> memref<!tpu.dma_semaphore, #tpu.memory_space<semaphore_mem>>
      %dma_start3A_1711 = arith.constant 0 : i32
      %dma_start3A_1712 = tpu.memref_slice %arg4[%mul3A_312, %dma_start3A_1711] : memref<100000x128xf32, #tpu.memory_space<hbm>> -> memref<128x128xf32, #tpu.memory_space<hbm>>
      %dma_start3A_1713 = arith.constant 0 : i32
      %dma_start3A_1714 = arith.constant 0 : i32
      %dma_start3A_1715 = tpu.memref_slice %arg6[%dma_start3A_1701, %dma_start3A_1713, %dma_start3A_1714] : memref<7x128x128xf32, #tpu.memory_space<vmem>> -> memref<1x128x128xf32, #tpu.memory_space<vmem>>
      %dma_start3A_1716 = tpu.memref_squeeze %dma_start3A_1715 : memref<1x128x128xf32, #tpu.memory_space<vmem>> -> memref<128x128xf32, #tpu.memory_space<vmem>>
      tpu.enqueue_dma source(%dma_start3A_1716 : memref<128x128xf32, #tpu.memory_space<vmem>>) target(%dma_start3A_1712 : memref<128x128xf32, #tpu.memory_space<hbm>>) target_semaphore(%dma_start3A_1710 : memref<!tpu.dma_semaphore, #tpu.memory_space<semaphore_mem>>)
    } else {
    }
    %lt3A_320 = arith.constant 100000 : i32
    %lt3A_321 = arith.cmpi slt, %mul3A_312, %lt3A_320 : i32
    %add3A_322 = arith.constant 128 : i32
    %add3A_323 = arith.addi %mul3A_312, %add3A_322 : i32
    %gt3A_324 = arith.constant 100000 : i32
    %gt3A_325 = arith.cmpi sgt, %add3A_323, %gt3A_324 : i32
    %and3A_326 = arith.andi %lt3A_321, %gt3A_325 : i1
    %convert_element_type3A_327 = arith.extui %and3A_326 : i1 to i32
    %cond3A_328 = arith.constant 0 : i32
    %cond3A_329 = arith.cmpi ne, %convert_element_type3A_327, %cond3A_328 : i32
    scf.if %cond3A_329 {
      %dma_start3A_1701 = arith.constant 5 : i32
      %dma_start3A_1702 = arith.constant 5 : i32
      %dma_start3A_1703 = arith.constant 0 : i32
      %dma_start3A_1704 = arith.constant 0 : i32
      %dma_start3A_1705 = tpu.memref_slice %arg6[%dma_start3A_1701, %dma_start3A_1703, %dma_start3A_1704] : memref<7x128x128xf32, #tpu.memory_space<vmem>> -> memref<1x32x128xf32, #tpu.memory_space<vmem>>
      %dma_start3A_1706 = tpu.memref_squeeze %dma_start3A_1705 : memref<1x32x128xf32, #tpu.memory_space<vmem>> -> memref<32x128xf32, #tpu.memory_space<vmem>>
      %dma_start3A_1707 = arith.constant 0 : i32
      %dma_start3A_1708 = tpu.memref_slice %arg4[%mul3A_312, %dma_start3A_1707] : memref<100000x128xf32, #tpu.memory_space<hbm>> -> memref<32x128xf32, #tpu.memory_space<hbm>>
      %dma_start3A_1709 = tpu.memref_slice %arg9[%dma_start3A_1702] : memref<7x!tpu.dma_semaphore, #tpu.memory_space<semaphore_mem>> -> memref<1x!tpu.dma_semaphore, #tpu.memory_space<semaphore_mem>>
      %dma_start3A_1710 = tpu.memref_squeeze %dma_start3A_1709 : memref<1x!tpu.dma_semaphore, #tpu.memory_space<semaphore_mem>> -> memref<!tpu.dma_semaphore, #tpu.memory_space<semaphore_mem>>
      %dma_start3A_1711 = arith.constant 0 : i32
      %dma_start3A_1712 = tpu.memref_slice %arg4[%mul3A_312, %dma_start3A_1711] : memref<100000x128xf32, #tpu.memory_space<hbm>> -> memref<32x128xf32, #tpu.memory_space<hbm>>
      %dma_start3A_1713 = arith.constant 0 : i32
      %dma_start3A_1714 = arith.constant 0 : i32
      %dma_start3A_1715 = tpu.memref_slice %arg6[%dma_start3A_1701, %dma_start3A_1713, %dma_start3A_1714] : memref<7x128x128xf32, #tpu.memory_space<vmem>> -> memref<1x32x128xf32, #tpu.memory_space<vmem>>
      %dma_start3A_1716 = tpu.memref_squeeze %dma_start3A_1715 : memref<1x32x128xf32, #tpu.memory_space<vmem>> -> memref<32x128xf32, #tpu.memory_space<vmem>>
      tpu.enqueue_dma source(%dma_start3A_1716 : memref<32x128xf32, #tpu.memory_space<vmem>>) target(%dma_start3A_1712 : memref<32x128xf32, #tpu.memory_space<hbm>>) target_semaphore(%dma_start3A_1710 : memref<!tpu.dma_semaphore, #tpu.memory_space<semaphore_mem>>)
    } else {
    }
    %add3A_330 = arith.constant 1 : i32
    %add3A_331 = arith.addi %mul3A_4, %add3A_330 : i32
    %mul3A_332 = arith.constant 128 : i32
    %mul3A_333 = arith.muli %add3A_331, %mul3A_332 : i32
    %add3A_334 = arith.constant 128 : i32
    %add3A_335 = arith.addi %mul3A_333, %add3A_334 : i32
    %le3A_336 = arith.constant 100000 : i32
    %le3A_337 = arith.cmpi sle, %add3A_335, %le3A_336 : i32
    %convert_element_type3A_338 = arith.extui %le3A_337 : i1 to i32
    %cond3A_339 = arith.constant 0 : i32
    %cond3A_340 = arith.cmpi ne, %convert_element_type3A_338, %cond3A_339 : i32
    scf.if %cond3A_340 {
      %dma_wait3A_1701 = arith.constant 1 : i32
      %dma_wait3A_1702 = arith.constant 1 : i32
      %dma_wait3A_1703 = arith.constant 0 : i32
      %dma_wait3A_1704 = arith.constant 0 : i32
      %dma_wait3A_1705 = tpu.memref_slice %arg6[%dma_wait3A_1701, %dma_wait3A_1703, %dma_wait3A_1704] : memref<7x128x128xf32, #tpu.memory_space<vmem>> -> memref<1x128x128xf32, #tpu.memory_space<vmem>>
      %dma_wait3A_1706 = tpu.memref_squeeze %dma_wait3A_1705 : memref<1x128x128xf32, #tpu.memory_space<vmem>> -> memref<128x128xf32, #tpu.memory_space<vmem>>
      %dma_wait3A_1707 = arith.constant 0 : i32
      %dma_wait3A_1708 = tpu.memref_slice %arg4[%mul3A_333, %dma_wait3A_1707] : memref<100000x128xf32, #tpu.memory_space<hbm>> -> memref<128x128xf32, #tpu.memory_space<hbm>>
      %dma_wait3A_1709 = tpu.memref_slice %arg9[%dma_wait3A_1702] : memref<7x!tpu.dma_semaphore, #tpu.memory_space<semaphore_mem>> -> memref<1x!tpu.dma_semaphore, #tpu.memory_space<semaphore_mem>>
      %dma_wait3A_1710 = tpu.memref_squeeze %dma_wait3A_1709 : memref<1x!tpu.dma_semaphore, #tpu.memory_space<semaphore_mem>> -> memref<!tpu.dma_semaphore, #tpu.memory_space<semaphore_mem>>
      %dma_wait3A_1711 = arith.constant 0 : i32
      %dma_wait3A_1712 = tpu.memref_slice %arg4[%mul3A_333, %dma_wait3A_1711] : memref<100000x128xf32, #tpu.memory_space<hbm>> -> memref<128x128xf32, #tpu.memory_space<hbm>>
      %dma_wait3A_1713 = arith.constant 0 : i32
      %dma_wait3A_1714 = arith.constant 0 : i32
      %dma_wait3A_1715 = tpu.memref_slice %arg6[%dma_wait3A_1701, %dma_wait3A_1713, %dma_wait3A_1714] : memref<7x128x128xf32, #tpu.memory_space<vmem>> -> memref<1x128x128xf32, #tpu.memory_space<vmem>>
      %dma_wait3A_1716 = tpu.memref_squeeze %dma_wait3A_1715 : memref<1x128x128xf32, #tpu.memory_space<vmem>> -> memref<128x128xf32, #tpu.memory_space<vmem>>
      tpu.wait_dma2 semaphore(%dma_wait3A_1710 : memref<!tpu.dma_semaphore, #tpu.memory_space<semaphore_mem>>) src(%dma_wait3A_1716 : memref<128x128xf32, #tpu.memory_space<vmem>>) dst(%dma_wait3A_1712 : memref<128x128xf32, #tpu.memory_space<hbm>>)
    } else {
    }
    %lt3A_341 = arith.constant 100000 : i32
    %lt3A_342 = arith.cmpi slt, %mul3A_333, %lt3A_341 : i32
    %add3A_343 = arith.constant 128 : i32
    %add3A_344 = arith.addi %mul3A_333, %add3A_343 : i32
    %gt3A_345 = arith.constant 100000 : i32
    %gt3A_346 = arith.cmpi sgt, %add3A_344, %gt3A_345 : i32
    %and3A_347 = arith.andi %lt3A_342, %gt3A_346 : i1
    %convert_element_type3A_348 = arith.extui %and3A_347 : i1 to i32
    %cond3A_349 = arith.constant 0 : i32
    %cond3A_350 = arith.cmpi ne, %convert_element_type3A_348, %cond3A_349 : i32
    scf.if %cond3A_350 {
      %dma_wait3A_1701 = arith.constant 1 : i32
      %dma_wait3A_1702 = arith.constant 1 : i32
      %dma_wait3A_1703 = arith.constant 0 : i32
      %dma_wait3A_1704 = arith.constant 0 : i32
      %dma_wait3A_1705 = tpu.memref_slice %arg6[%dma_wait3A_1701, %dma_wait3A_1703, %dma_wait3A_1704] : memref<7x128x128xf32, #tpu.memory_space<vmem>> -> memref<1x32x128xf32, #tpu.memory_space<vmem>>
      %dma_wait3A_1706 = tpu.memref_squeeze %dma_wait3A_1705 : memref<1x32x128xf32, #tpu.memory_space<vmem>> -> memref<32x128xf32, #tpu.memory_space<vmem>>
      %dma_wait3A_1707 = arith.constant 0 : i32
      %dma_wait3A_1708 = tpu.memref_slice %arg4[%mul3A_333, %dma_wait3A_1707] : memref<100000x128xf32, #tpu.memory_space<hbm>> -> memref<32x128xf32, #tpu.memory_space<hbm>>
      %dma_wait3A_1709 = tpu.memref_slice %arg9[%dma_wait3A_1702] : memref<7x!tpu.dma_semaphore, #tpu.memory_space<semaphore_mem>> -> memref<1x!tpu.dma_semaphore, #tpu.memory_space<semaphore_mem>>
      %dma_wait3A_1710 = tpu.memref_squeeze %dma_wait3A_1709 : memref<1x!tpu.dma_semaphore, #tpu.memory_space<semaphore_mem>> -> memref<!tpu.dma_semaphore, #tpu.memory_space<semaphore_mem>>
      %dma_wait3A_1711 = arith.constant 0 : i32
      %dma_wait3A_1712 = tpu.memref_slice %arg4[%mul3A_333, %dma_wait3A_1711] : memref<100000x128xf32, #tpu.memory_space<hbm>> -> memref<32x128xf32, #tpu.memory_space<hbm>>
      %dma_wait3A_1713 = arith.constant 0 : i32
      %dma_wait3A_1714 = arith.constant 0 : i32
      %dma_wait3A_1715 = tpu.memref_slice %arg6[%dma_wait3A_1701, %dma_wait3A_1713, %dma_wait3A_1714] : memref<7x128x128xf32, #tpu.memory_space<vmem>> -> memref<1x32x128xf32, #tpu.memory_space<vmem>>
      %dma_wait3A_1716 = tpu.memref_squeeze %dma_wait3A_1715 : memref<1x32x128xf32, #tpu.memory_space<vmem>> -> memref<32x128xf32, #tpu.memory_space<vmem>>
      tpu.wait_dma2 semaphore(%dma_wait3A_1710 : memref<!tpu.dma_semaphore, #tpu.memory_space<semaphore_mem>>) src(%dma_wait3A_1716 : memref<32x128xf32, #tpu.memory_space<vmem>>) dst(%dma_wait3A_1712 : memref<32x128xf32, #tpu.memory_space<hbm>>)
    } else {
    }
    %dma_start3A_351 = arith.constant 1 : i32
    %dma_start3A_352 = arith.constant 1 : i32
    %dma_start3A_353 = arith.constant 0 : i32
    %dma_start3A_354 = arith.constant 0 : i32
    %dma_start3A_355 = tpu.memref_slice %arg6[%dma_start3A_351, %dma_start3A_353, %dma_start3A_354] : memref<7x128x128xf32, #tpu.memory_space<vmem>> -> memref<1x128x128xf32, #tpu.memory_space<vmem>>
    %dma_start3A_356 = tpu.memref_squeeze %dma_start3A_355 : memref<1x128x128xf32, #tpu.memory_space<vmem>> -> memref<128x128xf32, #tpu.memory_space<vmem>>
    %dma_start3A_357 = arith.constant 1024 : i32
    %dma_start3A_358 = tpu.memref_slice %arg5[%dma_start3A_357] : memref<3200xi32, #tpu.memory_space<vmem>> -> memref<128xi32, #tpu.memory_space<vmem>>
    %dma_start3A_359 = arith.constant 0 : i32
    %dma_start3A_360 = arith.constant 0 : i32
    %dma_start3A_361 = tpu.memref_slice %arg7[%dma_start3A_359, %dma_start3A_360] : memref<100x128xf32, #tpu.memory_space<vmem_shared>> -> memref<100x128xf32, #tpu.memory_space<vmem_shared>>
    %dma_start3A_362 = tpu.memref_slice %arg8[%dma_start3A_352] : memref<7x!tpu.dma_semaphore, #tpu.memory_space<semaphore_mem>> -> memref<1x!tpu.dma_semaphore, #tpu.memory_space<semaphore_mem>>
    %dma_start3A_363 = tpu.memref_squeeze %dma_start3A_362 : memref<1x!tpu.dma_semaphore, #tpu.memory_space<semaphore_mem>> -> memref<!tpu.dma_semaphore, #tpu.memory_space<semaphore_mem>>
    tpu.enqueue_indirect_dma source(%dma_start3A_361 : memref<100x128xf32, #tpu.memory_space<vmem_shared>>) target(%dma_start3A_356 : memref<128x128xf32, #tpu.memory_space<vmem>>) offsets(%dma_start3A_358 : memref<128xi32, #tpu.memory_space<vmem>>) semaphore(%dma_start3A_363 : memref<!tpu.dma_semaphore, #tpu.memory_space<semaphore_mem>>)
    %dma_wait3A_364 = arith.constant 6 : i32
    %dma_wait3A_365 = arith.constant 6 : i32
    %dma_wait3A_366 = arith.constant 0 : i32
    %dma_wait3A_367 = arith.constant 0 : i32
    %dma_wait3A_368 = tpu.memref_slice %arg6[%dma_wait3A_364, %dma_wait3A_366, %dma_wait3A_367] : memref<7x128x128xf32, #tpu.memory_space<vmem>> -> memref<1x128x128xf32, #tpu.memory_space<vmem>>
    %dma_wait3A_369 = tpu.memref_squeeze %dma_wait3A_368 : memref<1x128x128xf32, #tpu.memory_space<vmem>> -> memref<128x128xf32, #tpu.memory_space<vmem>>
    %dma_wait3A_370 = arith.constant 768 : i32
    %dma_wait3A_371 = tpu.memref_slice %arg5[%dma_wait3A_370] : memref<3200xi32, #tpu.memory_space<vmem>> -> memref<128xi32, #tpu.memory_space<vmem>>
    %dma_wait3A_372 = arith.constant 0 : i32
    %dma_wait3A_373 = arith.constant 0 : i32
    %dma_wait3A_374 = tpu.memref_slice %arg7[%dma_wait3A_372, %dma_wait3A_373] : memref<100x128xf32, #tpu.memory_space<vmem_shared>> -> memref<100x128xf32, #tpu.memory_space<vmem_shared>>
    %dma_wait3A_375 = tpu.memref_slice %arg8[%dma_wait3A_365] : memref<7x!tpu.dma_semaphore, #tpu.memory_space<semaphore_mem>> -> memref<1x!tpu.dma_semaphore, #tpu.memory_space<semaphore_mem>>
    %dma_wait3A_376 = tpu.memref_squeeze %dma_wait3A_375 : memref<1x!tpu.dma_semaphore, #tpu.memory_space<semaphore_mem>> -> memref<!tpu.dma_semaphore, #tpu.memory_space<semaphore_mem>>
    tpu.wait_indirect_dma semaphore(%dma_wait3A_376 : memref<!tpu.dma_semaphore, #tpu.memory_space<semaphore_mem>>) src(%dma_wait3A_374 : memref<100x128xf32, #tpu.memory_space<vmem_shared>>) dst(%dma_wait3A_369 : memref<128x128xf32, #tpu.memory_space<vmem>>)
    %add3A_377 = arith.constant 6 : i32
    %add3A_378 = arith.addi %mul3A_4, %add3A_377 : i32
    %mul3A_379 = arith.constant 128 : i32
    %mul3A_380 = arith.muli %add3A_378, %mul3A_379 : i32
    %add3A_381 = arith.constant 128 : i32
    %add3A_382 = arith.addi %mul3A_380, %add3A_381 : i32
    %le3A_383 = arith.constant 100000 : i32
    %le3A_384 = arith.cmpi sle, %add3A_382, %le3A_383 : i32
    %convert_element_type3A_385 = arith.extui %le3A_384 : i1 to i32
    %cond3A_386 = arith.constant 0 : i32
    %cond3A_387 = arith.cmpi ne, %convert_element_type3A_385, %cond3A_386 : i32
    scf.if %cond3A_387 {
      %dma_start3A_1701 = arith.constant 6 : i32
      %dma_start3A_1702 = arith.constant 6 : i32
      %dma_start3A_1703 = arith.constant 0 : i32
      %dma_start3A_1704 = arith.constant 0 : i32
      %dma_start3A_1705 = tpu.memref_slice %arg6[%dma_start3A_1701, %dma_start3A_1703, %dma_start3A_1704] : memref<7x128x128xf32, #tpu.memory_space<vmem>> -> memref<1x128x128xf32, #tpu.memory_space<vmem>>
      %dma_start3A_1706 = tpu.memref_squeeze %dma_start3A_1705 : memref<1x128x128xf32, #tpu.memory_space<vmem>> -> memref<128x128xf32, #tpu.memory_space<vmem>>
      %dma_start3A_1707 = arith.constant 0 : i32
      %dma_start3A_1708 = tpu.memref_slice %arg4[%mul3A_380, %dma_start3A_1707] : memref<100000x128xf32, #tpu.memory_space<hbm>> -> memref<128x128xf32, #tpu.memory_space<hbm>>
      %dma_start3A_1709 = tpu.memref_slice %arg9[%dma_start3A_1702] : memref<7x!tpu.dma_semaphore, #tpu.memory_space<semaphore_mem>> -> memref<1x!tpu.dma_semaphore, #tpu.memory_space<semaphore_mem>>
      %dma_start3A_1710 = tpu.memref_squeeze %dma_start3A_1709 : memref<1x!tpu.dma_semaphore, #tpu.memory_space<semaphore_mem>> -> memref<!tpu.dma_semaphore, #tpu.memory_space<semaphore_mem>>
      %dma_start3A_1711 = arith.constant 0 : i32
      %dma_start3A_1712 = tpu.memref_slice %arg4[%mul3A_380, %dma_start3A_1711] : memref<100000x128xf32, #tpu.memory_space<hbm>> -> memref<128x128xf32, #tpu.memory_space<hbm>>
      %dma_start3A_1713 = arith.constant 0 : i32
      %dma_start3A_1714 = arith.constant 0 : i32
      %dma_start3A_1715 = tpu.memref_slice %arg6[%dma_start3A_1701, %dma_start3A_1713, %dma_start3A_1714] : memref<7x128x128xf32, #tpu.memory_space<vmem>> -> memref<1x128x128xf32, #tpu.memory_space<vmem>>
      %dma_start3A_1716 = tpu.memref_squeeze %dma_start3A_1715 : memref<1x128x128xf32, #tpu.memory_space<vmem>> -> memref<128x128xf32, #tpu.memory_space<vmem>>
      tpu.enqueue_dma source(%dma_start3A_1716 : memref<128x128xf32, #tpu.memory_space<vmem>>) target(%dma_start3A_1712 : memref<128x128xf32, #tpu.memory_space<hbm>>) target_semaphore(%dma_start3A_1710 : memref<!tpu.dma_semaphore, #tpu.memory_space<semaphore_mem>>)
    } else {
    }
    %lt3A_388 = arith.constant 100000 : i32
    %lt3A_389 = arith.cmpi slt, %mul3A_380, %lt3A_388 : i32
    %add3A_390 = arith.constant 128 : i32
    %add3A_391 = arith.addi %mul3A_380, %add3A_390 : i32
    %gt3A_392 = arith.constant 100000 : i32
    %gt3A_393 = arith.cmpi sgt, %add3A_391, %gt3A_392 : i32
    %and3A_394 = arith.andi %lt3A_389, %gt3A_393 : i1
    %convert_element_type3A_395 = arith.extui %and3A_394 : i1 to i32
    %cond3A_396 = arith.constant 0 : i32
    %cond3A_397 = arith.cmpi ne, %convert_element_type3A_395, %cond3A_396 : i32
    scf.if %cond3A_397 {
      %dma_start3A_1701 = arith.constant 6 : i32
      %dma_start3A_1702 = arith.constant 6 : i32
      %dma_start3A_1703 = arith.constant 0 : i32
      %dma_start3A_1704 = arith.constant 0 : i32
      %dma_start3A_1705 = tpu.memref_slice %arg6[%dma_start3A_1701, %dma_start3A_1703, %dma_start3A_1704] : memref<7x128x128xf32, #tpu.memory_space<vmem>> -> memref<1x32x128xf32, #tpu.memory_space<vmem>>
      %dma_start3A_1706 = tpu.memref_squeeze %dma_start3A_1705 : memref<1x32x128xf32, #tpu.memory_space<vmem>> -> memref<32x128xf32, #tpu.memory_space<vmem>>
      %dma_start3A_1707 = arith.constant 0 : i32
      %dma_start3A_1708 = tpu.memref_slice %arg4[%mul3A_380, %dma_start3A_1707] : memref<100000x128xf32, #tpu.memory_space<hbm>> -> memref<32x128xf32, #tpu.memory_space<hbm>>
      %dma_start3A_1709 = tpu.memref_slice %arg9[%dma_start3A_1702] : memref<7x!tpu.dma_semaphore, #tpu.memory_space<semaphore_mem>> -> memref<1x!tpu.dma_semaphore, #tpu.memory_space<semaphore_mem>>
      %dma_start3A_1710 = tpu.memref_squeeze %dma_start3A_1709 : memref<1x!tpu.dma_semaphore, #tpu.memory_space<semaphore_mem>> -> memref<!tpu.dma_semaphore, #tpu.memory_space<semaphore_mem>>
      %dma_start3A_1711 = arith.constant 0 : i32
      %dma_start3A_1712 = tpu.memref_slice %arg4[%mul3A_380, %dma_start3A_1711] : memref<100000x128xf32, #tpu.memory_space<hbm>> -> memref<32x128xf32, #tpu.memory_space<hbm>>
      %dma_start3A_1713 = arith.constant 0 : i32
      %dma_start3A_1714 = arith.constant 0 : i32
      %dma_start3A_1715 = tpu.memref_slice %arg6[%dma_start3A_1701, %dma_start3A_1713, %dma_start3A_1714] : memref<7x128x128xf32, #tpu.memory_space<vmem>> -> memref<1x32x128xf32, #tpu.memory_space<vmem>>
      %dma_start3A_1716 = tpu.memref_squeeze %dma_start3A_1715 : memref<1x32x128xf32, #tpu.memory_space<vmem>> -> memref<32x128xf32, #tpu.memory_space<vmem>>
      tpu.enqueue_dma source(%dma_start3A_1716 : memref<32x128xf32, #tpu.memory_space<vmem>>) target(%dma_start3A_1712 : memref<32x128xf32, #tpu.memory_space<hbm>>) target_semaphore(%dma_start3A_1710 : memref<!tpu.dma_semaphore, #tpu.memory_space<semaphore_mem>>)
    } else {
    }
    %add3A_398 = arith.constant 2 : i32
    %add3A_399 = arith.addi %mul3A_4, %add3A_398 : i32
    %mul3A_400 = arith.constant 128 : i32
    %mul3A_401 = arith.muli %add3A_399, %mul3A_400 : i32
    %add3A_402 = arith.constant 128 : i32
    %add3A_403 = arith.addi %mul3A_401, %add3A_402 : i32
    %le3A_404 = arith.constant 100000 : i32
    %le3A_405 = arith.cmpi sle, %add3A_403, %le3A_404 : i32
    %convert_element_type3A_406 = arith.extui %le3A_405 : i1 to i32
    %cond3A_407 = arith.constant 0 : i32
    %cond3A_408 = arith.cmpi ne, %convert_element_type3A_406, %cond3A_407 : i32
    scf.if %cond3A_408 {
      %dma_wait3A_1701 = arith.constant 2 : i32
      %dma_wait3A_1702 = arith.constant 2 : i32
      %dma_wait3A_1703 = arith.constant 0 : i32
      %dma_wait3A_1704 = arith.constant 0 : i32
      %dma_wait3A_1705 = tpu.memref_slice %arg6[%dma_wait3A_1701, %dma_wait3A_1703, %dma_wait3A_1704] : memref<7x128x128xf32, #tpu.memory_space<vmem>> -> memref<1x128x128xf32, #tpu.memory_space<vmem>>
      %dma_wait3A_1706 = tpu.memref_squeeze %dma_wait3A_1705 : memref<1x128x128xf32, #tpu.memory_space<vmem>> -> memref<128x128xf32, #tpu.memory_space<vmem>>
      %dma_wait3A_1707 = arith.constant 0 : i32
      %dma_wait3A_1708 = tpu.memref_slice %arg4[%mul3A_401, %dma_wait3A_1707] : memref<100000x128xf32, #tpu.memory_space<hbm>> -> memref<128x128xf32, #tpu.memory_space<hbm>>
      %dma_wait3A_1709 = tpu.memref_slice %arg9[%dma_wait3A_1702] : memref<7x!tpu.dma_semaphore, #tpu.memory_space<semaphore_mem>> -> memref<1x!tpu.dma_semaphore, #tpu.memory_space<semaphore_mem>>
      %dma_wait3A_1710 = tpu.memref_squeeze %dma_wait3A_1709 : memref<1x!tpu.dma_semaphore, #tpu.memory_space<semaphore_mem>> -> memref<!tpu.dma_semaphore, #tpu.memory_space<semaphore_mem>>
      %dma_wait3A_1711 = arith.constant 0 : i32
      %dma_wait3A_1712 = tpu.memref_slice %arg4[%mul3A_401, %dma_wait3A_1711] : memref<100000x128xf32, #tpu.memory_space<hbm>> -> memref<128x128xf32, #tpu.memory_space<hbm>>
      %dma_wait3A_1713 = arith.constant 0 : i32
      %dma_wait3A_1714 = arith.constant 0 : i32
      %dma_wait3A_1715 = tpu.memref_slice %arg6[%dma_wait3A_1701, %dma_wait3A_1713, %dma_wait3A_1714] : memref<7x128x128xf32, #tpu.memory_space<vmem>> -> memref<1x128x128xf32, #tpu.memory_space<vmem>>
      %dma_wait3A_1716 = tpu.memref_squeeze %dma_wait3A_1715 : memref<1x128x128xf32, #tpu.memory_space<vmem>> -> memref<128x128xf32, #tpu.memory_space<vmem>>
      tpu.wait_dma2 semaphore(%dma_wait3A_1710 : memref<!tpu.dma_semaphore, #tpu.memory_space<semaphore_mem>>) src(%dma_wait3A_1716 : memref<128x128xf32, #tpu.memory_space<vmem>>) dst(%dma_wait3A_1712 : memref<128x128xf32, #tpu.memory_space<hbm>>)
    } else {
    }
    %lt3A_409 = arith.constant 100000 : i32
    %lt3A_410 = arith.cmpi slt, %mul3A_401, %lt3A_409 : i32
    %add3A_411 = arith.constant 128 : i32
    %add3A_412 = arith.addi %mul3A_401, %add3A_411 : i32
    %gt3A_413 = arith.constant 100000 : i32
    %gt3A_414 = arith.cmpi sgt, %add3A_412, %gt3A_413 : i32
    %and3A_415 = arith.andi %lt3A_410, %gt3A_414 : i1
    %convert_element_type3A_416 = arith.extui %and3A_415 : i1 to i32
    %cond3A_417 = arith.constant 0 : i32
    %cond3A_418 = arith.cmpi ne, %convert_element_type3A_416, %cond3A_417 : i32
    scf.if %cond3A_418 {
      %dma_wait3A_1701 = arith.constant 2 : i32
      %dma_wait3A_1702 = arith.constant 2 : i32
      %dma_wait3A_1703 = arith.constant 0 : i32
      %dma_wait3A_1704 = arith.constant 0 : i32
      %dma_wait3A_1705 = tpu.memref_slice %arg6[%dma_wait3A_1701, %dma_wait3A_1703, %dma_wait3A_1704] : memref<7x128x128xf32, #tpu.memory_space<vmem>> -> memref<1x32x128xf32, #tpu.memory_space<vmem>>
      %dma_wait3A_1706 = tpu.memref_squeeze %dma_wait3A_1705 : memref<1x32x128xf32, #tpu.memory_space<vmem>> -> memref<32x128xf32, #tpu.memory_space<vmem>>
      %dma_wait3A_1707 = arith.constant 0 : i32
      %dma_wait3A_1708 = tpu.memref_slice %arg4[%mul3A_401, %dma_wait3A_1707] : memref<100000x128xf32, #tpu.memory_space<hbm>> -> memref<32x128xf32, #tpu.memory_space<hbm>>
      %dma_wait3A_1709 = tpu.memref_slice %arg9[%dma_wait3A_1702] : memref<7x!tpu.dma_semaphore, #tpu.memory_space<semaphore_mem>> -> memref<1x!tpu.dma_semaphore, #tpu.memory_space<semaphore_mem>>
      %dma_wait3A_1710 = tpu.memref_squeeze %dma_wait3A_1709 : memref<1x!tpu.dma_semaphore, #tpu.memory_space<semaphore_mem>> -> memref<!tpu.dma_semaphore, #tpu.memory_space<semaphore_mem>>
      %dma_wait3A_1711 = arith.constant 0 : i32
      %dma_wait3A_1712 = tpu.memref_slice %arg4[%mul3A_401, %dma_wait3A_1711] : memref<100000x128xf32, #tpu.memory_space<hbm>> -> memref<32x128xf32, #tpu.memory_space<hbm>>
      %dma_wait3A_1713 = arith.constant 0 : i32
      %dma_wait3A_1714 = arith.constant 0 : i32
      %dma_wait3A_1715 = tpu.memref_slice %arg6[%dma_wait3A_1701, %dma_wait3A_1713, %dma_wait3A_1714] : memref<7x128x128xf32, #tpu.memory_space<vmem>> -> memref<1x32x128xf32, #tpu.memory_space<vmem>>
      %dma_wait3A_1716 = tpu.memref_squeeze %dma_wait3A_1715 : memref<1x32x128xf32, #tpu.memory_space<vmem>> -> memref<32x128xf32, #tpu.memory_space<vmem>>
      tpu.wait_dma2 semaphore(%dma_wait3A_1710 : memref<!tpu.dma_semaphore, #tpu.memory_space<semaphore_mem>>) src(%dma_wait3A_1716 : memref<32x128xf32, #tpu.memory_space<vmem>>) dst(%dma_wait3A_1712 : memref<32x128xf32, #tpu.memory_space<hbm>>)
    } else {
    }
    %dma_start3A_419 = arith.constant 2 : i32
    %dma_start3A_420 = arith.constant 2 : i32
    %dma_start3A_421 = arith.constant 0 : i32
    %dma_start3A_422 = arith.constant 0 : i32
    %dma_start3A_423 = tpu.memref_slice %arg6[%dma_start3A_419, %dma_start3A_421, %dma_start3A_422] : memref<7x128x128xf32, #tpu.memory_space<vmem>> -> memref<1x128x128xf32, #tpu.memory_space<vmem>>
    %dma_start3A_424 = tpu.memref_squeeze %dma_start3A_423 : memref<1x128x128xf32, #tpu.memory_space<vmem>> -> memref<128x128xf32, #tpu.memory_space<vmem>>
    %dma_start3A_425 = arith.constant 1152 : i32
    %dma_start3A_426 = tpu.memref_slice %arg5[%dma_start3A_425] : memref<3200xi32, #tpu.memory_space<vmem>> -> memref<128xi32, #tpu.memory_space<vmem>>
    %dma_start3A_427 = arith.constant 0 : i32
    %dma_start3A_428 = arith.constant 0 : i32
    %dma_start3A_429 = tpu.memref_slice %arg7[%dma_start3A_427, %dma_start3A_428] : memref<100x128xf32, #tpu.memory_space<vmem_shared>> -> memref<100x128xf32, #tpu.memory_space<vmem_shared>>
    %dma_start3A_430 = tpu.memref_slice %arg8[%dma_start3A_420] : memref<7x!tpu.dma_semaphore, #tpu.memory_space<semaphore_mem>> -> memref<1x!tpu.dma_semaphore, #tpu.memory_space<semaphore_mem>>
    %dma_start3A_431 = tpu.memref_squeeze %dma_start3A_430 : memref<1x!tpu.dma_semaphore, #tpu.memory_space<semaphore_mem>> -> memref<!tpu.dma_semaphore, #tpu.memory_space<semaphore_mem>>
    tpu.enqueue_indirect_dma source(%dma_start3A_429 : memref<100x128xf32, #tpu.memory_space<vmem_shared>>) target(%dma_start3A_424 : memref<128x128xf32, #tpu.memory_space<vmem>>) offsets(%dma_start3A_426 : memref<128xi32, #tpu.memory_space<vmem>>) semaphore(%dma_start3A_431 : memref<!tpu.dma_semaphore, #tpu.memory_space<semaphore_mem>>)
    %dma_wait3A_432 = arith.constant 0 : i32
    %dma_wait3A_433 = arith.constant 0 : i32
    %dma_wait3A_434 = arith.constant 0 : i32
    %dma_wait3A_435 = arith.constant 0 : i32
    %dma_wait3A_436 = tpu.memref_slice %arg6[%dma_wait3A_432, %dma_wait3A_434, %dma_wait3A_435] : memref<7x128x128xf32, #tpu.memory_space<vmem>> -> memref<1x128x128xf32, #tpu.memory_space<vmem>>
    %dma_wait3A_437 = tpu.memref_squeeze %dma_wait3A_436 : memref<1x128x128xf32, #tpu.memory_space<vmem>> -> memref<128x128xf32, #tpu.memory_space<vmem>>
    %dma_wait3A_438 = arith.constant 896 : i32
    %dma_wait3A_439 = tpu.memref_slice %arg5[%dma_wait3A_438] : memref<3200xi32, #tpu.memory_space<vmem>> -> memref<128xi32, #tpu.memory_space<vmem>>
    %dma_wait3A_440 = arith.constant 0 : i32
    %dma_wait3A_441 = arith.constant 0 : i32
    %dma_wait3A_442 = tpu.memref_slice %arg7[%dma_wait3A_440, %dma_wait3A_441] : memref<100x128xf32, #tpu.memory_space<vmem_shared>> -> memref<100x128xf32, #tpu.memory_space<vmem_shared>>
    %dma_wait3A_443 = tpu.memref_slice %arg8[%dma_wait3A_433] : memref<7x!tpu.dma_semaphore, #tpu.memory_space<semaphore_mem>> -> memref<1x!tpu.dma_semaphore, #tpu.memory_space<semaphore_mem>>
    %dma_wait3A_444 = tpu.memref_squeeze %dma_wait3A_443 : memref<1x!tpu.dma_semaphore, #tpu.memory_space<semaphore_mem>> -> memref<!tpu.dma_semaphore, #tpu.memory_space<semaphore_mem>>
    tpu.wait_indirect_dma semaphore(%dma_wait3A_444 : memref<!tpu.dma_semaphore, #tpu.memory_space<semaphore_mem>>) src(%dma_wait3A_442 : memref<100x128xf32, #tpu.memory_space<vmem_shared>>) dst(%dma_wait3A_437 : memref<128x128xf32, #tpu.memory_space<vmem>>)
    %add3A_445 = arith.constant 7 : i32
    %add3A_446 = arith.addi %mul3A_4, %add3A_445 : i32
    %mul3A_447 = arith.constant 128 : i32
    %mul3A_448 = arith.muli %add3A_446, %mul3A_447 : i32
    %add3A_449 = arith.constant 128 : i32
    %add3A_450 = arith.addi %mul3A_448, %add3A_449 : i32
    %le3A_451 = arith.constant 100000 : i32
    %le3A_452 = arith.cmpi sle, %add3A_450, %le3A_451 : i32
    %convert_element_type3A_453 = arith.extui %le3A_452 : i1 to i32
    %cond3A_454 = arith.constant 0 : i32
    %cond3A_455 = arith.cmpi ne, %convert_element_type3A_453, %cond3A_454 : i32
    scf.if %cond3A_455 {
      %dma_start3A_1701 = arith.constant 0 : i32
      %dma_start3A_1702 = arith.constant 0 : i32
      %dma_start3A_1703 = arith.constant 0 : i32
      %dma_start3A_1704 = arith.constant 0 : i32
      %dma_start3A_1705 = tpu.memref_slice %arg6[%dma_start3A_1701, %dma_start3A_1703, %dma_start3A_1704] : memref<7x128x128xf32, #tpu.memory_space<vmem>> -> memref<1x128x128xf32, #tpu.memory_space<vmem>>
      %dma_start3A_1706 = tpu.memref_squeeze %dma_start3A_1705 : memref<1x128x128xf32, #tpu.memory_space<vmem>> -> memref<128x128xf32, #tpu.memory_space<vmem>>
      %dma_start3A_1707 = arith.constant 0 : i32
      %dma_start3A_1708 = tpu.memref_slice %arg4[%mul3A_448, %dma_start3A_1707] : memref<100000x128xf32, #tpu.memory_space<hbm>> -> memref<128x128xf32, #tpu.memory_space<hbm>>
      %dma_start3A_1709 = tpu.memref_slice %arg9[%dma_start3A_1702] : memref<7x!tpu.dma_semaphore, #tpu.memory_space<semaphore_mem>> -> memref<1x!tpu.dma_semaphore, #tpu.memory_space<semaphore_mem>>
      %dma_start3A_1710 = tpu.memref_squeeze %dma_start3A_1709 : memref<1x!tpu.dma_semaphore, #tpu.memory_space<semaphore_mem>> -> memref<!tpu.dma_semaphore, #tpu.memory_space<semaphore_mem>>
      %dma_start3A_1711 = arith.constant 0 : i32
      %dma_start3A_1712 = tpu.memref_slice %arg4[%mul3A_448, %dma_start3A_1711] : memref<100000x128xf32, #tpu.memory_space<hbm>> -> memref<128x128xf32, #tpu.memory_space<hbm>>
      %dma_start3A_1713 = arith.constant 0 : i32
      %dma_start3A_1714 = arith.constant 0 : i32
      %dma_start3A_1715 = tpu.memref_slice %arg6[%dma_start3A_1701, %dma_start3A_1713, %dma_start3A_1714] : memref<7x128x128xf32, #tpu.memory_space<vmem>> -> memref<1x128x128xf32, #tpu.memory_space<vmem>>
      %dma_start3A_1716 = tpu.memref_squeeze %dma_start3A_1715 : memref<1x128x128xf32, #tpu.memory_space<vmem>> -> memref<128x128xf32, #tpu.memory_space<vmem>>
      tpu.enqueue_dma source(%dma_start3A_1716 : memref<128x128xf32, #tpu.memory_space<vmem>>) target(%dma_start3A_1712 : memref<128x128xf32, #tpu.memory_space<hbm>>) target_semaphore(%dma_start3A_1710 : memref<!tpu.dma_semaphore, #tpu.memory_space<semaphore_mem>>)
    } else {
    }
    %lt3A_456 = arith.constant 100000 : i32
    %lt3A_457 = arith.cmpi slt, %mul3A_448, %lt3A_456 : i32
    %add3A_458 = arith.constant 128 : i32
    %add3A_459 = arith.addi %mul3A_448, %add3A_458 : i32
    %gt3A_460 = arith.constant 100000 : i32
    %gt3A_461 = arith.cmpi sgt, %add3A_459, %gt3A_460 : i32
    %and3A_462 = arith.andi %lt3A_457, %gt3A_461 : i1
    %convert_element_type3A_463 = arith.extui %and3A_462 : i1 to i32
    %cond3A_464 = arith.constant 0 : i32
    %cond3A_465 = arith.cmpi ne, %convert_element_type3A_463, %cond3A_464 : i32
    scf.if %cond3A_465 {
      %dma_start3A_1701 = arith.constant 0 : i32
      %dma_start3A_1702 = arith.constant 0 : i32
      %dma_start3A_1703 = arith.constant 0 : i32
      %dma_start3A_1704 = arith.constant 0 : i32
      %dma_start3A_1705 = tpu.memref_slice %arg6[%dma_start3A_1701, %dma_start3A_1703, %dma_start3A_1704] : memref<7x128x128xf32, #tpu.memory_space<vmem>> -> memref<1x32x128xf32, #tpu.memory_space<vmem>>
      %dma_start3A_1706 = tpu.memref_squeeze %dma_start3A_1705 : memref<1x32x128xf32, #tpu.memory_space<vmem>> -> memref<32x128xf32, #tpu.memory_space<vmem>>
      %dma_start3A_1707 = arith.constant 0 : i32
      %dma_start3A_1708 = tpu.memref_slice %arg4[%mul3A_448, %dma_start3A_1707] : memref<100000x128xf32, #tpu.memory_space<hbm>> -> memref<32x128xf32, #tpu.memory_space<hbm>>
      %dma_start3A_1709 = tpu.memref_slice %arg9[%dma_start3A_1702] : memref<7x!tpu.dma_semaphore, #tpu.memory_space<semaphore_mem>> -> memref<1x!tpu.dma_semaphore, #tpu.memory_space<semaphore_mem>>
      %dma_start3A_1710 = tpu.memref_squeeze %dma_start3A_1709 : memref<1x!tpu.dma_semaphore, #tpu.memory_space<semaphore_mem>> -> memref<!tpu.dma_semaphore, #tpu.memory_space<semaphore_mem>>
      %dma_start3A_1711 = arith.constant 0 : i32
      %dma_start3A_1712 = tpu.memref_slice %arg4[%mul3A_448, %dma_start3A_1711] : memref<100000x128xf32, #tpu.memory_space<hbm>> -> memref<32x128xf32, #tpu.memory_space<hbm>>
      %dma_start3A_1713 = arith.constant 0 : i32
      %dma_start3A_1714 = arith.constant 0 : i32
      %dma_start3A_1715 = tpu.memref_slice %arg6[%dma_start3A_1701, %dma_start3A_1713, %dma_start3A_1714] : memref<7x128x128xf32, #tpu.memory_space<vmem>> -> memref<1x32x128xf32, #tpu.memory_space<vmem>>
      %dma_start3A_1716 = tpu.memref_squeeze %dma_start3A_1715 : memref<1x32x128xf32, #tpu.memory_space<vmem>> -> memref<32x128xf32, #tpu.memory_space<vmem>>
      tpu.enqueue_dma source(%dma_start3A_1716 : memref<32x128xf32, #tpu.memory_space<vmem>>) target(%dma_start3A_1712 : memref<32x128xf32, #tpu.memory_space<hbm>>) target_semaphore(%dma_start3A_1710 : memref<!tpu.dma_semaphore, #tpu.memory_space<semaphore_mem>>)
    } else {
    }
    %add3A_466 = arith.constant 3 : i32
    %add3A_467 = arith.addi %mul3A_4, %add3A_466 : i32
    %mul3A_468 = arith.constant 128 : i32
    %mul3A_469 = arith.muli %add3A_467, %mul3A_468 : i32
    %add3A_470 = arith.constant 128 : i32
    %add3A_471 = arith.addi %mul3A_469, %add3A_470 : i32
    %le3A_472 = arith.constant 100000 : i32
    %le3A_473 = arith.cmpi sle, %add3A_471, %le3A_472 : i32
    %convert_element_type3A_474 = arith.extui %le3A_473 : i1 to i32
    %cond3A_475 = arith.constant 0 : i32
    %cond3A_476 = arith.cmpi ne, %convert_element_type3A_474, %cond3A_475 : i32
    scf.if %cond3A_476 {
      %dma_wait3A_1701 = arith.constant 3 : i32
      %dma_wait3A_1702 = arith.constant 3 : i32
      %dma_wait3A_1703 = arith.constant 0 : i32
      %dma_wait3A_1704 = arith.constant 0 : i32
      %dma_wait3A_1705 = tpu.memref_slice %arg6[%dma_wait3A_1701, %dma_wait3A_1703, %dma_wait3A_1704] : memref<7x128x128xf32, #tpu.memory_space<vmem>> -> memref<1x128x128xf32, #tpu.memory_space<vmem>>
      %dma_wait3A_1706 = tpu.memref_squeeze %dma_wait3A_1705 : memref<1x128x128xf32, #tpu.memory_space<vmem>> -> memref<128x128xf32, #tpu.memory_space<vmem>>
      %dma_wait3A_1707 = arith.constant 0 : i32
      %dma_wait3A_1708 = tpu.memref_slice %arg4[%mul3A_469, %dma_wait3A_1707] : memref<100000x128xf32, #tpu.memory_space<hbm>> -> memref<128x128xf32, #tpu.memory_space<hbm>>
      %dma_wait3A_1709 = tpu.memref_slice %arg9[%dma_wait3A_1702] : memref<7x!tpu.dma_semaphore, #tpu.memory_space<semaphore_mem>> -> memref<1x!tpu.dma_semaphore, #tpu.memory_space<semaphore_mem>>
      %dma_wait3A_1710 = tpu.memref_squeeze %dma_wait3A_1709 : memref<1x!tpu.dma_semaphore, #tpu.memory_space<semaphore_mem>> -> memref<!tpu.dma_semaphore, #tpu.memory_space<semaphore_mem>>
      %dma_wait3A_1711 = arith.constant 0 : i32
      %dma_wait3A_1712 = tpu.memref_slice %arg4[%mul3A_469, %dma_wait3A_1711] : memref<100000x128xf32, #tpu.memory_space<hbm>> -> memref<128x128xf32, #tpu.memory_space<hbm>>
      %dma_wait3A_1713 = arith.constant 0 : i32
      %dma_wait3A_1714 = arith.constant 0 : i32
      %dma_wait3A_1715 = tpu.memref_slice %arg6[%dma_wait3A_1701, %dma_wait3A_1713, %dma_wait3A_1714] : memref<7x128x128xf32, #tpu.memory_space<vmem>> -> memref<1x128x128xf32, #tpu.memory_space<vmem>>
      %dma_wait3A_1716 = tpu.memref_squeeze %dma_wait3A_1715 : memref<1x128x128xf32, #tpu.memory_space<vmem>> -> memref<128x128xf32, #tpu.memory_space<vmem>>
      tpu.wait_dma2 semaphore(%dma_wait3A_1710 : memref<!tpu.dma_semaphore, #tpu.memory_space<semaphore_mem>>) src(%dma_wait3A_1716 : memref<128x128xf32, #tpu.memory_space<vmem>>) dst(%dma_wait3A_1712 : memref<128x128xf32, #tpu.memory_space<hbm>>)
    } else {
    }
    %lt3A_477 = arith.constant 100000 : i32
    %lt3A_478 = arith.cmpi slt, %mul3A_469, %lt3A_477 : i32
    %add3A_479 = arith.constant 128 : i32
    %add3A_480 = arith.addi %mul3A_469, %add3A_479 : i32
    %gt3A_481 = arith.constant 100000 : i32
    %gt3A_482 = arith.cmpi sgt, %add3A_480, %gt3A_481 : i32
    %and3A_483 = arith.andi %lt3A_478, %gt3A_482 : i1
    %convert_element_type3A_484 = arith.extui %and3A_483 : i1 to i32
    %cond3A_485 = arith.constant 0 : i32
    %cond3A_486 = arith.cmpi ne, %convert_element_type3A_484, %cond3A_485 : i32
    scf.if %cond3A_486 {
      %dma_wait3A_1701 = arith.constant 3 : i32
      %dma_wait3A_1702 = arith.constant 3 : i32
      %dma_wait3A_1703 = arith.constant 0 : i32
      %dma_wait3A_1704 = arith.constant 0 : i32
      %dma_wait3A_1705 = tpu.memref_slice %arg6[%dma_wait3A_1701, %dma_wait3A_1703, %dma_wait3A_1704] : memref<7x128x128xf32, #tpu.memory_space<vmem>> -> memref<1x32x128xf32, #tpu.memory_space<vmem>>
      %dma_wait3A_1706 = tpu.memref_squeeze %dma_wait3A_1705 : memref<1x32x128xf32, #tpu.memory_space<vmem>> -> memref<32x128xf32, #tpu.memory_space<vmem>>
      %dma_wait3A_1707 = arith.constant 0 : i32
      %dma_wait3A_1708 = tpu.memref_slice %arg4[%mul3A_469, %dma_wait3A_1707] : memref<100000x128xf32, #tpu.memory_space<hbm>> -> memref<32x128xf32, #tpu.memory_space<hbm>>
      %dma_wait3A_1709 = tpu.memref_slice %arg9[%dma_wait3A_1702] : memref<7x!tpu.dma_semaphore, #tpu.memory_space<semaphore_mem>> -> memref<1x!tpu.dma_semaphore, #tpu.memory_space<semaphore_mem>>
      %dma_wait3A_1710 = tpu.memref_squeeze %dma_wait3A_1709 : memref<1x!tpu.dma_semaphore, #tpu.memory_space<semaphore_mem>> -> memref<!tpu.dma_semaphore, #tpu.memory_space<semaphore_mem>>
      %dma_wait3A_1711 = arith.constant 0 : i32
      %dma_wait3A_1712 = tpu.memref_slice %arg4[%mul3A_469, %dma_wait3A_1711] : memref<100000x128xf32, #tpu.memory_space<hbm>> -> memref<32x128xf32, #tpu.memory_space<hbm>>
      %dma_wait3A_1713 = arith.constant 0 : i32
      %dma_wait3A_1714 = arith.constant 0 : i32
      %dma_wait3A_1715 = tpu.memref_slice %arg6[%dma_wait3A_1701, %dma_wait3A_1713, %dma_wait3A_1714] : memref<7x128x128xf32, #tpu.memory_space<vmem>> -> memref<1x32x128xf32, #tpu.memory_space<vmem>>
      %dma_wait3A_1716 = tpu.memref_squeeze %dma_wait3A_1715 : memref<1x32x128xf32, #tpu.memory_space<vmem>> -> memref<32x128xf32, #tpu.memory_space<vmem>>
      tpu.wait_dma2 semaphore(%dma_wait3A_1710 : memref<!tpu.dma_semaphore, #tpu.memory_space<semaphore_mem>>) src(%dma_wait3A_1716 : memref<32x128xf32, #tpu.memory_space<vmem>>) dst(%dma_wait3A_1712 : memref<32x128xf32, #tpu.memory_space<hbm>>)
    } else {
    }
    %dma_start3A_487 = arith.constant 3 : i32
    %dma_start3A_488 = arith.constant 3 : i32
    %dma_start3A_489 = arith.constant 0 : i32
    %dma_start3A_490 = arith.constant 0 : i32
    %dma_start3A_491 = tpu.memref_slice %arg6[%dma_start3A_487, %dma_start3A_489, %dma_start3A_490] : memref<7x128x128xf32, #tpu.memory_space<vmem>> -> memref<1x128x128xf32, #tpu.memory_space<vmem>>
    %dma_start3A_492 = tpu.memref_squeeze %dma_start3A_491 : memref<1x128x128xf32, #tpu.memory_space<vmem>> -> memref<128x128xf32, #tpu.memory_space<vmem>>
    %dma_start3A_493 = arith.constant 1280 : i32
    %dma_start3A_494 = tpu.memref_slice %arg5[%dma_start3A_493] : memref<3200xi32, #tpu.memory_space<vmem>> -> memref<128xi32, #tpu.memory_space<vmem>>
    %dma_start3A_495 = arith.constant 0 : i32
    %dma_start3A_496 = arith.constant 0 : i32
    %dma_start3A_497 = tpu.memref_slice %arg7[%dma_start3A_495, %dma_start3A_496] : memref<100x128xf32, #tpu.memory_space<vmem_shared>> -> memref<100x128xf32, #tpu.memory_space<vmem_shared>>
    %dma_start3A_498 = tpu.memref_slice %arg8[%dma_start3A_488] : memref<7x!tpu.dma_semaphore, #tpu.memory_space<semaphore_mem>> -> memref<1x!tpu.dma_semaphore, #tpu.memory_space<semaphore_mem>>
    %dma_start3A_499 = tpu.memref_squeeze %dma_start3A_498 : memref<1x!tpu.dma_semaphore, #tpu.memory_space<semaphore_mem>> -> memref<!tpu.dma_semaphore, #tpu.memory_space<semaphore_mem>>
    tpu.enqueue_indirect_dma source(%dma_start3A_497 : memref<100x128xf32, #tpu.memory_space<vmem_shared>>) target(%dma_start3A_492 : memref<128x128xf32, #tpu.memory_space<vmem>>) offsets(%dma_start3A_494 : memref<128xi32, #tpu.memory_space<vmem>>) semaphore(%dma_start3A_499 : memref<!tpu.dma_semaphore, #tpu.memory_space<semaphore_mem>>)
    %dma_wait3A_500 = arith.constant 1 : i32
    %dma_wait3A_501 = arith.constant 1 : i32
    %dma_wait3A_502 = arith.constant 0 : i32
    %dma_wait3A_503 = arith.constant 0 : i32
    %dma_wait3A_504 = tpu.memref_slice %arg6[%dma_wait3A_500, %dma_wait3A_502, %dma_wait3A_503] : memref<7x128x128xf32, #tpu.memory_space<vmem>> -> memref<1x128x128xf32, #tpu.memory_space<vmem>>
    %dma_wait3A_505 = tpu.memref_squeeze %dma_wait3A_504 : memref<1x128x128xf32, #tpu.memory_space<vmem>> -> memref<128x128xf32, #tpu.memory_space<vmem>>
    %dma_wait3A_506 = arith.constant 1024 : i32
    %dma_wait3A_507 = tpu.memref_slice %arg5[%dma_wait3A_506] : memref<3200xi32, #tpu.memory_space<vmem>> -> memref<128xi32, #tpu.memory_space<vmem>>
    %dma_wait3A_508 = arith.constant 0 : i32
    %dma_wait3A_509 = arith.constant 0 : i32
    %dma_wait3A_510 = tpu.memref_slice %arg7[%dma_wait3A_508, %dma_wait3A_509] : memref<100x128xf32, #tpu.memory_space<vmem_shared>> -> memref<100x128xf32, #tpu.memory_space<vmem_shared>>
    %dma_wait3A_511 = tpu.memref_slice %arg8[%dma_wait3A_501] : memref<7x!tpu.dma_semaphore, #tpu.memory_space<semaphore_mem>> -> memref<1x!tpu.dma_semaphore, #tpu.memory_space<semaphore_mem>>
    %dma_wait3A_512 = tpu.memref_squeeze %dma_wait3A_511 : memref<1x!tpu.dma_semaphore, #tpu.memory_space<semaphore_mem>> -> memref<!tpu.dma_semaphore, #tpu.memory_space<semaphore_mem>>
    tpu.wait_indirect_dma semaphore(%dma_wait3A_512 : memref<!tpu.dma_semaphore, #tpu.memory_space<semaphore_mem>>) src(%dma_wait3A_510 : memref<100x128xf32, #tpu.memory_space<vmem_shared>>) dst(%dma_wait3A_505 : memref<128x128xf32, #tpu.memory_space<vmem>>)
    %add3A_513 = arith.constant 8 : i32
    %add3A_514 = arith.addi %mul3A_4, %add3A_513 : i32
    %mul3A_515 = arith.constant 128 : i32
    %mul3A_516 = arith.muli %add3A_514, %mul3A_515 : i32
    %add3A_517 = arith.constant 128 : i32
    %add3A_518 = arith.addi %mul3A_516, %add3A_517 : i32
    %le3A_519 = arith.constant 100000 : i32
    %le3A_520 = arith.cmpi sle, %add3A_518, %le3A_519 : i32
    %convert_element_type3A_521 = arith.extui %le3A_520 : i1 to i32
    %cond3A_522 = arith.constant 0 : i32
    %cond3A_523 = arith.cmpi ne, %convert_element_type3A_521, %cond3A_522 : i32
    scf.if %cond3A_523 {
      %dma_start3A_1701 = arith.constant 1 : i32
      %dma_start3A_1702 = arith.constant 1 : i32
      %dma_start3A_1703 = arith.constant 0 : i32
      %dma_start3A_1704 = arith.constant 0 : i32
      %dma_start3A_1705 = tpu.memref_slice %arg6[%dma_start3A_1701, %dma_start3A_1703, %dma_start3A_1704] : memref<7x128x128xf32, #tpu.memory_space<vmem>> -> memref<1x128x128xf32, #tpu.memory_space<vmem>>
      %dma_start3A_1706 = tpu.memref_squeeze %dma_start3A_1705 : memref<1x128x128xf32, #tpu.memory_space<vmem>> -> memref<128x128xf32, #tpu.memory_space<vmem>>
      %dma_start3A_1707 = arith.constant 0 : i32
      %dma_start3A_1708 = tpu.memref_slice %arg4[%mul3A_516, %dma_start3A_1707] : memref<100000x128xf32, #tpu.memory_space<hbm>> -> memref<128x128xf32, #tpu.memory_space<hbm>>
      %dma_start3A_1709 = tpu.memref_slice %arg9[%dma_start3A_1702] : memref<7x!tpu.dma_semaphore, #tpu.memory_space<semaphore_mem>> -> memref<1x!tpu.dma_semaphore, #tpu.memory_space<semaphore_mem>>
      %dma_start3A_1710 = tpu.memref_squeeze %dma_start3A_1709 : memref<1x!tpu.dma_semaphore, #tpu.memory_space<semaphore_mem>> -> memref<!tpu.dma_semaphore, #tpu.memory_space<semaphore_mem>>
      %dma_start3A_1711 = arith.constant 0 : i32
      %dma_start3A_1712 = tpu.memref_slice %arg4[%mul3A_516, %dma_start3A_1711] : memref<100000x128xf32, #tpu.memory_space<hbm>> -> memref<128x128xf32, #tpu.memory_space<hbm>>
      %dma_start3A_1713 = arith.constant 0 : i32
      %dma_start3A_1714 = arith.constant 0 : i32
      %dma_start3A_1715 = tpu.memref_slice %arg6[%dma_start3A_1701, %dma_start3A_1713, %dma_start3A_1714] : memref<7x128x128xf32, #tpu.memory_space<vmem>> -> memref<1x128x128xf32, #tpu.memory_space<vmem>>
      %dma_start3A_1716 = tpu.memref_squeeze %dma_start3A_1715 : memref<1x128x128xf32, #tpu.memory_space<vmem>> -> memref<128x128xf32, #tpu.memory_space<vmem>>
      tpu.enqueue_dma source(%dma_start3A_1716 : memref<128x128xf32, #tpu.memory_space<vmem>>) target(%dma_start3A_1712 : memref<128x128xf32, #tpu.memory_space<hbm>>) target_semaphore(%dma_start3A_1710 : memref<!tpu.dma_semaphore, #tpu.memory_space<semaphore_mem>>)
    } else {
    }
    %lt3A_524 = arith.constant 100000 : i32
    %lt3A_525 = arith.cmpi slt, %mul3A_516, %lt3A_524 : i32
    %add3A_526 = arith.constant 128 : i32
    %add3A_527 = arith.addi %mul3A_516, %add3A_526 : i32
    %gt3A_528 = arith.constant 100000 : i32
    %gt3A_529 = arith.cmpi sgt, %add3A_527, %gt3A_528 : i32
    %and3A_530 = arith.andi %lt3A_525, %gt3A_529 : i1
    %convert_element_type3A_531 = arith.extui %and3A_530 : i1 to i32
    %cond3A_532 = arith.constant 0 : i32
    %cond3A_533 = arith.cmpi ne, %convert_element_type3A_531, %cond3A_532 : i32
    scf.if %cond3A_533 {
      %dma_start3A_1701 = arith.constant 1 : i32
      %dma_start3A_1702 = arith.constant 1 : i32
      %dma_start3A_1703 = arith.constant 0 : i32
      %dma_start3A_1704 = arith.constant 0 : i32
      %dma_start3A_1705 = tpu.memref_slice %arg6[%dma_start3A_1701, %dma_start3A_1703, %dma_start3A_1704] : memref<7x128x128xf32, #tpu.memory_space<vmem>> -> memref<1x32x128xf32, #tpu.memory_space<vmem>>
      %dma_start3A_1706 = tpu.memref_squeeze %dma_start3A_1705 : memref<1x32x128xf32, #tpu.memory_space<vmem>> -> memref<32x128xf32, #tpu.memory_space<vmem>>
      %dma_start3A_1707 = arith.constant 0 : i32
      %dma_start3A_1708 = tpu.memref_slice %arg4[%mul3A_516, %dma_start3A_1707] : memref<100000x128xf32, #tpu.memory_space<hbm>> -> memref<32x128xf32, #tpu.memory_space<hbm>>
      %dma_start3A_1709 = tpu.memref_slice %arg9[%dma_start3A_1702] : memref<7x!tpu.dma_semaphore, #tpu.memory_space<semaphore_mem>> -> memref<1x!tpu.dma_semaphore, #tpu.memory_space<semaphore_mem>>
      %dma_start3A_1710 = tpu.memref_squeeze %dma_start3A_1709 : memref<1x!tpu.dma_semaphore, #tpu.memory_space<semaphore_mem>> -> memref<!tpu.dma_semaphore, #tpu.memory_space<semaphore_mem>>
      %dma_start3A_1711 = arith.constant 0 : i32
      %dma_start3A_1712 = tpu.memref_slice %arg4[%mul3A_516, %dma_start3A_1711] : memref<100000x128xf32, #tpu.memory_space<hbm>> -> memref<32x128xf32, #tpu.memory_space<hbm>>
      %dma_start3A_1713 = arith.constant 0 : i32
      %dma_start3A_1714 = arith.constant 0 : i32
      %dma_start3A_1715 = tpu.memref_slice %arg6[%dma_start3A_1701, %dma_start3A_1713, %dma_start3A_1714] : memref<7x128x128xf32, #tpu.memory_space<vmem>> -> memref<1x32x128xf32, #tpu.memory_space<vmem>>
      %dma_start3A_1716 = tpu.memref_squeeze %dma_start3A_1715 : memref<1x32x128xf32, #tpu.memory_space<vmem>> -> memref<32x128xf32, #tpu.memory_space<vmem>>
      tpu.enqueue_dma source(%dma_start3A_1716 : memref<32x128xf32, #tpu.memory_space<vmem>>) target(%dma_start3A_1712 : memref<32x128xf32, #tpu.memory_space<hbm>>) target_semaphore(%dma_start3A_1710 : memref<!tpu.dma_semaphore, #tpu.memory_space<semaphore_mem>>)
    } else {
    }
    %add3A_534 = arith.constant 4 : i32
    %add3A_535 = arith.addi %mul3A_4, %add3A_534 : i32
    %mul3A_536 = arith.constant 128 : i32
    %mul3A_537 = arith.muli %add3A_535, %mul3A_536 : i32
    %add3A_538 = arith.constant 128 : i32
    %add3A_539 = arith.addi %mul3A_537, %add3A_538 : i32
    %le3A_540 = arith.constant 100000 : i32
    %le3A_541 = arith.cmpi sle, %add3A_539, %le3A_540 : i32
    %convert_element_type3A_542 = arith.extui %le3A_541 : i1 to i32
    %cond3A_543 = arith.constant 0 : i32
    %cond3A_544 = arith.cmpi ne, %convert_element_type3A_542, %cond3A_543 : i32
    scf.if %cond3A_544 {
      %dma_wait3A_1701 = arith.constant 4 : i32
      %dma_wait3A_1702 = arith.constant 4 : i32
      %dma_wait3A_1703 = arith.constant 0 : i32
      %dma_wait3A_1704 = arith.constant 0 : i32
      %dma_wait3A_1705 = tpu.memref_slice %arg6[%dma_wait3A_1701, %dma_wait3A_1703, %dma_wait3A_1704] : memref<7x128x128xf32, #tpu.memory_space<vmem>> -> memref<1x128x128xf32, #tpu.memory_space<vmem>>
      %dma_wait3A_1706 = tpu.memref_squeeze %dma_wait3A_1705 : memref<1x128x128xf32, #tpu.memory_space<vmem>> -> memref<128x128xf32, #tpu.memory_space<vmem>>
      %dma_wait3A_1707 = arith.constant 0 : i32
      %dma_wait3A_1708 = tpu.memref_slice %arg4[%mul3A_537, %dma_wait3A_1707] : memref<100000x128xf32, #tpu.memory_space<hbm>> -> memref<128x128xf32, #tpu.memory_space<hbm>>
      %dma_wait3A_1709 = tpu.memref_slice %arg9[%dma_wait3A_1702] : memref<7x!tpu.dma_semaphore, #tpu.memory_space<semaphore_mem>> -> memref<1x!tpu.dma_semaphore, #tpu.memory_space<semaphore_mem>>
      %dma_wait3A_1710 = tpu.memref_squeeze %dma_wait3A_1709 : memref<1x!tpu.dma_semaphore, #tpu.memory_space<semaphore_mem>> -> memref<!tpu.dma_semaphore, #tpu.memory_space<semaphore_mem>>
      %dma_wait3A_1711 = arith.constant 0 : i32
      %dma_wait3A_1712 = tpu.memref_slice %arg4[%mul3A_537, %dma_wait3A_1711] : memref<100000x128xf32, #tpu.memory_space<hbm>> -> memref<128x128xf32, #tpu.memory_space<hbm>>
      %dma_wait3A_1713 = arith.constant 0 : i32
      %dma_wait3A_1714 = arith.constant 0 : i32
      %dma_wait3A_1715 = tpu.memref_slice %arg6[%dma_wait3A_1701, %dma_wait3A_1713, %dma_wait3A_1714] : memref<7x128x128xf32, #tpu.memory_space<vmem>> -> memref<1x128x128xf32, #tpu.memory_space<vmem>>
      %dma_wait3A_1716 = tpu.memref_squeeze %dma_wait3A_1715 : memref<1x128x128xf32, #tpu.memory_space<vmem>> -> memref<128x128xf32, #tpu.memory_space<vmem>>
      tpu.wait_dma2 semaphore(%dma_wait3A_1710 : memref<!tpu.dma_semaphore, #tpu.memory_space<semaphore_mem>>) src(%dma_wait3A_1716 : memref<128x128xf32, #tpu.memory_space<vmem>>) dst(%dma_wait3A_1712 : memref<128x128xf32, #tpu.memory_space<hbm>>)
    } else {
    }
    %lt3A_545 = arith.constant 100000 : i32
    %lt3A_546 = arith.cmpi slt, %mul3A_537, %lt3A_545 : i32
    %add3A_547 = arith.constant 128 : i32
    %add3A_548 = arith.addi %mul3A_537, %add3A_547 : i32
    %gt3A_549 = arith.constant 100000 : i32
    %gt3A_550 = arith.cmpi sgt, %add3A_548, %gt3A_549 : i32
    %and3A_551 = arith.andi %lt3A_546, %gt3A_550 : i1
    %convert_element_type3A_552 = arith.extui %and3A_551 : i1 to i32
    %cond3A_553 = arith.constant 0 : i32
    %cond3A_554 = arith.cmpi ne, %convert_element_type3A_552, %cond3A_553 : i32
    scf.if %cond3A_554 {
      %dma_wait3A_1701 = arith.constant 4 : i32
      %dma_wait3A_1702 = arith.constant 4 : i32
      %dma_wait3A_1703 = arith.constant 0 : i32
      %dma_wait3A_1704 = arith.constant 0 : i32
      %dma_wait3A_1705 = tpu.memref_slice %arg6[%dma_wait3A_1701, %dma_wait3A_1703, %dma_wait3A_1704] : memref<7x128x128xf32, #tpu.memory_space<vmem>> -> memref<1x32x128xf32, #tpu.memory_space<vmem>>
      %dma_wait3A_1706 = tpu.memref_squeeze %dma_wait3A_1705 : memref<1x32x128xf32, #tpu.memory_space<vmem>> -> memref<32x128xf32, #tpu.memory_space<vmem>>
      %dma_wait3A_1707 = arith.constant 0 : i32
      %dma_wait3A_1708 = tpu.memref_slice %arg4[%mul3A_537, %dma_wait3A_1707] : memref<100000x128xf32, #tpu.memory_space<hbm>> -> memref<32x128xf32, #tpu.memory_space<hbm>>
      %dma_wait3A_1709 = tpu.memref_slice %arg9[%dma_wait3A_1702] : memref<7x!tpu.dma_semaphore, #tpu.memory_space<semaphore_mem>> -> memref<1x!tpu.dma_semaphore, #tpu.memory_space<semaphore_mem>>
      %dma_wait3A_1710 = tpu.memref_squeeze %dma_wait3A_1709 : memref<1x!tpu.dma_semaphore, #tpu.memory_space<semaphore_mem>> -> memref<!tpu.dma_semaphore, #tpu.memory_space<semaphore_mem>>
      %dma_wait3A_1711 = arith.constant 0 : i32
      %dma_wait3A_1712 = tpu.memref_slice %arg4[%mul3A_537, %dma_wait3A_1711] : memref<100000x128xf32, #tpu.memory_space<hbm>> -> memref<32x128xf32, #tpu.memory_space<hbm>>
      %dma_wait3A_1713 = arith.constant 0 : i32
      %dma_wait3A_1714 = arith.constant 0 : i32
      %dma_wait3A_1715 = tpu.memref_slice %arg6[%dma_wait3A_1701, %dma_wait3A_1713, %dma_wait3A_1714] : memref<7x128x128xf32, #tpu.memory_space<vmem>> -> memref<1x32x128xf32, #tpu.memory_space<vmem>>
      %dma_wait3A_1716 = tpu.memref_squeeze %dma_wait3A_1715 : memref<1x32x128xf32, #tpu.memory_space<vmem>> -> memref<32x128xf32, #tpu.memory_space<vmem>>
      tpu.wait_dma2 semaphore(%dma_wait3A_1710 : memref<!tpu.dma_semaphore, #tpu.memory_space<semaphore_mem>>) src(%dma_wait3A_1716 : memref<32x128xf32, #tpu.memory_space<vmem>>) dst(%dma_wait3A_1712 : memref<32x128xf32, #tpu.memory_space<hbm>>)
    } else {
    }
    %dma_start3A_555 = arith.constant 4 : i32
    %dma_start3A_556 = arith.constant 4 : i32
    %dma_start3A_557 = arith.constant 0 : i32
    %dma_start3A_558 = arith.constant 0 : i32
    %dma_start3A_559 = tpu.memref_slice %arg6[%dma_start3A_555, %dma_start3A_557, %dma_start3A_558] : memref<7x128x128xf32, #tpu.memory_space<vmem>> -> memref<1x128x128xf32, #tpu.memory_space<vmem>>
    %dma_start3A_560 = tpu.memref_squeeze %dma_start3A_559 : memref<1x128x128xf32, #tpu.memory_space<vmem>> -> memref<128x128xf32, #tpu.memory_space<vmem>>
    %dma_start3A_561 = arith.constant 1408 : i32
    %dma_start3A_562 = tpu.memref_slice %arg5[%dma_start3A_561] : memref<3200xi32, #tpu.memory_space<vmem>> -> memref<128xi32, #tpu.memory_space<vmem>>
    %dma_start3A_563 = arith.constant 0 : i32
    %dma_start3A_564 = arith.constant 0 : i32
    %dma_start3A_565 = tpu.memref_slice %arg7[%dma_start3A_563, %dma_start3A_564] : memref<100x128xf32, #tpu.memory_space<vmem_shared>> -> memref<100x128xf32, #tpu.memory_space<vmem_shared>>
    %dma_start3A_566 = tpu.memref_slice %arg8[%dma_start3A_556] : memref<7x!tpu.dma_semaphore, #tpu.memory_space<semaphore_mem>> -> memref<1x!tpu.dma_semaphore, #tpu.memory_space<semaphore_mem>>
    %dma_start3A_567 = tpu.memref_squeeze %dma_start3A_566 : memref<1x!tpu.dma_semaphore, #tpu.memory_space<semaphore_mem>> -> memref<!tpu.dma_semaphore, #tpu.memory_space<semaphore_mem>>
    tpu.enqueue_indirect_dma source(%dma_start3A_565 : memref<100x128xf32, #tpu.memory_space<vmem_shared>>) target(%dma_start3A_560 : memref<128x128xf32, #tpu.memory_space<vmem>>) offsets(%dma_start3A_562 : memref<128xi32, #tpu.memory_space<vmem>>) semaphore(%dma_start3A_567 : memref<!tpu.dma_semaphore, #tpu.memory_space<semaphore_mem>>)
    %dma_wait3A_568 = arith.constant 2 : i32
    %dma_wait3A_569 = arith.constant 2 : i32
    %dma_wait3A_570 = arith.constant 0 : i32
    %dma_wait3A_571 = arith.constant 0 : i32
    %dma_wait3A_572 = tpu.memref_slice %arg6[%dma_wait3A_568, %dma_wait3A_570, %dma_wait3A_571] : memref<7x128x128xf32, #tpu.memory_space<vmem>> -> memref<1x128x128xf32, #tpu.memory_space<vmem>>
    %dma_wait3A_573 = tpu.memref_squeeze %dma_wait3A_572 : memref<1x128x128xf32, #tpu.memory_space<vmem>> -> memref<128x128xf32, #tpu.memory_space<vmem>>
    %dma_wait3A_574 = arith.constant 1152 : i32
    %dma_wait3A_575 = tpu.memref_slice %arg5[%dma_wait3A_574] : memref<3200xi32, #tpu.memory_space<vmem>> -> memref<128xi32, #tpu.memory_space<vmem>>
    %dma_wait3A_576 = arith.constant 0 : i32
    %dma_wait3A_577 = arith.constant 0 : i32
    %dma_wait3A_578 = tpu.memref_slice %arg7[%dma_wait3A_576, %dma_wait3A_577] : memref<100x128xf32, #tpu.memory_space<vmem_shared>> -> memref<100x128xf32, #tpu.memory_space<vmem_shared>>
    %dma_wait3A_579 = tpu.memref_slice %arg8[%dma_wait3A_569] : memref<7x!tpu.dma_semaphore, #tpu.memory_space<semaphore_mem>> -> memref<1x!tpu.dma_semaphore, #tpu.memory_space<semaphore_mem>>
    %dma_wait3A_580 = tpu.memref_squeeze %dma_wait3A_579 : memref<1x!tpu.dma_semaphore, #tpu.memory_space<semaphore_mem>> -> memref<!tpu.dma_semaphore, #tpu.memory_space<semaphore_mem>>
    tpu.wait_indirect_dma semaphore(%dma_wait3A_580 : memref<!tpu.dma_semaphore, #tpu.memory_space<semaphore_mem>>) src(%dma_wait3A_578 : memref<100x128xf32, #tpu.memory_space<vmem_shared>>) dst(%dma_wait3A_573 : memref<128x128xf32, #tpu.memory_space<vmem>>)
    %add3A_581 = arith.constant 9 : i32
    %add3A_582 = arith.addi %mul3A_4, %add3A_581 : i32
    %mul3A_583 = arith.constant 128 : i32
    %mul3A_584 = arith.muli %add3A_582, %mul3A_583 : i32
    %add3A_585 = arith.constant 128 : i32
    %add3A_586 = arith.addi %mul3A_584, %add3A_585 : i32
    %le3A_587 = arith.constant 100000 : i32
    %le3A_588 = arith.cmpi sle, %add3A_586, %le3A_587 : i32
    %convert_element_type3A_589 = arith.extui %le3A_588 : i1 to i32
    %cond3A_590 = arith.constant 0 : i32
    %cond3A_591 = arith.cmpi ne, %convert_element_type3A_589, %cond3A_590 : i32
    scf.if %cond3A_591 {
      %dma_start3A_1701 = arith.constant 2 : i32
      %dma_start3A_1702 = arith.constant 2 : i32
      %dma_start3A_1703 = arith.constant 0 : i32
      %dma_start3A_1704 = arith.constant 0 : i32
      %dma_start3A_1705 = tpu.memref_slice %arg6[%dma_start3A_1701, %dma_start3A_1703, %dma_start3A_1704] : memref<7x128x128xf32, #tpu.memory_space<vmem>> -> memref<1x128x128xf32, #tpu.memory_space<vmem>>
      %dma_start3A_1706 = tpu.memref_squeeze %dma_start3A_1705 : memref<1x128x128xf32, #tpu.memory_space<vmem>> -> memref<128x128xf32, #tpu.memory_space<vmem>>
      %dma_start3A_1707 = arith.constant 0 : i32
      %dma_start3A_1708 = tpu.memref_slice %arg4[%mul3A_584, %dma_start3A_1707] : memref<100000x128xf32, #tpu.memory_space<hbm>> -> memref<128x128xf32, #tpu.memory_space<hbm>>
      %dma_start3A_1709 = tpu.memref_slice %arg9[%dma_start3A_1702] : memref<7x!tpu.dma_semaphore, #tpu.memory_space<semaphore_mem>> -> memref<1x!tpu.dma_semaphore, #tpu.memory_space<semaphore_mem>>
      %dma_start3A_1710 = tpu.memref_squeeze %dma_start3A_1709 : memref<1x!tpu.dma_semaphore, #tpu.memory_space<semaphore_mem>> -> memref<!tpu.dma_semaphore, #tpu.memory_space<semaphore_mem>>
      %dma_start3A_1711 = arith.constant 0 : i32
      %dma_start3A_1712 = tpu.memref_slice %arg4[%mul3A_584, %dma_start3A_1711] : memref<100000x128xf32, #tpu.memory_space<hbm>> -> memref<128x128xf32, #tpu.memory_space<hbm>>
      %dma_start3A_1713 = arith.constant 0 : i32
      %dma_start3A_1714 = arith.constant 0 : i32
      %dma_start3A_1715 = tpu.memref_slice %arg6[%dma_start3A_1701, %dma_start3A_1713, %dma_start3A_1714] : memref<7x128x128xf32, #tpu.memory_space<vmem>> -> memref<1x128x128xf32, #tpu.memory_space<vmem>>
      %dma_start3A_1716 = tpu.memref_squeeze %dma_start3A_1715 : memref<1x128x128xf32, #tpu.memory_space<vmem>> -> memref<128x128xf32, #tpu.memory_space<vmem>>
      tpu.enqueue_dma source(%dma_start3A_1716 : memref<128x128xf32, #tpu.memory_space<vmem>>) target(%dma_start3A_1712 : memref<128x128xf32, #tpu.memory_space<hbm>>) target_semaphore(%dma_start3A_1710 : memref<!tpu.dma_semaphore, #tpu.memory_space<semaphore_mem>>)
    } else {
    }
    %lt3A_592 = arith.constant 100000 : i32
    %lt3A_593 = arith.cmpi slt, %mul3A_584, %lt3A_592 : i32
    %add3A_594 = arith.constant 128 : i32
    %add3A_595 = arith.addi %mul3A_584, %add3A_594 : i32
    %gt3A_596 = arith.constant 100000 : i32
    %gt3A_597 = arith.cmpi sgt, %add3A_595, %gt3A_596 : i32
    %and3A_598 = arith.andi %lt3A_593, %gt3A_597 : i1
    %convert_element_type3A_599 = arith.extui %and3A_598 : i1 to i32
    %cond3A_600 = arith.constant 0 : i32
    %cond3A_601 = arith.cmpi ne, %convert_element_type3A_599, %cond3A_600 : i32
    scf.if %cond3A_601 {
      %dma_start3A_1701 = arith.constant 2 : i32
      %dma_start3A_1702 = arith.constant 2 : i32
      %dma_start3A_1703 = arith.constant 0 : i32
      %dma_start3A_1704 = arith.constant 0 : i32
      %dma_start3A_1705 = tpu.memref_slice %arg6[%dma_start3A_1701, %dma_start3A_1703, %dma_start3A_1704] : memref<7x128x128xf32, #tpu.memory_space<vmem>> -> memref<1x32x128xf32, #tpu.memory_space<vmem>>
      %dma_start3A_1706 = tpu.memref_squeeze %dma_start3A_1705 : memref<1x32x128xf32, #tpu.memory_space<vmem>> -> memref<32x128xf32, #tpu.memory_space<vmem>>
      %dma_start3A_1707 = arith.constant 0 : i32
      %dma_start3A_1708 = tpu.memref_slice %arg4[%mul3A_584, %dma_start3A_1707] : memref<100000x128xf32, #tpu.memory_space<hbm>> -> memref<32x128xf32, #tpu.memory_space<hbm>>
      %dma_start3A_1709 = tpu.memref_slice %arg9[%dma_start3A_1702] : memref<7x!tpu.dma_semaphore, #tpu.memory_space<semaphore_mem>> -> memref<1x!tpu.dma_semaphore, #tpu.memory_space<semaphore_mem>>
      %dma_start3A_1710 = tpu.memref_squeeze %dma_start3A_1709 : memref<1x!tpu.dma_semaphore, #tpu.memory_space<semaphore_mem>> -> memref<!tpu.dma_semaphore, #tpu.memory_space<semaphore_mem>>
      %dma_start3A_1711 = arith.constant 0 : i32
      %dma_start3A_1712 = tpu.memref_slice %arg4[%mul3A_584, %dma_start3A_1711] : memref<100000x128xf32, #tpu.memory_space<hbm>> -> memref<32x128xf32, #tpu.memory_space<hbm>>
      %dma_start3A_1713 = arith.constant 0 : i32
      %dma_start3A_1714 = arith.constant 0 : i32
      %dma_start3A_1715 = tpu.memref_slice %arg6[%dma_start3A_1701, %dma_start3A_1713, %dma_start3A_1714] : memref<7x128x128xf32, #tpu.memory_space<vmem>> -> memref<1x32x128xf32, #tpu.memory_space<vmem>>
      %dma_start3A_1716 = tpu.memref_squeeze %dma_start3A_1715 : memref<1x32x128xf32, #tpu.memory_space<vmem>> -> memref<32x128xf32, #tpu.memory_space<vmem>>
      tpu.enqueue_dma source(%dma_start3A_1716 : memref<32x128xf32, #tpu.memory_space<vmem>>) target(%dma_start3A_1712 : memref<32x128xf32, #tpu.memory_space<hbm>>) target_semaphore(%dma_start3A_1710 : memref<!tpu.dma_semaphore, #tpu.memory_space<semaphore_mem>>)
    } else {
    }
    %add3A_602 = arith.constant 5 : i32
    %add3A_603 = arith.addi %mul3A_4, %add3A_602 : i32
    %mul3A_604 = arith.constant 128 : i32
    %mul3A_605 = arith.muli %add3A_603, %mul3A_604 : i32
    %add3A_606 = arith.constant 128 : i32
    %add3A_607 = arith.addi %mul3A_605, %add3A_606 : i32
    %le3A_608 = arith.constant 100000 : i32
    %le3A_609 = arith.cmpi sle, %add3A_607, %le3A_608 : i32
    %convert_element_type3A_610 = arith.extui %le3A_609 : i1 to i32
    %cond3A_611 = arith.constant 0 : i32
    %cond3A_612 = arith.cmpi ne, %convert_element_type3A_610, %cond3A_611 : i32
    scf.if %cond3A_612 {
      %dma_wait3A_1701 = arith.constant 5 : i32
      %dma_wait3A_1702 = arith.constant 5 : i32
      %dma_wait3A_1703 = arith.constant 0 : i32
      %dma_wait3A_1704 = arith.constant 0 : i32
      %dma_wait3A_1705 = tpu.memref_slice %arg6[%dma_wait3A_1701, %dma_wait3A_1703, %dma_wait3A_1704] : memref<7x128x128xf32, #tpu.memory_space<vmem>> -> memref<1x128x128xf32, #tpu.memory_space<vmem>>
      %dma_wait3A_1706 = tpu.memref_squeeze %dma_wait3A_1705 : memref<1x128x128xf32, #tpu.memory_space<vmem>> -> memref<128x128xf32, #tpu.memory_space<vmem>>
      %dma_wait3A_1707 = arith.constant 0 : i32
      %dma_wait3A_1708 = tpu.memref_slice %arg4[%mul3A_605, %dma_wait3A_1707] : memref<100000x128xf32, #tpu.memory_space<hbm>> -> memref<128x128xf32, #tpu.memory_space<hbm>>
      %dma_wait3A_1709 = tpu.memref_slice %arg9[%dma_wait3A_1702] : memref<7x!tpu.dma_semaphore, #tpu.memory_space<semaphore_mem>> -> memref<1x!tpu.dma_semaphore, #tpu.memory_space<semaphore_mem>>
      %dma_wait3A_1710 = tpu.memref_squeeze %dma_wait3A_1709 : memref<1x!tpu.dma_semaphore, #tpu.memory_space<semaphore_mem>> -> memref<!tpu.dma_semaphore, #tpu.memory_space<semaphore_mem>>
      %dma_wait3A_1711 = arith.constant 0 : i32
      %dma_wait3A_1712 = tpu.memref_slice %arg4[%mul3A_605, %dma_wait3A_1711] : memref<100000x128xf32, #tpu.memory_space<hbm>> -> memref<128x128xf32, #tpu.memory_space<hbm>>
      %dma_wait3A_1713 = arith.constant 0 : i32
      %dma_wait3A_1714 = arith.constant 0 : i32
      %dma_wait3A_1715 = tpu.memref_slice %arg6[%dma_wait3A_1701, %dma_wait3A_1713, %dma_wait3A_1714] : memref<7x128x128xf32, #tpu.memory_space<vmem>> -> memref<1x128x128xf32, #tpu.memory_space<vmem>>
      %dma_wait3A_1716 = tpu.memref_squeeze %dma_wait3A_1715 : memref<1x128x128xf32, #tpu.memory_space<vmem>> -> memref<128x128xf32, #tpu.memory_space<vmem>>
      tpu.wait_dma2 semaphore(%dma_wait3A_1710 : memref<!tpu.dma_semaphore, #tpu.memory_space<semaphore_mem>>) src(%dma_wait3A_1716 : memref<128x128xf32, #tpu.memory_space<vmem>>) dst(%dma_wait3A_1712 : memref<128x128xf32, #tpu.memory_space<hbm>>)
    } else {
    }
    %lt3A_613 = arith.constant 100000 : i32
    %lt3A_614 = arith.cmpi slt, %mul3A_605, %lt3A_613 : i32
    %add3A_615 = arith.constant 128 : i32
    %add3A_616 = arith.addi %mul3A_605, %add3A_615 : i32
    %gt3A_617 = arith.constant 100000 : i32
    %gt3A_618 = arith.cmpi sgt, %add3A_616, %gt3A_617 : i32
    %and3A_619 = arith.andi %lt3A_614, %gt3A_618 : i1
    %convert_element_type3A_620 = arith.extui %and3A_619 : i1 to i32
    %cond3A_621 = arith.constant 0 : i32
    %cond3A_622 = arith.cmpi ne, %convert_element_type3A_620, %cond3A_621 : i32
    scf.if %cond3A_622 {
      %dma_wait3A_1701 = arith.constant 5 : i32
      %dma_wait3A_1702 = arith.constant 5 : i32
      %dma_wait3A_1703 = arith.constant 0 : i32
      %dma_wait3A_1704 = arith.constant 0 : i32
      %dma_wait3A_1705 = tpu.memref_slice %arg6[%dma_wait3A_1701, %dma_wait3A_1703, %dma_wait3A_1704] : memref<7x128x128xf32, #tpu.memory_space<vmem>> -> memref<1x32x128xf32, #tpu.memory_space<vmem>>
      %dma_wait3A_1706 = tpu.memref_squeeze %dma_wait3A_1705 : memref<1x32x128xf32, #tpu.memory_space<vmem>> -> memref<32x128xf32, #tpu.memory_space<vmem>>
      %dma_wait3A_1707 = arith.constant 0 : i32
      %dma_wait3A_1708 = tpu.memref_slice %arg4[%mul3A_605, %dma_wait3A_1707] : memref<100000x128xf32, #tpu.memory_space<hbm>> -> memref<32x128xf32, #tpu.memory_space<hbm>>
      %dma_wait3A_1709 = tpu.memref_slice %arg9[%dma_wait3A_1702] : memref<7x!tpu.dma_semaphore, #tpu.memory_space<semaphore_mem>> -> memref<1x!tpu.dma_semaphore, #tpu.memory_space<semaphore_mem>>
      %dma_wait3A_1710 = tpu.memref_squeeze %dma_wait3A_1709 : memref<1x!tpu.dma_semaphore, #tpu.memory_space<semaphore_mem>> -> memref<!tpu.dma_semaphore, #tpu.memory_space<semaphore_mem>>
      %dma_wait3A_1711 = arith.constant 0 : i32
      %dma_wait3A_1712 = tpu.memref_slice %arg4[%mul3A_605, %dma_wait3A_1711] : memref<100000x128xf32, #tpu.memory_space<hbm>> -> memref<32x128xf32, #tpu.memory_space<hbm>>
      %dma_wait3A_1713 = arith.constant 0 : i32
      %dma_wait3A_1714 = arith.constant 0 : i32
      %dma_wait3A_1715 = tpu.memref_slice %arg6[%dma_wait3A_1701, %dma_wait3A_1713, %dma_wait3A_1714] : memref<7x128x128xf32, #tpu.memory_space<vmem>> -> memref<1x32x128xf32, #tpu.memory_space<vmem>>
      %dma_wait3A_1716 = tpu.memref_squeeze %dma_wait3A_1715 : memref<1x32x128xf32, #tpu.memory_space<vmem>> -> memref<32x128xf32, #tpu.memory_space<vmem>>
      tpu.wait_dma2 semaphore(%dma_wait3A_1710 : memref<!tpu.dma_semaphore, #tpu.memory_space<semaphore_mem>>) src(%dma_wait3A_1716 : memref<32x128xf32, #tpu.memory_space<vmem>>) dst(%dma_wait3A_1712 : memref<32x128xf32, #tpu.memory_space<hbm>>)
    } else {
    }
    %dma_start3A_623 = arith.constant 5 : i32
    %dma_start3A_624 = arith.constant 5 : i32
    %dma_start3A_625 = arith.constant 0 : i32
    %dma_start3A_626 = arith.constant 0 : i32
    %dma_start3A_627 = tpu.memref_slice %arg6[%dma_start3A_623, %dma_start3A_625, %dma_start3A_626] : memref<7x128x128xf32, #tpu.memory_space<vmem>> -> memref<1x128x128xf32, #tpu.memory_space<vmem>>
    %dma_start3A_628 = tpu.memref_squeeze %dma_start3A_627 : memref<1x128x128xf32, #tpu.memory_space<vmem>> -> memref<128x128xf32, #tpu.memory_space<vmem>>
    %dma_start3A_629 = arith.constant 1536 : i32
    %dma_start3A_630 = tpu.memref_slice %arg5[%dma_start3A_629] : memref<3200xi32, #tpu.memory_space<vmem>> -> memref<128xi32, #tpu.memory_space<vmem>>
    %dma_start3A_631 = arith.constant 0 : i32
    %dma_start3A_632 = arith.constant 0 : i32
    %dma_start3A_633 = tpu.memref_slice %arg7[%dma_start3A_631, %dma_start3A_632] : memref<100x128xf32, #tpu.memory_space<vmem_shared>> -> memref<100x128xf32, #tpu.memory_space<vmem_shared>>
    %dma_start3A_634 = tpu.memref_slice %arg8[%dma_start3A_624] : memref<7x!tpu.dma_semaphore, #tpu.memory_space<semaphore_mem>> -> memref<1x!tpu.dma_semaphore, #tpu.memory_space<semaphore_mem>>
    %dma_start3A_635 = tpu.memref_squeeze %dma_start3A_634 : memref<1x!tpu.dma_semaphore, #tpu.memory_space<semaphore_mem>> -> memref<!tpu.dma_semaphore, #tpu.memory_space<semaphore_mem>>
    tpu.enqueue_indirect_dma source(%dma_start3A_633 : memref<100x128xf32, #tpu.memory_space<vmem_shared>>) target(%dma_start3A_628 : memref<128x128xf32, #tpu.memory_space<vmem>>) offsets(%dma_start3A_630 : memref<128xi32, #tpu.memory_space<vmem>>) semaphore(%dma_start3A_635 : memref<!tpu.dma_semaphore, #tpu.memory_space<semaphore_mem>>)
    %dma_wait3A_636 = arith.constant 3 : i32
    %dma_wait3A_637 = arith.constant 3 : i32
    %dma_wait3A_638 = arith.constant 0 : i32
    %dma_wait3A_639 = arith.constant 0 : i32
    %dma_wait3A_640 = tpu.memref_slice %arg6[%dma_wait3A_636, %dma_wait3A_638, %dma_wait3A_639] : memref<7x128x128xf32, #tpu.memory_space<vmem>> -> memref<1x128x128xf32, #tpu.memory_space<vmem>>
    %dma_wait3A_641 = tpu.memref_squeeze %dma_wait3A_640 : memref<1x128x128xf32, #tpu.memory_space<vmem>> -> memref<128x128xf32, #tpu.memory_space<vmem>>
    %dma_wait3A_642 = arith.constant 1280 : i32
    %dma_wait3A_643 = tpu.memref_slice %arg5[%dma_wait3A_642] : memref<3200xi32, #tpu.memory_space<vmem>> -> memref<128xi32, #tpu.memory_space<vmem>>
    %dma_wait3A_644 = arith.constant 0 : i32
    %dma_wait3A_645 = arith.constant 0 : i32
    %dma_wait3A_646 = tpu.memref_slice %arg7[%dma_wait3A_644, %dma_wait3A_645] : memref<100x128xf32, #tpu.memory_space<vmem_shared>> -> memref<100x128xf32, #tpu.memory_space<vmem_shared>>
    %dma_wait3A_647 = tpu.memref_slice %arg8[%dma_wait3A_637] : memref<7x!tpu.dma_semaphore, #tpu.memory_space<semaphore_mem>> -> memref<1x!tpu.dma_semaphore, #tpu.memory_space<semaphore_mem>>
    %dma_wait3A_648 = tpu.memref_squeeze %dma_wait3A_647 : memref<1x!tpu.dma_semaphore, #tpu.memory_space<semaphore_mem>> -> memref<!tpu.dma_semaphore, #tpu.memory_space<semaphore_mem>>
    tpu.wait_indirect_dma semaphore(%dma_wait3A_648 : memref<!tpu.dma_semaphore, #tpu.memory_space<semaphore_mem>>) src(%dma_wait3A_646 : memref<100x128xf32, #tpu.memory_space<vmem_shared>>) dst(%dma_wait3A_641 : memref<128x128xf32, #tpu.memory_space<vmem>>)
    %add3A_649 = arith.constant 10 : i32
    %add3A_650 = arith.addi %mul3A_4, %add3A_649 : i32
    %mul3A_651 = arith.constant 128 : i32
    %mul3A_652 = arith.muli %add3A_650, %mul3A_651 : i32
    %add3A_653 = arith.constant 128 : i32
    %add3A_654 = arith.addi %mul3A_652, %add3A_653 : i32
    %le3A_655 = arith.constant 100000 : i32
    %le3A_656 = arith.cmpi sle, %add3A_654, %le3A_655 : i32
    %convert_element_type3A_657 = arith.extui %le3A_656 : i1 to i32
    %cond3A_658 = arith.constant 0 : i32
    %cond3A_659 = arith.cmpi ne, %convert_element_type3A_657, %cond3A_658 : i32
    scf.if %cond3A_659 {
      %dma_start3A_1701 = arith.constant 3 : i32
      %dma_start3A_1702 = arith.constant 3 : i32
      %dma_start3A_1703 = arith.constant 0 : i32
      %dma_start3A_1704 = arith.constant 0 : i32
      %dma_start3A_1705 = tpu.memref_slice %arg6[%dma_start3A_1701, %dma_start3A_1703, %dma_start3A_1704] : memref<7x128x128xf32, #tpu.memory_space<vmem>> -> memref<1x128x128xf32, #tpu.memory_space<vmem>>
      %dma_start3A_1706 = tpu.memref_squeeze %dma_start3A_1705 : memref<1x128x128xf32, #tpu.memory_space<vmem>> -> memref<128x128xf32, #tpu.memory_space<vmem>>
      %dma_start3A_1707 = arith.constant 0 : i32
      %dma_start3A_1708 = tpu.memref_slice %arg4[%mul3A_652, %dma_start3A_1707] : memref<100000x128xf32, #tpu.memory_space<hbm>> -> memref<128x128xf32, #tpu.memory_space<hbm>>
      %dma_start3A_1709 = tpu.memref_slice %arg9[%dma_start3A_1702] : memref<7x!tpu.dma_semaphore, #tpu.memory_space<semaphore_mem>> -> memref<1x!tpu.dma_semaphore, #tpu.memory_space<semaphore_mem>>
      %dma_start3A_1710 = tpu.memref_squeeze %dma_start3A_1709 : memref<1x!tpu.dma_semaphore, #tpu.memory_space<semaphore_mem>> -> memref<!tpu.dma_semaphore, #tpu.memory_space<semaphore_mem>>
      %dma_start3A_1711 = arith.constant 0 : i32
      %dma_start3A_1712 = tpu.memref_slice %arg4[%mul3A_652, %dma_start3A_1711] : memref<100000x128xf32, #tpu.memory_space<hbm>> -> memref<128x128xf32, #tpu.memory_space<hbm>>
      %dma_start3A_1713 = arith.constant 0 : i32
      %dma_start3A_1714 = arith.constant 0 : i32
      %dma_start3A_1715 = tpu.memref_slice %arg6[%dma_start3A_1701, %dma_start3A_1713, %dma_start3A_1714] : memref<7x128x128xf32, #tpu.memory_space<vmem>> -> memref<1x128x128xf32, #tpu.memory_space<vmem>>
      %dma_start3A_1716 = tpu.memref_squeeze %dma_start3A_1715 : memref<1x128x128xf32, #tpu.memory_space<vmem>> -> memref<128x128xf32, #tpu.memory_space<vmem>>
      tpu.enqueue_dma source(%dma_start3A_1716 : memref<128x128xf32, #tpu.memory_space<vmem>>) target(%dma_start3A_1712 : memref<128x128xf32, #tpu.memory_space<hbm>>) target_semaphore(%dma_start3A_1710 : memref<!tpu.dma_semaphore, #tpu.memory_space<semaphore_mem>>)
    } else {
    }
    %lt3A_660 = arith.constant 100000 : i32
    %lt3A_661 = arith.cmpi slt, %mul3A_652, %lt3A_660 : i32
    %add3A_662 = arith.constant 128 : i32
    %add3A_663 = arith.addi %mul3A_652, %add3A_662 : i32
    %gt3A_664 = arith.constant 100000 : i32
    %gt3A_665 = arith.cmpi sgt, %add3A_663, %gt3A_664 : i32
    %and3A_666 = arith.andi %lt3A_661, %gt3A_665 : i1
    %convert_element_type3A_667 = arith.extui %and3A_666 : i1 to i32
    %cond3A_668 = arith.constant 0 : i32
    %cond3A_669 = arith.cmpi ne, %convert_element_type3A_667, %cond3A_668 : i32
    scf.if %cond3A_669 {
      %dma_start3A_1701 = arith.constant 3 : i32
      %dma_start3A_1702 = arith.constant 3 : i32
      %dma_start3A_1703 = arith.constant 0 : i32
      %dma_start3A_1704 = arith.constant 0 : i32
      %dma_start3A_1705 = tpu.memref_slice %arg6[%dma_start3A_1701, %dma_start3A_1703, %dma_start3A_1704] : memref<7x128x128xf32, #tpu.memory_space<vmem>> -> memref<1x32x128xf32, #tpu.memory_space<vmem>>
      %dma_start3A_1706 = tpu.memref_squeeze %dma_start3A_1705 : memref<1x32x128xf32, #tpu.memory_space<vmem>> -> memref<32x128xf32, #tpu.memory_space<vmem>>
      %dma_start3A_1707 = arith.constant 0 : i32
      %dma_start3A_1708 = tpu.memref_slice %arg4[%mul3A_652, %dma_start3A_1707] : memref<100000x128xf32, #tpu.memory_space<hbm>> -> memref<32x128xf32, #tpu.memory_space<hbm>>
      %dma_start3A_1709 = tpu.memref_slice %arg9[%dma_start3A_1702] : memref<7x!tpu.dma_semaphore, #tpu.memory_space<semaphore_mem>> -> memref<1x!tpu.dma_semaphore, #tpu.memory_space<semaphore_mem>>
      %dma_start3A_1710 = tpu.memref_squeeze %dma_start3A_1709 : memref<1x!tpu.dma_semaphore, #tpu.memory_space<semaphore_mem>> -> memref<!tpu.dma_semaphore, #tpu.memory_space<semaphore_mem>>
      %dma_start3A_1711 = arith.constant 0 : i32
      %dma_start3A_1712 = tpu.memref_slice %arg4[%mul3A_652, %dma_start3A_1711] : memref<100000x128xf32, #tpu.memory_space<hbm>> -> memref<32x128xf32, #tpu.memory_space<hbm>>
      %dma_start3A_1713 = arith.constant 0 : i32
      %dma_start3A_1714 = arith.constant 0 : i32
      %dma_start3A_1715 = tpu.memref_slice %arg6[%dma_start3A_1701, %dma_start3A_1713, %dma_start3A_1714] : memref<7x128x128xf32, #tpu.memory_space<vmem>> -> memref<1x32x128xf32, #tpu.memory_space<vmem>>
      %dma_start3A_1716 = tpu.memref_squeeze %dma_start3A_1715 : memref<1x32x128xf32, #tpu.memory_space<vmem>> -> memref<32x128xf32, #tpu.memory_space<vmem>>
      tpu.enqueue_dma source(%dma_start3A_1716 : memref<32x128xf32, #tpu.memory_space<vmem>>) target(%dma_start3A_1712 : memref<32x128xf32, #tpu.memory_space<hbm>>) target_semaphore(%dma_start3A_1710 : memref<!tpu.dma_semaphore, #tpu.memory_space<semaphore_mem>>)
    } else {
    }
    %add3A_670 = arith.constant 6 : i32
    %add3A_671 = arith.addi %mul3A_4, %add3A_670 : i32
    %mul3A_672 = arith.constant 128 : i32
    %mul3A_673 = arith.muli %add3A_671, %mul3A_672 : i32
    %add3A_674 = arith.constant 128 : i32
    %add3A_675 = arith.addi %mul3A_673, %add3A_674 : i32
    %le3A_676 = arith.constant 100000 : i32
    %le3A_677 = arith.cmpi sle, %add3A_675, %le3A_676 : i32
    %convert_element_type3A_678 = arith.extui %le3A_677 : i1 to i32
    %cond3A_679 = arith.constant 0 : i32
    %cond3A_680 = arith.cmpi ne, %convert_element_type3A_678, %cond3A_679 : i32
    scf.if %cond3A_680 {
      %dma_wait3A_1701 = arith.constant 6 : i32
      %dma_wait3A_1702 = arith.constant 6 : i32
      %dma_wait3A_1703 = arith.constant 0 : i32
      %dma_wait3A_1704 = arith.constant 0 : i32
      %dma_wait3A_1705 = tpu.memref_slice %arg6[%dma_wait3A_1701, %dma_wait3A_1703, %dma_wait3A_1704] : memref<7x128x128xf32, #tpu.memory_space<vmem>> -> memref<1x128x128xf32, #tpu.memory_space<vmem>>
      %dma_wait3A_1706 = tpu.memref_squeeze %dma_wait3A_1705 : memref<1x128x128xf32, #tpu.memory_space<vmem>> -> memref<128x128xf32, #tpu.memory_space<vmem>>
      %dma_wait3A_1707 = arith.constant 0 : i32
      %dma_wait3A_1708 = tpu.memref_slice %arg4[%mul3A_673, %dma_wait3A_1707] : memref<100000x128xf32, #tpu.memory_space<hbm>> -> memref<128x128xf32, #tpu.memory_space<hbm>>
      %dma_wait3A_1709 = tpu.memref_slice %arg9[%dma_wait3A_1702] : memref<7x!tpu.dma_semaphore, #tpu.memory_space<semaphore_mem>> -> memref<1x!tpu.dma_semaphore, #tpu.memory_space<semaphore_mem>>
      %dma_wait3A_1710 = tpu.memref_squeeze %dma_wait3A_1709 : memref<1x!tpu.dma_semaphore, #tpu.memory_space<semaphore_mem>> -> memref<!tpu.dma_semaphore, #tpu.memory_space<semaphore_mem>>
      %dma_wait3A_1711 = arith.constant 0 : i32
      %dma_wait3A_1712 = tpu.memref_slice %arg4[%mul3A_673, %dma_wait3A_1711] : memref<100000x128xf32, #tpu.memory_space<hbm>> -> memref<128x128xf32, #tpu.memory_space<hbm>>
      %dma_wait3A_1713 = arith.constant 0 : i32
      %dma_wait3A_1714 = arith.constant 0 : i32
      %dma_wait3A_1715 = tpu.memref_slice %arg6[%dma_wait3A_1701, %dma_wait3A_1713, %dma_wait3A_1714] : memref<7x128x128xf32, #tpu.memory_space<vmem>> -> memref<1x128x128xf32, #tpu.memory_space<vmem>>
      %dma_wait3A_1716 = tpu.memref_squeeze %dma_wait3A_1715 : memref<1x128x128xf32, #tpu.memory_space<vmem>> -> memref<128x128xf32, #tpu.memory_space<vmem>>
      tpu.wait_dma2 semaphore(%dma_wait3A_1710 : memref<!tpu.dma_semaphore, #tpu.memory_space<semaphore_mem>>) src(%dma_wait3A_1716 : memref<128x128xf32, #tpu.memory_space<vmem>>) dst(%dma_wait3A_1712 : memref<128x128xf32, #tpu.memory_space<hbm>>)
    } else {
    }
    %lt3A_681 = arith.constant 100000 : i32
    %lt3A_682 = arith.cmpi slt, %mul3A_673, %lt3A_681 : i32
    %add3A_683 = arith.constant 128 : i32
    %add3A_684 = arith.addi %mul3A_673, %add3A_683 : i32
    %gt3A_685 = arith.constant 100000 : i32
    %gt3A_686 = arith.cmpi sgt, %add3A_684, %gt3A_685 : i32
    %and3A_687 = arith.andi %lt3A_682, %gt3A_686 : i1
    %convert_element_type3A_688 = arith.extui %and3A_687 : i1 to i32
    %cond3A_689 = arith.constant 0 : i32
    %cond3A_690 = arith.cmpi ne, %convert_element_type3A_688, %cond3A_689 : i32
    scf.if %cond3A_690 {
      %dma_wait3A_1701 = arith.constant 6 : i32
      %dma_wait3A_1702 = arith.constant 6 : i32
      %dma_wait3A_1703 = arith.constant 0 : i32
      %dma_wait3A_1704 = arith.constant 0 : i32
      %dma_wait3A_1705 = tpu.memref_slice %arg6[%dma_wait3A_1701, %dma_wait3A_1703, %dma_wait3A_1704] : memref<7x128x128xf32, #tpu.memory_space<vmem>> -> memref<1x32x128xf32, #tpu.memory_space<vmem>>
      %dma_wait3A_1706 = tpu.memref_squeeze %dma_wait3A_1705 : memref<1x32x128xf32, #tpu.memory_space<vmem>> -> memref<32x128xf32, #tpu.memory_space<vmem>>
      %dma_wait3A_1707 = arith.constant 0 : i32
      %dma_wait3A_1708 = tpu.memref_slice %arg4[%mul3A_673, %dma_wait3A_1707] : memref<100000x128xf32, #tpu.memory_space<hbm>> -> memref<32x128xf32, #tpu.memory_space<hbm>>
      %dma_wait3A_1709 = tpu.memref_slice %arg9[%dma_wait3A_1702] : memref<7x!tpu.dma_semaphore, #tpu.memory_space<semaphore_mem>> -> memref<1x!tpu.dma_semaphore, #tpu.memory_space<semaphore_mem>>
      %dma_wait3A_1710 = tpu.memref_squeeze %dma_wait3A_1709 : memref<1x!tpu.dma_semaphore, #tpu.memory_space<semaphore_mem>> -> memref<!tpu.dma_semaphore, #tpu.memory_space<semaphore_mem>>
      %dma_wait3A_1711 = arith.constant 0 : i32
      %dma_wait3A_1712 = tpu.memref_slice %arg4[%mul3A_673, %dma_wait3A_1711] : memref<100000x128xf32, #tpu.memory_space<hbm>> -> memref<32x128xf32, #tpu.memory_space<hbm>>
      %dma_wait3A_1713 = arith.constant 0 : i32
      %dma_wait3A_1714 = arith.constant 0 : i32
      %dma_wait3A_1715 = tpu.memref_slice %arg6[%dma_wait3A_1701, %dma_wait3A_1713, %dma_wait3A_1714] : memref<7x128x128xf32, #tpu.memory_space<vmem>> -> memref<1x32x128xf32, #tpu.memory_space<vmem>>
      %dma_wait3A_1716 = tpu.memref_squeeze %dma_wait3A_1715 : memref<1x32x128xf32, #tpu.memory_space<vmem>> -> memref<32x128xf32, #tpu.memory_space<vmem>>
      tpu.wait_dma2 semaphore(%dma_wait3A_1710 : memref<!tpu.dma_semaphore, #tpu.memory_space<semaphore_mem>>) src(%dma_wait3A_1716 : memref<32x128xf32, #tpu.memory_space<vmem>>) dst(%dma_wait3A_1712 : memref<32x128xf32, #tpu.memory_space<hbm>>)
    } else {
    }
    %dma_start3A_691 = arith.constant 6 : i32
    %dma_start3A_692 = arith.constant 6 : i32
    %dma_start3A_693 = arith.constant 0 : i32
    %dma_start3A_694 = arith.constant 0 : i32
    %dma_start3A_695 = tpu.memref_slice %arg6[%dma_start3A_691, %dma_start3A_693, %dma_start3A_694] : memref<7x128x128xf32, #tpu.memory_space<vmem>> -> memref<1x128x128xf32, #tpu.memory_space<vmem>>
    %dma_start3A_696 = tpu.memref_squeeze %dma_start3A_695 : memref<1x128x128xf32, #tpu.memory_space<vmem>> -> memref<128x128xf32, #tpu.memory_space<vmem>>
    %dma_start3A_697 = arith.constant 1664 : i32
    %dma_start3A_698 = tpu.memref_slice %arg5[%dma_start3A_697] : memref<3200xi32, #tpu.memory_space<vmem>> -> memref<128xi32, #tpu.memory_space<vmem>>
    %dma_start3A_699 = arith.constant 0 : i32
    %dma_start3A_700 = arith.constant 0 : i32
    %dma_start3A_701 = tpu.memref_slice %arg7[%dma_start3A_699, %dma_start3A_700] : memref<100x128xf32, #tpu.memory_space<vmem_shared>> -> memref<100x128xf32, #tpu.memory_space<vmem_shared>>
    %dma_start3A_702 = tpu.memref_slice %arg8[%dma_start3A_692] : memref<7x!tpu.dma_semaphore, #tpu.memory_space<semaphore_mem>> -> memref<1x!tpu.dma_semaphore, #tpu.memory_space<semaphore_mem>>
    %dma_start3A_703 = tpu.memref_squeeze %dma_start3A_702 : memref<1x!tpu.dma_semaphore, #tpu.memory_space<semaphore_mem>> -> memref<!tpu.dma_semaphore, #tpu.memory_space<semaphore_mem>>
    tpu.enqueue_indirect_dma source(%dma_start3A_701 : memref<100x128xf32, #tpu.memory_space<vmem_shared>>) target(%dma_start3A_696 : memref<128x128xf32, #tpu.memory_space<vmem>>) offsets(%dma_start3A_698 : memref<128xi32, #tpu.memory_space<vmem>>) semaphore(%dma_start3A_703 : memref<!tpu.dma_semaphore, #tpu.memory_space<semaphore_mem>>)
    %dma_wait3A_704 = arith.constant 4 : i32
    %dma_wait3A_705 = arith.constant 4 : i32
    %dma_wait3A_706 = arith.constant 0 : i32
    %dma_wait3A_707 = arith.constant 0 : i32
    %dma_wait3A_708 = tpu.memref_slice %arg6[%dma_wait3A_704, %dma_wait3A_706, %dma_wait3A_707] : memref<7x128x128xf32, #tpu.memory_space<vmem>> -> memref<1x128x128xf32, #tpu.memory_space<vmem>>
    %dma_wait3A_709 = tpu.memref_squeeze %dma_wait3A_708 : memref<1x128x128xf32, #tpu.memory_space<vmem>> -> memref<128x128xf32, #tpu.memory_space<vmem>>
    %dma_wait3A_710 = arith.constant 1408 : i32
    %dma_wait3A_711 = tpu.memref_slice %arg5[%dma_wait3A_710] : memref<3200xi32, #tpu.memory_space<vmem>> -> memref<128xi32, #tpu.memory_space<vmem>>
    %dma_wait3A_712 = arith.constant 0 : i32
    %dma_wait3A_713 = arith.constant 0 : i32
    %dma_wait3A_714 = tpu.memref_slice %arg7[%dma_wait3A_712, %dma_wait3A_713] : memref<100x128xf32, #tpu.memory_space<vmem_shared>> -> memref<100x128xf32, #tpu.memory_space<vmem_shared>>
    %dma_wait3A_715 = tpu.memref_slice %arg8[%dma_wait3A_705] : memref<7x!tpu.dma_semaphore, #tpu.memory_space<semaphore_mem>> -> memref<1x!tpu.dma_semaphore, #tpu.memory_space<semaphore_mem>>
    %dma_wait3A_716 = tpu.memref_squeeze %dma_wait3A_715 : memref<1x!tpu.dma_semaphore, #tpu.memory_space<semaphore_mem>> -> memref<!tpu.dma_semaphore, #tpu.memory_space<semaphore_mem>>
    tpu.wait_indirect_dma semaphore(%dma_wait3A_716 : memref<!tpu.dma_semaphore, #tpu.memory_space<semaphore_mem>>) src(%dma_wait3A_714 : memref<100x128xf32, #tpu.memory_space<vmem_shared>>) dst(%dma_wait3A_709 : memref<128x128xf32, #tpu.memory_space<vmem>>)
    %add3A_717 = arith.constant 11 : i32
    %add3A_718 = arith.addi %mul3A_4, %add3A_717 : i32
    %mul3A_719 = arith.constant 128 : i32
    %mul3A_720 = arith.muli %add3A_718, %mul3A_719 : i32
    %add3A_721 = arith.constant 128 : i32
    %add3A_722 = arith.addi %mul3A_720, %add3A_721 : i32
    %le3A_723 = arith.constant 100000 : i32
    %le3A_724 = arith.cmpi sle, %add3A_722, %le3A_723 : i32
    %convert_element_type3A_725 = arith.extui %le3A_724 : i1 to i32
    %cond3A_726 = arith.constant 0 : i32
    %cond3A_727 = arith.cmpi ne, %convert_element_type3A_725, %cond3A_726 : i32
    scf.if %cond3A_727 {
      %dma_start3A_1701 = arith.constant 4 : i32
      %dma_start3A_1702 = arith.constant 4 : i32
      %dma_start3A_1703 = arith.constant 0 : i32
      %dma_start3A_1704 = arith.constant 0 : i32
      %dma_start3A_1705 = tpu.memref_slice %arg6[%dma_start3A_1701, %dma_start3A_1703, %dma_start3A_1704] : memref<7x128x128xf32, #tpu.memory_space<vmem>> -> memref<1x128x128xf32, #tpu.memory_space<vmem>>
      %dma_start3A_1706 = tpu.memref_squeeze %dma_start3A_1705 : memref<1x128x128xf32, #tpu.memory_space<vmem>> -> memref<128x128xf32, #tpu.memory_space<vmem>>
      %dma_start3A_1707 = arith.constant 0 : i32
      %dma_start3A_1708 = tpu.memref_slice %arg4[%mul3A_720, %dma_start3A_1707] : memref<100000x128xf32, #tpu.memory_space<hbm>> -> memref<128x128xf32, #tpu.memory_space<hbm>>
      %dma_start3A_1709 = tpu.memref_slice %arg9[%dma_start3A_1702] : memref<7x!tpu.dma_semaphore, #tpu.memory_space<semaphore_mem>> -> memref<1x!tpu.dma_semaphore, #tpu.memory_space<semaphore_mem>>
      %dma_start3A_1710 = tpu.memref_squeeze %dma_start3A_1709 : memref<1x!tpu.dma_semaphore, #tpu.memory_space<semaphore_mem>> -> memref<!tpu.dma_semaphore, #tpu.memory_space<semaphore_mem>>
      %dma_start3A_1711 = arith.constant 0 : i32
      %dma_start3A_1712 = tpu.memref_slice %arg4[%mul3A_720, %dma_start3A_1711] : memref<100000x128xf32, #tpu.memory_space<hbm>> -> memref<128x128xf32, #tpu.memory_space<hbm>>
      %dma_start3A_1713 = arith.constant 0 : i32
      %dma_start3A_1714 = arith.constant 0 : i32
      %dma_start3A_1715 = tpu.memref_slice %arg6[%dma_start3A_1701, %dma_start3A_1713, %dma_start3A_1714] : memref<7x128x128xf32, #tpu.memory_space<vmem>> -> memref<1x128x128xf32, #tpu.memory_space<vmem>>
      %dma_start3A_1716 = tpu.memref_squeeze %dma_start3A_1715 : memref<1x128x128xf32, #tpu.memory_space<vmem>> -> memref<128x128xf32, #tpu.memory_space<vmem>>
      tpu.enqueue_dma source(%dma_start3A_1716 : memref<128x128xf32, #tpu.memory_space<vmem>>) target(%dma_start3A_1712 : memref<128x128xf32, #tpu.memory_space<hbm>>) target_semaphore(%dma_start3A_1710 : memref<!tpu.dma_semaphore, #tpu.memory_space<semaphore_mem>>)
    } else {
    }
    %lt3A_728 = arith.constant 100000 : i32
    %lt3A_729 = arith.cmpi slt, %mul3A_720, %lt3A_728 : i32
    %add3A_730 = arith.constant 128 : i32
    %add3A_731 = arith.addi %mul3A_720, %add3A_730 : i32
    %gt3A_732 = arith.constant 100000 : i32
    %gt3A_733 = arith.cmpi sgt, %add3A_731, %gt3A_732 : i32
    %and3A_734 = arith.andi %lt3A_729, %gt3A_733 : i1
    %convert_element_type3A_735 = arith.extui %and3A_734 : i1 to i32
    %cond3A_736 = arith.constant 0 : i32
    %cond3A_737 = arith.cmpi ne, %convert_element_type3A_735, %cond3A_736 : i32
    scf.if %cond3A_737 {
      %dma_start3A_1701 = arith.constant 4 : i32
      %dma_start3A_1702 = arith.constant 4 : i32
      %dma_start3A_1703 = arith.constant 0 : i32
      %dma_start3A_1704 = arith.constant 0 : i32
      %dma_start3A_1705 = tpu.memref_slice %arg6[%dma_start3A_1701, %dma_start3A_1703, %dma_start3A_1704] : memref<7x128x128xf32, #tpu.memory_space<vmem>> -> memref<1x32x128xf32, #tpu.memory_space<vmem>>
      %dma_start3A_1706 = tpu.memref_squeeze %dma_start3A_1705 : memref<1x32x128xf32, #tpu.memory_space<vmem>> -> memref<32x128xf32, #tpu.memory_space<vmem>>
      %dma_start3A_1707 = arith.constant 0 : i32
      %dma_start3A_1708 = tpu.memref_slice %arg4[%mul3A_720, %dma_start3A_1707] : memref<100000x128xf32, #tpu.memory_space<hbm>> -> memref<32x128xf32, #tpu.memory_space<hbm>>
      %dma_start3A_1709 = tpu.memref_slice %arg9[%dma_start3A_1702] : memref<7x!tpu.dma_semaphore, #tpu.memory_space<semaphore_mem>> -> memref<1x!tpu.dma_semaphore, #tpu.memory_space<semaphore_mem>>
      %dma_start3A_1710 = tpu.memref_squeeze %dma_start3A_1709 : memref<1x!tpu.dma_semaphore, #tpu.memory_space<semaphore_mem>> -> memref<!tpu.dma_semaphore, #tpu.memory_space<semaphore_mem>>
      %dma_start3A_1711 = arith.constant 0 : i32
      %dma_start3A_1712 = tpu.memref_slice %arg4[%mul3A_720, %dma_start3A_1711] : memref<100000x128xf32, #tpu.memory_space<hbm>> -> memref<32x128xf32, #tpu.memory_space<hbm>>
      %dma_start3A_1713 = arith.constant 0 : i32
      %dma_start3A_1714 = arith.constant 0 : i32
      %dma_start3A_1715 = tpu.memref_slice %arg6[%dma_start3A_1701, %dma_start3A_1713, %dma_start3A_1714] : memref<7x128x128xf32, #tpu.memory_space<vmem>> -> memref<1x32x128xf32, #tpu.memory_space<vmem>>
      %dma_start3A_1716 = tpu.memref_squeeze %dma_start3A_1715 : memref<1x32x128xf32, #tpu.memory_space<vmem>> -> memref<32x128xf32, #tpu.memory_space<vmem>>
      tpu.enqueue_dma source(%dma_start3A_1716 : memref<32x128xf32, #tpu.memory_space<vmem>>) target(%dma_start3A_1712 : memref<32x128xf32, #tpu.memory_space<hbm>>) target_semaphore(%dma_start3A_1710 : memref<!tpu.dma_semaphore, #tpu.memory_space<semaphore_mem>>)
    } else {
    }
    %add3A_738 = arith.constant 7 : i32
    %add3A_739 = arith.addi %mul3A_4, %add3A_738 : i32
    %mul3A_740 = arith.constant 128 : i32
    %mul3A_741 = arith.muli %add3A_739, %mul3A_740 : i32
    %add3A_742 = arith.constant 128 : i32
    %add3A_743 = arith.addi %mul3A_741, %add3A_742 : i32
    %le3A_744 = arith.constant 100000 : i32
    %le3A_745 = arith.cmpi sle, %add3A_743, %le3A_744 : i32
    %convert_element_type3A_746 = arith.extui %le3A_745 : i1 to i32
    %cond3A_747 = arith.constant 0 : i32
    %cond3A_748 = arith.cmpi ne, %convert_element_type3A_746, %cond3A_747 : i32
    scf.if %cond3A_748 {
      %dma_wait3A_1701 = arith.constant 0 : i32
      %dma_wait3A_1702 = arith.constant 0 : i32
      %dma_wait3A_1703 = arith.constant 0 : i32
      %dma_wait3A_1704 = arith.constant 0 : i32
      %dma_wait3A_1705 = tpu.memref_slice %arg6[%dma_wait3A_1701, %dma_wait3A_1703, %dma_wait3A_1704] : memref<7x128x128xf32, #tpu.memory_space<vmem>> -> memref<1x128x128xf32, #tpu.memory_space<vmem>>
      %dma_wait3A_1706 = tpu.memref_squeeze %dma_wait3A_1705 : memref<1x128x128xf32, #tpu.memory_space<vmem>> -> memref<128x128xf32, #tpu.memory_space<vmem>>
      %dma_wait3A_1707 = arith.constant 0 : i32
      %dma_wait3A_1708 = tpu.memref_slice %arg4[%mul3A_741, %dma_wait3A_1707] : memref<100000x128xf32, #tpu.memory_space<hbm>> -> memref<128x128xf32, #tpu.memory_space<hbm>>
      %dma_wait3A_1709 = tpu.memref_slice %arg9[%dma_wait3A_1702] : memref<7x!tpu.dma_semaphore, #tpu.memory_space<semaphore_mem>> -> memref<1x!tpu.dma_semaphore, #tpu.memory_space<semaphore_mem>>
      %dma_wait3A_1710 = tpu.memref_squeeze %dma_wait3A_1709 : memref<1x!tpu.dma_semaphore, #tpu.memory_space<semaphore_mem>> -> memref<!tpu.dma_semaphore, #tpu.memory_space<semaphore_mem>>
      %dma_wait3A_1711 = arith.constant 0 : i32
      %dma_wait3A_1712 = tpu.memref_slice %arg4[%mul3A_741, %dma_wait3A_1711] : memref<100000x128xf32, #tpu.memory_space<hbm>> -> memref<128x128xf32, #tpu.memory_space<hbm>>
      %dma_wait3A_1713 = arith.constant 0 : i32
      %dma_wait3A_1714 = arith.constant 0 : i32
      %dma_wait3A_1715 = tpu.memref_slice %arg6[%dma_wait3A_1701, %dma_wait3A_1713, %dma_wait3A_1714] : memref<7x128x128xf32, #tpu.memory_space<vmem>> -> memref<1x128x128xf32, #tpu.memory_space<vmem>>
      %dma_wait3A_1716 = tpu.memref_squeeze %dma_wait3A_1715 : memref<1x128x128xf32, #tpu.memory_space<vmem>> -> memref<128x128xf32, #tpu.memory_space<vmem>>
      tpu.wait_dma2 semaphore(%dma_wait3A_1710 : memref<!tpu.dma_semaphore, #tpu.memory_space<semaphore_mem>>) src(%dma_wait3A_1716 : memref<128x128xf32, #tpu.memory_space<vmem>>) dst(%dma_wait3A_1712 : memref<128x128xf32, #tpu.memory_space<hbm>>)
    } else {
    }
    %lt3A_749 = arith.constant 100000 : i32
    %lt3A_750 = arith.cmpi slt, %mul3A_741, %lt3A_749 : i32
    %add3A_751 = arith.constant 128 : i32
    %add3A_752 = arith.addi %mul3A_741, %add3A_751 : i32
    %gt3A_753 = arith.constant 100000 : i32
    %gt3A_754 = arith.cmpi sgt, %add3A_752, %gt3A_753 : i32
    %and3A_755 = arith.andi %lt3A_750, %gt3A_754 : i1
    %convert_element_type3A_756 = arith.extui %and3A_755 : i1 to i32
    %cond3A_757 = arith.constant 0 : i32
    %cond3A_758 = arith.cmpi ne, %convert_element_type3A_756, %cond3A_757 : i32
    scf.if %cond3A_758 {
      %dma_wait3A_1701 = arith.constant 0 : i32
      %dma_wait3A_1702 = arith.constant 0 : i32
      %dma_wait3A_1703 = arith.constant 0 : i32
      %dma_wait3A_1704 = arith.constant 0 : i32
      %dma_wait3A_1705 = tpu.memref_slice %arg6[%dma_wait3A_1701, %dma_wait3A_1703, %dma_wait3A_1704] : memref<7x128x128xf32, #tpu.memory_space<vmem>> -> memref<1x32x128xf32, #tpu.memory_space<vmem>>
      %dma_wait3A_1706 = tpu.memref_squeeze %dma_wait3A_1705 : memref<1x32x128xf32, #tpu.memory_space<vmem>> -> memref<32x128xf32, #tpu.memory_space<vmem>>
      %dma_wait3A_1707 = arith.constant 0 : i32
      %dma_wait3A_1708 = tpu.memref_slice %arg4[%mul3A_741, %dma_wait3A_1707] : memref<100000x128xf32, #tpu.memory_space<hbm>> -> memref<32x128xf32, #tpu.memory_space<hbm>>
      %dma_wait3A_1709 = tpu.memref_slice %arg9[%dma_wait3A_1702] : memref<7x!tpu.dma_semaphore, #tpu.memory_space<semaphore_mem>> -> memref<1x!tpu.dma_semaphore, #tpu.memory_space<semaphore_mem>>
      %dma_wait3A_1710 = tpu.memref_squeeze %dma_wait3A_1709 : memref<1x!tpu.dma_semaphore, #tpu.memory_space<semaphore_mem>> -> memref<!tpu.dma_semaphore, #tpu.memory_space<semaphore_mem>>
      %dma_wait3A_1711 = arith.constant 0 : i32
      %dma_wait3A_1712 = tpu.memref_slice %arg4[%mul3A_741, %dma_wait3A_1711] : memref<100000x128xf32, #tpu.memory_space<hbm>> -> memref<32x128xf32, #tpu.memory_space<hbm>>
      %dma_wait3A_1713 = arith.constant 0 : i32
      %dma_wait3A_1714 = arith.constant 0 : i32
      %dma_wait3A_1715 = tpu.memref_slice %arg6[%dma_wait3A_1701, %dma_wait3A_1713, %dma_wait3A_1714] : memref<7x128x128xf32, #tpu.memory_space<vmem>> -> memref<1x32x128xf32, #tpu.memory_space<vmem>>
      %dma_wait3A_1716 = tpu.memref_squeeze %dma_wait3A_1715 : memref<1x32x128xf32, #tpu.memory_space<vmem>> -> memref<32x128xf32, #tpu.memory_space<vmem>>
      tpu.wait_dma2 semaphore(%dma_wait3A_1710 : memref<!tpu.dma_semaphore, #tpu.memory_space<semaphore_mem>>) src(%dma_wait3A_1716 : memref<32x128xf32, #tpu.memory_space<vmem>>) dst(%dma_wait3A_1712 : memref<32x128xf32, #tpu.memory_space<hbm>>)
    } else {
    }
    %dma_start3A_759 = arith.constant 0 : i32
    %dma_start3A_760 = arith.constant 0 : i32
    %dma_start3A_761 = arith.constant 0 : i32
    %dma_start3A_762 = arith.constant 0 : i32
    %dma_start3A_763 = tpu.memref_slice %arg6[%dma_start3A_759, %dma_start3A_761, %dma_start3A_762] : memref<7x128x128xf32, #tpu.memory_space<vmem>> -> memref<1x128x128xf32, #tpu.memory_space<vmem>>
    %dma_start3A_764 = tpu.memref_squeeze %dma_start3A_763 : memref<1x128x128xf32, #tpu.memory_space<vmem>> -> memref<128x128xf32, #tpu.memory_space<vmem>>
    %dma_start3A_765 = arith.constant 1792 : i32
    %dma_start3A_766 = tpu.memref_slice %arg5[%dma_start3A_765] : memref<3200xi32, #tpu.memory_space<vmem>> -> memref<128xi32, #tpu.memory_space<vmem>>
    %dma_start3A_767 = arith.constant 0 : i32
    %dma_start3A_768 = arith.constant 0 : i32
    %dma_start3A_769 = tpu.memref_slice %arg7[%dma_start3A_767, %dma_start3A_768] : memref<100x128xf32, #tpu.memory_space<vmem_shared>> -> memref<100x128xf32, #tpu.memory_space<vmem_shared>>
    %dma_start3A_770 = tpu.memref_slice %arg8[%dma_start3A_760] : memref<7x!tpu.dma_semaphore, #tpu.memory_space<semaphore_mem>> -> memref<1x!tpu.dma_semaphore, #tpu.memory_space<semaphore_mem>>
    %dma_start3A_771 = tpu.memref_squeeze %dma_start3A_770 : memref<1x!tpu.dma_semaphore, #tpu.memory_space<semaphore_mem>> -> memref<!tpu.dma_semaphore, #tpu.memory_space<semaphore_mem>>
    tpu.enqueue_indirect_dma source(%dma_start3A_769 : memref<100x128xf32, #tpu.memory_space<vmem_shared>>) target(%dma_start3A_764 : memref<128x128xf32, #tpu.memory_space<vmem>>) offsets(%dma_start3A_766 : memref<128xi32, #tpu.memory_space<vmem>>) semaphore(%dma_start3A_771 : memref<!tpu.dma_semaphore, #tpu.memory_space<semaphore_mem>>)
    %dma_wait3A_772 = arith.constant 5 : i32
    %dma_wait3A_773 = arith.constant 5 : i32
    %dma_wait3A_774 = arith.constant 0 : i32
    %dma_wait3A_775 = arith.constant 0 : i32
    %dma_wait3A_776 = tpu.memref_slice %arg6[%dma_wait3A_772, %dma_wait3A_774, %dma_wait3A_775] : memref<7x128x128xf32, #tpu.memory_space<vmem>> -> memref<1x128x128xf32, #tpu.memory_space<vmem>>
    %dma_wait3A_777 = tpu.memref_squeeze %dma_wait3A_776 : memref<1x128x128xf32, #tpu.memory_space<vmem>> -> memref<128x128xf32, #tpu.memory_space<vmem>>
    %dma_wait3A_778 = arith.constant 1536 : i32
    %dma_wait3A_779 = tpu.memref_slice %arg5[%dma_wait3A_778] : memref<3200xi32, #tpu.memory_space<vmem>> -> memref<128xi32, #tpu.memory_space<vmem>>
    %dma_wait3A_780 = arith.constant 0 : i32
    %dma_wait3A_781 = arith.constant 0 : i32
    %dma_wait3A_782 = tpu.memref_slice %arg7[%dma_wait3A_780, %dma_wait3A_781] : memref<100x128xf32, #tpu.memory_space<vmem_shared>> -> memref<100x128xf32, #tpu.memory_space<vmem_shared>>
    %dma_wait3A_783 = tpu.memref_slice %arg8[%dma_wait3A_773] : memref<7x!tpu.dma_semaphore, #tpu.memory_space<semaphore_mem>> -> memref<1x!tpu.dma_semaphore, #tpu.memory_space<semaphore_mem>>
    %dma_wait3A_784 = tpu.memref_squeeze %dma_wait3A_783 : memref<1x!tpu.dma_semaphore, #tpu.memory_space<semaphore_mem>> -> memref<!tpu.dma_semaphore, #tpu.memory_space<semaphore_mem>>
    tpu.wait_indirect_dma semaphore(%dma_wait3A_784 : memref<!tpu.dma_semaphore, #tpu.memory_space<semaphore_mem>>) src(%dma_wait3A_782 : memref<100x128xf32, #tpu.memory_space<vmem_shared>>) dst(%dma_wait3A_777 : memref<128x128xf32, #tpu.memory_space<vmem>>)
    %add3A_785 = arith.constant 12 : i32
    %add3A_786 = arith.addi %mul3A_4, %add3A_785 : i32
    %mul3A_787 = arith.constant 128 : i32
    %mul3A_788 = arith.muli %add3A_786, %mul3A_787 : i32
    %add3A_789 = arith.constant 128 : i32
    %add3A_790 = arith.addi %mul3A_788, %add3A_789 : i32
    %le3A_791 = arith.constant 100000 : i32
    %le3A_792 = arith.cmpi sle, %add3A_790, %le3A_791 : i32
    %convert_element_type3A_793 = arith.extui %le3A_792 : i1 to i32
    %cond3A_794 = arith.constant 0 : i32
    %cond3A_795 = arith.cmpi ne, %convert_element_type3A_793, %cond3A_794 : i32
    scf.if %cond3A_795 {
      %dma_start3A_1701 = arith.constant 5 : i32
      %dma_start3A_1702 = arith.constant 5 : i32
      %dma_start3A_1703 = arith.constant 0 : i32
      %dma_start3A_1704 = arith.constant 0 : i32
      %dma_start3A_1705 = tpu.memref_slice %arg6[%dma_start3A_1701, %dma_start3A_1703, %dma_start3A_1704] : memref<7x128x128xf32, #tpu.memory_space<vmem>> -> memref<1x128x128xf32, #tpu.memory_space<vmem>>
      %dma_start3A_1706 = tpu.memref_squeeze %dma_start3A_1705 : memref<1x128x128xf32, #tpu.memory_space<vmem>> -> memref<128x128xf32, #tpu.memory_space<vmem>>
      %dma_start3A_1707 = arith.constant 0 : i32
      %dma_start3A_1708 = tpu.memref_slice %arg4[%mul3A_788, %dma_start3A_1707] : memref<100000x128xf32, #tpu.memory_space<hbm>> -> memref<128x128xf32, #tpu.memory_space<hbm>>
      %dma_start3A_1709 = tpu.memref_slice %arg9[%dma_start3A_1702] : memref<7x!tpu.dma_semaphore, #tpu.memory_space<semaphore_mem>> -> memref<1x!tpu.dma_semaphore, #tpu.memory_space<semaphore_mem>>
      %dma_start3A_1710 = tpu.memref_squeeze %dma_start3A_1709 : memref<1x!tpu.dma_semaphore, #tpu.memory_space<semaphore_mem>> -> memref<!tpu.dma_semaphore, #tpu.memory_space<semaphore_mem>>
      %dma_start3A_1711 = arith.constant 0 : i32
      %dma_start3A_1712 = tpu.memref_slice %arg4[%mul3A_788, %dma_start3A_1711] : memref<100000x128xf32, #tpu.memory_space<hbm>> -> memref<128x128xf32, #tpu.memory_space<hbm>>
      %dma_start3A_1713 = arith.constant 0 : i32
      %dma_start3A_1714 = arith.constant 0 : i32
      %dma_start3A_1715 = tpu.memref_slice %arg6[%dma_start3A_1701, %dma_start3A_1713, %dma_start3A_1714] : memref<7x128x128xf32, #tpu.memory_space<vmem>> -> memref<1x128x128xf32, #tpu.memory_space<vmem>>
      %dma_start3A_1716 = tpu.memref_squeeze %dma_start3A_1715 : memref<1x128x128xf32, #tpu.memory_space<vmem>> -> memref<128x128xf32, #tpu.memory_space<vmem>>
      tpu.enqueue_dma source(%dma_start3A_1716 : memref<128x128xf32, #tpu.memory_space<vmem>>) target(%dma_start3A_1712 : memref<128x128xf32, #tpu.memory_space<hbm>>) target_semaphore(%dma_start3A_1710 : memref<!tpu.dma_semaphore, #tpu.memory_space<semaphore_mem>>)
    } else {
    }
    %lt3A_796 = arith.constant 100000 : i32
    %lt3A_797 = arith.cmpi slt, %mul3A_788, %lt3A_796 : i32
    %add3A_798 = arith.constant 128 : i32
    %add3A_799 = arith.addi %mul3A_788, %add3A_798 : i32
    %gt3A_800 = arith.constant 100000 : i32
    %gt3A_801 = arith.cmpi sgt, %add3A_799, %gt3A_800 : i32
    %and3A_802 = arith.andi %lt3A_797, %gt3A_801 : i1
    %convert_element_type3A_803 = arith.extui %and3A_802 : i1 to i32
    %cond3A_804 = arith.constant 0 : i32
    %cond3A_805 = arith.cmpi ne, %convert_element_type3A_803, %cond3A_804 : i32
    scf.if %cond3A_805 {
      %dma_start3A_1701 = arith.constant 5 : i32
      %dma_start3A_1702 = arith.constant 5 : i32
      %dma_start3A_1703 = arith.constant 0 : i32
      %dma_start3A_1704 = arith.constant 0 : i32
      %dma_start3A_1705 = tpu.memref_slice %arg6[%dma_start3A_1701, %dma_start3A_1703, %dma_start3A_1704] : memref<7x128x128xf32, #tpu.memory_space<vmem>> -> memref<1x32x128xf32, #tpu.memory_space<vmem>>
      %dma_start3A_1706 = tpu.memref_squeeze %dma_start3A_1705 : memref<1x32x128xf32, #tpu.memory_space<vmem>> -> memref<32x128xf32, #tpu.memory_space<vmem>>
      %dma_start3A_1707 = arith.constant 0 : i32
      %dma_start3A_1708 = tpu.memref_slice %arg4[%mul3A_788, %dma_start3A_1707] : memref<100000x128xf32, #tpu.memory_space<hbm>> -> memref<32x128xf32, #tpu.memory_space<hbm>>
      %dma_start3A_1709 = tpu.memref_slice %arg9[%dma_start3A_1702] : memref<7x!tpu.dma_semaphore, #tpu.memory_space<semaphore_mem>> -> memref<1x!tpu.dma_semaphore, #tpu.memory_space<semaphore_mem>>
      %dma_start3A_1710 = tpu.memref_squeeze %dma_start3A_1709 : memref<1x!tpu.dma_semaphore, #tpu.memory_space<semaphore_mem>> -> memref<!tpu.dma_semaphore, #tpu.memory_space<semaphore_mem>>
      %dma_start3A_1711 = arith.constant 0 : i32
      %dma_start3A_1712 = tpu.memref_slice %arg4[%mul3A_788, %dma_start3A_1711] : memref<100000x128xf32, #tpu.memory_space<hbm>> -> memref<32x128xf32, #tpu.memory_space<hbm>>
      %dma_start3A_1713 = arith.constant 0 : i32
      %dma_start3A_1714 = arith.constant 0 : i32
      %dma_start3A_1715 = tpu.memref_slice %arg6[%dma_start3A_1701, %dma_start3A_1713, %dma_start3A_1714] : memref<7x128x128xf32, #tpu.memory_space<vmem>> -> memref<1x32x128xf32, #tpu.memory_space<vmem>>
      %dma_start3A_1716 = tpu.memref_squeeze %dma_start3A_1715 : memref<1x32x128xf32, #tpu.memory_space<vmem>> -> memref<32x128xf32, #tpu.memory_space<vmem>>
      tpu.enqueue_dma source(%dma_start3A_1716 : memref<32x128xf32, #tpu.memory_space<vmem>>) target(%dma_start3A_1712 : memref<32x128xf32, #tpu.memory_space<hbm>>) target_semaphore(%dma_start3A_1710 : memref<!tpu.dma_semaphore, #tpu.memory_space<semaphore_mem>>)
    } else {
    }
    %add3A_806 = arith.constant 8 : i32
    %add3A_807 = arith.addi %mul3A_4, %add3A_806 : i32
    %mul3A_808 = arith.constant 128 : i32
    %mul3A_809 = arith.muli %add3A_807, %mul3A_808 : i32
    %add3A_810 = arith.constant 128 : i32
    %add3A_811 = arith.addi %mul3A_809, %add3A_810 : i32
    %le3A_812 = arith.constant 100000 : i32
    %le3A_813 = arith.cmpi sle, %add3A_811, %le3A_812 : i32
    %convert_element_type3A_814 = arith.extui %le3A_813 : i1 to i32
    %cond3A_815 = arith.constant 0 : i32
    %cond3A_816 = arith.cmpi ne, %convert_element_type3A_814, %cond3A_815 : i32
    scf.if %cond3A_816 {
      %dma_wait3A_1701 = arith.constant 1 : i32
      %dma_wait3A_1702 = arith.constant 1 : i32
      %dma_wait3A_1703 = arith.constant 0 : i32
      %dma_wait3A_1704 = arith.constant 0 : i32
      %dma_wait3A_1705 = tpu.memref_slice %arg6[%dma_wait3A_1701, %dma_wait3A_1703, %dma_wait3A_1704] : memref<7x128x128xf32, #tpu.memory_space<vmem>> -> memref<1x128x128xf32, #tpu.memory_space<vmem>>
      %dma_wait3A_1706 = tpu.memref_squeeze %dma_wait3A_1705 : memref<1x128x128xf32, #tpu.memory_space<vmem>> -> memref<128x128xf32, #tpu.memory_space<vmem>>
      %dma_wait3A_1707 = arith.constant 0 : i32
      %dma_wait3A_1708 = tpu.memref_slice %arg4[%mul3A_809, %dma_wait3A_1707] : memref<100000x128xf32, #tpu.memory_space<hbm>> -> memref<128x128xf32, #tpu.memory_space<hbm>>
      %dma_wait3A_1709 = tpu.memref_slice %arg9[%dma_wait3A_1702] : memref<7x!tpu.dma_semaphore, #tpu.memory_space<semaphore_mem>> -> memref<1x!tpu.dma_semaphore, #tpu.memory_space<semaphore_mem>>
      %dma_wait3A_1710 = tpu.memref_squeeze %dma_wait3A_1709 : memref<1x!tpu.dma_semaphore, #tpu.memory_space<semaphore_mem>> -> memref<!tpu.dma_semaphore, #tpu.memory_space<semaphore_mem>>
      %dma_wait3A_1711 = arith.constant 0 : i32
      %dma_wait3A_1712 = tpu.memref_slice %arg4[%mul3A_809, %dma_wait3A_1711] : memref<100000x128xf32, #tpu.memory_space<hbm>> -> memref<128x128xf32, #tpu.memory_space<hbm>>
      %dma_wait3A_1713 = arith.constant 0 : i32
      %dma_wait3A_1714 = arith.constant 0 : i32
      %dma_wait3A_1715 = tpu.memref_slice %arg6[%dma_wait3A_1701, %dma_wait3A_1713, %dma_wait3A_1714] : memref<7x128x128xf32, #tpu.memory_space<vmem>> -> memref<1x128x128xf32, #tpu.memory_space<vmem>>
      %dma_wait3A_1716 = tpu.memref_squeeze %dma_wait3A_1715 : memref<1x128x128xf32, #tpu.memory_space<vmem>> -> memref<128x128xf32, #tpu.memory_space<vmem>>
      tpu.wait_dma2 semaphore(%dma_wait3A_1710 : memref<!tpu.dma_semaphore, #tpu.memory_space<semaphore_mem>>) src(%dma_wait3A_1716 : memref<128x128xf32, #tpu.memory_space<vmem>>) dst(%dma_wait3A_1712 : memref<128x128xf32, #tpu.memory_space<hbm>>)
    } else {
    }
    %lt3A_817 = arith.constant 100000 : i32
    %lt3A_818 = arith.cmpi slt, %mul3A_809, %lt3A_817 : i32
    %add3A_819 = arith.constant 128 : i32
    %add3A_820 = arith.addi %mul3A_809, %add3A_819 : i32
    %gt3A_821 = arith.constant 100000 : i32
    %gt3A_822 = arith.cmpi sgt, %add3A_820, %gt3A_821 : i32
    %and3A_823 = arith.andi %lt3A_818, %gt3A_822 : i1
    %convert_element_type3A_824 = arith.extui %and3A_823 : i1 to i32
    %cond3A_825 = arith.constant 0 : i32
    %cond3A_826 = arith.cmpi ne, %convert_element_type3A_824, %cond3A_825 : i32
    scf.if %cond3A_826 {
      %dma_wait3A_1701 = arith.constant 1 : i32
      %dma_wait3A_1702 = arith.constant 1 : i32
      %dma_wait3A_1703 = arith.constant 0 : i32
      %dma_wait3A_1704 = arith.constant 0 : i32
      %dma_wait3A_1705 = tpu.memref_slice %arg6[%dma_wait3A_1701, %dma_wait3A_1703, %dma_wait3A_1704] : memref<7x128x128xf32, #tpu.memory_space<vmem>> -> memref<1x32x128xf32, #tpu.memory_space<vmem>>
      %dma_wait3A_1706 = tpu.memref_squeeze %dma_wait3A_1705 : memref<1x32x128xf32, #tpu.memory_space<vmem>> -> memref<32x128xf32, #tpu.memory_space<vmem>>
      %dma_wait3A_1707 = arith.constant 0 : i32
      %dma_wait3A_1708 = tpu.memref_slice %arg4[%mul3A_809, %dma_wait3A_1707] : memref<100000x128xf32, #tpu.memory_space<hbm>> -> memref<32x128xf32, #tpu.memory_space<hbm>>
      %dma_wait3A_1709 = tpu.memref_slice %arg9[%dma_wait3A_1702] : memref<7x!tpu.dma_semaphore, #tpu.memory_space<semaphore_mem>> -> memref<1x!tpu.dma_semaphore, #tpu.memory_space<semaphore_mem>>
      %dma_wait3A_1710 = tpu.memref_squeeze %dma_wait3A_1709 : memref<1x!tpu.dma_semaphore, #tpu.memory_space<semaphore_mem>> -> memref<!tpu.dma_semaphore, #tpu.memory_space<semaphore_mem>>
      %dma_wait3A_1711 = arith.constant 0 : i32
      %dma_wait3A_1712 = tpu.memref_slice %arg4[%mul3A_809, %dma_wait3A_1711] : memref<100000x128xf32, #tpu.memory_space<hbm>> -> memref<32x128xf32, #tpu.memory_space<hbm>>
      %dma_wait3A_1713 = arith.constant 0 : i32
      %dma_wait3A_1714 = arith.constant 0 : i32
      %dma_wait3A_1715 = tpu.memref_slice %arg6[%dma_wait3A_1701, %dma_wait3A_1713, %dma_wait3A_1714] : memref<7x128x128xf32, #tpu.memory_space<vmem>> -> memref<1x32x128xf32, #tpu.memory_space<vmem>>
      %dma_wait3A_1716 = tpu.memref_squeeze %dma_wait3A_1715 : memref<1x32x128xf32, #tpu.memory_space<vmem>> -> memref<32x128xf32, #tpu.memory_space<vmem>>
      tpu.wait_dma2 semaphore(%dma_wait3A_1710 : memref<!tpu.dma_semaphore, #tpu.memory_space<semaphore_mem>>) src(%dma_wait3A_1716 : memref<32x128xf32, #tpu.memory_space<vmem>>) dst(%dma_wait3A_1712 : memref<32x128xf32, #tpu.memory_space<hbm>>)
    } else {
    }
    %dma_start3A_827 = arith.constant 1 : i32
    %dma_start3A_828 = arith.constant 1 : i32
    %dma_start3A_829 = arith.constant 0 : i32
    %dma_start3A_830 = arith.constant 0 : i32
    %dma_start3A_831 = tpu.memref_slice %arg6[%dma_start3A_827, %dma_start3A_829, %dma_start3A_830] : memref<7x128x128xf32, #tpu.memory_space<vmem>> -> memref<1x128x128xf32, #tpu.memory_space<vmem>>
    %dma_start3A_832 = tpu.memref_squeeze %dma_start3A_831 : memref<1x128x128xf32, #tpu.memory_space<vmem>> -> memref<128x128xf32, #tpu.memory_space<vmem>>
    %dma_start3A_833 = arith.constant 1920 : i32
    %dma_start3A_834 = tpu.memref_slice %arg5[%dma_start3A_833] : memref<3200xi32, #tpu.memory_space<vmem>> -> memref<128xi32, #tpu.memory_space<vmem>>
    %dma_start3A_835 = arith.constant 0 : i32
    %dma_start3A_836 = arith.constant 0 : i32
    %dma_start3A_837 = tpu.memref_slice %arg7[%dma_start3A_835, %dma_start3A_836] : memref<100x128xf32, #tpu.memory_space<vmem_shared>> -> memref<100x128xf32, #tpu.memory_space<vmem_shared>>
    %dma_start3A_838 = tpu.memref_slice %arg8[%dma_start3A_828] : memref<7x!tpu.dma_semaphore, #tpu.memory_space<semaphore_mem>> -> memref<1x!tpu.dma_semaphore, #tpu.memory_space<semaphore_mem>>
    %dma_start3A_839 = tpu.memref_squeeze %dma_start3A_838 : memref<1x!tpu.dma_semaphore, #tpu.memory_space<semaphore_mem>> -> memref<!tpu.dma_semaphore, #tpu.memory_space<semaphore_mem>>
    tpu.enqueue_indirect_dma source(%dma_start3A_837 : memref<100x128xf32, #tpu.memory_space<vmem_shared>>) target(%dma_start3A_832 : memref<128x128xf32, #tpu.memory_space<vmem>>) offsets(%dma_start3A_834 : memref<128xi32, #tpu.memory_space<vmem>>) semaphore(%dma_start3A_839 : memref<!tpu.dma_semaphore, #tpu.memory_space<semaphore_mem>>)
    %dma_wait3A_840 = arith.constant 6 : i32
    %dma_wait3A_841 = arith.constant 6 : i32
    %dma_wait3A_842 = arith.constant 0 : i32
    %dma_wait3A_843 = arith.constant 0 : i32
    %dma_wait3A_844 = tpu.memref_slice %arg6[%dma_wait3A_840, %dma_wait3A_842, %dma_wait3A_843] : memref<7x128x128xf32, #tpu.memory_space<vmem>> -> memref<1x128x128xf32, #tpu.memory_space<vmem>>
    %dma_wait3A_845 = tpu.memref_squeeze %dma_wait3A_844 : memref<1x128x128xf32, #tpu.memory_space<vmem>> -> memref<128x128xf32, #tpu.memory_space<vmem>>
    %dma_wait3A_846 = arith.constant 1664 : i32
    %dma_wait3A_847 = tpu.memref_slice %arg5[%dma_wait3A_846] : memref<3200xi32, #tpu.memory_space<vmem>> -> memref<128xi32, #tpu.memory_space<vmem>>
    %dma_wait3A_848 = arith.constant 0 : i32
    %dma_wait3A_849 = arith.constant 0 : i32
    %dma_wait3A_850 = tpu.memref_slice %arg7[%dma_wait3A_848, %dma_wait3A_849] : memref<100x128xf32, #tpu.memory_space<vmem_shared>> -> memref<100x128xf32, #tpu.memory_space<vmem_shared>>
    %dma_wait3A_851 = tpu.memref_slice %arg8[%dma_wait3A_841] : memref<7x!tpu.dma_semaphore, #tpu.memory_space<semaphore_mem>> -> memref<1x!tpu.dma_semaphore, #tpu.memory_space<semaphore_mem>>
    %dma_wait3A_852 = tpu.memref_squeeze %dma_wait3A_851 : memref<1x!tpu.dma_semaphore, #tpu.memory_space<semaphore_mem>> -> memref<!tpu.dma_semaphore, #tpu.memory_space<semaphore_mem>>
    tpu.wait_indirect_dma semaphore(%dma_wait3A_852 : memref<!tpu.dma_semaphore, #tpu.memory_space<semaphore_mem>>) src(%dma_wait3A_850 : memref<100x128xf32, #tpu.memory_space<vmem_shared>>) dst(%dma_wait3A_845 : memref<128x128xf32, #tpu.memory_space<vmem>>)
    %add3A_853 = arith.constant 13 : i32
    %add3A_854 = arith.addi %mul3A_4, %add3A_853 : i32
    %mul3A_855 = arith.constant 128 : i32
    %mul3A_856 = arith.muli %add3A_854, %mul3A_855 : i32
    %add3A_857 = arith.constant 128 : i32
    %add3A_858 = arith.addi %mul3A_856, %add3A_857 : i32
    %le3A_859 = arith.constant 100000 : i32
    %le3A_860 = arith.cmpi sle, %add3A_858, %le3A_859 : i32
    %convert_element_type3A_861 = arith.extui %le3A_860 : i1 to i32
    %cond3A_862 = arith.constant 0 : i32
    %cond3A_863 = arith.cmpi ne, %convert_element_type3A_861, %cond3A_862 : i32
    scf.if %cond3A_863 {
      %dma_start3A_1701 = arith.constant 6 : i32
      %dma_start3A_1702 = arith.constant 6 : i32
      %dma_start3A_1703 = arith.constant 0 : i32
      %dma_start3A_1704 = arith.constant 0 : i32
      %dma_start3A_1705 = tpu.memref_slice %arg6[%dma_start3A_1701, %dma_start3A_1703, %dma_start3A_1704] : memref<7x128x128xf32, #tpu.memory_space<vmem>> -> memref<1x128x128xf32, #tpu.memory_space<vmem>>
      %dma_start3A_1706 = tpu.memref_squeeze %dma_start3A_1705 : memref<1x128x128xf32, #tpu.memory_space<vmem>> -> memref<128x128xf32, #tpu.memory_space<vmem>>
      %dma_start3A_1707 = arith.constant 0 : i32
      %dma_start3A_1708 = tpu.memref_slice %arg4[%mul3A_856, %dma_start3A_1707] : memref<100000x128xf32, #tpu.memory_space<hbm>> -> memref<128x128xf32, #tpu.memory_space<hbm>>
      %dma_start3A_1709 = tpu.memref_slice %arg9[%dma_start3A_1702] : memref<7x!tpu.dma_semaphore, #tpu.memory_space<semaphore_mem>> -> memref<1x!tpu.dma_semaphore, #tpu.memory_space<semaphore_mem>>
      %dma_start3A_1710 = tpu.memref_squeeze %dma_start3A_1709 : memref<1x!tpu.dma_semaphore, #tpu.memory_space<semaphore_mem>> -> memref<!tpu.dma_semaphore, #tpu.memory_space<semaphore_mem>>
      %dma_start3A_1711 = arith.constant 0 : i32
      %dma_start3A_1712 = tpu.memref_slice %arg4[%mul3A_856, %dma_start3A_1711] : memref<100000x128xf32, #tpu.memory_space<hbm>> -> memref<128x128xf32, #tpu.memory_space<hbm>>
      %dma_start3A_1713 = arith.constant 0 : i32
      %dma_start3A_1714 = arith.constant 0 : i32
      %dma_start3A_1715 = tpu.memref_slice %arg6[%dma_start3A_1701, %dma_start3A_1713, %dma_start3A_1714] : memref<7x128x128xf32, #tpu.memory_space<vmem>> -> memref<1x128x128xf32, #tpu.memory_space<vmem>>
      %dma_start3A_1716 = tpu.memref_squeeze %dma_start3A_1715 : memref<1x128x128xf32, #tpu.memory_space<vmem>> -> memref<128x128xf32, #tpu.memory_space<vmem>>
      tpu.enqueue_dma source(%dma_start3A_1716 : memref<128x128xf32, #tpu.memory_space<vmem>>) target(%dma_start3A_1712 : memref<128x128xf32, #tpu.memory_space<hbm>>) target_semaphore(%dma_start3A_1710 : memref<!tpu.dma_semaphore, #tpu.memory_space<semaphore_mem>>)
    } else {
    }
    %lt3A_864 = arith.constant 100000 : i32
    %lt3A_865 = arith.cmpi slt, %mul3A_856, %lt3A_864 : i32
    %add3A_866 = arith.constant 128 : i32
    %add3A_867 = arith.addi %mul3A_856, %add3A_866 : i32
    %gt3A_868 = arith.constant 100000 : i32
    %gt3A_869 = arith.cmpi sgt, %add3A_867, %gt3A_868 : i32
    %and3A_870 = arith.andi %lt3A_865, %gt3A_869 : i1
    %convert_element_type3A_871 = arith.extui %and3A_870 : i1 to i32
    %cond3A_872 = arith.constant 0 : i32
    %cond3A_873 = arith.cmpi ne, %convert_element_type3A_871, %cond3A_872 : i32
    scf.if %cond3A_873 {
      %dma_start3A_1701 = arith.constant 6 : i32
      %dma_start3A_1702 = arith.constant 6 : i32
      %dma_start3A_1703 = arith.constant 0 : i32
      %dma_start3A_1704 = arith.constant 0 : i32
      %dma_start3A_1705 = tpu.memref_slice %arg6[%dma_start3A_1701, %dma_start3A_1703, %dma_start3A_1704] : memref<7x128x128xf32, #tpu.memory_space<vmem>> -> memref<1x32x128xf32, #tpu.memory_space<vmem>>
      %dma_start3A_1706 = tpu.memref_squeeze %dma_start3A_1705 : memref<1x32x128xf32, #tpu.memory_space<vmem>> -> memref<32x128xf32, #tpu.memory_space<vmem>>
      %dma_start3A_1707 = arith.constant 0 : i32
      %dma_start3A_1708 = tpu.memref_slice %arg4[%mul3A_856, %dma_start3A_1707] : memref<100000x128xf32, #tpu.memory_space<hbm>> -> memref<32x128xf32, #tpu.memory_space<hbm>>
      %dma_start3A_1709 = tpu.memref_slice %arg9[%dma_start3A_1702] : memref<7x!tpu.dma_semaphore, #tpu.memory_space<semaphore_mem>> -> memref<1x!tpu.dma_semaphore, #tpu.memory_space<semaphore_mem>>
      %dma_start3A_1710 = tpu.memref_squeeze %dma_start3A_1709 : memref<1x!tpu.dma_semaphore, #tpu.memory_space<semaphore_mem>> -> memref<!tpu.dma_semaphore, #tpu.memory_space<semaphore_mem>>
      %dma_start3A_1711 = arith.constant 0 : i32
      %dma_start3A_1712 = tpu.memref_slice %arg4[%mul3A_856, %dma_start3A_1711] : memref<100000x128xf32, #tpu.memory_space<hbm>> -> memref<32x128xf32, #tpu.memory_space<hbm>>
      %dma_start3A_1713 = arith.constant 0 : i32
      %dma_start3A_1714 = arith.constant 0 : i32
      %dma_start3A_1715 = tpu.memref_slice %arg6[%dma_start3A_1701, %dma_start3A_1713, %dma_start3A_1714] : memref<7x128x128xf32, #tpu.memory_space<vmem>> -> memref<1x32x128xf32, #tpu.memory_space<vmem>>
      %dma_start3A_1716 = tpu.memref_squeeze %dma_start3A_1715 : memref<1x32x128xf32, #tpu.memory_space<vmem>> -> memref<32x128xf32, #tpu.memory_space<vmem>>
      tpu.enqueue_dma source(%dma_start3A_1716 : memref<32x128xf32, #tpu.memory_space<vmem>>) target(%dma_start3A_1712 : memref<32x128xf32, #tpu.memory_space<hbm>>) target_semaphore(%dma_start3A_1710 : memref<!tpu.dma_semaphore, #tpu.memory_space<semaphore_mem>>)
    } else {
    }
    %add3A_874 = arith.constant 9 : i32
    %add3A_875 = arith.addi %mul3A_4, %add3A_874 : i32
    %mul3A_876 = arith.constant 128 : i32
    %mul3A_877 = arith.muli %add3A_875, %mul3A_876 : i32
    %add3A_878 = arith.constant 128 : i32
    %add3A_879 = arith.addi %mul3A_877, %add3A_878 : i32
    %le3A_880 = arith.constant 100000 : i32
    %le3A_881 = arith.cmpi sle, %add3A_879, %le3A_880 : i32
    %convert_element_type3A_882 = arith.extui %le3A_881 : i1 to i32
    %cond3A_883 = arith.constant 0 : i32
    %cond3A_884 = arith.cmpi ne, %convert_element_type3A_882, %cond3A_883 : i32
    scf.if %cond3A_884 {
      %dma_wait3A_1701 = arith.constant 2 : i32
      %dma_wait3A_1702 = arith.constant 2 : i32
      %dma_wait3A_1703 = arith.constant 0 : i32
      %dma_wait3A_1704 = arith.constant 0 : i32
      %dma_wait3A_1705 = tpu.memref_slice %arg6[%dma_wait3A_1701, %dma_wait3A_1703, %dma_wait3A_1704] : memref<7x128x128xf32, #tpu.memory_space<vmem>> -> memref<1x128x128xf32, #tpu.memory_space<vmem>>
      %dma_wait3A_1706 = tpu.memref_squeeze %dma_wait3A_1705 : memref<1x128x128xf32, #tpu.memory_space<vmem>> -> memref<128x128xf32, #tpu.memory_space<vmem>>
      %dma_wait3A_1707 = arith.constant 0 : i32
      %dma_wait3A_1708 = tpu.memref_slice %arg4[%mul3A_877, %dma_wait3A_1707] : memref<100000x128xf32, #tpu.memory_space<hbm>> -> memref<128x128xf32, #tpu.memory_space<hbm>>
      %dma_wait3A_1709 = tpu.memref_slice %arg9[%dma_wait3A_1702] : memref<7x!tpu.dma_semaphore, #tpu.memory_space<semaphore_mem>> -> memref<1x!tpu.dma_semaphore, #tpu.memory_space<semaphore_mem>>
      %dma_wait3A_1710 = tpu.memref_squeeze %dma_wait3A_1709 : memref<1x!tpu.dma_semaphore, #tpu.memory_space<semaphore_mem>> -> memref<!tpu.dma_semaphore, #tpu.memory_space<semaphore_mem>>
      %dma_wait3A_1711 = arith.constant 0 : i32
      %dma_wait3A_1712 = tpu.memref_slice %arg4[%mul3A_877, %dma_wait3A_1711] : memref<100000x128xf32, #tpu.memory_space<hbm>> -> memref<128x128xf32, #tpu.memory_space<hbm>>
      %dma_wait3A_1713 = arith.constant 0 : i32
      %dma_wait3A_1714 = arith.constant 0 : i32
      %dma_wait3A_1715 = tpu.memref_slice %arg6[%dma_wait3A_1701, %dma_wait3A_1713, %dma_wait3A_1714] : memref<7x128x128xf32, #tpu.memory_space<vmem>> -> memref<1x128x128xf32, #tpu.memory_space<vmem>>
      %dma_wait3A_1716 = tpu.memref_squeeze %dma_wait3A_1715 : memref<1x128x128xf32, #tpu.memory_space<vmem>> -> memref<128x128xf32, #tpu.memory_space<vmem>>
      tpu.wait_dma2 semaphore(%dma_wait3A_1710 : memref<!tpu.dma_semaphore, #tpu.memory_space<semaphore_mem>>) src(%dma_wait3A_1716 : memref<128x128xf32, #tpu.memory_space<vmem>>) dst(%dma_wait3A_1712 : memref<128x128xf32, #tpu.memory_space<hbm>>)
    } else {
    }
    %lt3A_885 = arith.constant 100000 : i32
    %lt3A_886 = arith.cmpi slt, %mul3A_877, %lt3A_885 : i32
    %add3A_887 = arith.constant 128 : i32
    %add3A_888 = arith.addi %mul3A_877, %add3A_887 : i32
    %gt3A_889 = arith.constant 100000 : i32
    %gt3A_890 = arith.cmpi sgt, %add3A_888, %gt3A_889 : i32
    %and3A_891 = arith.andi %lt3A_886, %gt3A_890 : i1
    %convert_element_type3A_892 = arith.extui %and3A_891 : i1 to i32
    %cond3A_893 = arith.constant 0 : i32
    %cond3A_894 = arith.cmpi ne, %convert_element_type3A_892, %cond3A_893 : i32
    scf.if %cond3A_894 {
      %dma_wait3A_1701 = arith.constant 2 : i32
      %dma_wait3A_1702 = arith.constant 2 : i32
      %dma_wait3A_1703 = arith.constant 0 : i32
      %dma_wait3A_1704 = arith.constant 0 : i32
      %dma_wait3A_1705 = tpu.memref_slice %arg6[%dma_wait3A_1701, %dma_wait3A_1703, %dma_wait3A_1704] : memref<7x128x128xf32, #tpu.memory_space<vmem>> -> memref<1x32x128xf32, #tpu.memory_space<vmem>>
      %dma_wait3A_1706 = tpu.memref_squeeze %dma_wait3A_1705 : memref<1x32x128xf32, #tpu.memory_space<vmem>> -> memref<32x128xf32, #tpu.memory_space<vmem>>
      %dma_wait3A_1707 = arith.constant 0 : i32
      %dma_wait3A_1708 = tpu.memref_slice %arg4[%mul3A_877, %dma_wait3A_1707] : memref<100000x128xf32, #tpu.memory_space<hbm>> -> memref<32x128xf32, #tpu.memory_space<hbm>>
      %dma_wait3A_1709 = tpu.memref_slice %arg9[%dma_wait3A_1702] : memref<7x!tpu.dma_semaphore, #tpu.memory_space<semaphore_mem>> -> memref<1x!tpu.dma_semaphore, #tpu.memory_space<semaphore_mem>>
      %dma_wait3A_1710 = tpu.memref_squeeze %dma_wait3A_1709 : memref<1x!tpu.dma_semaphore, #tpu.memory_space<semaphore_mem>> -> memref<!tpu.dma_semaphore, #tpu.memory_space<semaphore_mem>>
      %dma_wait3A_1711 = arith.constant 0 : i32
      %dma_wait3A_1712 = tpu.memref_slice %arg4[%mul3A_877, %dma_wait3A_1711] : memref<100000x128xf32, #tpu.memory_space<hbm>> -> memref<32x128xf32, #tpu.memory_space<hbm>>
      %dma_wait3A_1713 = arith.constant 0 : i32
      %dma_wait3A_1714 = arith.constant 0 : i32
      %dma_wait3A_1715 = tpu.memref_slice %arg6[%dma_wait3A_1701, %dma_wait3A_1713, %dma_wait3A_1714] : memref<7x128x128xf32, #tpu.memory_space<vmem>> -> memref<1x32x128xf32, #tpu.memory_space<vmem>>
      %dma_wait3A_1716 = tpu.memref_squeeze %dma_wait3A_1715 : memref<1x32x128xf32, #tpu.memory_space<vmem>> -> memref<32x128xf32, #tpu.memory_space<vmem>>
      tpu.wait_dma2 semaphore(%dma_wait3A_1710 : memref<!tpu.dma_semaphore, #tpu.memory_space<semaphore_mem>>) src(%dma_wait3A_1716 : memref<32x128xf32, #tpu.memory_space<vmem>>) dst(%dma_wait3A_1712 : memref<32x128xf32, #tpu.memory_space<hbm>>)
    } else {
    }
    %dma_start3A_895 = arith.constant 2 : i32
    %dma_start3A_896 = arith.constant 2 : i32
    %dma_start3A_897 = arith.constant 0 : i32
    %dma_start3A_898 = arith.constant 0 : i32
    %dma_start3A_899 = tpu.memref_slice %arg6[%dma_start3A_895, %dma_start3A_897, %dma_start3A_898] : memref<7x128x128xf32, #tpu.memory_space<vmem>> -> memref<1x128x128xf32, #tpu.memory_space<vmem>>
    %dma_start3A_900 = tpu.memref_squeeze %dma_start3A_899 : memref<1x128x128xf32, #tpu.memory_space<vmem>> -> memref<128x128xf32, #tpu.memory_space<vmem>>
    %dma_start3A_901 = arith.constant 2048 : i32
    %dma_start3A_902 = tpu.memref_slice %arg5[%dma_start3A_901] : memref<3200xi32, #tpu.memory_space<vmem>> -> memref<128xi32, #tpu.memory_space<vmem>>
    %dma_start3A_903 = arith.constant 0 : i32
    %dma_start3A_904 = arith.constant 0 : i32
    %dma_start3A_905 = tpu.memref_slice %arg7[%dma_start3A_903, %dma_start3A_904] : memref<100x128xf32, #tpu.memory_space<vmem_shared>> -> memref<100x128xf32, #tpu.memory_space<vmem_shared>>
    %dma_start3A_906 = tpu.memref_slice %arg8[%dma_start3A_896] : memref<7x!tpu.dma_semaphore, #tpu.memory_space<semaphore_mem>> -> memref<1x!tpu.dma_semaphore, #tpu.memory_space<semaphore_mem>>
    %dma_start3A_907 = tpu.memref_squeeze %dma_start3A_906 : memref<1x!tpu.dma_semaphore, #tpu.memory_space<semaphore_mem>> -> memref<!tpu.dma_semaphore, #tpu.memory_space<semaphore_mem>>
    tpu.enqueue_indirect_dma source(%dma_start3A_905 : memref<100x128xf32, #tpu.memory_space<vmem_shared>>) target(%dma_start3A_900 : memref<128x128xf32, #tpu.memory_space<vmem>>) offsets(%dma_start3A_902 : memref<128xi32, #tpu.memory_space<vmem>>) semaphore(%dma_start3A_907 : memref<!tpu.dma_semaphore, #tpu.memory_space<semaphore_mem>>)
    %dma_wait3A_908 = arith.constant 0 : i32
    %dma_wait3A_909 = arith.constant 0 : i32
    %dma_wait3A_910 = arith.constant 0 : i32
    %dma_wait3A_911 = arith.constant 0 : i32
    %dma_wait3A_912 = tpu.memref_slice %arg6[%dma_wait3A_908, %dma_wait3A_910, %dma_wait3A_911] : memref<7x128x128xf32, #tpu.memory_space<vmem>> -> memref<1x128x128xf32, #tpu.memory_space<vmem>>
    %dma_wait3A_913 = tpu.memref_squeeze %dma_wait3A_912 : memref<1x128x128xf32, #tpu.memory_space<vmem>> -> memref<128x128xf32, #tpu.memory_space<vmem>>
    %dma_wait3A_914 = arith.constant 1792 : i32
    %dma_wait3A_915 = tpu.memref_slice %arg5[%dma_wait3A_914] : memref<3200xi32, #tpu.memory_space<vmem>> -> memref<128xi32, #tpu.memory_space<vmem>>
    %dma_wait3A_916 = arith.constant 0 : i32
    %dma_wait3A_917 = arith.constant 0 : i32
    %dma_wait3A_918 = tpu.memref_slice %arg7[%dma_wait3A_916, %dma_wait3A_917] : memref<100x128xf32, #tpu.memory_space<vmem_shared>> -> memref<100x128xf32, #tpu.memory_space<vmem_shared>>
    %dma_wait3A_919 = tpu.memref_slice %arg8[%dma_wait3A_909] : memref<7x!tpu.dma_semaphore, #tpu.memory_space<semaphore_mem>> -> memref<1x!tpu.dma_semaphore, #tpu.memory_space<semaphore_mem>>
    %dma_wait3A_920 = tpu.memref_squeeze %dma_wait3A_919 : memref<1x!tpu.dma_semaphore, #tpu.memory_space<semaphore_mem>> -> memref<!tpu.dma_semaphore, #tpu.memory_space<semaphore_mem>>
    tpu.wait_indirect_dma semaphore(%dma_wait3A_920 : memref<!tpu.dma_semaphore, #tpu.memory_space<semaphore_mem>>) src(%dma_wait3A_918 : memref<100x128xf32, #tpu.memory_space<vmem_shared>>) dst(%dma_wait3A_913 : memref<128x128xf32, #tpu.memory_space<vmem>>)
    %add3A_921 = arith.constant 14 : i32
    %add3A_922 = arith.addi %mul3A_4, %add3A_921 : i32
    %mul3A_923 = arith.constant 128 : i32
    %mul3A_924 = arith.muli %add3A_922, %mul3A_923 : i32
    %add3A_925 = arith.constant 128 : i32
    %add3A_926 = arith.addi %mul3A_924, %add3A_925 : i32
    %le3A_927 = arith.constant 100000 : i32
    %le3A_928 = arith.cmpi sle, %add3A_926, %le3A_927 : i32
    %convert_element_type3A_929 = arith.extui %le3A_928 : i1 to i32
    %cond3A_930 = arith.constant 0 : i32
    %cond3A_931 = arith.cmpi ne, %convert_element_type3A_929, %cond3A_930 : i32
    scf.if %cond3A_931 {
      %dma_start3A_1701 = arith.constant 0 : i32
      %dma_start3A_1702 = arith.constant 0 : i32
      %dma_start3A_1703 = arith.constant 0 : i32
      %dma_start3A_1704 = arith.constant 0 : i32
      %dma_start3A_1705 = tpu.memref_slice %arg6[%dma_start3A_1701, %dma_start3A_1703, %dma_start3A_1704] : memref<7x128x128xf32, #tpu.memory_space<vmem>> -> memref<1x128x128xf32, #tpu.memory_space<vmem>>
      %dma_start3A_1706 = tpu.memref_squeeze %dma_start3A_1705 : memref<1x128x128xf32, #tpu.memory_space<vmem>> -> memref<128x128xf32, #tpu.memory_space<vmem>>
      %dma_start3A_1707 = arith.constant 0 : i32
      %dma_start3A_1708 = tpu.memref_slice %arg4[%mul3A_924, %dma_start3A_1707] : memref<100000x128xf32, #tpu.memory_space<hbm>> -> memref<128x128xf32, #tpu.memory_space<hbm>>
      %dma_start3A_1709 = tpu.memref_slice %arg9[%dma_start3A_1702] : memref<7x!tpu.dma_semaphore, #tpu.memory_space<semaphore_mem>> -> memref<1x!tpu.dma_semaphore, #tpu.memory_space<semaphore_mem>>
      %dma_start3A_1710 = tpu.memref_squeeze %dma_start3A_1709 : memref<1x!tpu.dma_semaphore, #tpu.memory_space<semaphore_mem>> -> memref<!tpu.dma_semaphore, #tpu.memory_space<semaphore_mem>>
      %dma_start3A_1711 = arith.constant 0 : i32
      %dma_start3A_1712 = tpu.memref_slice %arg4[%mul3A_924, %dma_start3A_1711] : memref<100000x128xf32, #tpu.memory_space<hbm>> -> memref<128x128xf32, #tpu.memory_space<hbm>>
      %dma_start3A_1713 = arith.constant 0 : i32
      %dma_start3A_1714 = arith.constant 0 : i32
      %dma_start3A_1715 = tpu.memref_slice %arg6[%dma_start3A_1701, %dma_start3A_1713, %dma_start3A_1714] : memref<7x128x128xf32, #tpu.memory_space<vmem>> -> memref<1x128x128xf32, #tpu.memory_space<vmem>>
      %dma_start3A_1716 = tpu.memref_squeeze %dma_start3A_1715 : memref<1x128x128xf32, #tpu.memory_space<vmem>> -> memref<128x128xf32, #tpu.memory_space<vmem>>
      tpu.enqueue_dma source(%dma_start3A_1716 : memref<128x128xf32, #tpu.memory_space<vmem>>) target(%dma_start3A_1712 : memref<128x128xf32, #tpu.memory_space<hbm>>) target_semaphore(%dma_start3A_1710 : memref<!tpu.dma_semaphore, #tpu.memory_space<semaphore_mem>>)
    } else {
    }
    %lt3A_932 = arith.constant 100000 : i32
    %lt3A_933 = arith.cmpi slt, %mul3A_924, %lt3A_932 : i32
    %add3A_934 = arith.constant 128 : i32
    %add3A_935 = arith.addi %mul3A_924, %add3A_934 : i32
    %gt3A_936 = arith.constant 100000 : i32
    %gt3A_937 = arith.cmpi sgt, %add3A_935, %gt3A_936 : i32
    %and3A_938 = arith.andi %lt3A_933, %gt3A_937 : i1
    %convert_element_type3A_939 = arith.extui %and3A_938 : i1 to i32
    %cond3A_940 = arith.constant 0 : i32
    %cond3A_941 = arith.cmpi ne, %convert_element_type3A_939, %cond3A_940 : i32
    scf.if %cond3A_941 {
      %dma_start3A_1701 = arith.constant 0 : i32
      %dma_start3A_1702 = arith.constant 0 : i32
      %dma_start3A_1703 = arith.constant 0 : i32
      %dma_start3A_1704 = arith.constant 0 : i32
      %dma_start3A_1705 = tpu.memref_slice %arg6[%dma_start3A_1701, %dma_start3A_1703, %dma_start3A_1704] : memref<7x128x128xf32, #tpu.memory_space<vmem>> -> memref<1x32x128xf32, #tpu.memory_space<vmem>>
      %dma_start3A_1706 = tpu.memref_squeeze %dma_start3A_1705 : memref<1x32x128xf32, #tpu.memory_space<vmem>> -> memref<32x128xf32, #tpu.memory_space<vmem>>
      %dma_start3A_1707 = arith.constant 0 : i32
      %dma_start3A_1708 = tpu.memref_slice %arg4[%mul3A_924, %dma_start3A_1707] : memref<100000x128xf32, #tpu.memory_space<hbm>> -> memref<32x128xf32, #tpu.memory_space<hbm>>
      %dma_start3A_1709 = tpu.memref_slice %arg9[%dma_start3A_1702] : memref<7x!tpu.dma_semaphore, #tpu.memory_space<semaphore_mem>> -> memref<1x!tpu.dma_semaphore, #tpu.memory_space<semaphore_mem>>
      %dma_start3A_1710 = tpu.memref_squeeze %dma_start3A_1709 : memref<1x!tpu.dma_semaphore, #tpu.memory_space<semaphore_mem>> -> memref<!tpu.dma_semaphore, #tpu.memory_space<semaphore_mem>>
      %dma_start3A_1711 = arith.constant 0 : i32
      %dma_start3A_1712 = tpu.memref_slice %arg4[%mul3A_924, %dma_start3A_1711] : memref<100000x128xf32, #tpu.memory_space<hbm>> -> memref<32x128xf32, #tpu.memory_space<hbm>>
      %dma_start3A_1713 = arith.constant 0 : i32
      %dma_start3A_1714 = arith.constant 0 : i32
      %dma_start3A_1715 = tpu.memref_slice %arg6[%dma_start3A_1701, %dma_start3A_1713, %dma_start3A_1714] : memref<7x128x128xf32, #tpu.memory_space<vmem>> -> memref<1x32x128xf32, #tpu.memory_space<vmem>>
      %dma_start3A_1716 = tpu.memref_squeeze %dma_start3A_1715 : memref<1x32x128xf32, #tpu.memory_space<vmem>> -> memref<32x128xf32, #tpu.memory_space<vmem>>
      tpu.enqueue_dma source(%dma_start3A_1716 : memref<32x128xf32, #tpu.memory_space<vmem>>) target(%dma_start3A_1712 : memref<32x128xf32, #tpu.memory_space<hbm>>) target_semaphore(%dma_start3A_1710 : memref<!tpu.dma_semaphore, #tpu.memory_space<semaphore_mem>>)
    } else {
    }
    %add3A_942 = arith.constant 10 : i32
    %add3A_943 = arith.addi %mul3A_4, %add3A_942 : i32
    %mul3A_944 = arith.constant 128 : i32
    %mul3A_945 = arith.muli %add3A_943, %mul3A_944 : i32
    %add3A_946 = arith.constant 128 : i32
    %add3A_947 = arith.addi %mul3A_945, %add3A_946 : i32
    %le3A_948 = arith.constant 100000 : i32
    %le3A_949 = arith.cmpi sle, %add3A_947, %le3A_948 : i32
    %convert_element_type3A_950 = arith.extui %le3A_949 : i1 to i32
    %cond3A_951 = arith.constant 0 : i32
    %cond3A_952 = arith.cmpi ne, %convert_element_type3A_950, %cond3A_951 : i32
    scf.if %cond3A_952 {
      %dma_wait3A_1701 = arith.constant 3 : i32
      %dma_wait3A_1702 = arith.constant 3 : i32
      %dma_wait3A_1703 = arith.constant 0 : i32
      %dma_wait3A_1704 = arith.constant 0 : i32
      %dma_wait3A_1705 = tpu.memref_slice %arg6[%dma_wait3A_1701, %dma_wait3A_1703, %dma_wait3A_1704] : memref<7x128x128xf32, #tpu.memory_space<vmem>> -> memref<1x128x128xf32, #tpu.memory_space<vmem>>
      %dma_wait3A_1706 = tpu.memref_squeeze %dma_wait3A_1705 : memref<1x128x128xf32, #tpu.memory_space<vmem>> -> memref<128x128xf32, #tpu.memory_space<vmem>>
      %dma_wait3A_1707 = arith.constant 0 : i32
      %dma_wait3A_1708 = tpu.memref_slice %arg4[%mul3A_945, %dma_wait3A_1707] : memref<100000x128xf32, #tpu.memory_space<hbm>> -> memref<128x128xf32, #tpu.memory_space<hbm>>
      %dma_wait3A_1709 = tpu.memref_slice %arg9[%dma_wait3A_1702] : memref<7x!tpu.dma_semaphore, #tpu.memory_space<semaphore_mem>> -> memref<1x!tpu.dma_semaphore, #tpu.memory_space<semaphore_mem>>
      %dma_wait3A_1710 = tpu.memref_squeeze %dma_wait3A_1709 : memref<1x!tpu.dma_semaphore, #tpu.memory_space<semaphore_mem>> -> memref<!tpu.dma_semaphore, #tpu.memory_space<semaphore_mem>>
      %dma_wait3A_1711 = arith.constant 0 : i32
      %dma_wait3A_1712 = tpu.memref_slice %arg4[%mul3A_945, %dma_wait3A_1711] : memref<100000x128xf32, #tpu.memory_space<hbm>> -> memref<128x128xf32, #tpu.memory_space<hbm>>
      %dma_wait3A_1713 = arith.constant 0 : i32
      %dma_wait3A_1714 = arith.constant 0 : i32
      %dma_wait3A_1715 = tpu.memref_slice %arg6[%dma_wait3A_1701, %dma_wait3A_1713, %dma_wait3A_1714] : memref<7x128x128xf32, #tpu.memory_space<vmem>> -> memref<1x128x128xf32, #tpu.memory_space<vmem>>
      %dma_wait3A_1716 = tpu.memref_squeeze %dma_wait3A_1715 : memref<1x128x128xf32, #tpu.memory_space<vmem>> -> memref<128x128xf32, #tpu.memory_space<vmem>>
      tpu.wait_dma2 semaphore(%dma_wait3A_1710 : memref<!tpu.dma_semaphore, #tpu.memory_space<semaphore_mem>>) src(%dma_wait3A_1716 : memref<128x128xf32, #tpu.memory_space<vmem>>) dst(%dma_wait3A_1712 : memref<128x128xf32, #tpu.memory_space<hbm>>)
    } else {
    }
    %lt3A_953 = arith.constant 100000 : i32
    %lt3A_954 = arith.cmpi slt, %mul3A_945, %lt3A_953 : i32
    %add3A_955 = arith.constant 128 : i32
    %add3A_956 = arith.addi %mul3A_945, %add3A_955 : i32
    %gt3A_957 = arith.constant 100000 : i32
    %gt3A_958 = arith.cmpi sgt, %add3A_956, %gt3A_957 : i32
    %and3A_959 = arith.andi %lt3A_954, %gt3A_958 : i1
    %convert_element_type3A_960 = arith.extui %and3A_959 : i1 to i32
    %cond3A_961 = arith.constant 0 : i32
    %cond3A_962 = arith.cmpi ne, %convert_element_type3A_960, %cond3A_961 : i32
    scf.if %cond3A_962 {
      %dma_wait3A_1701 = arith.constant 3 : i32
      %dma_wait3A_1702 = arith.constant 3 : i32
      %dma_wait3A_1703 = arith.constant 0 : i32
      %dma_wait3A_1704 = arith.constant 0 : i32
      %dma_wait3A_1705 = tpu.memref_slice %arg6[%dma_wait3A_1701, %dma_wait3A_1703, %dma_wait3A_1704] : memref<7x128x128xf32, #tpu.memory_space<vmem>> -> memref<1x32x128xf32, #tpu.memory_space<vmem>>
      %dma_wait3A_1706 = tpu.memref_squeeze %dma_wait3A_1705 : memref<1x32x128xf32, #tpu.memory_space<vmem>> -> memref<32x128xf32, #tpu.memory_space<vmem>>
      %dma_wait3A_1707 = arith.constant 0 : i32
      %dma_wait3A_1708 = tpu.memref_slice %arg4[%mul3A_945, %dma_wait3A_1707] : memref<100000x128xf32, #tpu.memory_space<hbm>> -> memref<32x128xf32, #tpu.memory_space<hbm>>
      %dma_wait3A_1709 = tpu.memref_slice %arg9[%dma_wait3A_1702] : memref<7x!tpu.dma_semaphore, #tpu.memory_space<semaphore_mem>> -> memref<1x!tpu.dma_semaphore, #tpu.memory_space<semaphore_mem>>
      %dma_wait3A_1710 = tpu.memref_squeeze %dma_wait3A_1709 : memref<1x!tpu.dma_semaphore, #tpu.memory_space<semaphore_mem>> -> memref<!tpu.dma_semaphore, #tpu.memory_space<semaphore_mem>>
      %dma_wait3A_1711 = arith.constant 0 : i32
      %dma_wait3A_1712 = tpu.memref_slice %arg4[%mul3A_945, %dma_wait3A_1711] : memref<100000x128xf32, #tpu.memory_space<hbm>> -> memref<32x128xf32, #tpu.memory_space<hbm>>
      %dma_wait3A_1713 = arith.constant 0 : i32
      %dma_wait3A_1714 = arith.constant 0 : i32
      %dma_wait3A_1715 = tpu.memref_slice %arg6[%dma_wait3A_1701, %dma_wait3A_1713, %dma_wait3A_1714] : memref<7x128x128xf32, #tpu.memory_space<vmem>> -> memref<1x32x128xf32, #tpu.memory_space<vmem>>
      %dma_wait3A_1716 = tpu.memref_squeeze %dma_wait3A_1715 : memref<1x32x128xf32, #tpu.memory_space<vmem>> -> memref<32x128xf32, #tpu.memory_space<vmem>>
      tpu.wait_dma2 semaphore(%dma_wait3A_1710 : memref<!tpu.dma_semaphore, #tpu.memory_space<semaphore_mem>>) src(%dma_wait3A_1716 : memref<32x128xf32, #tpu.memory_space<vmem>>) dst(%dma_wait3A_1712 : memref<32x128xf32, #tpu.memory_space<hbm>>)
    } else {
    }
    %dma_start3A_963 = arith.constant 3 : i32
    %dma_start3A_964 = arith.constant 3 : i32
    %dma_start3A_965 = arith.constant 0 : i32
    %dma_start3A_966 = arith.constant 0 : i32
    %dma_start3A_967 = tpu.memref_slice %arg6[%dma_start3A_963, %dma_start3A_965, %dma_start3A_966] : memref<7x128x128xf32, #tpu.memory_space<vmem>> -> memref<1x128x128xf32, #tpu.memory_space<vmem>>
    %dma_start3A_968 = tpu.memref_squeeze %dma_start3A_967 : memref<1x128x128xf32, #tpu.memory_space<vmem>> -> memref<128x128xf32, #tpu.memory_space<vmem>>
    %dma_start3A_969 = arith.constant 2176 : i32
    %dma_start3A_970 = tpu.memref_slice %arg5[%dma_start3A_969] : memref<3200xi32, #tpu.memory_space<vmem>> -> memref<128xi32, #tpu.memory_space<vmem>>
    %dma_start3A_971 = arith.constant 0 : i32
    %dma_start3A_972 = arith.constant 0 : i32
    %dma_start3A_973 = tpu.memref_slice %arg7[%dma_start3A_971, %dma_start3A_972] : memref<100x128xf32, #tpu.memory_space<vmem_shared>> -> memref<100x128xf32, #tpu.memory_space<vmem_shared>>
    %dma_start3A_974 = tpu.memref_slice %arg8[%dma_start3A_964] : memref<7x!tpu.dma_semaphore, #tpu.memory_space<semaphore_mem>> -> memref<1x!tpu.dma_semaphore, #tpu.memory_space<semaphore_mem>>
    %dma_start3A_975 = tpu.memref_squeeze %dma_start3A_974 : memref<1x!tpu.dma_semaphore, #tpu.memory_space<semaphore_mem>> -> memref<!tpu.dma_semaphore, #tpu.memory_space<semaphore_mem>>
    tpu.enqueue_indirect_dma source(%dma_start3A_973 : memref<100x128xf32, #tpu.memory_space<vmem_shared>>) target(%dma_start3A_968 : memref<128x128xf32, #tpu.memory_space<vmem>>) offsets(%dma_start3A_970 : memref<128xi32, #tpu.memory_space<vmem>>) semaphore(%dma_start3A_975 : memref<!tpu.dma_semaphore, #tpu.memory_space<semaphore_mem>>)
    %dma_wait3A_976 = arith.constant 1 : i32
    %dma_wait3A_977 = arith.constant 1 : i32
    %dma_wait3A_978 = arith.constant 0 : i32
    %dma_wait3A_979 = arith.constant 0 : i32
    %dma_wait3A_980 = tpu.memref_slice %arg6[%dma_wait3A_976, %dma_wait3A_978, %dma_wait3A_979] : memref<7x128x128xf32, #tpu.memory_space<vmem>> -> memref<1x128x128xf32, #tpu.memory_space<vmem>>
    %dma_wait3A_981 = tpu.memref_squeeze %dma_wait3A_980 : memref<1x128x128xf32, #tpu.memory_space<vmem>> -> memref<128x128xf32, #tpu.memory_space<vmem>>
    %dma_wait3A_982 = arith.constant 1920 : i32
    %dma_wait3A_983 = tpu.memref_slice %arg5[%dma_wait3A_982] : memref<3200xi32, #tpu.memory_space<vmem>> -> memref<128xi32, #tpu.memory_space<vmem>>
    %dma_wait3A_984 = arith.constant 0 : i32
    %dma_wait3A_985 = arith.constant 0 : i32
    %dma_wait3A_986 = tpu.memref_slice %arg7[%dma_wait3A_984, %dma_wait3A_985] : memref<100x128xf32, #tpu.memory_space<vmem_shared>> -> memref<100x128xf32, #tpu.memory_space<vmem_shared>>
    %dma_wait3A_987 = tpu.memref_slice %arg8[%dma_wait3A_977] : memref<7x!tpu.dma_semaphore, #tpu.memory_space<semaphore_mem>> -> memref<1x!tpu.dma_semaphore, #tpu.memory_space<semaphore_mem>>
    %dma_wait3A_988 = tpu.memref_squeeze %dma_wait3A_987 : memref<1x!tpu.dma_semaphore, #tpu.memory_space<semaphore_mem>> -> memref<!tpu.dma_semaphore, #tpu.memory_space<semaphore_mem>>
    tpu.wait_indirect_dma semaphore(%dma_wait3A_988 : memref<!tpu.dma_semaphore, #tpu.memory_space<semaphore_mem>>) src(%dma_wait3A_986 : memref<100x128xf32, #tpu.memory_space<vmem_shared>>) dst(%dma_wait3A_981 : memref<128x128xf32, #tpu.memory_space<vmem>>)
    %add3A_989 = arith.constant 15 : i32
    %add3A_990 = arith.addi %mul3A_4, %add3A_989 : i32
    %mul3A_991 = arith.constant 128 : i32
    %mul3A_992 = arith.muli %add3A_990, %mul3A_991 : i32
    %add3A_993 = arith.constant 128 : i32
    %add3A_994 = arith.addi %mul3A_992, %add3A_993 : i32
    %le3A_995 = arith.constant 100000 : i32
    %le3A_996 = arith.cmpi sle, %add3A_994, %le3A_995 : i32
    %convert_element_type3A_997 = arith.extui %le3A_996 : i1 to i32
    %cond3A_998 = arith.constant 0 : i32
    %cond3A_999 = arith.cmpi ne, %convert_element_type3A_997, %cond3A_998 : i32
    scf.if %cond3A_999 {
      %dma_start3A_1701 = arith.constant 1 : i32
      %dma_start3A_1702 = arith.constant 1 : i32
      %dma_start3A_1703 = arith.constant 0 : i32
      %dma_start3A_1704 = arith.constant 0 : i32
      %dma_start3A_1705 = tpu.memref_slice %arg6[%dma_start3A_1701, %dma_start3A_1703, %dma_start3A_1704] : memref<7x128x128xf32, #tpu.memory_space<vmem>> -> memref<1x128x128xf32, #tpu.memory_space<vmem>>
      %dma_start3A_1706 = tpu.memref_squeeze %dma_start3A_1705 : memref<1x128x128xf32, #tpu.memory_space<vmem>> -> memref<128x128xf32, #tpu.memory_space<vmem>>
      %dma_start3A_1707 = arith.constant 0 : i32
      %dma_start3A_1708 = tpu.memref_slice %arg4[%mul3A_992, %dma_start3A_1707] : memref<100000x128xf32, #tpu.memory_space<hbm>> -> memref<128x128xf32, #tpu.memory_space<hbm>>
      %dma_start3A_1709 = tpu.memref_slice %arg9[%dma_start3A_1702] : memref<7x!tpu.dma_semaphore, #tpu.memory_space<semaphore_mem>> -> memref<1x!tpu.dma_semaphore, #tpu.memory_space<semaphore_mem>>
      %dma_start3A_1710 = tpu.memref_squeeze %dma_start3A_1709 : memref<1x!tpu.dma_semaphore, #tpu.memory_space<semaphore_mem>> -> memref<!tpu.dma_semaphore, #tpu.memory_space<semaphore_mem>>
      %dma_start3A_1711 = arith.constant 0 : i32
      %dma_start3A_1712 = tpu.memref_slice %arg4[%mul3A_992, %dma_start3A_1711] : memref<100000x128xf32, #tpu.memory_space<hbm>> -> memref<128x128xf32, #tpu.memory_space<hbm>>
      %dma_start3A_1713 = arith.constant 0 : i32
      %dma_start3A_1714 = arith.constant 0 : i32
      %dma_start3A_1715 = tpu.memref_slice %arg6[%dma_start3A_1701, %dma_start3A_1713, %dma_start3A_1714] : memref<7x128x128xf32, #tpu.memory_space<vmem>> -> memref<1x128x128xf32, #tpu.memory_space<vmem>>
      %dma_start3A_1716 = tpu.memref_squeeze %dma_start3A_1715 : memref<1x128x128xf32, #tpu.memory_space<vmem>> -> memref<128x128xf32, #tpu.memory_space<vmem>>
      tpu.enqueue_dma source(%dma_start3A_1716 : memref<128x128xf32, #tpu.memory_space<vmem>>) target(%dma_start3A_1712 : memref<128x128xf32, #tpu.memory_space<hbm>>) target_semaphore(%dma_start3A_1710 : memref<!tpu.dma_semaphore, #tpu.memory_space<semaphore_mem>>)
    } else {
    }
    %lt3A_1000 = arith.constant 100000 : i32
    %lt3A_1001 = arith.cmpi slt, %mul3A_992, %lt3A_1000 : i32
    %add3A_1002 = arith.constant 128 : i32
    %add3A_1003 = arith.addi %mul3A_992, %add3A_1002 : i32
    %gt3A_1004 = arith.constant 100000 : i32
    %gt3A_1005 = arith.cmpi sgt, %add3A_1003, %gt3A_1004 : i32
    %and3A_1006 = arith.andi %lt3A_1001, %gt3A_1005 : i1
    %convert_element_type3A_1007 = arith.extui %and3A_1006 : i1 to i32
    %cond3A_1008 = arith.constant 0 : i32
    %cond3A_1009 = arith.cmpi ne, %convert_element_type3A_1007, %cond3A_1008 : i32
    scf.if %cond3A_1009 {
      %dma_start3A_1701 = arith.constant 1 : i32
      %dma_start3A_1702 = arith.constant 1 : i32
      %dma_start3A_1703 = arith.constant 0 : i32
      %dma_start3A_1704 = arith.constant 0 : i32
      %dma_start3A_1705 = tpu.memref_slice %arg6[%dma_start3A_1701, %dma_start3A_1703, %dma_start3A_1704] : memref<7x128x128xf32, #tpu.memory_space<vmem>> -> memref<1x32x128xf32, #tpu.memory_space<vmem>>
      %dma_start3A_1706 = tpu.memref_squeeze %dma_start3A_1705 : memref<1x32x128xf32, #tpu.memory_space<vmem>> -> memref<32x128xf32, #tpu.memory_space<vmem>>
      %dma_start3A_1707 = arith.constant 0 : i32
      %dma_start3A_1708 = tpu.memref_slice %arg4[%mul3A_992, %dma_start3A_1707] : memref<100000x128xf32, #tpu.memory_space<hbm>> -> memref<32x128xf32, #tpu.memory_space<hbm>>
      %dma_start3A_1709 = tpu.memref_slice %arg9[%dma_start3A_1702] : memref<7x!tpu.dma_semaphore, #tpu.memory_space<semaphore_mem>> -> memref<1x!tpu.dma_semaphore, #tpu.memory_space<semaphore_mem>>
      %dma_start3A_1710 = tpu.memref_squeeze %dma_start3A_1709 : memref<1x!tpu.dma_semaphore, #tpu.memory_space<semaphore_mem>> -> memref<!tpu.dma_semaphore, #tpu.memory_space<semaphore_mem>>
      %dma_start3A_1711 = arith.constant 0 : i32
      %dma_start3A_1712 = tpu.memref_slice %arg4[%mul3A_992, %dma_start3A_1711] : memref<100000x128xf32, #tpu.memory_space<hbm>> -> memref<32x128xf32, #tpu.memory_space<hbm>>
      %dma_start3A_1713 = arith.constant 0 : i32
      %dma_start3A_1714 = arith.constant 0 : i32
      %dma_start3A_1715 = tpu.memref_slice %arg6[%dma_start3A_1701, %dma_start3A_1713, %dma_start3A_1714] : memref<7x128x128xf32, #tpu.memory_space<vmem>> -> memref<1x32x128xf32, #tpu.memory_space<vmem>>
      %dma_start3A_1716 = tpu.memref_squeeze %dma_start3A_1715 : memref<1x32x128xf32, #tpu.memory_space<vmem>> -> memref<32x128xf32, #tpu.memory_space<vmem>>
      tpu.enqueue_dma source(%dma_start3A_1716 : memref<32x128xf32, #tpu.memory_space<vmem>>) target(%dma_start3A_1712 : memref<32x128xf32, #tpu.memory_space<hbm>>) target_semaphore(%dma_start3A_1710 : memref<!tpu.dma_semaphore, #tpu.memory_space<semaphore_mem>>)
    } else {
    }
    %add3A_1010 = arith.constant 11 : i32
    %add3A_1011 = arith.addi %mul3A_4, %add3A_1010 : i32
    %mul3A_1012 = arith.constant 128 : i32
    %mul3A_1013 = arith.muli %add3A_1011, %mul3A_1012 : i32
    %add3A_1014 = arith.constant 128 : i32
    %add3A_1015 = arith.addi %mul3A_1013, %add3A_1014 : i32
    %le3A_1016 = arith.constant 100000 : i32
    %le3A_1017 = arith.cmpi sle, %add3A_1015, %le3A_1016 : i32
    %convert_element_type3A_1018 = arith.extui %le3A_1017 : i1 to i32
    %cond3A_1019 = arith.constant 0 : i32
    %cond3A_1020 = arith.cmpi ne, %convert_element_type3A_1018, %cond3A_1019 : i32
    scf.if %cond3A_1020 {
      %dma_wait3A_1701 = arith.constant 4 : i32
      %dma_wait3A_1702 = arith.constant 4 : i32
      %dma_wait3A_1703 = arith.constant 0 : i32
      %dma_wait3A_1704 = arith.constant 0 : i32
      %dma_wait3A_1705 = tpu.memref_slice %arg6[%dma_wait3A_1701, %dma_wait3A_1703, %dma_wait3A_1704] : memref<7x128x128xf32, #tpu.memory_space<vmem>> -> memref<1x128x128xf32, #tpu.memory_space<vmem>>
      %dma_wait3A_1706 = tpu.memref_squeeze %dma_wait3A_1705 : memref<1x128x128xf32, #tpu.memory_space<vmem>> -> memref<128x128xf32, #tpu.memory_space<vmem>>
      %dma_wait3A_1707 = arith.constant 0 : i32
      %dma_wait3A_1708 = tpu.memref_slice %arg4[%mul3A_1013, %dma_wait3A_1707] : memref<100000x128xf32, #tpu.memory_space<hbm>> -> memref<128x128xf32, #tpu.memory_space<hbm>>
      %dma_wait3A_1709 = tpu.memref_slice %arg9[%dma_wait3A_1702] : memref<7x!tpu.dma_semaphore, #tpu.memory_space<semaphore_mem>> -> memref<1x!tpu.dma_semaphore, #tpu.memory_space<semaphore_mem>>
      %dma_wait3A_1710 = tpu.memref_squeeze %dma_wait3A_1709 : memref<1x!tpu.dma_semaphore, #tpu.memory_space<semaphore_mem>> -> memref<!tpu.dma_semaphore, #tpu.memory_space<semaphore_mem>>
      %dma_wait3A_1711 = arith.constant 0 : i32
      %dma_wait3A_1712 = tpu.memref_slice %arg4[%mul3A_1013, %dma_wait3A_1711] : memref<100000x128xf32, #tpu.memory_space<hbm>> -> memref<128x128xf32, #tpu.memory_space<hbm>>
      %dma_wait3A_1713 = arith.constant 0 : i32
      %dma_wait3A_1714 = arith.constant 0 : i32
      %dma_wait3A_1715 = tpu.memref_slice %arg6[%dma_wait3A_1701, %dma_wait3A_1713, %dma_wait3A_1714] : memref<7x128x128xf32, #tpu.memory_space<vmem>> -> memref<1x128x128xf32, #tpu.memory_space<vmem>>
      %dma_wait3A_1716 = tpu.memref_squeeze %dma_wait3A_1715 : memref<1x128x128xf32, #tpu.memory_space<vmem>> -> memref<128x128xf32, #tpu.memory_space<vmem>>
      tpu.wait_dma2 semaphore(%dma_wait3A_1710 : memref<!tpu.dma_semaphore, #tpu.memory_space<semaphore_mem>>) src(%dma_wait3A_1716 : memref<128x128xf32, #tpu.memory_space<vmem>>) dst(%dma_wait3A_1712 : memref<128x128xf32, #tpu.memory_space<hbm>>)
    } else {
    }
    %lt3A_1021 = arith.constant 100000 : i32
    %lt3A_1022 = arith.cmpi slt, %mul3A_1013, %lt3A_1021 : i32
    %add3A_1023 = arith.constant 128 : i32
    %add3A_1024 = arith.addi %mul3A_1013, %add3A_1023 : i32
    %gt3A_1025 = arith.constant 100000 : i32
    %gt3A_1026 = arith.cmpi sgt, %add3A_1024, %gt3A_1025 : i32
    %and3A_1027 = arith.andi %lt3A_1022, %gt3A_1026 : i1
    %convert_element_type3A_1028 = arith.extui %and3A_1027 : i1 to i32
    %cond3A_1029 = arith.constant 0 : i32
    %cond3A_1030 = arith.cmpi ne, %convert_element_type3A_1028, %cond3A_1029 : i32
    scf.if %cond3A_1030 {
      %dma_wait3A_1701 = arith.constant 4 : i32
      %dma_wait3A_1702 = arith.constant 4 : i32
      %dma_wait3A_1703 = arith.constant 0 : i32
      %dma_wait3A_1704 = arith.constant 0 : i32
      %dma_wait3A_1705 = tpu.memref_slice %arg6[%dma_wait3A_1701, %dma_wait3A_1703, %dma_wait3A_1704] : memref<7x128x128xf32, #tpu.memory_space<vmem>> -> memref<1x32x128xf32, #tpu.memory_space<vmem>>
      %dma_wait3A_1706 = tpu.memref_squeeze %dma_wait3A_1705 : memref<1x32x128xf32, #tpu.memory_space<vmem>> -> memref<32x128xf32, #tpu.memory_space<vmem>>
      %dma_wait3A_1707 = arith.constant 0 : i32
      %dma_wait3A_1708 = tpu.memref_slice %arg4[%mul3A_1013, %dma_wait3A_1707] : memref<100000x128xf32, #tpu.memory_space<hbm>> -> memref<32x128xf32, #tpu.memory_space<hbm>>
      %dma_wait3A_1709 = tpu.memref_slice %arg9[%dma_wait3A_1702] : memref<7x!tpu.dma_semaphore, #tpu.memory_space<semaphore_mem>> -> memref<1x!tpu.dma_semaphore, #tpu.memory_space<semaphore_mem>>
      %dma_wait3A_1710 = tpu.memref_squeeze %dma_wait3A_1709 : memref<1x!tpu.dma_semaphore, #tpu.memory_space<semaphore_mem>> -> memref<!tpu.dma_semaphore, #tpu.memory_space<semaphore_mem>>
      %dma_wait3A_1711 = arith.constant 0 : i32
      %dma_wait3A_1712 = tpu.memref_slice %arg4[%mul3A_1013, %dma_wait3A_1711] : memref<100000x128xf32, #tpu.memory_space<hbm>> -> memref<32x128xf32, #tpu.memory_space<hbm>>
      %dma_wait3A_1713 = arith.constant 0 : i32
      %dma_wait3A_1714 = arith.constant 0 : i32
      %dma_wait3A_1715 = tpu.memref_slice %arg6[%dma_wait3A_1701, %dma_wait3A_1713, %dma_wait3A_1714] : memref<7x128x128xf32, #tpu.memory_space<vmem>> -> memref<1x32x128xf32, #tpu.memory_space<vmem>>
      %dma_wait3A_1716 = tpu.memref_squeeze %dma_wait3A_1715 : memref<1x32x128xf32, #tpu.memory_space<vmem>> -> memref<32x128xf32, #tpu.memory_space<vmem>>
      tpu.wait_dma2 semaphore(%dma_wait3A_1710 : memref<!tpu.dma_semaphore, #tpu.memory_space<semaphore_mem>>) src(%dma_wait3A_1716 : memref<32x128xf32, #tpu.memory_space<vmem>>) dst(%dma_wait3A_1712 : memref<32x128xf32, #tpu.memory_space<hbm>>)
    } else {
    }
    %dma_start3A_1031 = arith.constant 4 : i32
    %dma_start3A_1032 = arith.constant 4 : i32
    %dma_start3A_1033 = arith.constant 0 : i32
    %dma_start3A_1034 = arith.constant 0 : i32
    %dma_start3A_1035 = tpu.memref_slice %arg6[%dma_start3A_1031, %dma_start3A_1033, %dma_start3A_1034] : memref<7x128x128xf32, #tpu.memory_space<vmem>> -> memref<1x128x128xf32, #tpu.memory_space<vmem>>
    %dma_start3A_1036 = tpu.memref_squeeze %dma_start3A_1035 : memref<1x128x128xf32, #tpu.memory_space<vmem>> -> memref<128x128xf32, #tpu.memory_space<vmem>>
    %dma_start3A_1037 = arith.constant 2304 : i32
    %dma_start3A_1038 = tpu.memref_slice %arg5[%dma_start3A_1037] : memref<3200xi32, #tpu.memory_space<vmem>> -> memref<128xi32, #tpu.memory_space<vmem>>
    %dma_start3A_1039 = arith.constant 0 : i32
    %dma_start3A_1040 = arith.constant 0 : i32
    %dma_start3A_1041 = tpu.memref_slice %arg7[%dma_start3A_1039, %dma_start3A_1040] : memref<100x128xf32, #tpu.memory_space<vmem_shared>> -> memref<100x128xf32, #tpu.memory_space<vmem_shared>>
    %dma_start3A_1042 = tpu.memref_slice %arg8[%dma_start3A_1032] : memref<7x!tpu.dma_semaphore, #tpu.memory_space<semaphore_mem>> -> memref<1x!tpu.dma_semaphore, #tpu.memory_space<semaphore_mem>>
    %dma_start3A_1043 = tpu.memref_squeeze %dma_start3A_1042 : memref<1x!tpu.dma_semaphore, #tpu.memory_space<semaphore_mem>> -> memref<!tpu.dma_semaphore, #tpu.memory_space<semaphore_mem>>
    tpu.enqueue_indirect_dma source(%dma_start3A_1041 : memref<100x128xf32, #tpu.memory_space<vmem_shared>>) target(%dma_start3A_1036 : memref<128x128xf32, #tpu.memory_space<vmem>>) offsets(%dma_start3A_1038 : memref<128xi32, #tpu.memory_space<vmem>>) semaphore(%dma_start3A_1043 : memref<!tpu.dma_semaphore, #tpu.memory_space<semaphore_mem>>)
    %dma_wait3A_1044 = arith.constant 2 : i32
    %dma_wait3A_1045 = arith.constant 2 : i32
    %dma_wait3A_1046 = arith.constant 0 : i32
    %dma_wait3A_1047 = arith.constant 0 : i32
    %dma_wait3A_1048 = tpu.memref_slice %arg6[%dma_wait3A_1044, %dma_wait3A_1046, %dma_wait3A_1047] : memref<7x128x128xf32, #tpu.memory_space<vmem>> -> memref<1x128x128xf32, #tpu.memory_space<vmem>>
    %dma_wait3A_1049 = tpu.memref_squeeze %dma_wait3A_1048 : memref<1x128x128xf32, #tpu.memory_space<vmem>> -> memref<128x128xf32, #tpu.memory_space<vmem>>
    %dma_wait3A_1050 = arith.constant 2048 : i32
    %dma_wait3A_1051 = tpu.memref_slice %arg5[%dma_wait3A_1050] : memref<3200xi32, #tpu.memory_space<vmem>> -> memref<128xi32, #tpu.memory_space<vmem>>
    %dma_wait3A_1052 = arith.constant 0 : i32
    %dma_wait3A_1053 = arith.constant 0 : i32
    %dma_wait3A_1054 = tpu.memref_slice %arg7[%dma_wait3A_1052, %dma_wait3A_1053] : memref<100x128xf32, #tpu.memory_space<vmem_shared>> -> memref<100x128xf32, #tpu.memory_space<vmem_shared>>
    %dma_wait3A_1055 = tpu.memref_slice %arg8[%dma_wait3A_1045] : memref<7x!tpu.dma_semaphore, #tpu.memory_space<semaphore_mem>> -> memref<1x!tpu.dma_semaphore, #tpu.memory_space<semaphore_mem>>
    %dma_wait3A_1056 = tpu.memref_squeeze %dma_wait3A_1055 : memref<1x!tpu.dma_semaphore, #tpu.memory_space<semaphore_mem>> -> memref<!tpu.dma_semaphore, #tpu.memory_space<semaphore_mem>>
    tpu.wait_indirect_dma semaphore(%dma_wait3A_1056 : memref<!tpu.dma_semaphore, #tpu.memory_space<semaphore_mem>>) src(%dma_wait3A_1054 : memref<100x128xf32, #tpu.memory_space<vmem_shared>>) dst(%dma_wait3A_1049 : memref<128x128xf32, #tpu.memory_space<vmem>>)
    %add3A_1057 = arith.constant 16 : i32
    %add3A_1058 = arith.addi %mul3A_4, %add3A_1057 : i32
    %mul3A_1059 = arith.constant 128 : i32
    %mul3A_1060 = arith.muli %add3A_1058, %mul3A_1059 : i32
    %add3A_1061 = arith.constant 128 : i32
    %add3A_1062 = arith.addi %mul3A_1060, %add3A_1061 : i32
    %le3A_1063 = arith.constant 100000 : i32
    %le3A_1064 = arith.cmpi sle, %add3A_1062, %le3A_1063 : i32
    %convert_element_type3A_1065 = arith.extui %le3A_1064 : i1 to i32
    %cond3A_1066 = arith.constant 0 : i32
    %cond3A_1067 = arith.cmpi ne, %convert_element_type3A_1065, %cond3A_1066 : i32
    scf.if %cond3A_1067 {
      %dma_start3A_1701 = arith.constant 2 : i32
      %dma_start3A_1702 = arith.constant 2 : i32
      %dma_start3A_1703 = arith.constant 0 : i32
      %dma_start3A_1704 = arith.constant 0 : i32
      %dma_start3A_1705 = tpu.memref_slice %arg6[%dma_start3A_1701, %dma_start3A_1703, %dma_start3A_1704] : memref<7x128x128xf32, #tpu.memory_space<vmem>> -> memref<1x128x128xf32, #tpu.memory_space<vmem>>
      %dma_start3A_1706 = tpu.memref_squeeze %dma_start3A_1705 : memref<1x128x128xf32, #tpu.memory_space<vmem>> -> memref<128x128xf32, #tpu.memory_space<vmem>>
      %dma_start3A_1707 = arith.constant 0 : i32
      %dma_start3A_1708 = tpu.memref_slice %arg4[%mul3A_1060, %dma_start3A_1707] : memref<100000x128xf32, #tpu.memory_space<hbm>> -> memref<128x128xf32, #tpu.memory_space<hbm>>
      %dma_start3A_1709 = tpu.memref_slice %arg9[%dma_start3A_1702] : memref<7x!tpu.dma_semaphore, #tpu.memory_space<semaphore_mem>> -> memref<1x!tpu.dma_semaphore, #tpu.memory_space<semaphore_mem>>
      %dma_start3A_1710 = tpu.memref_squeeze %dma_start3A_1709 : memref<1x!tpu.dma_semaphore, #tpu.memory_space<semaphore_mem>> -> memref<!tpu.dma_semaphore, #tpu.memory_space<semaphore_mem>>
      %dma_start3A_1711 = arith.constant 0 : i32
      %dma_start3A_1712 = tpu.memref_slice %arg4[%mul3A_1060, %dma_start3A_1711] : memref<100000x128xf32, #tpu.memory_space<hbm>> -> memref<128x128xf32, #tpu.memory_space<hbm>>
      %dma_start3A_1713 = arith.constant 0 : i32
      %dma_start3A_1714 = arith.constant 0 : i32
      %dma_start3A_1715 = tpu.memref_slice %arg6[%dma_start3A_1701, %dma_start3A_1713, %dma_start3A_1714] : memref<7x128x128xf32, #tpu.memory_space<vmem>> -> memref<1x128x128xf32, #tpu.memory_space<vmem>>
      %dma_start3A_1716 = tpu.memref_squeeze %dma_start3A_1715 : memref<1x128x128xf32, #tpu.memory_space<vmem>> -> memref<128x128xf32, #tpu.memory_space<vmem>>
      tpu.enqueue_dma source(%dma_start3A_1716 : memref<128x128xf32, #tpu.memory_space<vmem>>) target(%dma_start3A_1712 : memref<128x128xf32, #tpu.memory_space<hbm>>) target_semaphore(%dma_start3A_1710 : memref<!tpu.dma_semaphore, #tpu.memory_space<semaphore_mem>>)
    } else {
    }
    %lt3A_1068 = arith.constant 100000 : i32
    %lt3A_1069 = arith.cmpi slt, %mul3A_1060, %lt3A_1068 : i32
    %add3A_1070 = arith.constant 128 : i32
    %add3A_1071 = arith.addi %mul3A_1060, %add3A_1070 : i32
    %gt3A_1072 = arith.constant 100000 : i32
    %gt3A_1073 = arith.cmpi sgt, %add3A_1071, %gt3A_1072 : i32
    %and3A_1074 = arith.andi %lt3A_1069, %gt3A_1073 : i1
    %convert_element_type3A_1075 = arith.extui %and3A_1074 : i1 to i32
    %cond3A_1076 = arith.constant 0 : i32
    %cond3A_1077 = arith.cmpi ne, %convert_element_type3A_1075, %cond3A_1076 : i32
    scf.if %cond3A_1077 {
      %dma_start3A_1701 = arith.constant 2 : i32
      %dma_start3A_1702 = arith.constant 2 : i32
      %dma_start3A_1703 = arith.constant 0 : i32
      %dma_start3A_1704 = arith.constant 0 : i32
      %dma_start3A_1705 = tpu.memref_slice %arg6[%dma_start3A_1701, %dma_start3A_1703, %dma_start3A_1704] : memref<7x128x128xf32, #tpu.memory_space<vmem>> -> memref<1x32x128xf32, #tpu.memory_space<vmem>>
      %dma_start3A_1706 = tpu.memref_squeeze %dma_start3A_1705 : memref<1x32x128xf32, #tpu.memory_space<vmem>> -> memref<32x128xf32, #tpu.memory_space<vmem>>
      %dma_start3A_1707 = arith.constant 0 : i32
      %dma_start3A_1708 = tpu.memref_slice %arg4[%mul3A_1060, %dma_start3A_1707] : memref<100000x128xf32, #tpu.memory_space<hbm>> -> memref<32x128xf32, #tpu.memory_space<hbm>>
      %dma_start3A_1709 = tpu.memref_slice %arg9[%dma_start3A_1702] : memref<7x!tpu.dma_semaphore, #tpu.memory_space<semaphore_mem>> -> memref<1x!tpu.dma_semaphore, #tpu.memory_space<semaphore_mem>>
      %dma_start3A_1710 = tpu.memref_squeeze %dma_start3A_1709 : memref<1x!tpu.dma_semaphore, #tpu.memory_space<semaphore_mem>> -> memref<!tpu.dma_semaphore, #tpu.memory_space<semaphore_mem>>
      %dma_start3A_1711 = arith.constant 0 : i32
      %dma_start3A_1712 = tpu.memref_slice %arg4[%mul3A_1060, %dma_start3A_1711] : memref<100000x128xf32, #tpu.memory_space<hbm>> -> memref<32x128xf32, #tpu.memory_space<hbm>>
      %dma_start3A_1713 = arith.constant 0 : i32
      %dma_start3A_1714 = arith.constant 0 : i32
      %dma_start3A_1715 = tpu.memref_slice %arg6[%dma_start3A_1701, %dma_start3A_1713, %dma_start3A_1714] : memref<7x128x128xf32, #tpu.memory_space<vmem>> -> memref<1x32x128xf32, #tpu.memory_space<vmem>>
      %dma_start3A_1716 = tpu.memref_squeeze %dma_start3A_1715 : memref<1x32x128xf32, #tpu.memory_space<vmem>> -> memref<32x128xf32, #tpu.memory_space<vmem>>
      tpu.enqueue_dma source(%dma_start3A_1716 : memref<32x128xf32, #tpu.memory_space<vmem>>) target(%dma_start3A_1712 : memref<32x128xf32, #tpu.memory_space<hbm>>) target_semaphore(%dma_start3A_1710 : memref<!tpu.dma_semaphore, #tpu.memory_space<semaphore_mem>>)
    } else {
    }
    %add3A_1078 = arith.constant 12 : i32
    %add3A_1079 = arith.addi %mul3A_4, %add3A_1078 : i32
    %mul3A_1080 = arith.constant 128 : i32
    %mul3A_1081 = arith.muli %add3A_1079, %mul3A_1080 : i32
    %add3A_1082 = arith.constant 128 : i32
    %add3A_1083 = arith.addi %mul3A_1081, %add3A_1082 : i32
    %le3A_1084 = arith.constant 100000 : i32
    %le3A_1085 = arith.cmpi sle, %add3A_1083, %le3A_1084 : i32
    %convert_element_type3A_1086 = arith.extui %le3A_1085 : i1 to i32
    %cond3A_1087 = arith.constant 0 : i32
    %cond3A_1088 = arith.cmpi ne, %convert_element_type3A_1086, %cond3A_1087 : i32
    scf.if %cond3A_1088 {
      %dma_wait3A_1701 = arith.constant 5 : i32
      %dma_wait3A_1702 = arith.constant 5 : i32
      %dma_wait3A_1703 = arith.constant 0 : i32
      %dma_wait3A_1704 = arith.constant 0 : i32
      %dma_wait3A_1705 = tpu.memref_slice %arg6[%dma_wait3A_1701, %dma_wait3A_1703, %dma_wait3A_1704] : memref<7x128x128xf32, #tpu.memory_space<vmem>> -> memref<1x128x128xf32, #tpu.memory_space<vmem>>
      %dma_wait3A_1706 = tpu.memref_squeeze %dma_wait3A_1705 : memref<1x128x128xf32, #tpu.memory_space<vmem>> -> memref<128x128xf32, #tpu.memory_space<vmem>>
      %dma_wait3A_1707 = arith.constant 0 : i32
      %dma_wait3A_1708 = tpu.memref_slice %arg4[%mul3A_1081, %dma_wait3A_1707] : memref<100000x128xf32, #tpu.memory_space<hbm>> -> memref<128x128xf32, #tpu.memory_space<hbm>>
      %dma_wait3A_1709 = tpu.memref_slice %arg9[%dma_wait3A_1702] : memref<7x!tpu.dma_semaphore, #tpu.memory_space<semaphore_mem>> -> memref<1x!tpu.dma_semaphore, #tpu.memory_space<semaphore_mem>>
      %dma_wait3A_1710 = tpu.memref_squeeze %dma_wait3A_1709 : memref<1x!tpu.dma_semaphore, #tpu.memory_space<semaphore_mem>> -> memref<!tpu.dma_semaphore, #tpu.memory_space<semaphore_mem>>
      %dma_wait3A_1711 = arith.constant 0 : i32
      %dma_wait3A_1712 = tpu.memref_slice %arg4[%mul3A_1081, %dma_wait3A_1711] : memref<100000x128xf32, #tpu.memory_space<hbm>> -> memref<128x128xf32, #tpu.memory_space<hbm>>
      %dma_wait3A_1713 = arith.constant 0 : i32
      %dma_wait3A_1714 = arith.constant 0 : i32
      %dma_wait3A_1715 = tpu.memref_slice %arg6[%dma_wait3A_1701, %dma_wait3A_1713, %dma_wait3A_1714] : memref<7x128x128xf32, #tpu.memory_space<vmem>> -> memref<1x128x128xf32, #tpu.memory_space<vmem>>
      %dma_wait3A_1716 = tpu.memref_squeeze %dma_wait3A_1715 : memref<1x128x128xf32, #tpu.memory_space<vmem>> -> memref<128x128xf32, #tpu.memory_space<vmem>>
      tpu.wait_dma2 semaphore(%dma_wait3A_1710 : memref<!tpu.dma_semaphore, #tpu.memory_space<semaphore_mem>>) src(%dma_wait3A_1716 : memref<128x128xf32, #tpu.memory_space<vmem>>) dst(%dma_wait3A_1712 : memref<128x128xf32, #tpu.memory_space<hbm>>)
    } else {
    }
    %lt3A_1089 = arith.constant 100000 : i32
    %lt3A_1090 = arith.cmpi slt, %mul3A_1081, %lt3A_1089 : i32
    %add3A_1091 = arith.constant 128 : i32
    %add3A_1092 = arith.addi %mul3A_1081, %add3A_1091 : i32
    %gt3A_1093 = arith.constant 100000 : i32
    %gt3A_1094 = arith.cmpi sgt, %add3A_1092, %gt3A_1093 : i32
    %and3A_1095 = arith.andi %lt3A_1090, %gt3A_1094 : i1
    %convert_element_type3A_1096 = arith.extui %and3A_1095 : i1 to i32
    %cond3A_1097 = arith.constant 0 : i32
    %cond3A_1098 = arith.cmpi ne, %convert_element_type3A_1096, %cond3A_1097 : i32
    scf.if %cond3A_1098 {
      %dma_wait3A_1701 = arith.constant 5 : i32
      %dma_wait3A_1702 = arith.constant 5 : i32
      %dma_wait3A_1703 = arith.constant 0 : i32
      %dma_wait3A_1704 = arith.constant 0 : i32
      %dma_wait3A_1705 = tpu.memref_slice %arg6[%dma_wait3A_1701, %dma_wait3A_1703, %dma_wait3A_1704] : memref<7x128x128xf32, #tpu.memory_space<vmem>> -> memref<1x32x128xf32, #tpu.memory_space<vmem>>
      %dma_wait3A_1706 = tpu.memref_squeeze %dma_wait3A_1705 : memref<1x32x128xf32, #tpu.memory_space<vmem>> -> memref<32x128xf32, #tpu.memory_space<vmem>>
      %dma_wait3A_1707 = arith.constant 0 : i32
      %dma_wait3A_1708 = tpu.memref_slice %arg4[%mul3A_1081, %dma_wait3A_1707] : memref<100000x128xf32, #tpu.memory_space<hbm>> -> memref<32x128xf32, #tpu.memory_space<hbm>>
      %dma_wait3A_1709 = tpu.memref_slice %arg9[%dma_wait3A_1702] : memref<7x!tpu.dma_semaphore, #tpu.memory_space<semaphore_mem>> -> memref<1x!tpu.dma_semaphore, #tpu.memory_space<semaphore_mem>>
      %dma_wait3A_1710 = tpu.memref_squeeze %dma_wait3A_1709 : memref<1x!tpu.dma_semaphore, #tpu.memory_space<semaphore_mem>> -> memref<!tpu.dma_semaphore, #tpu.memory_space<semaphore_mem>>
      %dma_wait3A_1711 = arith.constant 0 : i32
      %dma_wait3A_1712 = tpu.memref_slice %arg4[%mul3A_1081, %dma_wait3A_1711] : memref<100000x128xf32, #tpu.memory_space<hbm>> -> memref<32x128xf32, #tpu.memory_space<hbm>>
      %dma_wait3A_1713 = arith.constant 0 : i32
      %dma_wait3A_1714 = arith.constant 0 : i32
      %dma_wait3A_1715 = tpu.memref_slice %arg6[%dma_wait3A_1701, %dma_wait3A_1713, %dma_wait3A_1714] : memref<7x128x128xf32, #tpu.memory_space<vmem>> -> memref<1x32x128xf32, #tpu.memory_space<vmem>>
      %dma_wait3A_1716 = tpu.memref_squeeze %dma_wait3A_1715 : memref<1x32x128xf32, #tpu.memory_space<vmem>> -> memref<32x128xf32, #tpu.memory_space<vmem>>
      tpu.wait_dma2 semaphore(%dma_wait3A_1710 : memref<!tpu.dma_semaphore, #tpu.memory_space<semaphore_mem>>) src(%dma_wait3A_1716 : memref<32x128xf32, #tpu.memory_space<vmem>>) dst(%dma_wait3A_1712 : memref<32x128xf32, #tpu.memory_space<hbm>>)
    } else {
    }
    %dma_start3A_1099 = arith.constant 5 : i32
    %dma_start3A_1100 = arith.constant 5 : i32
    %dma_start3A_1101 = arith.constant 0 : i32
    %dma_start3A_1102 = arith.constant 0 : i32
    %dma_start3A_1103 = tpu.memref_slice %arg6[%dma_start3A_1099, %dma_start3A_1101, %dma_start3A_1102] : memref<7x128x128xf32, #tpu.memory_space<vmem>> -> memref<1x128x128xf32, #tpu.memory_space<vmem>>
    %dma_start3A_1104 = tpu.memref_squeeze %dma_start3A_1103 : memref<1x128x128xf32, #tpu.memory_space<vmem>> -> memref<128x128xf32, #tpu.memory_space<vmem>>
    %dma_start3A_1105 = arith.constant 2432 : i32
    %dma_start3A_1106 = tpu.memref_slice %arg5[%dma_start3A_1105] : memref<3200xi32, #tpu.memory_space<vmem>> -> memref<128xi32, #tpu.memory_space<vmem>>
    %dma_start3A_1107 = arith.constant 0 : i32
    %dma_start3A_1108 = arith.constant 0 : i32
    %dma_start3A_1109 = tpu.memref_slice %arg7[%dma_start3A_1107, %dma_start3A_1108] : memref<100x128xf32, #tpu.memory_space<vmem_shared>> -> memref<100x128xf32, #tpu.memory_space<vmem_shared>>
    %dma_start3A_1110 = tpu.memref_slice %arg8[%dma_start3A_1100] : memref<7x!tpu.dma_semaphore, #tpu.memory_space<semaphore_mem>> -> memref<1x!tpu.dma_semaphore, #tpu.memory_space<semaphore_mem>>
    %dma_start3A_1111 = tpu.memref_squeeze %dma_start3A_1110 : memref<1x!tpu.dma_semaphore, #tpu.memory_space<semaphore_mem>> -> memref<!tpu.dma_semaphore, #tpu.memory_space<semaphore_mem>>
    tpu.enqueue_indirect_dma source(%dma_start3A_1109 : memref<100x128xf32, #tpu.memory_space<vmem_shared>>) target(%dma_start3A_1104 : memref<128x128xf32, #tpu.memory_space<vmem>>) offsets(%dma_start3A_1106 : memref<128xi32, #tpu.memory_space<vmem>>) semaphore(%dma_start3A_1111 : memref<!tpu.dma_semaphore, #tpu.memory_space<semaphore_mem>>)
    %dma_wait3A_1112 = arith.constant 3 : i32
    %dma_wait3A_1113 = arith.constant 3 : i32
    %dma_wait3A_1114 = arith.constant 0 : i32
    %dma_wait3A_1115 = arith.constant 0 : i32
    %dma_wait3A_1116 = tpu.memref_slice %arg6[%dma_wait3A_1112, %dma_wait3A_1114, %dma_wait3A_1115] : memref<7x128x128xf32, #tpu.memory_space<vmem>> -> memref<1x128x128xf32, #tpu.memory_space<vmem>>
    %dma_wait3A_1117 = tpu.memref_squeeze %dma_wait3A_1116 : memref<1x128x128xf32, #tpu.memory_space<vmem>> -> memref<128x128xf32, #tpu.memory_space<vmem>>
    %dma_wait3A_1118 = arith.constant 2176 : i32
    %dma_wait3A_1119 = tpu.memref_slice %arg5[%dma_wait3A_1118] : memref<3200xi32, #tpu.memory_space<vmem>> -> memref<128xi32, #tpu.memory_space<vmem>>
    %dma_wait3A_1120 = arith.constant 0 : i32
    %dma_wait3A_1121 = arith.constant 0 : i32
    %dma_wait3A_1122 = tpu.memref_slice %arg7[%dma_wait3A_1120, %dma_wait3A_1121] : memref<100x128xf32, #tpu.memory_space<vmem_shared>> -> memref<100x128xf32, #tpu.memory_space<vmem_shared>>
    %dma_wait3A_1123 = tpu.memref_slice %arg8[%dma_wait3A_1113] : memref<7x!tpu.dma_semaphore, #tpu.memory_space<semaphore_mem>> -> memref<1x!tpu.dma_semaphore, #tpu.memory_space<semaphore_mem>>
    %dma_wait3A_1124 = tpu.memref_squeeze %dma_wait3A_1123 : memref<1x!tpu.dma_semaphore, #tpu.memory_space<semaphore_mem>> -> memref<!tpu.dma_semaphore, #tpu.memory_space<semaphore_mem>>
    tpu.wait_indirect_dma semaphore(%dma_wait3A_1124 : memref<!tpu.dma_semaphore, #tpu.memory_space<semaphore_mem>>) src(%dma_wait3A_1122 : memref<100x128xf32, #tpu.memory_space<vmem_shared>>) dst(%dma_wait3A_1117 : memref<128x128xf32, #tpu.memory_space<vmem>>)
    %add3A_1125 = arith.constant 17 : i32
    %add3A_1126 = arith.addi %mul3A_4, %add3A_1125 : i32
    %mul3A_1127 = arith.constant 128 : i32
    %mul3A_1128 = arith.muli %add3A_1126, %mul3A_1127 : i32
    %add3A_1129 = arith.constant 128 : i32
    %add3A_1130 = arith.addi %mul3A_1128, %add3A_1129 : i32
    %le3A_1131 = arith.constant 100000 : i32
    %le3A_1132 = arith.cmpi sle, %add3A_1130, %le3A_1131 : i32
    %convert_element_type3A_1133 = arith.extui %le3A_1132 : i1 to i32
    %cond3A_1134 = arith.constant 0 : i32
    %cond3A_1135 = arith.cmpi ne, %convert_element_type3A_1133, %cond3A_1134 : i32
    scf.if %cond3A_1135 {
      %dma_start3A_1701 = arith.constant 3 : i32
      %dma_start3A_1702 = arith.constant 3 : i32
      %dma_start3A_1703 = arith.constant 0 : i32
      %dma_start3A_1704 = arith.constant 0 : i32
      %dma_start3A_1705 = tpu.memref_slice %arg6[%dma_start3A_1701, %dma_start3A_1703, %dma_start3A_1704] : memref<7x128x128xf32, #tpu.memory_space<vmem>> -> memref<1x128x128xf32, #tpu.memory_space<vmem>>
      %dma_start3A_1706 = tpu.memref_squeeze %dma_start3A_1705 : memref<1x128x128xf32, #tpu.memory_space<vmem>> -> memref<128x128xf32, #tpu.memory_space<vmem>>
      %dma_start3A_1707 = arith.constant 0 : i32
      %dma_start3A_1708 = tpu.memref_slice %arg4[%mul3A_1128, %dma_start3A_1707] : memref<100000x128xf32, #tpu.memory_space<hbm>> -> memref<128x128xf32, #tpu.memory_space<hbm>>
      %dma_start3A_1709 = tpu.memref_slice %arg9[%dma_start3A_1702] : memref<7x!tpu.dma_semaphore, #tpu.memory_space<semaphore_mem>> -> memref<1x!tpu.dma_semaphore, #tpu.memory_space<semaphore_mem>>
      %dma_start3A_1710 = tpu.memref_squeeze %dma_start3A_1709 : memref<1x!tpu.dma_semaphore, #tpu.memory_space<semaphore_mem>> -> memref<!tpu.dma_semaphore, #tpu.memory_space<semaphore_mem>>
      %dma_start3A_1711 = arith.constant 0 : i32
      %dma_start3A_1712 = tpu.memref_slice %arg4[%mul3A_1128, %dma_start3A_1711] : memref<100000x128xf32, #tpu.memory_space<hbm>> -> memref<128x128xf32, #tpu.memory_space<hbm>>
      %dma_start3A_1713 = arith.constant 0 : i32
      %dma_start3A_1714 = arith.constant 0 : i32
      %dma_start3A_1715 = tpu.memref_slice %arg6[%dma_start3A_1701, %dma_start3A_1713, %dma_start3A_1714] : memref<7x128x128xf32, #tpu.memory_space<vmem>> -> memref<1x128x128xf32, #tpu.memory_space<vmem>>
      %dma_start3A_1716 = tpu.memref_squeeze %dma_start3A_1715 : memref<1x128x128xf32, #tpu.memory_space<vmem>> -> memref<128x128xf32, #tpu.memory_space<vmem>>
      tpu.enqueue_dma source(%dma_start3A_1716 : memref<128x128xf32, #tpu.memory_space<vmem>>) target(%dma_start3A_1712 : memref<128x128xf32, #tpu.memory_space<hbm>>) target_semaphore(%dma_start3A_1710 : memref<!tpu.dma_semaphore, #tpu.memory_space<semaphore_mem>>)
    } else {
    }
    %lt3A_1136 = arith.constant 100000 : i32
    %lt3A_1137 = arith.cmpi slt, %mul3A_1128, %lt3A_1136 : i32
    %add3A_1138 = arith.constant 128 : i32
    %add3A_1139 = arith.addi %mul3A_1128, %add3A_1138 : i32
    %gt3A_1140 = arith.constant 100000 : i32
    %gt3A_1141 = arith.cmpi sgt, %add3A_1139, %gt3A_1140 : i32
    %and3A_1142 = arith.andi %lt3A_1137, %gt3A_1141 : i1
    %convert_element_type3A_1143 = arith.extui %and3A_1142 : i1 to i32
    %cond3A_1144 = arith.constant 0 : i32
    %cond3A_1145 = arith.cmpi ne, %convert_element_type3A_1143, %cond3A_1144 : i32
    scf.if %cond3A_1145 {
      %dma_start3A_1701 = arith.constant 3 : i32
      %dma_start3A_1702 = arith.constant 3 : i32
      %dma_start3A_1703 = arith.constant 0 : i32
      %dma_start3A_1704 = arith.constant 0 : i32
      %dma_start3A_1705 = tpu.memref_slice %arg6[%dma_start3A_1701, %dma_start3A_1703, %dma_start3A_1704] : memref<7x128x128xf32, #tpu.memory_space<vmem>> -> memref<1x32x128xf32, #tpu.memory_space<vmem>>
      %dma_start3A_1706 = tpu.memref_squeeze %dma_start3A_1705 : memref<1x32x128xf32, #tpu.memory_space<vmem>> -> memref<32x128xf32, #tpu.memory_space<vmem>>
      %dma_start3A_1707 = arith.constant 0 : i32
      %dma_start3A_1708 = tpu.memref_slice %arg4[%mul3A_1128, %dma_start3A_1707] : memref<100000x128xf32, #tpu.memory_space<hbm>> -> memref<32x128xf32, #tpu.memory_space<hbm>>
      %dma_start3A_1709 = tpu.memref_slice %arg9[%dma_start3A_1702] : memref<7x!tpu.dma_semaphore, #tpu.memory_space<semaphore_mem>> -> memref<1x!tpu.dma_semaphore, #tpu.memory_space<semaphore_mem>>
      %dma_start3A_1710 = tpu.memref_squeeze %dma_start3A_1709 : memref<1x!tpu.dma_semaphore, #tpu.memory_space<semaphore_mem>> -> memref<!tpu.dma_semaphore, #tpu.memory_space<semaphore_mem>>
      %dma_start3A_1711 = arith.constant 0 : i32
      %dma_start3A_1712 = tpu.memref_slice %arg4[%mul3A_1128, %dma_start3A_1711] : memref<100000x128xf32, #tpu.memory_space<hbm>> -> memref<32x128xf32, #tpu.memory_space<hbm>>
      %dma_start3A_1713 = arith.constant 0 : i32
      %dma_start3A_1714 = arith.constant 0 : i32
      %dma_start3A_1715 = tpu.memref_slice %arg6[%dma_start3A_1701, %dma_start3A_1713, %dma_start3A_1714] : memref<7x128x128xf32, #tpu.memory_space<vmem>> -> memref<1x32x128xf32, #tpu.memory_space<vmem>>
      %dma_start3A_1716 = tpu.memref_squeeze %dma_start3A_1715 : memref<1x32x128xf32, #tpu.memory_space<vmem>> -> memref<32x128xf32, #tpu.memory_space<vmem>>
      tpu.enqueue_dma source(%dma_start3A_1716 : memref<32x128xf32, #tpu.memory_space<vmem>>) target(%dma_start3A_1712 : memref<32x128xf32, #tpu.memory_space<hbm>>) target_semaphore(%dma_start3A_1710 : memref<!tpu.dma_semaphore, #tpu.memory_space<semaphore_mem>>)
    } else {
    }
    %add3A_1146 = arith.constant 13 : i32
    %add3A_1147 = arith.addi %mul3A_4, %add3A_1146 : i32
    %mul3A_1148 = arith.constant 128 : i32
    %mul3A_1149 = arith.muli %add3A_1147, %mul3A_1148 : i32
    %add3A_1150 = arith.constant 128 : i32
    %add3A_1151 = arith.addi %mul3A_1149, %add3A_1150 : i32
    %le3A_1152 = arith.constant 100000 : i32
    %le3A_1153 = arith.cmpi sle, %add3A_1151, %le3A_1152 : i32
    %convert_element_type3A_1154 = arith.extui %le3A_1153 : i1 to i32
    %cond3A_1155 = arith.constant 0 : i32
    %cond3A_1156 = arith.cmpi ne, %convert_element_type3A_1154, %cond3A_1155 : i32
    scf.if %cond3A_1156 {
      %dma_wait3A_1701 = arith.constant 6 : i32
      %dma_wait3A_1702 = arith.constant 6 : i32
      %dma_wait3A_1703 = arith.constant 0 : i32
      %dma_wait3A_1704 = arith.constant 0 : i32
      %dma_wait3A_1705 = tpu.memref_slice %arg6[%dma_wait3A_1701, %dma_wait3A_1703, %dma_wait3A_1704] : memref<7x128x128xf32, #tpu.memory_space<vmem>> -> memref<1x128x128xf32, #tpu.memory_space<vmem>>
      %dma_wait3A_1706 = tpu.memref_squeeze %dma_wait3A_1705 : memref<1x128x128xf32, #tpu.memory_space<vmem>> -> memref<128x128xf32, #tpu.memory_space<vmem>>
      %dma_wait3A_1707 = arith.constant 0 : i32
      %dma_wait3A_1708 = tpu.memref_slice %arg4[%mul3A_1149, %dma_wait3A_1707] : memref<100000x128xf32, #tpu.memory_space<hbm>> -> memref<128x128xf32, #tpu.memory_space<hbm>>
      %dma_wait3A_1709 = tpu.memref_slice %arg9[%dma_wait3A_1702] : memref<7x!tpu.dma_semaphore, #tpu.memory_space<semaphore_mem>> -> memref<1x!tpu.dma_semaphore, #tpu.memory_space<semaphore_mem>>
      %dma_wait3A_1710 = tpu.memref_squeeze %dma_wait3A_1709 : memref<1x!tpu.dma_semaphore, #tpu.memory_space<semaphore_mem>> -> memref<!tpu.dma_semaphore, #tpu.memory_space<semaphore_mem>>
      %dma_wait3A_1711 = arith.constant 0 : i32
      %dma_wait3A_1712 = tpu.memref_slice %arg4[%mul3A_1149, %dma_wait3A_1711] : memref<100000x128xf32, #tpu.memory_space<hbm>> -> memref<128x128xf32, #tpu.memory_space<hbm>>
      %dma_wait3A_1713 = arith.constant 0 : i32
      %dma_wait3A_1714 = arith.constant 0 : i32
      %dma_wait3A_1715 = tpu.memref_slice %arg6[%dma_wait3A_1701, %dma_wait3A_1713, %dma_wait3A_1714] : memref<7x128x128xf32, #tpu.memory_space<vmem>> -> memref<1x128x128xf32, #tpu.memory_space<vmem>>
      %dma_wait3A_1716 = tpu.memref_squeeze %dma_wait3A_1715 : memref<1x128x128xf32, #tpu.memory_space<vmem>> -> memref<128x128xf32, #tpu.memory_space<vmem>>
      tpu.wait_dma2 semaphore(%dma_wait3A_1710 : memref<!tpu.dma_semaphore, #tpu.memory_space<semaphore_mem>>) src(%dma_wait3A_1716 : memref<128x128xf32, #tpu.memory_space<vmem>>) dst(%dma_wait3A_1712 : memref<128x128xf32, #tpu.memory_space<hbm>>)
    } else {
    }
    %lt3A_1157 = arith.constant 100000 : i32
    %lt3A_1158 = arith.cmpi slt, %mul3A_1149, %lt3A_1157 : i32
    %add3A_1159 = arith.constant 128 : i32
    %add3A_1160 = arith.addi %mul3A_1149, %add3A_1159 : i32
    %gt3A_1161 = arith.constant 100000 : i32
    %gt3A_1162 = arith.cmpi sgt, %add3A_1160, %gt3A_1161 : i32
    %and3A_1163 = arith.andi %lt3A_1158, %gt3A_1162 : i1
    %convert_element_type3A_1164 = arith.extui %and3A_1163 : i1 to i32
    %cond3A_1165 = arith.constant 0 : i32
    %cond3A_1166 = arith.cmpi ne, %convert_element_type3A_1164, %cond3A_1165 : i32
    scf.if %cond3A_1166 {
      %dma_wait3A_1701 = arith.constant 6 : i32
      %dma_wait3A_1702 = arith.constant 6 : i32
      %dma_wait3A_1703 = arith.constant 0 : i32
      %dma_wait3A_1704 = arith.constant 0 : i32
      %dma_wait3A_1705 = tpu.memref_slice %arg6[%dma_wait3A_1701, %dma_wait3A_1703, %dma_wait3A_1704] : memref<7x128x128xf32, #tpu.memory_space<vmem>> -> memref<1x32x128xf32, #tpu.memory_space<vmem>>
      %dma_wait3A_1706 = tpu.memref_squeeze %dma_wait3A_1705 : memref<1x32x128xf32, #tpu.memory_space<vmem>> -> memref<32x128xf32, #tpu.memory_space<vmem>>
      %dma_wait3A_1707 = arith.constant 0 : i32
      %dma_wait3A_1708 = tpu.memref_slice %arg4[%mul3A_1149, %dma_wait3A_1707] : memref<100000x128xf32, #tpu.memory_space<hbm>> -> memref<32x128xf32, #tpu.memory_space<hbm>>
      %dma_wait3A_1709 = tpu.memref_slice %arg9[%dma_wait3A_1702] : memref<7x!tpu.dma_semaphore, #tpu.memory_space<semaphore_mem>> -> memref<1x!tpu.dma_semaphore, #tpu.memory_space<semaphore_mem>>
      %dma_wait3A_1710 = tpu.memref_squeeze %dma_wait3A_1709 : memref<1x!tpu.dma_semaphore, #tpu.memory_space<semaphore_mem>> -> memref<!tpu.dma_semaphore, #tpu.memory_space<semaphore_mem>>
      %dma_wait3A_1711 = arith.constant 0 : i32
      %dma_wait3A_1712 = tpu.memref_slice %arg4[%mul3A_1149, %dma_wait3A_1711] : memref<100000x128xf32, #tpu.memory_space<hbm>> -> memref<32x128xf32, #tpu.memory_space<hbm>>
      %dma_wait3A_1713 = arith.constant 0 : i32
      %dma_wait3A_1714 = arith.constant 0 : i32
      %dma_wait3A_1715 = tpu.memref_slice %arg6[%dma_wait3A_1701, %dma_wait3A_1713, %dma_wait3A_1714] : memref<7x128x128xf32, #tpu.memory_space<vmem>> -> memref<1x32x128xf32, #tpu.memory_space<vmem>>
      %dma_wait3A_1716 = tpu.memref_squeeze %dma_wait3A_1715 : memref<1x32x128xf32, #tpu.memory_space<vmem>> -> memref<32x128xf32, #tpu.memory_space<vmem>>
      tpu.wait_dma2 semaphore(%dma_wait3A_1710 : memref<!tpu.dma_semaphore, #tpu.memory_space<semaphore_mem>>) src(%dma_wait3A_1716 : memref<32x128xf32, #tpu.memory_space<vmem>>) dst(%dma_wait3A_1712 : memref<32x128xf32, #tpu.memory_space<hbm>>)
    } else {
    }
    %dma_start3A_1167 = arith.constant 6 : i32
    %dma_start3A_1168 = arith.constant 6 : i32
    %dma_start3A_1169 = arith.constant 0 : i32
    %dma_start3A_1170 = arith.constant 0 : i32
    %dma_start3A_1171 = tpu.memref_slice %arg6[%dma_start3A_1167, %dma_start3A_1169, %dma_start3A_1170] : memref<7x128x128xf32, #tpu.memory_space<vmem>> -> memref<1x128x128xf32, #tpu.memory_space<vmem>>
    %dma_start3A_1172 = tpu.memref_squeeze %dma_start3A_1171 : memref<1x128x128xf32, #tpu.memory_space<vmem>> -> memref<128x128xf32, #tpu.memory_space<vmem>>
    %dma_start3A_1173 = arith.constant 2560 : i32
    %dma_start3A_1174 = tpu.memref_slice %arg5[%dma_start3A_1173] : memref<3200xi32, #tpu.memory_space<vmem>> -> memref<128xi32, #tpu.memory_space<vmem>>
    %dma_start3A_1175 = arith.constant 0 : i32
    %dma_start3A_1176 = arith.constant 0 : i32
    %dma_start3A_1177 = tpu.memref_slice %arg7[%dma_start3A_1175, %dma_start3A_1176] : memref<100x128xf32, #tpu.memory_space<vmem_shared>> -> memref<100x128xf32, #tpu.memory_space<vmem_shared>>
    %dma_start3A_1178 = tpu.memref_slice %arg8[%dma_start3A_1168] : memref<7x!tpu.dma_semaphore, #tpu.memory_space<semaphore_mem>> -> memref<1x!tpu.dma_semaphore, #tpu.memory_space<semaphore_mem>>
    %dma_start3A_1179 = tpu.memref_squeeze %dma_start3A_1178 : memref<1x!tpu.dma_semaphore, #tpu.memory_space<semaphore_mem>> -> memref<!tpu.dma_semaphore, #tpu.memory_space<semaphore_mem>>
    tpu.enqueue_indirect_dma source(%dma_start3A_1177 : memref<100x128xf32, #tpu.memory_space<vmem_shared>>) target(%dma_start3A_1172 : memref<128x128xf32, #tpu.memory_space<vmem>>) offsets(%dma_start3A_1174 : memref<128xi32, #tpu.memory_space<vmem>>) semaphore(%dma_start3A_1179 : memref<!tpu.dma_semaphore, #tpu.memory_space<semaphore_mem>>)
    %dma_wait3A_1180 = arith.constant 4 : i32
    %dma_wait3A_1181 = arith.constant 4 : i32
    %dma_wait3A_1182 = arith.constant 0 : i32
    %dma_wait3A_1183 = arith.constant 0 : i32
    %dma_wait3A_1184 = tpu.memref_slice %arg6[%dma_wait3A_1180, %dma_wait3A_1182, %dma_wait3A_1183] : memref<7x128x128xf32, #tpu.memory_space<vmem>> -> memref<1x128x128xf32, #tpu.memory_space<vmem>>
    %dma_wait3A_1185 = tpu.memref_squeeze %dma_wait3A_1184 : memref<1x128x128xf32, #tpu.memory_space<vmem>> -> memref<128x128xf32, #tpu.memory_space<vmem>>
    %dma_wait3A_1186 = arith.constant 2304 : i32
    %dma_wait3A_1187 = tpu.memref_slice %arg5[%dma_wait3A_1186] : memref<3200xi32, #tpu.memory_space<vmem>> -> memref<128xi32, #tpu.memory_space<vmem>>
    %dma_wait3A_1188 = arith.constant 0 : i32
    %dma_wait3A_1189 = arith.constant 0 : i32
    %dma_wait3A_1190 = tpu.memref_slice %arg7[%dma_wait3A_1188, %dma_wait3A_1189] : memref<100x128xf32, #tpu.memory_space<vmem_shared>> -> memref<100x128xf32, #tpu.memory_space<vmem_shared>>
    %dma_wait3A_1191 = tpu.memref_slice %arg8[%dma_wait3A_1181] : memref<7x!tpu.dma_semaphore, #tpu.memory_space<semaphore_mem>> -> memref<1x!tpu.dma_semaphore, #tpu.memory_space<semaphore_mem>>
    %dma_wait3A_1192 = tpu.memref_squeeze %dma_wait3A_1191 : memref<1x!tpu.dma_semaphore, #tpu.memory_space<semaphore_mem>> -> memref<!tpu.dma_semaphore, #tpu.memory_space<semaphore_mem>>
    tpu.wait_indirect_dma semaphore(%dma_wait3A_1192 : memref<!tpu.dma_semaphore, #tpu.memory_space<semaphore_mem>>) src(%dma_wait3A_1190 : memref<100x128xf32, #tpu.memory_space<vmem_shared>>) dst(%dma_wait3A_1185 : memref<128x128xf32, #tpu.memory_space<vmem>>)
    %add3A_1193 = arith.constant 18 : i32
    %add3A_1194 = arith.addi %mul3A_4, %add3A_1193 : i32
    %mul3A_1195 = arith.constant 128 : i32
    %mul3A_1196 = arith.muli %add3A_1194, %mul3A_1195 : i32
    %add3A_1197 = arith.constant 128 : i32
    %add3A_1198 = arith.addi %mul3A_1196, %add3A_1197 : i32
    %le3A_1199 = arith.constant 100000 : i32
    %le3A_1200 = arith.cmpi sle, %add3A_1198, %le3A_1199 : i32
    %convert_element_type3A_1201 = arith.extui %le3A_1200 : i1 to i32
    %cond3A_1202 = arith.constant 0 : i32
    %cond3A_1203 = arith.cmpi ne, %convert_element_type3A_1201, %cond3A_1202 : i32
    scf.if %cond3A_1203 {
      %dma_start3A_1701 = arith.constant 4 : i32
      %dma_start3A_1702 = arith.constant 4 : i32
      %dma_start3A_1703 = arith.constant 0 : i32
      %dma_start3A_1704 = arith.constant 0 : i32
      %dma_start3A_1705 = tpu.memref_slice %arg6[%dma_start3A_1701, %dma_start3A_1703, %dma_start3A_1704] : memref<7x128x128xf32, #tpu.memory_space<vmem>> -> memref<1x128x128xf32, #tpu.memory_space<vmem>>
      %dma_start3A_1706 = tpu.memref_squeeze %dma_start3A_1705 : memref<1x128x128xf32, #tpu.memory_space<vmem>> -> memref<128x128xf32, #tpu.memory_space<vmem>>
      %dma_start3A_1707 = arith.constant 0 : i32
      %dma_start3A_1708 = tpu.memref_slice %arg4[%mul3A_1196, %dma_start3A_1707] : memref<100000x128xf32, #tpu.memory_space<hbm>> -> memref<128x128xf32, #tpu.memory_space<hbm>>
      %dma_start3A_1709 = tpu.memref_slice %arg9[%dma_start3A_1702] : memref<7x!tpu.dma_semaphore, #tpu.memory_space<semaphore_mem>> -> memref<1x!tpu.dma_semaphore, #tpu.memory_space<semaphore_mem>>
      %dma_start3A_1710 = tpu.memref_squeeze %dma_start3A_1709 : memref<1x!tpu.dma_semaphore, #tpu.memory_space<semaphore_mem>> -> memref<!tpu.dma_semaphore, #tpu.memory_space<semaphore_mem>>
      %dma_start3A_1711 = arith.constant 0 : i32
      %dma_start3A_1712 = tpu.memref_slice %arg4[%mul3A_1196, %dma_start3A_1711] : memref<100000x128xf32, #tpu.memory_space<hbm>> -> memref<128x128xf32, #tpu.memory_space<hbm>>
      %dma_start3A_1713 = arith.constant 0 : i32
      %dma_start3A_1714 = arith.constant 0 : i32
      %dma_start3A_1715 = tpu.memref_slice %arg6[%dma_start3A_1701, %dma_start3A_1713, %dma_start3A_1714] : memref<7x128x128xf32, #tpu.memory_space<vmem>> -> memref<1x128x128xf32, #tpu.memory_space<vmem>>
      %dma_start3A_1716 = tpu.memref_squeeze %dma_start3A_1715 : memref<1x128x128xf32, #tpu.memory_space<vmem>> -> memref<128x128xf32, #tpu.memory_space<vmem>>
      tpu.enqueue_dma source(%dma_start3A_1716 : memref<128x128xf32, #tpu.memory_space<vmem>>) target(%dma_start3A_1712 : memref<128x128xf32, #tpu.memory_space<hbm>>) target_semaphore(%dma_start3A_1710 : memref<!tpu.dma_semaphore, #tpu.memory_space<semaphore_mem>>)
    } else {
    }
    %lt3A_1204 = arith.constant 100000 : i32
    %lt3A_1205 = arith.cmpi slt, %mul3A_1196, %lt3A_1204 : i32
    %add3A_1206 = arith.constant 128 : i32
    %add3A_1207 = arith.addi %mul3A_1196, %add3A_1206 : i32
    %gt3A_1208 = arith.constant 100000 : i32
    %gt3A_1209 = arith.cmpi sgt, %add3A_1207, %gt3A_1208 : i32
    %and3A_1210 = arith.andi %lt3A_1205, %gt3A_1209 : i1
    %convert_element_type3A_1211 = arith.extui %and3A_1210 : i1 to i32
    %cond3A_1212 = arith.constant 0 : i32
    %cond3A_1213 = arith.cmpi ne, %convert_element_type3A_1211, %cond3A_1212 : i32
    scf.if %cond3A_1213 {
      %dma_start3A_1701 = arith.constant 4 : i32
      %dma_start3A_1702 = arith.constant 4 : i32
      %dma_start3A_1703 = arith.constant 0 : i32
      %dma_start3A_1704 = arith.constant 0 : i32
      %dma_start3A_1705 = tpu.memref_slice %arg6[%dma_start3A_1701, %dma_start3A_1703, %dma_start3A_1704] : memref<7x128x128xf32, #tpu.memory_space<vmem>> -> memref<1x32x128xf32, #tpu.memory_space<vmem>>
      %dma_start3A_1706 = tpu.memref_squeeze %dma_start3A_1705 : memref<1x32x128xf32, #tpu.memory_space<vmem>> -> memref<32x128xf32, #tpu.memory_space<vmem>>
      %dma_start3A_1707 = arith.constant 0 : i32
      %dma_start3A_1708 = tpu.memref_slice %arg4[%mul3A_1196, %dma_start3A_1707] : memref<100000x128xf32, #tpu.memory_space<hbm>> -> memref<32x128xf32, #tpu.memory_space<hbm>>
      %dma_start3A_1709 = tpu.memref_slice %arg9[%dma_start3A_1702] : memref<7x!tpu.dma_semaphore, #tpu.memory_space<semaphore_mem>> -> memref<1x!tpu.dma_semaphore, #tpu.memory_space<semaphore_mem>>
      %dma_start3A_1710 = tpu.memref_squeeze %dma_start3A_1709 : memref<1x!tpu.dma_semaphore, #tpu.memory_space<semaphore_mem>> -> memref<!tpu.dma_semaphore, #tpu.memory_space<semaphore_mem>>
      %dma_start3A_1711 = arith.constant 0 : i32
      %dma_start3A_1712 = tpu.memref_slice %arg4[%mul3A_1196, %dma_start3A_1711] : memref<100000x128xf32, #tpu.memory_space<hbm>> -> memref<32x128xf32, #tpu.memory_space<hbm>>
      %dma_start3A_1713 = arith.constant 0 : i32
      %dma_start3A_1714 = arith.constant 0 : i32
      %dma_start3A_1715 = tpu.memref_slice %arg6[%dma_start3A_1701, %dma_start3A_1713, %dma_start3A_1714] : memref<7x128x128xf32, #tpu.memory_space<vmem>> -> memref<1x32x128xf32, #tpu.memory_space<vmem>>
      %dma_start3A_1716 = tpu.memref_squeeze %dma_start3A_1715 : memref<1x32x128xf32, #tpu.memory_space<vmem>> -> memref<32x128xf32, #tpu.memory_space<vmem>>
      tpu.enqueue_dma source(%dma_start3A_1716 : memref<32x128xf32, #tpu.memory_space<vmem>>) target(%dma_start3A_1712 : memref<32x128xf32, #tpu.memory_space<hbm>>) target_semaphore(%dma_start3A_1710 : memref<!tpu.dma_semaphore, #tpu.memory_space<semaphore_mem>>)
    } else {
    }
    %add3A_1214 = arith.constant 14 : i32
    %add3A_1215 = arith.addi %mul3A_4, %add3A_1214 : i32
    %mul3A_1216 = arith.constant 128 : i32
    %mul3A_1217 = arith.muli %add3A_1215, %mul3A_1216 : i32
    %add3A_1218 = arith.constant 128 : i32
    %add3A_1219 = arith.addi %mul3A_1217, %add3A_1218 : i32
    %le3A_1220 = arith.constant 100000 : i32
    %le3A_1221 = arith.cmpi sle, %add3A_1219, %le3A_1220 : i32
    %convert_element_type3A_1222 = arith.extui %le3A_1221 : i1 to i32
    %cond3A_1223 = arith.constant 0 : i32
    %cond3A_1224 = arith.cmpi ne, %convert_element_type3A_1222, %cond3A_1223 : i32
    scf.if %cond3A_1224 {
      %dma_wait3A_1701 = arith.constant 0 : i32
      %dma_wait3A_1702 = arith.constant 0 : i32
      %dma_wait3A_1703 = arith.constant 0 : i32
      %dma_wait3A_1704 = arith.constant 0 : i32
      %dma_wait3A_1705 = tpu.memref_slice %arg6[%dma_wait3A_1701, %dma_wait3A_1703, %dma_wait3A_1704] : memref<7x128x128xf32, #tpu.memory_space<vmem>> -> memref<1x128x128xf32, #tpu.memory_space<vmem>>
      %dma_wait3A_1706 = tpu.memref_squeeze %dma_wait3A_1705 : memref<1x128x128xf32, #tpu.memory_space<vmem>> -> memref<128x128xf32, #tpu.memory_space<vmem>>
      %dma_wait3A_1707 = arith.constant 0 : i32
      %dma_wait3A_1708 = tpu.memref_slice %arg4[%mul3A_1217, %dma_wait3A_1707] : memref<100000x128xf32, #tpu.memory_space<hbm>> -> memref<128x128xf32, #tpu.memory_space<hbm>>
      %dma_wait3A_1709 = tpu.memref_slice %arg9[%dma_wait3A_1702] : memref<7x!tpu.dma_semaphore, #tpu.memory_space<semaphore_mem>> -> memref<1x!tpu.dma_semaphore, #tpu.memory_space<semaphore_mem>>
      %dma_wait3A_1710 = tpu.memref_squeeze %dma_wait3A_1709 : memref<1x!tpu.dma_semaphore, #tpu.memory_space<semaphore_mem>> -> memref<!tpu.dma_semaphore, #tpu.memory_space<semaphore_mem>>
      %dma_wait3A_1711 = arith.constant 0 : i32
      %dma_wait3A_1712 = tpu.memref_slice %arg4[%mul3A_1217, %dma_wait3A_1711] : memref<100000x128xf32, #tpu.memory_space<hbm>> -> memref<128x128xf32, #tpu.memory_space<hbm>>
      %dma_wait3A_1713 = arith.constant 0 : i32
      %dma_wait3A_1714 = arith.constant 0 : i32
      %dma_wait3A_1715 = tpu.memref_slice %arg6[%dma_wait3A_1701, %dma_wait3A_1713, %dma_wait3A_1714] : memref<7x128x128xf32, #tpu.memory_space<vmem>> -> memref<1x128x128xf32, #tpu.memory_space<vmem>>
      %dma_wait3A_1716 = tpu.memref_squeeze %dma_wait3A_1715 : memref<1x128x128xf32, #tpu.memory_space<vmem>> -> memref<128x128xf32, #tpu.memory_space<vmem>>
      tpu.wait_dma2 semaphore(%dma_wait3A_1710 : memref<!tpu.dma_semaphore, #tpu.memory_space<semaphore_mem>>) src(%dma_wait3A_1716 : memref<128x128xf32, #tpu.memory_space<vmem>>) dst(%dma_wait3A_1712 : memref<128x128xf32, #tpu.memory_space<hbm>>)
    } else {
    }
    %lt3A_1225 = arith.constant 100000 : i32
    %lt3A_1226 = arith.cmpi slt, %mul3A_1217, %lt3A_1225 : i32
    %add3A_1227 = arith.constant 128 : i32
    %add3A_1228 = arith.addi %mul3A_1217, %add3A_1227 : i32
    %gt3A_1229 = arith.constant 100000 : i32
    %gt3A_1230 = arith.cmpi sgt, %add3A_1228, %gt3A_1229 : i32
    %and3A_1231 = arith.andi %lt3A_1226, %gt3A_1230 : i1
    %convert_element_type3A_1232 = arith.extui %and3A_1231 : i1 to i32
    %cond3A_1233 = arith.constant 0 : i32
    %cond3A_1234 = arith.cmpi ne, %convert_element_type3A_1232, %cond3A_1233 : i32
    scf.if %cond3A_1234 {
      %dma_wait3A_1701 = arith.constant 0 : i32
      %dma_wait3A_1702 = arith.constant 0 : i32
      %dma_wait3A_1703 = arith.constant 0 : i32
      %dma_wait3A_1704 = arith.constant 0 : i32
      %dma_wait3A_1705 = tpu.memref_slice %arg6[%dma_wait3A_1701, %dma_wait3A_1703, %dma_wait3A_1704] : memref<7x128x128xf32, #tpu.memory_space<vmem>> -> memref<1x32x128xf32, #tpu.memory_space<vmem>>
      %dma_wait3A_1706 = tpu.memref_squeeze %dma_wait3A_1705 : memref<1x32x128xf32, #tpu.memory_space<vmem>> -> memref<32x128xf32, #tpu.memory_space<vmem>>
      %dma_wait3A_1707 = arith.constant 0 : i32
      %dma_wait3A_1708 = tpu.memref_slice %arg4[%mul3A_1217, %dma_wait3A_1707] : memref<100000x128xf32, #tpu.memory_space<hbm>> -> memref<32x128xf32, #tpu.memory_space<hbm>>
      %dma_wait3A_1709 = tpu.memref_slice %arg9[%dma_wait3A_1702] : memref<7x!tpu.dma_semaphore, #tpu.memory_space<semaphore_mem>> -> memref<1x!tpu.dma_semaphore, #tpu.memory_space<semaphore_mem>>
      %dma_wait3A_1710 = tpu.memref_squeeze %dma_wait3A_1709 : memref<1x!tpu.dma_semaphore, #tpu.memory_space<semaphore_mem>> -> memref<!tpu.dma_semaphore, #tpu.memory_space<semaphore_mem>>
      %dma_wait3A_1711 = arith.constant 0 : i32
      %dma_wait3A_1712 = tpu.memref_slice %arg4[%mul3A_1217, %dma_wait3A_1711] : memref<100000x128xf32, #tpu.memory_space<hbm>> -> memref<32x128xf32, #tpu.memory_space<hbm>>
      %dma_wait3A_1713 = arith.constant 0 : i32
      %dma_wait3A_1714 = arith.constant 0 : i32
      %dma_wait3A_1715 = tpu.memref_slice %arg6[%dma_wait3A_1701, %dma_wait3A_1713, %dma_wait3A_1714] : memref<7x128x128xf32, #tpu.memory_space<vmem>> -> memref<1x32x128xf32, #tpu.memory_space<vmem>>
      %dma_wait3A_1716 = tpu.memref_squeeze %dma_wait3A_1715 : memref<1x32x128xf32, #tpu.memory_space<vmem>> -> memref<32x128xf32, #tpu.memory_space<vmem>>
      tpu.wait_dma2 semaphore(%dma_wait3A_1710 : memref<!tpu.dma_semaphore, #tpu.memory_space<semaphore_mem>>) src(%dma_wait3A_1716 : memref<32x128xf32, #tpu.memory_space<vmem>>) dst(%dma_wait3A_1712 : memref<32x128xf32, #tpu.memory_space<hbm>>)
    } else {
    }
    %dma_start3A_1235 = arith.constant 0 : i32
    %dma_start3A_1236 = arith.constant 0 : i32
    %dma_start3A_1237 = arith.constant 0 : i32
    %dma_start3A_1238 = arith.constant 0 : i32
    %dma_start3A_1239 = tpu.memref_slice %arg6[%dma_start3A_1235, %dma_start3A_1237, %dma_start3A_1238] : memref<7x128x128xf32, #tpu.memory_space<vmem>> -> memref<1x128x128xf32, #tpu.memory_space<vmem>>
    %dma_start3A_1240 = tpu.memref_squeeze %dma_start3A_1239 : memref<1x128x128xf32, #tpu.memory_space<vmem>> -> memref<128x128xf32, #tpu.memory_space<vmem>>
    %dma_start3A_1241 = arith.constant 2688 : i32
    %dma_start3A_1242 = tpu.memref_slice %arg5[%dma_start3A_1241] : memref<3200xi32, #tpu.memory_space<vmem>> -> memref<128xi32, #tpu.memory_space<vmem>>
    %dma_start3A_1243 = arith.constant 0 : i32
    %dma_start3A_1244 = arith.constant 0 : i32
    %dma_start3A_1245 = tpu.memref_slice %arg7[%dma_start3A_1243, %dma_start3A_1244] : memref<100x128xf32, #tpu.memory_space<vmem_shared>> -> memref<100x128xf32, #tpu.memory_space<vmem_shared>>
    %dma_start3A_1246 = tpu.memref_slice %arg8[%dma_start3A_1236] : memref<7x!tpu.dma_semaphore, #tpu.memory_space<semaphore_mem>> -> memref<1x!tpu.dma_semaphore, #tpu.memory_space<semaphore_mem>>
    %dma_start3A_1247 = tpu.memref_squeeze %dma_start3A_1246 : memref<1x!tpu.dma_semaphore, #tpu.memory_space<semaphore_mem>> -> memref<!tpu.dma_semaphore, #tpu.memory_space<semaphore_mem>>
    tpu.enqueue_indirect_dma source(%dma_start3A_1245 : memref<100x128xf32, #tpu.memory_space<vmem_shared>>) target(%dma_start3A_1240 : memref<128x128xf32, #tpu.memory_space<vmem>>) offsets(%dma_start3A_1242 : memref<128xi32, #tpu.memory_space<vmem>>) semaphore(%dma_start3A_1247 : memref<!tpu.dma_semaphore, #tpu.memory_space<semaphore_mem>>)
    %dma_wait3A_1248 = arith.constant 5 : i32
    %dma_wait3A_1249 = arith.constant 5 : i32
    %dma_wait3A_1250 = arith.constant 0 : i32
    %dma_wait3A_1251 = arith.constant 0 : i32
    %dma_wait3A_1252 = tpu.memref_slice %arg6[%dma_wait3A_1248, %dma_wait3A_1250, %dma_wait3A_1251] : memref<7x128x128xf32, #tpu.memory_space<vmem>> -> memref<1x128x128xf32, #tpu.memory_space<vmem>>
    %dma_wait3A_1253 = tpu.memref_squeeze %dma_wait3A_1252 : memref<1x128x128xf32, #tpu.memory_space<vmem>> -> memref<128x128xf32, #tpu.memory_space<vmem>>
    %dma_wait3A_1254 = arith.constant 2432 : i32
    %dma_wait3A_1255 = tpu.memref_slice %arg5[%dma_wait3A_1254] : memref<3200xi32, #tpu.memory_space<vmem>> -> memref<128xi32, #tpu.memory_space<vmem>>
    %dma_wait3A_1256 = arith.constant 0 : i32
    %dma_wait3A_1257 = arith.constant 0 : i32
    %dma_wait3A_1258 = tpu.memref_slice %arg7[%dma_wait3A_1256, %dma_wait3A_1257] : memref<100x128xf32, #tpu.memory_space<vmem_shared>> -> memref<100x128xf32, #tpu.memory_space<vmem_shared>>
    %dma_wait3A_1259 = tpu.memref_slice %arg8[%dma_wait3A_1249] : memref<7x!tpu.dma_semaphore, #tpu.memory_space<semaphore_mem>> -> memref<1x!tpu.dma_semaphore, #tpu.memory_space<semaphore_mem>>
    %dma_wait3A_1260 = tpu.memref_squeeze %dma_wait3A_1259 : memref<1x!tpu.dma_semaphore, #tpu.memory_space<semaphore_mem>> -> memref<!tpu.dma_semaphore, #tpu.memory_space<semaphore_mem>>
    tpu.wait_indirect_dma semaphore(%dma_wait3A_1260 : memref<!tpu.dma_semaphore, #tpu.memory_space<semaphore_mem>>) src(%dma_wait3A_1258 : memref<100x128xf32, #tpu.memory_space<vmem_shared>>) dst(%dma_wait3A_1253 : memref<128x128xf32, #tpu.memory_space<vmem>>)
    %add3A_1261 = arith.constant 19 : i32
    %add3A_1262 = arith.addi %mul3A_4, %add3A_1261 : i32
    %mul3A_1263 = arith.constant 128 : i32
    %mul3A_1264 = arith.muli %add3A_1262, %mul3A_1263 : i32
    %add3A_1265 = arith.constant 128 : i32
    %add3A_1266 = arith.addi %mul3A_1264, %add3A_1265 : i32
    %le3A_1267 = arith.constant 100000 : i32
    %le3A_1268 = arith.cmpi sle, %add3A_1266, %le3A_1267 : i32
    %convert_element_type3A_1269 = arith.extui %le3A_1268 : i1 to i32
    %cond3A_1270 = arith.constant 0 : i32
    %cond3A_1271 = arith.cmpi ne, %convert_element_type3A_1269, %cond3A_1270 : i32
    scf.if %cond3A_1271 {
      %dma_start3A_1701 = arith.constant 5 : i32
      %dma_start3A_1702 = arith.constant 5 : i32
      %dma_start3A_1703 = arith.constant 0 : i32
      %dma_start3A_1704 = arith.constant 0 : i32
      %dma_start3A_1705 = tpu.memref_slice %arg6[%dma_start3A_1701, %dma_start3A_1703, %dma_start3A_1704] : memref<7x128x128xf32, #tpu.memory_space<vmem>> -> memref<1x128x128xf32, #tpu.memory_space<vmem>>
      %dma_start3A_1706 = tpu.memref_squeeze %dma_start3A_1705 : memref<1x128x128xf32, #tpu.memory_space<vmem>> -> memref<128x128xf32, #tpu.memory_space<vmem>>
      %dma_start3A_1707 = arith.constant 0 : i32
      %dma_start3A_1708 = tpu.memref_slice %arg4[%mul3A_1264, %dma_start3A_1707] : memref<100000x128xf32, #tpu.memory_space<hbm>> -> memref<128x128xf32, #tpu.memory_space<hbm>>
      %dma_start3A_1709 = tpu.memref_slice %arg9[%dma_start3A_1702] : memref<7x!tpu.dma_semaphore, #tpu.memory_space<semaphore_mem>> -> memref<1x!tpu.dma_semaphore, #tpu.memory_space<semaphore_mem>>
      %dma_start3A_1710 = tpu.memref_squeeze %dma_start3A_1709 : memref<1x!tpu.dma_semaphore, #tpu.memory_space<semaphore_mem>> -> memref<!tpu.dma_semaphore, #tpu.memory_space<semaphore_mem>>
      %dma_start3A_1711 = arith.constant 0 : i32
      %dma_start3A_1712 = tpu.memref_slice %arg4[%mul3A_1264, %dma_start3A_1711] : memref<100000x128xf32, #tpu.memory_space<hbm>> -> memref<128x128xf32, #tpu.memory_space<hbm>>
      %dma_start3A_1713 = arith.constant 0 : i32
      %dma_start3A_1714 = arith.constant 0 : i32
      %dma_start3A_1715 = tpu.memref_slice %arg6[%dma_start3A_1701, %dma_start3A_1713, %dma_start3A_1714] : memref<7x128x128xf32, #tpu.memory_space<vmem>> -> memref<1x128x128xf32, #tpu.memory_space<vmem>>
      %dma_start3A_1716 = tpu.memref_squeeze %dma_start3A_1715 : memref<1x128x128xf32, #tpu.memory_space<vmem>> -> memref<128x128xf32, #tpu.memory_space<vmem>>
      tpu.enqueue_dma source(%dma_start3A_1716 : memref<128x128xf32, #tpu.memory_space<vmem>>) target(%dma_start3A_1712 : memref<128x128xf32, #tpu.memory_space<hbm>>) target_semaphore(%dma_start3A_1710 : memref<!tpu.dma_semaphore, #tpu.memory_space<semaphore_mem>>)
    } else {
    }
    %lt3A_1272 = arith.constant 100000 : i32
    %lt3A_1273 = arith.cmpi slt, %mul3A_1264, %lt3A_1272 : i32
    %add3A_1274 = arith.constant 128 : i32
    %add3A_1275 = arith.addi %mul3A_1264, %add3A_1274 : i32
    %gt3A_1276 = arith.constant 100000 : i32
    %gt3A_1277 = arith.cmpi sgt, %add3A_1275, %gt3A_1276 : i32
    %and3A_1278 = arith.andi %lt3A_1273, %gt3A_1277 : i1
    %convert_element_type3A_1279 = arith.extui %and3A_1278 : i1 to i32
    %cond3A_1280 = arith.constant 0 : i32
    %cond3A_1281 = arith.cmpi ne, %convert_element_type3A_1279, %cond3A_1280 : i32
    scf.if %cond3A_1281 {
      %dma_start3A_1701 = arith.constant 5 : i32
      %dma_start3A_1702 = arith.constant 5 : i32
      %dma_start3A_1703 = arith.constant 0 : i32
      %dma_start3A_1704 = arith.constant 0 : i32
      %dma_start3A_1705 = tpu.memref_slice %arg6[%dma_start3A_1701, %dma_start3A_1703, %dma_start3A_1704] : memref<7x128x128xf32, #tpu.memory_space<vmem>> -> memref<1x32x128xf32, #tpu.memory_space<vmem>>
      %dma_start3A_1706 = tpu.memref_squeeze %dma_start3A_1705 : memref<1x32x128xf32, #tpu.memory_space<vmem>> -> memref<32x128xf32, #tpu.memory_space<vmem>>
      %dma_start3A_1707 = arith.constant 0 : i32
      %dma_start3A_1708 = tpu.memref_slice %arg4[%mul3A_1264, %dma_start3A_1707] : memref<100000x128xf32, #tpu.memory_space<hbm>> -> memref<32x128xf32, #tpu.memory_space<hbm>>
      %dma_start3A_1709 = tpu.memref_slice %arg9[%dma_start3A_1702] : memref<7x!tpu.dma_semaphore, #tpu.memory_space<semaphore_mem>> -> memref<1x!tpu.dma_semaphore, #tpu.memory_space<semaphore_mem>>
      %dma_start3A_1710 = tpu.memref_squeeze %dma_start3A_1709 : memref<1x!tpu.dma_semaphore, #tpu.memory_space<semaphore_mem>> -> memref<!tpu.dma_semaphore, #tpu.memory_space<semaphore_mem>>
      %dma_start3A_1711 = arith.constant 0 : i32
      %dma_start3A_1712 = tpu.memref_slice %arg4[%mul3A_1264, %dma_start3A_1711] : memref<100000x128xf32, #tpu.memory_space<hbm>> -> memref<32x128xf32, #tpu.memory_space<hbm>>
      %dma_start3A_1713 = arith.constant 0 : i32
      %dma_start3A_1714 = arith.constant 0 : i32
      %dma_start3A_1715 = tpu.memref_slice %arg6[%dma_start3A_1701, %dma_start3A_1713, %dma_start3A_1714] : memref<7x128x128xf32, #tpu.memory_space<vmem>> -> memref<1x32x128xf32, #tpu.memory_space<vmem>>
      %dma_start3A_1716 = tpu.memref_squeeze %dma_start3A_1715 : memref<1x32x128xf32, #tpu.memory_space<vmem>> -> memref<32x128xf32, #tpu.memory_space<vmem>>
      tpu.enqueue_dma source(%dma_start3A_1716 : memref<32x128xf32, #tpu.memory_space<vmem>>) target(%dma_start3A_1712 : memref<32x128xf32, #tpu.memory_space<hbm>>) target_semaphore(%dma_start3A_1710 : memref<!tpu.dma_semaphore, #tpu.memory_space<semaphore_mem>>)
    } else {
    }
    %add3A_1282 = arith.constant 15 : i32
    %add3A_1283 = arith.addi %mul3A_4, %add3A_1282 : i32
    %mul3A_1284 = arith.constant 128 : i32
    %mul3A_1285 = arith.muli %add3A_1283, %mul3A_1284 : i32
    %add3A_1286 = arith.constant 128 : i32
    %add3A_1287 = arith.addi %mul3A_1285, %add3A_1286 : i32
    %le3A_1288 = arith.constant 100000 : i32
    %le3A_1289 = arith.cmpi sle, %add3A_1287, %le3A_1288 : i32
    %convert_element_type3A_1290 = arith.extui %le3A_1289 : i1 to i32
    %cond3A_1291 = arith.constant 0 : i32
    %cond3A_1292 = arith.cmpi ne, %convert_element_type3A_1290, %cond3A_1291 : i32
    scf.if %cond3A_1292 {
      %dma_wait3A_1701 = arith.constant 1 : i32
      %dma_wait3A_1702 = arith.constant 1 : i32
      %dma_wait3A_1703 = arith.constant 0 : i32
      %dma_wait3A_1704 = arith.constant 0 : i32
      %dma_wait3A_1705 = tpu.memref_slice %arg6[%dma_wait3A_1701, %dma_wait3A_1703, %dma_wait3A_1704] : memref<7x128x128xf32, #tpu.memory_space<vmem>> -> memref<1x128x128xf32, #tpu.memory_space<vmem>>
      %dma_wait3A_1706 = tpu.memref_squeeze %dma_wait3A_1705 : memref<1x128x128xf32, #tpu.memory_space<vmem>> -> memref<128x128xf32, #tpu.memory_space<vmem>>
      %dma_wait3A_1707 = arith.constant 0 : i32
      %dma_wait3A_1708 = tpu.memref_slice %arg4[%mul3A_1285, %dma_wait3A_1707] : memref<100000x128xf32, #tpu.memory_space<hbm>> -> memref<128x128xf32, #tpu.memory_space<hbm>>
      %dma_wait3A_1709 = tpu.memref_slice %arg9[%dma_wait3A_1702] : memref<7x!tpu.dma_semaphore, #tpu.memory_space<semaphore_mem>> -> memref<1x!tpu.dma_semaphore, #tpu.memory_space<semaphore_mem>>
      %dma_wait3A_1710 = tpu.memref_squeeze %dma_wait3A_1709 : memref<1x!tpu.dma_semaphore, #tpu.memory_space<semaphore_mem>> -> memref<!tpu.dma_semaphore, #tpu.memory_space<semaphore_mem>>
      %dma_wait3A_1711 = arith.constant 0 : i32
      %dma_wait3A_1712 = tpu.memref_slice %arg4[%mul3A_1285, %dma_wait3A_1711] : memref<100000x128xf32, #tpu.memory_space<hbm>> -> memref<128x128xf32, #tpu.memory_space<hbm>>
      %dma_wait3A_1713 = arith.constant 0 : i32
      %dma_wait3A_1714 = arith.constant 0 : i32
      %dma_wait3A_1715 = tpu.memref_slice %arg6[%dma_wait3A_1701, %dma_wait3A_1713, %dma_wait3A_1714] : memref<7x128x128xf32, #tpu.memory_space<vmem>> -> memref<1x128x128xf32, #tpu.memory_space<vmem>>
      %dma_wait3A_1716 = tpu.memref_squeeze %dma_wait3A_1715 : memref<1x128x128xf32, #tpu.memory_space<vmem>> -> memref<128x128xf32, #tpu.memory_space<vmem>>
      tpu.wait_dma2 semaphore(%dma_wait3A_1710 : memref<!tpu.dma_semaphore, #tpu.memory_space<semaphore_mem>>) src(%dma_wait3A_1716 : memref<128x128xf32, #tpu.memory_space<vmem>>) dst(%dma_wait3A_1712 : memref<128x128xf32, #tpu.memory_space<hbm>>)
    } else {
    }
    %lt3A_1293 = arith.constant 100000 : i32
    %lt3A_1294 = arith.cmpi slt, %mul3A_1285, %lt3A_1293 : i32
    %add3A_1295 = arith.constant 128 : i32
    %add3A_1296 = arith.addi %mul3A_1285, %add3A_1295 : i32
    %gt3A_1297 = arith.constant 100000 : i32
    %gt3A_1298 = arith.cmpi sgt, %add3A_1296, %gt3A_1297 : i32
    %and3A_1299 = arith.andi %lt3A_1294, %gt3A_1298 : i1
    %convert_element_type3A_1300 = arith.extui %and3A_1299 : i1 to i32
    %cond3A_1301 = arith.constant 0 : i32
    %cond3A_1302 = arith.cmpi ne, %convert_element_type3A_1300, %cond3A_1301 : i32
    scf.if %cond3A_1302 {
      %dma_wait3A_1701 = arith.constant 1 : i32
      %dma_wait3A_1702 = arith.constant 1 : i32
      %dma_wait3A_1703 = arith.constant 0 : i32
      %dma_wait3A_1704 = arith.constant 0 : i32
      %dma_wait3A_1705 = tpu.memref_slice %arg6[%dma_wait3A_1701, %dma_wait3A_1703, %dma_wait3A_1704] : memref<7x128x128xf32, #tpu.memory_space<vmem>> -> memref<1x32x128xf32, #tpu.memory_space<vmem>>
      %dma_wait3A_1706 = tpu.memref_squeeze %dma_wait3A_1705 : memref<1x32x128xf32, #tpu.memory_space<vmem>> -> memref<32x128xf32, #tpu.memory_space<vmem>>
      %dma_wait3A_1707 = arith.constant 0 : i32
      %dma_wait3A_1708 = tpu.memref_slice %arg4[%mul3A_1285, %dma_wait3A_1707] : memref<100000x128xf32, #tpu.memory_space<hbm>> -> memref<32x128xf32, #tpu.memory_space<hbm>>
      %dma_wait3A_1709 = tpu.memref_slice %arg9[%dma_wait3A_1702] : memref<7x!tpu.dma_semaphore, #tpu.memory_space<semaphore_mem>> -> memref<1x!tpu.dma_semaphore, #tpu.memory_space<semaphore_mem>>
      %dma_wait3A_1710 = tpu.memref_squeeze %dma_wait3A_1709 : memref<1x!tpu.dma_semaphore, #tpu.memory_space<semaphore_mem>> -> memref<!tpu.dma_semaphore, #tpu.memory_space<semaphore_mem>>
      %dma_wait3A_1711 = arith.constant 0 : i32
      %dma_wait3A_1712 = tpu.memref_slice %arg4[%mul3A_1285, %dma_wait3A_1711] : memref<100000x128xf32, #tpu.memory_space<hbm>> -> memref<32x128xf32, #tpu.memory_space<hbm>>
      %dma_wait3A_1713 = arith.constant 0 : i32
      %dma_wait3A_1714 = arith.constant 0 : i32
      %dma_wait3A_1715 = tpu.memref_slice %arg6[%dma_wait3A_1701, %dma_wait3A_1713, %dma_wait3A_1714] : memref<7x128x128xf32, #tpu.memory_space<vmem>> -> memref<1x32x128xf32, #tpu.memory_space<vmem>>
      %dma_wait3A_1716 = tpu.memref_squeeze %dma_wait3A_1715 : memref<1x32x128xf32, #tpu.memory_space<vmem>> -> memref<32x128xf32, #tpu.memory_space<vmem>>
      tpu.wait_dma2 semaphore(%dma_wait3A_1710 : memref<!tpu.dma_semaphore, #tpu.memory_space<semaphore_mem>>) src(%dma_wait3A_1716 : memref<32x128xf32, #tpu.memory_space<vmem>>) dst(%dma_wait3A_1712 : memref<32x128xf32, #tpu.memory_space<hbm>>)
    } else {
    }
    %dma_start3A_1303 = arith.constant 1 : i32
    %dma_start3A_1304 = arith.constant 1 : i32
    %dma_start3A_1305 = arith.constant 0 : i32
    %dma_start3A_1306 = arith.constant 0 : i32
    %dma_start3A_1307 = tpu.memref_slice %arg6[%dma_start3A_1303, %dma_start3A_1305, %dma_start3A_1306] : memref<7x128x128xf32, #tpu.memory_space<vmem>> -> memref<1x128x128xf32, #tpu.memory_space<vmem>>
    %dma_start3A_1308 = tpu.memref_squeeze %dma_start3A_1307 : memref<1x128x128xf32, #tpu.memory_space<vmem>> -> memref<128x128xf32, #tpu.memory_space<vmem>>
    %dma_start3A_1309 = arith.constant 2816 : i32
    %dma_start3A_1310 = tpu.memref_slice %arg5[%dma_start3A_1309] : memref<3200xi32, #tpu.memory_space<vmem>> -> memref<128xi32, #tpu.memory_space<vmem>>
    %dma_start3A_1311 = arith.constant 0 : i32
    %dma_start3A_1312 = arith.constant 0 : i32
    %dma_start3A_1313 = tpu.memref_slice %arg7[%dma_start3A_1311, %dma_start3A_1312] : memref<100x128xf32, #tpu.memory_space<vmem_shared>> -> memref<100x128xf32, #tpu.memory_space<vmem_shared>>
    %dma_start3A_1314 = tpu.memref_slice %arg8[%dma_start3A_1304] : memref<7x!tpu.dma_semaphore, #tpu.memory_space<semaphore_mem>> -> memref<1x!tpu.dma_semaphore, #tpu.memory_space<semaphore_mem>>
    %dma_start3A_1315 = tpu.memref_squeeze %dma_start3A_1314 : memref<1x!tpu.dma_semaphore, #tpu.memory_space<semaphore_mem>> -> memref<!tpu.dma_semaphore, #tpu.memory_space<semaphore_mem>>
    tpu.enqueue_indirect_dma source(%dma_start3A_1313 : memref<100x128xf32, #tpu.memory_space<vmem_shared>>) target(%dma_start3A_1308 : memref<128x128xf32, #tpu.memory_space<vmem>>) offsets(%dma_start3A_1310 : memref<128xi32, #tpu.memory_space<vmem>>) semaphore(%dma_start3A_1315 : memref<!tpu.dma_semaphore, #tpu.memory_space<semaphore_mem>>)
    %dma_wait3A_1316 = arith.constant 6 : i32
    %dma_wait3A_1317 = arith.constant 6 : i32
    %dma_wait3A_1318 = arith.constant 0 : i32
    %dma_wait3A_1319 = arith.constant 0 : i32
    %dma_wait3A_1320 = tpu.memref_slice %arg6[%dma_wait3A_1316, %dma_wait3A_1318, %dma_wait3A_1319] : memref<7x128x128xf32, #tpu.memory_space<vmem>> -> memref<1x128x128xf32, #tpu.memory_space<vmem>>
    %dma_wait3A_1321 = tpu.memref_squeeze %dma_wait3A_1320 : memref<1x128x128xf32, #tpu.memory_space<vmem>> -> memref<128x128xf32, #tpu.memory_space<vmem>>
    %dma_wait3A_1322 = arith.constant 2560 : i32
    %dma_wait3A_1323 = tpu.memref_slice %arg5[%dma_wait3A_1322] : memref<3200xi32, #tpu.memory_space<vmem>> -> memref<128xi32, #tpu.memory_space<vmem>>
    %dma_wait3A_1324 = arith.constant 0 : i32
    %dma_wait3A_1325 = arith.constant 0 : i32
    %dma_wait3A_1326 = tpu.memref_slice %arg7[%dma_wait3A_1324, %dma_wait3A_1325] : memref<100x128xf32, #tpu.memory_space<vmem_shared>> -> memref<100x128xf32, #tpu.memory_space<vmem_shared>>
    %dma_wait3A_1327 = tpu.memref_slice %arg8[%dma_wait3A_1317] : memref<7x!tpu.dma_semaphore, #tpu.memory_space<semaphore_mem>> -> memref<1x!tpu.dma_semaphore, #tpu.memory_space<semaphore_mem>>
    %dma_wait3A_1328 = tpu.memref_squeeze %dma_wait3A_1327 : memref<1x!tpu.dma_semaphore, #tpu.memory_space<semaphore_mem>> -> memref<!tpu.dma_semaphore, #tpu.memory_space<semaphore_mem>>
    tpu.wait_indirect_dma semaphore(%dma_wait3A_1328 : memref<!tpu.dma_semaphore, #tpu.memory_space<semaphore_mem>>) src(%dma_wait3A_1326 : memref<100x128xf32, #tpu.memory_space<vmem_shared>>) dst(%dma_wait3A_1321 : memref<128x128xf32, #tpu.memory_space<vmem>>)
    %add3A_1329 = arith.constant 20 : i32
    %add3A_1330 = arith.addi %mul3A_4, %add3A_1329 : i32
    %mul3A_1331 = arith.constant 128 : i32
    %mul3A_1332 = arith.muli %add3A_1330, %mul3A_1331 : i32
    %add3A_1333 = arith.constant 128 : i32
    %add3A_1334 = arith.addi %mul3A_1332, %add3A_1333 : i32
    %le3A_1335 = arith.constant 100000 : i32
    %le3A_1336 = arith.cmpi sle, %add3A_1334, %le3A_1335 : i32
    %convert_element_type3A_1337 = arith.extui %le3A_1336 : i1 to i32
    %cond3A_1338 = arith.constant 0 : i32
    %cond3A_1339 = arith.cmpi ne, %convert_element_type3A_1337, %cond3A_1338 : i32
    scf.if %cond3A_1339 {
      %dma_start3A_1701 = arith.constant 6 : i32
      %dma_start3A_1702 = arith.constant 6 : i32
      %dma_start3A_1703 = arith.constant 0 : i32
      %dma_start3A_1704 = arith.constant 0 : i32
      %dma_start3A_1705 = tpu.memref_slice %arg6[%dma_start3A_1701, %dma_start3A_1703, %dma_start3A_1704] : memref<7x128x128xf32, #tpu.memory_space<vmem>> -> memref<1x128x128xf32, #tpu.memory_space<vmem>>
      %dma_start3A_1706 = tpu.memref_squeeze %dma_start3A_1705 : memref<1x128x128xf32, #tpu.memory_space<vmem>> -> memref<128x128xf32, #tpu.memory_space<vmem>>
      %dma_start3A_1707 = arith.constant 0 : i32
      %dma_start3A_1708 = tpu.memref_slice %arg4[%mul3A_1332, %dma_start3A_1707] : memref<100000x128xf32, #tpu.memory_space<hbm>> -> memref<128x128xf32, #tpu.memory_space<hbm>>
      %dma_start3A_1709 = tpu.memref_slice %arg9[%dma_start3A_1702] : memref<7x!tpu.dma_semaphore, #tpu.memory_space<semaphore_mem>> -> memref<1x!tpu.dma_semaphore, #tpu.memory_space<semaphore_mem>>
      %dma_start3A_1710 = tpu.memref_squeeze %dma_start3A_1709 : memref<1x!tpu.dma_semaphore, #tpu.memory_space<semaphore_mem>> -> memref<!tpu.dma_semaphore, #tpu.memory_space<semaphore_mem>>
      %dma_start3A_1711 = arith.constant 0 : i32
      %dma_start3A_1712 = tpu.memref_slice %arg4[%mul3A_1332, %dma_start3A_1711] : memref<100000x128xf32, #tpu.memory_space<hbm>> -> memref<128x128xf32, #tpu.memory_space<hbm>>
      %dma_start3A_1713 = arith.constant 0 : i32
      %dma_start3A_1714 = arith.constant 0 : i32
      %dma_start3A_1715 = tpu.memref_slice %arg6[%dma_start3A_1701, %dma_start3A_1713, %dma_start3A_1714] : memref<7x128x128xf32, #tpu.memory_space<vmem>> -> memref<1x128x128xf32, #tpu.memory_space<vmem>>
      %dma_start3A_1716 = tpu.memref_squeeze %dma_start3A_1715 : memref<1x128x128xf32, #tpu.memory_space<vmem>> -> memref<128x128xf32, #tpu.memory_space<vmem>>
      tpu.enqueue_dma source(%dma_start3A_1716 : memref<128x128xf32, #tpu.memory_space<vmem>>) target(%dma_start3A_1712 : memref<128x128xf32, #tpu.memory_space<hbm>>) target_semaphore(%dma_start3A_1710 : memref<!tpu.dma_semaphore, #tpu.memory_space<semaphore_mem>>)
    } else {
    }
    %lt3A_1340 = arith.constant 100000 : i32
    %lt3A_1341 = arith.cmpi slt, %mul3A_1332, %lt3A_1340 : i32
    %add3A_1342 = arith.constant 128 : i32
    %add3A_1343 = arith.addi %mul3A_1332, %add3A_1342 : i32
    %gt3A_1344 = arith.constant 100000 : i32
    %gt3A_1345 = arith.cmpi sgt, %add3A_1343, %gt3A_1344 : i32
    %and3A_1346 = arith.andi %lt3A_1341, %gt3A_1345 : i1
    %convert_element_type3A_1347 = arith.extui %and3A_1346 : i1 to i32
    %cond3A_1348 = arith.constant 0 : i32
    %cond3A_1349 = arith.cmpi ne, %convert_element_type3A_1347, %cond3A_1348 : i32
    scf.if %cond3A_1349 {
      %dma_start3A_1701 = arith.constant 6 : i32
      %dma_start3A_1702 = arith.constant 6 : i32
      %dma_start3A_1703 = arith.constant 0 : i32
      %dma_start3A_1704 = arith.constant 0 : i32
      %dma_start3A_1705 = tpu.memref_slice %arg6[%dma_start3A_1701, %dma_start3A_1703, %dma_start3A_1704] : memref<7x128x128xf32, #tpu.memory_space<vmem>> -> memref<1x32x128xf32, #tpu.memory_space<vmem>>
      %dma_start3A_1706 = tpu.memref_squeeze %dma_start3A_1705 : memref<1x32x128xf32, #tpu.memory_space<vmem>> -> memref<32x128xf32, #tpu.memory_space<vmem>>
      %dma_start3A_1707 = arith.constant 0 : i32
      %dma_start3A_1708 = tpu.memref_slice %arg4[%mul3A_1332, %dma_start3A_1707] : memref<100000x128xf32, #tpu.memory_space<hbm>> -> memref<32x128xf32, #tpu.memory_space<hbm>>
      %dma_start3A_1709 = tpu.memref_slice %arg9[%dma_start3A_1702] : memref<7x!tpu.dma_semaphore, #tpu.memory_space<semaphore_mem>> -> memref<1x!tpu.dma_semaphore, #tpu.memory_space<semaphore_mem>>
      %dma_start3A_1710 = tpu.memref_squeeze %dma_start3A_1709 : memref<1x!tpu.dma_semaphore, #tpu.memory_space<semaphore_mem>> -> memref<!tpu.dma_semaphore, #tpu.memory_space<semaphore_mem>>
      %dma_start3A_1711 = arith.constant 0 : i32
      %dma_start3A_1712 = tpu.memref_slice %arg4[%mul3A_1332, %dma_start3A_1711] : memref<100000x128xf32, #tpu.memory_space<hbm>> -> memref<32x128xf32, #tpu.memory_space<hbm>>
      %dma_start3A_1713 = arith.constant 0 : i32
      %dma_start3A_1714 = arith.constant 0 : i32
      %dma_start3A_1715 = tpu.memref_slice %arg6[%dma_start3A_1701, %dma_start3A_1713, %dma_start3A_1714] : memref<7x128x128xf32, #tpu.memory_space<vmem>> -> memref<1x32x128xf32, #tpu.memory_space<vmem>>
      %dma_start3A_1716 = tpu.memref_squeeze %dma_start3A_1715 : memref<1x32x128xf32, #tpu.memory_space<vmem>> -> memref<32x128xf32, #tpu.memory_space<vmem>>
      tpu.enqueue_dma source(%dma_start3A_1716 : memref<32x128xf32, #tpu.memory_space<vmem>>) target(%dma_start3A_1712 : memref<32x128xf32, #tpu.memory_space<hbm>>) target_semaphore(%dma_start3A_1710 : memref<!tpu.dma_semaphore, #tpu.memory_space<semaphore_mem>>)
    } else {
    }
    %add3A_1350 = arith.constant 16 : i32
    %add3A_1351 = arith.addi %mul3A_4, %add3A_1350 : i32
    %mul3A_1352 = arith.constant 128 : i32
    %mul3A_1353 = arith.muli %add3A_1351, %mul3A_1352 : i32
    %add3A_1354 = arith.constant 128 : i32
    %add3A_1355 = arith.addi %mul3A_1353, %add3A_1354 : i32
    %le3A_1356 = arith.constant 100000 : i32
    %le3A_1357 = arith.cmpi sle, %add3A_1355, %le3A_1356 : i32
    %convert_element_type3A_1358 = arith.extui %le3A_1357 : i1 to i32
    %cond3A_1359 = arith.constant 0 : i32
    %cond3A_1360 = arith.cmpi ne, %convert_element_type3A_1358, %cond3A_1359 : i32
    scf.if %cond3A_1360 {
      %dma_wait3A_1701 = arith.constant 2 : i32
      %dma_wait3A_1702 = arith.constant 2 : i32
      %dma_wait3A_1703 = arith.constant 0 : i32
      %dma_wait3A_1704 = arith.constant 0 : i32
      %dma_wait3A_1705 = tpu.memref_slice %arg6[%dma_wait3A_1701, %dma_wait3A_1703, %dma_wait3A_1704] : memref<7x128x128xf32, #tpu.memory_space<vmem>> -> memref<1x128x128xf32, #tpu.memory_space<vmem>>
      %dma_wait3A_1706 = tpu.memref_squeeze %dma_wait3A_1705 : memref<1x128x128xf32, #tpu.memory_space<vmem>> -> memref<128x128xf32, #tpu.memory_space<vmem>>
      %dma_wait3A_1707 = arith.constant 0 : i32
      %dma_wait3A_1708 = tpu.memref_slice %arg4[%mul3A_1353, %dma_wait3A_1707] : memref<100000x128xf32, #tpu.memory_space<hbm>> -> memref<128x128xf32, #tpu.memory_space<hbm>>
      %dma_wait3A_1709 = tpu.memref_slice %arg9[%dma_wait3A_1702] : memref<7x!tpu.dma_semaphore, #tpu.memory_space<semaphore_mem>> -> memref<1x!tpu.dma_semaphore, #tpu.memory_space<semaphore_mem>>
      %dma_wait3A_1710 = tpu.memref_squeeze %dma_wait3A_1709 : memref<1x!tpu.dma_semaphore, #tpu.memory_space<semaphore_mem>> -> memref<!tpu.dma_semaphore, #tpu.memory_space<semaphore_mem>>
      %dma_wait3A_1711 = arith.constant 0 : i32
      %dma_wait3A_1712 = tpu.memref_slice %arg4[%mul3A_1353, %dma_wait3A_1711] : memref<100000x128xf32, #tpu.memory_space<hbm>> -> memref<128x128xf32, #tpu.memory_space<hbm>>
      %dma_wait3A_1713 = arith.constant 0 : i32
      %dma_wait3A_1714 = arith.constant 0 : i32
      %dma_wait3A_1715 = tpu.memref_slice %arg6[%dma_wait3A_1701, %dma_wait3A_1713, %dma_wait3A_1714] : memref<7x128x128xf32, #tpu.memory_space<vmem>> -> memref<1x128x128xf32, #tpu.memory_space<vmem>>
      %dma_wait3A_1716 = tpu.memref_squeeze %dma_wait3A_1715 : memref<1x128x128xf32, #tpu.memory_space<vmem>> -> memref<128x128xf32, #tpu.memory_space<vmem>>
      tpu.wait_dma2 semaphore(%dma_wait3A_1710 : memref<!tpu.dma_semaphore, #tpu.memory_space<semaphore_mem>>) src(%dma_wait3A_1716 : memref<128x128xf32, #tpu.memory_space<vmem>>) dst(%dma_wait3A_1712 : memref<128x128xf32, #tpu.memory_space<hbm>>)
    } else {
    }
    %lt3A_1361 = arith.constant 100000 : i32
    %lt3A_1362 = arith.cmpi slt, %mul3A_1353, %lt3A_1361 : i32
    %add3A_1363 = arith.constant 128 : i32
    %add3A_1364 = arith.addi %mul3A_1353, %add3A_1363 : i32
    %gt3A_1365 = arith.constant 100000 : i32
    %gt3A_1366 = arith.cmpi sgt, %add3A_1364, %gt3A_1365 : i32
    %and3A_1367 = arith.andi %lt3A_1362, %gt3A_1366 : i1
    %convert_element_type3A_1368 = arith.extui %and3A_1367 : i1 to i32
    %cond3A_1369 = arith.constant 0 : i32
    %cond3A_1370 = arith.cmpi ne, %convert_element_type3A_1368, %cond3A_1369 : i32
    scf.if %cond3A_1370 {
      %dma_wait3A_1701 = arith.constant 2 : i32
      %dma_wait3A_1702 = arith.constant 2 : i32
      %dma_wait3A_1703 = arith.constant 0 : i32
      %dma_wait3A_1704 = arith.constant 0 : i32
      %dma_wait3A_1705 = tpu.memref_slice %arg6[%dma_wait3A_1701, %dma_wait3A_1703, %dma_wait3A_1704] : memref<7x128x128xf32, #tpu.memory_space<vmem>> -> memref<1x32x128xf32, #tpu.memory_space<vmem>>
      %dma_wait3A_1706 = tpu.memref_squeeze %dma_wait3A_1705 : memref<1x32x128xf32, #tpu.memory_space<vmem>> -> memref<32x128xf32, #tpu.memory_space<vmem>>
      %dma_wait3A_1707 = arith.constant 0 : i32
      %dma_wait3A_1708 = tpu.memref_slice %arg4[%mul3A_1353, %dma_wait3A_1707] : memref<100000x128xf32, #tpu.memory_space<hbm>> -> memref<32x128xf32, #tpu.memory_space<hbm>>
      %dma_wait3A_1709 = tpu.memref_slice %arg9[%dma_wait3A_1702] : memref<7x!tpu.dma_semaphore, #tpu.memory_space<semaphore_mem>> -> memref<1x!tpu.dma_semaphore, #tpu.memory_space<semaphore_mem>>
      %dma_wait3A_1710 = tpu.memref_squeeze %dma_wait3A_1709 : memref<1x!tpu.dma_semaphore, #tpu.memory_space<semaphore_mem>> -> memref<!tpu.dma_semaphore, #tpu.memory_space<semaphore_mem>>
      %dma_wait3A_1711 = arith.constant 0 : i32
      %dma_wait3A_1712 = tpu.memref_slice %arg4[%mul3A_1353, %dma_wait3A_1711] : memref<100000x128xf32, #tpu.memory_space<hbm>> -> memref<32x128xf32, #tpu.memory_space<hbm>>
      %dma_wait3A_1713 = arith.constant 0 : i32
      %dma_wait3A_1714 = arith.constant 0 : i32
      %dma_wait3A_1715 = tpu.memref_slice %arg6[%dma_wait3A_1701, %dma_wait3A_1713, %dma_wait3A_1714] : memref<7x128x128xf32, #tpu.memory_space<vmem>> -> memref<1x32x128xf32, #tpu.memory_space<vmem>>
      %dma_wait3A_1716 = tpu.memref_squeeze %dma_wait3A_1715 : memref<1x32x128xf32, #tpu.memory_space<vmem>> -> memref<32x128xf32, #tpu.memory_space<vmem>>
      tpu.wait_dma2 semaphore(%dma_wait3A_1710 : memref<!tpu.dma_semaphore, #tpu.memory_space<semaphore_mem>>) src(%dma_wait3A_1716 : memref<32x128xf32, #tpu.memory_space<vmem>>) dst(%dma_wait3A_1712 : memref<32x128xf32, #tpu.memory_space<hbm>>)
    } else {
    }
    %dma_start3A_1371 = arith.constant 2 : i32
    %dma_start3A_1372 = arith.constant 2 : i32
    %dma_start3A_1373 = arith.constant 0 : i32
    %dma_start3A_1374 = arith.constant 0 : i32
    %dma_start3A_1375 = tpu.memref_slice %arg6[%dma_start3A_1371, %dma_start3A_1373, %dma_start3A_1374] : memref<7x128x128xf32, #tpu.memory_space<vmem>> -> memref<1x128x128xf32, #tpu.memory_space<vmem>>
    %dma_start3A_1376 = tpu.memref_squeeze %dma_start3A_1375 : memref<1x128x128xf32, #tpu.memory_space<vmem>> -> memref<128x128xf32, #tpu.memory_space<vmem>>
    %dma_start3A_1377 = arith.constant 2944 : i32
    %dma_start3A_1378 = tpu.memref_slice %arg5[%dma_start3A_1377] : memref<3200xi32, #tpu.memory_space<vmem>> -> memref<128xi32, #tpu.memory_space<vmem>>
    %dma_start3A_1379 = arith.constant 0 : i32
    %dma_start3A_1380 = arith.constant 0 : i32
    %dma_start3A_1381 = tpu.memref_slice %arg7[%dma_start3A_1379, %dma_start3A_1380] : memref<100x128xf32, #tpu.memory_space<vmem_shared>> -> memref<100x128xf32, #tpu.memory_space<vmem_shared>>
    %dma_start3A_1382 = tpu.memref_slice %arg8[%dma_start3A_1372] : memref<7x!tpu.dma_semaphore, #tpu.memory_space<semaphore_mem>> -> memref<1x!tpu.dma_semaphore, #tpu.memory_space<semaphore_mem>>
    %dma_start3A_1383 = tpu.memref_squeeze %dma_start3A_1382 : memref<1x!tpu.dma_semaphore, #tpu.memory_space<semaphore_mem>> -> memref<!tpu.dma_semaphore, #tpu.memory_space<semaphore_mem>>
    tpu.enqueue_indirect_dma source(%dma_start3A_1381 : memref<100x128xf32, #tpu.memory_space<vmem_shared>>) target(%dma_start3A_1376 : memref<128x128xf32, #tpu.memory_space<vmem>>) offsets(%dma_start3A_1378 : memref<128xi32, #tpu.memory_space<vmem>>) semaphore(%dma_start3A_1383 : memref<!tpu.dma_semaphore, #tpu.memory_space<semaphore_mem>>)
    %dma_wait3A_1384 = arith.constant 0 : i32
    %dma_wait3A_1385 = arith.constant 0 : i32
    %dma_wait3A_1386 = arith.constant 0 : i32
    %dma_wait3A_1387 = arith.constant 0 : i32
    %dma_wait3A_1388 = tpu.memref_slice %arg6[%dma_wait3A_1384, %dma_wait3A_1386, %dma_wait3A_1387] : memref<7x128x128xf32, #tpu.memory_space<vmem>> -> memref<1x128x128xf32, #tpu.memory_space<vmem>>
    %dma_wait3A_1389 = tpu.memref_squeeze %dma_wait3A_1388 : memref<1x128x128xf32, #tpu.memory_space<vmem>> -> memref<128x128xf32, #tpu.memory_space<vmem>>
    %dma_wait3A_1390 = arith.constant 2688 : i32
    %dma_wait3A_1391 = tpu.memref_slice %arg5[%dma_wait3A_1390] : memref<3200xi32, #tpu.memory_space<vmem>> -> memref<128xi32, #tpu.memory_space<vmem>>
    %dma_wait3A_1392 = arith.constant 0 : i32
    %dma_wait3A_1393 = arith.constant 0 : i32
    %dma_wait3A_1394 = tpu.memref_slice %arg7[%dma_wait3A_1392, %dma_wait3A_1393] : memref<100x128xf32, #tpu.memory_space<vmem_shared>> -> memref<100x128xf32, #tpu.memory_space<vmem_shared>>
    %dma_wait3A_1395 = tpu.memref_slice %arg8[%dma_wait3A_1385] : memref<7x!tpu.dma_semaphore, #tpu.memory_space<semaphore_mem>> -> memref<1x!tpu.dma_semaphore, #tpu.memory_space<semaphore_mem>>
    %dma_wait3A_1396 = tpu.memref_squeeze %dma_wait3A_1395 : memref<1x!tpu.dma_semaphore, #tpu.memory_space<semaphore_mem>> -> memref<!tpu.dma_semaphore, #tpu.memory_space<semaphore_mem>>
    tpu.wait_indirect_dma semaphore(%dma_wait3A_1396 : memref<!tpu.dma_semaphore, #tpu.memory_space<semaphore_mem>>) src(%dma_wait3A_1394 : memref<100x128xf32, #tpu.memory_space<vmem_shared>>) dst(%dma_wait3A_1389 : memref<128x128xf32, #tpu.memory_space<vmem>>)
    %add3A_1397 = arith.constant 21 : i32
    %add3A_1398 = arith.addi %mul3A_4, %add3A_1397 : i32
    %mul3A_1399 = arith.constant 128 : i32
    %mul3A_1400 = arith.muli %add3A_1398, %mul3A_1399 : i32
    %add3A_1401 = arith.constant 128 : i32
    %add3A_1402 = arith.addi %mul3A_1400, %add3A_1401 : i32
    %le3A_1403 = arith.constant 100000 : i32
    %le3A_1404 = arith.cmpi sle, %add3A_1402, %le3A_1403 : i32
    %convert_element_type3A_1405 = arith.extui %le3A_1404 : i1 to i32
    %cond3A_1406 = arith.constant 0 : i32
    %cond3A_1407 = arith.cmpi ne, %convert_element_type3A_1405, %cond3A_1406 : i32
    scf.if %cond3A_1407 {
      %dma_start3A_1701 = arith.constant 0 : i32
      %dma_start3A_1702 = arith.constant 0 : i32
      %dma_start3A_1703 = arith.constant 0 : i32
      %dma_start3A_1704 = arith.constant 0 : i32
      %dma_start3A_1705 = tpu.memref_slice %arg6[%dma_start3A_1701, %dma_start3A_1703, %dma_start3A_1704] : memref<7x128x128xf32, #tpu.memory_space<vmem>> -> memref<1x128x128xf32, #tpu.memory_space<vmem>>
      %dma_start3A_1706 = tpu.memref_squeeze %dma_start3A_1705 : memref<1x128x128xf32, #tpu.memory_space<vmem>> -> memref<128x128xf32, #tpu.memory_space<vmem>>
      %dma_start3A_1707 = arith.constant 0 : i32
      %dma_start3A_1708 = tpu.memref_slice %arg4[%mul3A_1400, %dma_start3A_1707] : memref<100000x128xf32, #tpu.memory_space<hbm>> -> memref<128x128xf32, #tpu.memory_space<hbm>>
      %dma_start3A_1709 = tpu.memref_slice %arg9[%dma_start3A_1702] : memref<7x!tpu.dma_semaphore, #tpu.memory_space<semaphore_mem>> -> memref<1x!tpu.dma_semaphore, #tpu.memory_space<semaphore_mem>>
      %dma_start3A_1710 = tpu.memref_squeeze %dma_start3A_1709 : memref<1x!tpu.dma_semaphore, #tpu.memory_space<semaphore_mem>> -> memref<!tpu.dma_semaphore, #tpu.memory_space<semaphore_mem>>
      %dma_start3A_1711 = arith.constant 0 : i32
      %dma_start3A_1712 = tpu.memref_slice %arg4[%mul3A_1400, %dma_start3A_1711] : memref<100000x128xf32, #tpu.memory_space<hbm>> -> memref<128x128xf32, #tpu.memory_space<hbm>>
      %dma_start3A_1713 = arith.constant 0 : i32
      %dma_start3A_1714 = arith.constant 0 : i32
      %dma_start3A_1715 = tpu.memref_slice %arg6[%dma_start3A_1701, %dma_start3A_1713, %dma_start3A_1714] : memref<7x128x128xf32, #tpu.memory_space<vmem>> -> memref<1x128x128xf32, #tpu.memory_space<vmem>>
      %dma_start3A_1716 = tpu.memref_squeeze %dma_start3A_1715 : memref<1x128x128xf32, #tpu.memory_space<vmem>> -> memref<128x128xf32, #tpu.memory_space<vmem>>
      tpu.enqueue_dma source(%dma_start3A_1716 : memref<128x128xf32, #tpu.memory_space<vmem>>) target(%dma_start3A_1712 : memref<128x128xf32, #tpu.memory_space<hbm>>) target_semaphore(%dma_start3A_1710 : memref<!tpu.dma_semaphore, #tpu.memory_space<semaphore_mem>>)
    } else {
    }
    %lt3A_1408 = arith.constant 100000 : i32
    %lt3A_1409 = arith.cmpi slt, %mul3A_1400, %lt3A_1408 : i32
    %add3A_1410 = arith.constant 128 : i32
    %add3A_1411 = arith.addi %mul3A_1400, %add3A_1410 : i32
    %gt3A_1412 = arith.constant 100000 : i32
    %gt3A_1413 = arith.cmpi sgt, %add3A_1411, %gt3A_1412 : i32
    %and3A_1414 = arith.andi %lt3A_1409, %gt3A_1413 : i1
    %convert_element_type3A_1415 = arith.extui %and3A_1414 : i1 to i32
    %cond3A_1416 = arith.constant 0 : i32
    %cond3A_1417 = arith.cmpi ne, %convert_element_type3A_1415, %cond3A_1416 : i32
    scf.if %cond3A_1417 {
      %dma_start3A_1701 = arith.constant 0 : i32
      %dma_start3A_1702 = arith.constant 0 : i32
      %dma_start3A_1703 = arith.constant 0 : i32
      %dma_start3A_1704 = arith.constant 0 : i32
      %dma_start3A_1705 = tpu.memref_slice %arg6[%dma_start3A_1701, %dma_start3A_1703, %dma_start3A_1704] : memref<7x128x128xf32, #tpu.memory_space<vmem>> -> memref<1x32x128xf32, #tpu.memory_space<vmem>>
      %dma_start3A_1706 = tpu.memref_squeeze %dma_start3A_1705 : memref<1x32x128xf32, #tpu.memory_space<vmem>> -> memref<32x128xf32, #tpu.memory_space<vmem>>
      %dma_start3A_1707 = arith.constant 0 : i32
      %dma_start3A_1708 = tpu.memref_slice %arg4[%mul3A_1400, %dma_start3A_1707] : memref<100000x128xf32, #tpu.memory_space<hbm>> -> memref<32x128xf32, #tpu.memory_space<hbm>>
      %dma_start3A_1709 = tpu.memref_slice %arg9[%dma_start3A_1702] : memref<7x!tpu.dma_semaphore, #tpu.memory_space<semaphore_mem>> -> memref<1x!tpu.dma_semaphore, #tpu.memory_space<semaphore_mem>>
      %dma_start3A_1710 = tpu.memref_squeeze %dma_start3A_1709 : memref<1x!tpu.dma_semaphore, #tpu.memory_space<semaphore_mem>> -> memref<!tpu.dma_semaphore, #tpu.memory_space<semaphore_mem>>
      %dma_start3A_1711 = arith.constant 0 : i32
      %dma_start3A_1712 = tpu.memref_slice %arg4[%mul3A_1400, %dma_start3A_1711] : memref<100000x128xf32, #tpu.memory_space<hbm>> -> memref<32x128xf32, #tpu.memory_space<hbm>>
      %dma_start3A_1713 = arith.constant 0 : i32
      %dma_start3A_1714 = arith.constant 0 : i32
      %dma_start3A_1715 = tpu.memref_slice %arg6[%dma_start3A_1701, %dma_start3A_1713, %dma_start3A_1714] : memref<7x128x128xf32, #tpu.memory_space<vmem>> -> memref<1x32x128xf32, #tpu.memory_space<vmem>>
      %dma_start3A_1716 = tpu.memref_squeeze %dma_start3A_1715 : memref<1x32x128xf32, #tpu.memory_space<vmem>> -> memref<32x128xf32, #tpu.memory_space<vmem>>
      tpu.enqueue_dma source(%dma_start3A_1716 : memref<32x128xf32, #tpu.memory_space<vmem>>) target(%dma_start3A_1712 : memref<32x128xf32, #tpu.memory_space<hbm>>) target_semaphore(%dma_start3A_1710 : memref<!tpu.dma_semaphore, #tpu.memory_space<semaphore_mem>>)
    } else {
    }
    %add3A_1418 = arith.constant 17 : i32
    %add3A_1419 = arith.addi %mul3A_4, %add3A_1418 : i32
    %mul3A_1420 = arith.constant 128 : i32
    %mul3A_1421 = arith.muli %add3A_1419, %mul3A_1420 : i32
    %add3A_1422 = arith.constant 128 : i32
    %add3A_1423 = arith.addi %mul3A_1421, %add3A_1422 : i32
    %le3A_1424 = arith.constant 100000 : i32
    %le3A_1425 = arith.cmpi sle, %add3A_1423, %le3A_1424 : i32
    %convert_element_type3A_1426 = arith.extui %le3A_1425 : i1 to i32
    %cond3A_1427 = arith.constant 0 : i32
    %cond3A_1428 = arith.cmpi ne, %convert_element_type3A_1426, %cond3A_1427 : i32
    scf.if %cond3A_1428 {
      %dma_wait3A_1701 = arith.constant 3 : i32
      %dma_wait3A_1702 = arith.constant 3 : i32
      %dma_wait3A_1703 = arith.constant 0 : i32
      %dma_wait3A_1704 = arith.constant 0 : i32
      %dma_wait3A_1705 = tpu.memref_slice %arg6[%dma_wait3A_1701, %dma_wait3A_1703, %dma_wait3A_1704] : memref<7x128x128xf32, #tpu.memory_space<vmem>> -> memref<1x128x128xf32, #tpu.memory_space<vmem>>
      %dma_wait3A_1706 = tpu.memref_squeeze %dma_wait3A_1705 : memref<1x128x128xf32, #tpu.memory_space<vmem>> -> memref<128x128xf32, #tpu.memory_space<vmem>>
      %dma_wait3A_1707 = arith.constant 0 : i32
      %dma_wait3A_1708 = tpu.memref_slice %arg4[%mul3A_1421, %dma_wait3A_1707] : memref<100000x128xf32, #tpu.memory_space<hbm>> -> memref<128x128xf32, #tpu.memory_space<hbm>>
      %dma_wait3A_1709 = tpu.memref_slice %arg9[%dma_wait3A_1702] : memref<7x!tpu.dma_semaphore, #tpu.memory_space<semaphore_mem>> -> memref<1x!tpu.dma_semaphore, #tpu.memory_space<semaphore_mem>>
      %dma_wait3A_1710 = tpu.memref_squeeze %dma_wait3A_1709 : memref<1x!tpu.dma_semaphore, #tpu.memory_space<semaphore_mem>> -> memref<!tpu.dma_semaphore, #tpu.memory_space<semaphore_mem>>
      %dma_wait3A_1711 = arith.constant 0 : i32
      %dma_wait3A_1712 = tpu.memref_slice %arg4[%mul3A_1421, %dma_wait3A_1711] : memref<100000x128xf32, #tpu.memory_space<hbm>> -> memref<128x128xf32, #tpu.memory_space<hbm>>
      %dma_wait3A_1713 = arith.constant 0 : i32
      %dma_wait3A_1714 = arith.constant 0 : i32
      %dma_wait3A_1715 = tpu.memref_slice %arg6[%dma_wait3A_1701, %dma_wait3A_1713, %dma_wait3A_1714] : memref<7x128x128xf32, #tpu.memory_space<vmem>> -> memref<1x128x128xf32, #tpu.memory_space<vmem>>
      %dma_wait3A_1716 = tpu.memref_squeeze %dma_wait3A_1715 : memref<1x128x128xf32, #tpu.memory_space<vmem>> -> memref<128x128xf32, #tpu.memory_space<vmem>>
      tpu.wait_dma2 semaphore(%dma_wait3A_1710 : memref<!tpu.dma_semaphore, #tpu.memory_space<semaphore_mem>>) src(%dma_wait3A_1716 : memref<128x128xf32, #tpu.memory_space<vmem>>) dst(%dma_wait3A_1712 : memref<128x128xf32, #tpu.memory_space<hbm>>)
    } else {
    }
    %lt3A_1429 = arith.constant 100000 : i32
    %lt3A_1430 = arith.cmpi slt, %mul3A_1421, %lt3A_1429 : i32
    %add3A_1431 = arith.constant 128 : i32
    %add3A_1432 = arith.addi %mul3A_1421, %add3A_1431 : i32
    %gt3A_1433 = arith.constant 100000 : i32
    %gt3A_1434 = arith.cmpi sgt, %add3A_1432, %gt3A_1433 : i32
    %and3A_1435 = arith.andi %lt3A_1430, %gt3A_1434 : i1
    %convert_element_type3A_1436 = arith.extui %and3A_1435 : i1 to i32
    %cond3A_1437 = arith.constant 0 : i32
    %cond3A_1438 = arith.cmpi ne, %convert_element_type3A_1436, %cond3A_1437 : i32
    scf.if %cond3A_1438 {
      %dma_wait3A_1701 = arith.constant 3 : i32
      %dma_wait3A_1702 = arith.constant 3 : i32
      %dma_wait3A_1703 = arith.constant 0 : i32
      %dma_wait3A_1704 = arith.constant 0 : i32
      %dma_wait3A_1705 = tpu.memref_slice %arg6[%dma_wait3A_1701, %dma_wait3A_1703, %dma_wait3A_1704] : memref<7x128x128xf32, #tpu.memory_space<vmem>> -> memref<1x32x128xf32, #tpu.memory_space<vmem>>
      %dma_wait3A_1706 = tpu.memref_squeeze %dma_wait3A_1705 : memref<1x32x128xf32, #tpu.memory_space<vmem>> -> memref<32x128xf32, #tpu.memory_space<vmem>>
      %dma_wait3A_1707 = arith.constant 0 : i32
      %dma_wait3A_1708 = tpu.memref_slice %arg4[%mul3A_1421, %dma_wait3A_1707] : memref<100000x128xf32, #tpu.memory_space<hbm>> -> memref<32x128xf32, #tpu.memory_space<hbm>>
      %dma_wait3A_1709 = tpu.memref_slice %arg9[%dma_wait3A_1702] : memref<7x!tpu.dma_semaphore, #tpu.memory_space<semaphore_mem>> -> memref<1x!tpu.dma_semaphore, #tpu.memory_space<semaphore_mem>>
      %dma_wait3A_1710 = tpu.memref_squeeze %dma_wait3A_1709 : memref<1x!tpu.dma_semaphore, #tpu.memory_space<semaphore_mem>> -> memref<!tpu.dma_semaphore, #tpu.memory_space<semaphore_mem>>
      %dma_wait3A_1711 = arith.constant 0 : i32
      %dma_wait3A_1712 = tpu.memref_slice %arg4[%mul3A_1421, %dma_wait3A_1711] : memref<100000x128xf32, #tpu.memory_space<hbm>> -> memref<32x128xf32, #tpu.memory_space<hbm>>
      %dma_wait3A_1713 = arith.constant 0 : i32
      %dma_wait3A_1714 = arith.constant 0 : i32
      %dma_wait3A_1715 = tpu.memref_slice %arg6[%dma_wait3A_1701, %dma_wait3A_1713, %dma_wait3A_1714] : memref<7x128x128xf32, #tpu.memory_space<vmem>> -> memref<1x32x128xf32, #tpu.memory_space<vmem>>
      %dma_wait3A_1716 = tpu.memref_squeeze %dma_wait3A_1715 : memref<1x32x128xf32, #tpu.memory_space<vmem>> -> memref<32x128xf32, #tpu.memory_space<vmem>>
      tpu.wait_dma2 semaphore(%dma_wait3A_1710 : memref<!tpu.dma_semaphore, #tpu.memory_space<semaphore_mem>>) src(%dma_wait3A_1716 : memref<32x128xf32, #tpu.memory_space<vmem>>) dst(%dma_wait3A_1712 : memref<32x128xf32, #tpu.memory_space<hbm>>)
    } else {
    }
    %dma_start3A_1439 = arith.constant 3 : i32
    %dma_start3A_1440 = arith.constant 3 : i32
    %dma_start3A_1441 = arith.constant 0 : i32
    %dma_start3A_1442 = arith.constant 0 : i32
    %dma_start3A_1443 = tpu.memref_slice %arg6[%dma_start3A_1439, %dma_start3A_1441, %dma_start3A_1442] : memref<7x128x128xf32, #tpu.memory_space<vmem>> -> memref<1x128x128xf32, #tpu.memory_space<vmem>>
    %dma_start3A_1444 = tpu.memref_squeeze %dma_start3A_1443 : memref<1x128x128xf32, #tpu.memory_space<vmem>> -> memref<128x128xf32, #tpu.memory_space<vmem>>
    %dma_start3A_1445 = arith.constant 3072 : i32
    %dma_start3A_1446 = tpu.memref_slice %arg5[%dma_start3A_1445] : memref<3200xi32, #tpu.memory_space<vmem>> -> memref<128xi32, #tpu.memory_space<vmem>>
    %dma_start3A_1447 = arith.constant 0 : i32
    %dma_start3A_1448 = arith.constant 0 : i32
    %dma_start3A_1449 = tpu.memref_slice %arg7[%dma_start3A_1447, %dma_start3A_1448] : memref<100x128xf32, #tpu.memory_space<vmem_shared>> -> memref<100x128xf32, #tpu.memory_space<vmem_shared>>
    %dma_start3A_1450 = tpu.memref_slice %arg8[%dma_start3A_1440] : memref<7x!tpu.dma_semaphore, #tpu.memory_space<semaphore_mem>> -> memref<1x!tpu.dma_semaphore, #tpu.memory_space<semaphore_mem>>
    %dma_start3A_1451 = tpu.memref_squeeze %dma_start3A_1450 : memref<1x!tpu.dma_semaphore, #tpu.memory_space<semaphore_mem>> -> memref<!tpu.dma_semaphore, #tpu.memory_space<semaphore_mem>>
    tpu.enqueue_indirect_dma source(%dma_start3A_1449 : memref<100x128xf32, #tpu.memory_space<vmem_shared>>) target(%dma_start3A_1444 : memref<128x128xf32, #tpu.memory_space<vmem>>) offsets(%dma_start3A_1446 : memref<128xi32, #tpu.memory_space<vmem>>) semaphore(%dma_start3A_1451 : memref<!tpu.dma_semaphore, #tpu.memory_space<semaphore_mem>>)
    %dma_wait3A_1452 = arith.constant 1 : i32
    %dma_wait3A_1453 = arith.constant 1 : i32
    %dma_wait3A_1454 = arith.constant 0 : i32
    %dma_wait3A_1455 = arith.constant 0 : i32
    %dma_wait3A_1456 = tpu.memref_slice %arg6[%dma_wait3A_1452, %dma_wait3A_1454, %dma_wait3A_1455] : memref<7x128x128xf32, #tpu.memory_space<vmem>> -> memref<1x128x128xf32, #tpu.memory_space<vmem>>
    %dma_wait3A_1457 = tpu.memref_squeeze %dma_wait3A_1456 : memref<1x128x128xf32, #tpu.memory_space<vmem>> -> memref<128x128xf32, #tpu.memory_space<vmem>>
    %dma_wait3A_1458 = arith.constant 2816 : i32
    %dma_wait3A_1459 = tpu.memref_slice %arg5[%dma_wait3A_1458] : memref<3200xi32, #tpu.memory_space<vmem>> -> memref<128xi32, #tpu.memory_space<vmem>>
    %dma_wait3A_1460 = arith.constant 0 : i32
    %dma_wait3A_1461 = arith.constant 0 : i32
    %dma_wait3A_1462 = tpu.memref_slice %arg7[%dma_wait3A_1460, %dma_wait3A_1461] : memref<100x128xf32, #tpu.memory_space<vmem_shared>> -> memref<100x128xf32, #tpu.memory_space<vmem_shared>>
    %dma_wait3A_1463 = tpu.memref_slice %arg8[%dma_wait3A_1453] : memref<7x!tpu.dma_semaphore, #tpu.memory_space<semaphore_mem>> -> memref<1x!tpu.dma_semaphore, #tpu.memory_space<semaphore_mem>>
    %dma_wait3A_1464 = tpu.memref_squeeze %dma_wait3A_1463 : memref<1x!tpu.dma_semaphore, #tpu.memory_space<semaphore_mem>> -> memref<!tpu.dma_semaphore, #tpu.memory_space<semaphore_mem>>
    tpu.wait_indirect_dma semaphore(%dma_wait3A_1464 : memref<!tpu.dma_semaphore, #tpu.memory_space<semaphore_mem>>) src(%dma_wait3A_1462 : memref<100x128xf32, #tpu.memory_space<vmem_shared>>) dst(%dma_wait3A_1457 : memref<128x128xf32, #tpu.memory_space<vmem>>)
    %add3A_1465 = arith.constant 22 : i32
    %add3A_1466 = arith.addi %mul3A_4, %add3A_1465 : i32
    %mul3A_1467 = arith.constant 128 : i32
    %mul3A_1468 = arith.muli %add3A_1466, %mul3A_1467 : i32
    %add3A_1469 = arith.constant 128 : i32
    %add3A_1470 = arith.addi %mul3A_1468, %add3A_1469 : i32
    %le3A_1471 = arith.constant 100000 : i32
    %le3A_1472 = arith.cmpi sle, %add3A_1470, %le3A_1471 : i32
    %convert_element_type3A_1473 = arith.extui %le3A_1472 : i1 to i32
    %cond3A_1474 = arith.constant 0 : i32
    %cond3A_1475 = arith.cmpi ne, %convert_element_type3A_1473, %cond3A_1474 : i32
    scf.if %cond3A_1475 {
      %dma_start3A_1701 = arith.constant 1 : i32
      %dma_start3A_1702 = arith.constant 1 : i32
      %dma_start3A_1703 = arith.constant 0 : i32
      %dma_start3A_1704 = arith.constant 0 : i32
      %dma_start3A_1705 = tpu.memref_slice %arg6[%dma_start3A_1701, %dma_start3A_1703, %dma_start3A_1704] : memref<7x128x128xf32, #tpu.memory_space<vmem>> -> memref<1x128x128xf32, #tpu.memory_space<vmem>>
      %dma_start3A_1706 = tpu.memref_squeeze %dma_start3A_1705 : memref<1x128x128xf32, #tpu.memory_space<vmem>> -> memref<128x128xf32, #tpu.memory_space<vmem>>
      %dma_start3A_1707 = arith.constant 0 : i32
      %dma_start3A_1708 = tpu.memref_slice %arg4[%mul3A_1468, %dma_start3A_1707] : memref<100000x128xf32, #tpu.memory_space<hbm>> -> memref<128x128xf32, #tpu.memory_space<hbm>>
      %dma_start3A_1709 = tpu.memref_slice %arg9[%dma_start3A_1702] : memref<7x!tpu.dma_semaphore, #tpu.memory_space<semaphore_mem>> -> memref<1x!tpu.dma_semaphore, #tpu.memory_space<semaphore_mem>>
      %dma_start3A_1710 = tpu.memref_squeeze %dma_start3A_1709 : memref<1x!tpu.dma_semaphore, #tpu.memory_space<semaphore_mem>> -> memref<!tpu.dma_semaphore, #tpu.memory_space<semaphore_mem>>
      %dma_start3A_1711 = arith.constant 0 : i32
      %dma_start3A_1712 = tpu.memref_slice %arg4[%mul3A_1468, %dma_start3A_1711] : memref<100000x128xf32, #tpu.memory_space<hbm>> -> memref<128x128xf32, #tpu.memory_space<hbm>>
      %dma_start3A_1713 = arith.constant 0 : i32
      %dma_start3A_1714 = arith.constant 0 : i32
      %dma_start3A_1715 = tpu.memref_slice %arg6[%dma_start3A_1701, %dma_start3A_1713, %dma_start3A_1714] : memref<7x128x128xf32, #tpu.memory_space<vmem>> -> memref<1x128x128xf32, #tpu.memory_space<vmem>>
      %dma_start3A_1716 = tpu.memref_squeeze %dma_start3A_1715 : memref<1x128x128xf32, #tpu.memory_space<vmem>> -> memref<128x128xf32, #tpu.memory_space<vmem>>
      tpu.enqueue_dma source(%dma_start3A_1716 : memref<128x128xf32, #tpu.memory_space<vmem>>) target(%dma_start3A_1712 : memref<128x128xf32, #tpu.memory_space<hbm>>) target_semaphore(%dma_start3A_1710 : memref<!tpu.dma_semaphore, #tpu.memory_space<semaphore_mem>>)
    } else {
    }
    %lt3A_1476 = arith.constant 100000 : i32
    %lt3A_1477 = arith.cmpi slt, %mul3A_1468, %lt3A_1476 : i32
    %add3A_1478 = arith.constant 128 : i32
    %add3A_1479 = arith.addi %mul3A_1468, %add3A_1478 : i32
    %gt3A_1480 = arith.constant 100000 : i32
    %gt3A_1481 = arith.cmpi sgt, %add3A_1479, %gt3A_1480 : i32
    %and3A_1482 = arith.andi %lt3A_1477, %gt3A_1481 : i1
    %convert_element_type3A_1483 = arith.extui %and3A_1482 : i1 to i32
    %cond3A_1484 = arith.constant 0 : i32
    %cond3A_1485 = arith.cmpi ne, %convert_element_type3A_1483, %cond3A_1484 : i32
    scf.if %cond3A_1485 {
      %dma_start3A_1701 = arith.constant 1 : i32
      %dma_start3A_1702 = arith.constant 1 : i32
      %dma_start3A_1703 = arith.constant 0 : i32
      %dma_start3A_1704 = arith.constant 0 : i32
      %dma_start3A_1705 = tpu.memref_slice %arg6[%dma_start3A_1701, %dma_start3A_1703, %dma_start3A_1704] : memref<7x128x128xf32, #tpu.memory_space<vmem>> -> memref<1x32x128xf32, #tpu.memory_space<vmem>>
      %dma_start3A_1706 = tpu.memref_squeeze %dma_start3A_1705 : memref<1x32x128xf32, #tpu.memory_space<vmem>> -> memref<32x128xf32, #tpu.memory_space<vmem>>
      %dma_start3A_1707 = arith.constant 0 : i32
      %dma_start3A_1708 = tpu.memref_slice %arg4[%mul3A_1468, %dma_start3A_1707] : memref<100000x128xf32, #tpu.memory_space<hbm>> -> memref<32x128xf32, #tpu.memory_space<hbm>>
      %dma_start3A_1709 = tpu.memref_slice %arg9[%dma_start3A_1702] : memref<7x!tpu.dma_semaphore, #tpu.memory_space<semaphore_mem>> -> memref<1x!tpu.dma_semaphore, #tpu.memory_space<semaphore_mem>>
      %dma_start3A_1710 = tpu.memref_squeeze %dma_start3A_1709 : memref<1x!tpu.dma_semaphore, #tpu.memory_space<semaphore_mem>> -> memref<!tpu.dma_semaphore, #tpu.memory_space<semaphore_mem>>
      %dma_start3A_1711 = arith.constant 0 : i32
      %dma_start3A_1712 = tpu.memref_slice %arg4[%mul3A_1468, %dma_start3A_1711] : memref<100000x128xf32, #tpu.memory_space<hbm>> -> memref<32x128xf32, #tpu.memory_space<hbm>>
      %dma_start3A_1713 = arith.constant 0 : i32
      %dma_start3A_1714 = arith.constant 0 : i32
      %dma_start3A_1715 = tpu.memref_slice %arg6[%dma_start3A_1701, %dma_start3A_1713, %dma_start3A_1714] : memref<7x128x128xf32, #tpu.memory_space<vmem>> -> memref<1x32x128xf32, #tpu.memory_space<vmem>>
      %dma_start3A_1716 = tpu.memref_squeeze %dma_start3A_1715 : memref<1x32x128xf32, #tpu.memory_space<vmem>> -> memref<32x128xf32, #tpu.memory_space<vmem>>
      tpu.enqueue_dma source(%dma_start3A_1716 : memref<32x128xf32, #tpu.memory_space<vmem>>) target(%dma_start3A_1712 : memref<32x128xf32, #tpu.memory_space<hbm>>) target_semaphore(%dma_start3A_1710 : memref<!tpu.dma_semaphore, #tpu.memory_space<semaphore_mem>>)
    } else {
    }
    %dma_wait3A_1486 = arith.constant 2 : i32
    %dma_wait3A_1487 = arith.constant 2 : i32
    %dma_wait3A_1488 = arith.constant 0 : i32
    %dma_wait3A_1489 = arith.constant 0 : i32
    %dma_wait3A_1490 = tpu.memref_slice %arg6[%dma_wait3A_1486, %dma_wait3A_1488, %dma_wait3A_1489] : memref<7x128x128xf32, #tpu.memory_space<vmem>> -> memref<1x128x128xf32, #tpu.memory_space<vmem>>
    %dma_wait3A_1491 = tpu.memref_squeeze %dma_wait3A_1490 : memref<1x128x128xf32, #tpu.memory_space<vmem>> -> memref<128x128xf32, #tpu.memory_space<vmem>>
    %dma_wait3A_1492 = arith.constant 2944 : i32
    %dma_wait3A_1493 = tpu.memref_slice %arg5[%dma_wait3A_1492] : memref<3200xi32, #tpu.memory_space<vmem>> -> memref<128xi32, #tpu.memory_space<vmem>>
    %dma_wait3A_1494 = arith.constant 0 : i32
    %dma_wait3A_1495 = arith.constant 0 : i32
    %dma_wait3A_1496 = tpu.memref_slice %arg7[%dma_wait3A_1494, %dma_wait3A_1495] : memref<100x128xf32, #tpu.memory_space<vmem_shared>> -> memref<100x128xf32, #tpu.memory_space<vmem_shared>>
    %dma_wait3A_1497 = tpu.memref_slice %arg8[%dma_wait3A_1487] : memref<7x!tpu.dma_semaphore, #tpu.memory_space<semaphore_mem>> -> memref<1x!tpu.dma_semaphore, #tpu.memory_space<semaphore_mem>>
    %dma_wait3A_1498 = tpu.memref_squeeze %dma_wait3A_1497 : memref<1x!tpu.dma_semaphore, #tpu.memory_space<semaphore_mem>> -> memref<!tpu.dma_semaphore, #tpu.memory_space<semaphore_mem>>
    tpu.wait_indirect_dma semaphore(%dma_wait3A_1498 : memref<!tpu.dma_semaphore, #tpu.memory_space<semaphore_mem>>) src(%dma_wait3A_1496 : memref<100x128xf32, #tpu.memory_space<vmem_shared>>) dst(%dma_wait3A_1491 : memref<128x128xf32, #tpu.memory_space<vmem>>)
    %add3A_1499 = arith.constant 23 : i32
    %add3A_1500 = arith.addi %mul3A_4, %add3A_1499 : i32
    %mul3A_1501 = arith.constant 128 : i32
    %mul3A_1502 = arith.muli %add3A_1500, %mul3A_1501 : i32
    %add3A_1503 = arith.constant 128 : i32
    %add3A_1504 = arith.addi %mul3A_1502, %add3A_1503 : i32
    %le3A_1505 = arith.constant 100000 : i32
    %le3A_1506 = arith.cmpi sle, %add3A_1504, %le3A_1505 : i32
    %convert_element_type3A_1507 = arith.extui %le3A_1506 : i1 to i32
    %cond3A_1508 = arith.constant 0 : i32
    %cond3A_1509 = arith.cmpi ne, %convert_element_type3A_1507, %cond3A_1508 : i32
    scf.if %cond3A_1509 {
      %dma_start3A_1701 = arith.constant 2 : i32
      %dma_start3A_1702 = arith.constant 2 : i32
      %dma_start3A_1703 = arith.constant 0 : i32
      %dma_start3A_1704 = arith.constant 0 : i32
      %dma_start3A_1705 = tpu.memref_slice %arg6[%dma_start3A_1701, %dma_start3A_1703, %dma_start3A_1704] : memref<7x128x128xf32, #tpu.memory_space<vmem>> -> memref<1x128x128xf32, #tpu.memory_space<vmem>>
      %dma_start3A_1706 = tpu.memref_squeeze %dma_start3A_1705 : memref<1x128x128xf32, #tpu.memory_space<vmem>> -> memref<128x128xf32, #tpu.memory_space<vmem>>
      %dma_start3A_1707 = arith.constant 0 : i32
      %dma_start3A_1708 = tpu.memref_slice %arg4[%mul3A_1502, %dma_start3A_1707] : memref<100000x128xf32, #tpu.memory_space<hbm>> -> memref<128x128xf32, #tpu.memory_space<hbm>>
      %dma_start3A_1709 = tpu.memref_slice %arg9[%dma_start3A_1702] : memref<7x!tpu.dma_semaphore, #tpu.memory_space<semaphore_mem>> -> memref<1x!tpu.dma_semaphore, #tpu.memory_space<semaphore_mem>>
      %dma_start3A_1710 = tpu.memref_squeeze %dma_start3A_1709 : memref<1x!tpu.dma_semaphore, #tpu.memory_space<semaphore_mem>> -> memref<!tpu.dma_semaphore, #tpu.memory_space<semaphore_mem>>
      %dma_start3A_1711 = arith.constant 0 : i32
      %dma_start3A_1712 = tpu.memref_slice %arg4[%mul3A_1502, %dma_start3A_1711] : memref<100000x128xf32, #tpu.memory_space<hbm>> -> memref<128x128xf32, #tpu.memory_space<hbm>>
      %dma_start3A_1713 = arith.constant 0 : i32
      %dma_start3A_1714 = arith.constant 0 : i32
      %dma_start3A_1715 = tpu.memref_slice %arg6[%dma_start3A_1701, %dma_start3A_1713, %dma_start3A_1714] : memref<7x128x128xf32, #tpu.memory_space<vmem>> -> memref<1x128x128xf32, #tpu.memory_space<vmem>>
      %dma_start3A_1716 = tpu.memref_squeeze %dma_start3A_1715 : memref<1x128x128xf32, #tpu.memory_space<vmem>> -> memref<128x128xf32, #tpu.memory_space<vmem>>
      tpu.enqueue_dma source(%dma_start3A_1716 : memref<128x128xf32, #tpu.memory_space<vmem>>) target(%dma_start3A_1712 : memref<128x128xf32, #tpu.memory_space<hbm>>) target_semaphore(%dma_start3A_1710 : memref<!tpu.dma_semaphore, #tpu.memory_space<semaphore_mem>>)
    } else {
    }
    %lt3A_1510 = arith.constant 100000 : i32
    %lt3A_1511 = arith.cmpi slt, %mul3A_1502, %lt3A_1510 : i32
    %add3A_1512 = arith.constant 128 : i32
    %add3A_1513 = arith.addi %mul3A_1502, %add3A_1512 : i32
    %gt3A_1514 = arith.constant 100000 : i32
    %gt3A_1515 = arith.cmpi sgt, %add3A_1513, %gt3A_1514 : i32
    %and3A_1516 = arith.andi %lt3A_1511, %gt3A_1515 : i1
    %convert_element_type3A_1517 = arith.extui %and3A_1516 : i1 to i32
    %cond3A_1518 = arith.constant 0 : i32
    %cond3A_1519 = arith.cmpi ne, %convert_element_type3A_1517, %cond3A_1518 : i32
    scf.if %cond3A_1519 {
      %dma_start3A_1701 = arith.constant 2 : i32
      %dma_start3A_1702 = arith.constant 2 : i32
      %dma_start3A_1703 = arith.constant 0 : i32
      %dma_start3A_1704 = arith.constant 0 : i32
      %dma_start3A_1705 = tpu.memref_slice %arg6[%dma_start3A_1701, %dma_start3A_1703, %dma_start3A_1704] : memref<7x128x128xf32, #tpu.memory_space<vmem>> -> memref<1x32x128xf32, #tpu.memory_space<vmem>>
      %dma_start3A_1706 = tpu.memref_squeeze %dma_start3A_1705 : memref<1x32x128xf32, #tpu.memory_space<vmem>> -> memref<32x128xf32, #tpu.memory_space<vmem>>
      %dma_start3A_1707 = arith.constant 0 : i32
      %dma_start3A_1708 = tpu.memref_slice %arg4[%mul3A_1502, %dma_start3A_1707] : memref<100000x128xf32, #tpu.memory_space<hbm>> -> memref<32x128xf32, #tpu.memory_space<hbm>>
      %dma_start3A_1709 = tpu.memref_slice %arg9[%dma_start3A_1702] : memref<7x!tpu.dma_semaphore, #tpu.memory_space<semaphore_mem>> -> memref<1x!tpu.dma_semaphore, #tpu.memory_space<semaphore_mem>>
      %dma_start3A_1710 = tpu.memref_squeeze %dma_start3A_1709 : memref<1x!tpu.dma_semaphore, #tpu.memory_space<semaphore_mem>> -> memref<!tpu.dma_semaphore, #tpu.memory_space<semaphore_mem>>
      %dma_start3A_1711 = arith.constant 0 : i32
      %dma_start3A_1712 = tpu.memref_slice %arg4[%mul3A_1502, %dma_start3A_1711] : memref<100000x128xf32, #tpu.memory_space<hbm>> -> memref<32x128xf32, #tpu.memory_space<hbm>>
      %dma_start3A_1713 = arith.constant 0 : i32
      %dma_start3A_1714 = arith.constant 0 : i32
      %dma_start3A_1715 = tpu.memref_slice %arg6[%dma_start3A_1701, %dma_start3A_1713, %dma_start3A_1714] : memref<7x128x128xf32, #tpu.memory_space<vmem>> -> memref<1x32x128xf32, #tpu.memory_space<vmem>>
      %dma_start3A_1716 = tpu.memref_squeeze %dma_start3A_1715 : memref<1x32x128xf32, #tpu.memory_space<vmem>> -> memref<32x128xf32, #tpu.memory_space<vmem>>
      tpu.enqueue_dma source(%dma_start3A_1716 : memref<32x128xf32, #tpu.memory_space<vmem>>) target(%dma_start3A_1712 : memref<32x128xf32, #tpu.memory_space<hbm>>) target_semaphore(%dma_start3A_1710 : memref<!tpu.dma_semaphore, #tpu.memory_space<semaphore_mem>>)
    } else {
    }
    %dma_wait3A_1520 = arith.constant 3 : i32
    %dma_wait3A_1521 = arith.constant 3 : i32
    %dma_wait3A_1522 = arith.constant 0 : i32
    %dma_wait3A_1523 = arith.constant 0 : i32
    %dma_wait3A_1524 = tpu.memref_slice %arg6[%dma_wait3A_1520, %dma_wait3A_1522, %dma_wait3A_1523] : memref<7x128x128xf32, #tpu.memory_space<vmem>> -> memref<1x128x128xf32, #tpu.memory_space<vmem>>
    %dma_wait3A_1525 = tpu.memref_squeeze %dma_wait3A_1524 : memref<1x128x128xf32, #tpu.memory_space<vmem>> -> memref<128x128xf32, #tpu.memory_space<vmem>>
    %dma_wait3A_1526 = arith.constant 3072 : i32
    %dma_wait3A_1527 = tpu.memref_slice %arg5[%dma_wait3A_1526] : memref<3200xi32, #tpu.memory_space<vmem>> -> memref<128xi32, #tpu.memory_space<vmem>>
    %dma_wait3A_1528 = arith.constant 0 : i32
    %dma_wait3A_1529 = arith.constant 0 : i32
    %dma_wait3A_1530 = tpu.memref_slice %arg7[%dma_wait3A_1528, %dma_wait3A_1529] : memref<100x128xf32, #tpu.memory_space<vmem_shared>> -> memref<100x128xf32, #tpu.memory_space<vmem_shared>>
    %dma_wait3A_1531 = tpu.memref_slice %arg8[%dma_wait3A_1521] : memref<7x!tpu.dma_semaphore, #tpu.memory_space<semaphore_mem>> -> memref<1x!tpu.dma_semaphore, #tpu.memory_space<semaphore_mem>>
    %dma_wait3A_1532 = tpu.memref_squeeze %dma_wait3A_1531 : memref<1x!tpu.dma_semaphore, #tpu.memory_space<semaphore_mem>> -> memref<!tpu.dma_semaphore, #tpu.memory_space<semaphore_mem>>
    tpu.wait_indirect_dma semaphore(%dma_wait3A_1532 : memref<!tpu.dma_semaphore, #tpu.memory_space<semaphore_mem>>) src(%dma_wait3A_1530 : memref<100x128xf32, #tpu.memory_space<vmem_shared>>) dst(%dma_wait3A_1525 : memref<128x128xf32, #tpu.memory_space<vmem>>)
    %add3A_1533 = arith.constant 24 : i32
    %add3A_1534 = arith.addi %mul3A_4, %add3A_1533 : i32
    %mul3A_1535 = arith.constant 128 : i32
    %mul3A_1536 = arith.muli %add3A_1534, %mul3A_1535 : i32
    %add3A_1537 = arith.constant 128 : i32
    %add3A_1538 = arith.addi %mul3A_1536, %add3A_1537 : i32
    %le3A_1539 = arith.constant 100000 : i32
    %le3A_1540 = arith.cmpi sle, %add3A_1538, %le3A_1539 : i32
    %convert_element_type3A_1541 = arith.extui %le3A_1540 : i1 to i32
    %cond3A_1542 = arith.constant 0 : i32
    %cond3A_1543 = arith.cmpi ne, %convert_element_type3A_1541, %cond3A_1542 : i32
    scf.if %cond3A_1543 {
      %dma_start3A_1701 = arith.constant 3 : i32
      %dma_start3A_1702 = arith.constant 3 : i32
      %dma_start3A_1703 = arith.constant 0 : i32
      %dma_start3A_1704 = arith.constant 0 : i32
      %dma_start3A_1705 = tpu.memref_slice %arg6[%dma_start3A_1701, %dma_start3A_1703, %dma_start3A_1704] : memref<7x128x128xf32, #tpu.memory_space<vmem>> -> memref<1x128x128xf32, #tpu.memory_space<vmem>>
      %dma_start3A_1706 = tpu.memref_squeeze %dma_start3A_1705 : memref<1x128x128xf32, #tpu.memory_space<vmem>> -> memref<128x128xf32, #tpu.memory_space<vmem>>
      %dma_start3A_1707 = arith.constant 0 : i32
      %dma_start3A_1708 = tpu.memref_slice %arg4[%mul3A_1536, %dma_start3A_1707] : memref<100000x128xf32, #tpu.memory_space<hbm>> -> memref<128x128xf32, #tpu.memory_space<hbm>>
      %dma_start3A_1709 = tpu.memref_slice %arg9[%dma_start3A_1702] : memref<7x!tpu.dma_semaphore, #tpu.memory_space<semaphore_mem>> -> memref<1x!tpu.dma_semaphore, #tpu.memory_space<semaphore_mem>>
      %dma_start3A_1710 = tpu.memref_squeeze %dma_start3A_1709 : memref<1x!tpu.dma_semaphore, #tpu.memory_space<semaphore_mem>> -> memref<!tpu.dma_semaphore, #tpu.memory_space<semaphore_mem>>
      %dma_start3A_1711 = arith.constant 0 : i32
      %dma_start3A_1712 = tpu.memref_slice %arg4[%mul3A_1536, %dma_start3A_1711] : memref<100000x128xf32, #tpu.memory_space<hbm>> -> memref<128x128xf32, #tpu.memory_space<hbm>>
      %dma_start3A_1713 = arith.constant 0 : i32
      %dma_start3A_1714 = arith.constant 0 : i32
      %dma_start3A_1715 = tpu.memref_slice %arg6[%dma_start3A_1701, %dma_start3A_1713, %dma_start3A_1714] : memref<7x128x128xf32, #tpu.memory_space<vmem>> -> memref<1x128x128xf32, #tpu.memory_space<vmem>>
      %dma_start3A_1716 = tpu.memref_squeeze %dma_start3A_1715 : memref<1x128x128xf32, #tpu.memory_space<vmem>> -> memref<128x128xf32, #tpu.memory_space<vmem>>
      tpu.enqueue_dma source(%dma_start3A_1716 : memref<128x128xf32, #tpu.memory_space<vmem>>) target(%dma_start3A_1712 : memref<128x128xf32, #tpu.memory_space<hbm>>) target_semaphore(%dma_start3A_1710 : memref<!tpu.dma_semaphore, #tpu.memory_space<semaphore_mem>>)
    } else {
    }
    %lt3A_1544 = arith.constant 100000 : i32
    %lt3A_1545 = arith.cmpi slt, %mul3A_1536, %lt3A_1544 : i32
    %add3A_1546 = arith.constant 128 : i32
    %add3A_1547 = arith.addi %mul3A_1536, %add3A_1546 : i32
    %gt3A_1548 = arith.constant 100000 : i32
    %gt3A_1549 = arith.cmpi sgt, %add3A_1547, %gt3A_1548 : i32
    %and3A_1550 = arith.andi %lt3A_1545, %gt3A_1549 : i1
    %convert_element_type3A_1551 = arith.extui %and3A_1550 : i1 to i32
    %cond3A_1552 = arith.constant 0 : i32
    %cond3A_1553 = arith.cmpi ne, %convert_element_type3A_1551, %cond3A_1552 : i32
    scf.if %cond3A_1553 {
      %dma_start3A_1701 = arith.constant 3 : i32
      %dma_start3A_1702 = arith.constant 3 : i32
      %dma_start3A_1703 = arith.constant 0 : i32
      %dma_start3A_1704 = arith.constant 0 : i32
      %dma_start3A_1705 = tpu.memref_slice %arg6[%dma_start3A_1701, %dma_start3A_1703, %dma_start3A_1704] : memref<7x128x128xf32, #tpu.memory_space<vmem>> -> memref<1x32x128xf32, #tpu.memory_space<vmem>>
      %dma_start3A_1706 = tpu.memref_squeeze %dma_start3A_1705 : memref<1x32x128xf32, #tpu.memory_space<vmem>> -> memref<32x128xf32, #tpu.memory_space<vmem>>
      %dma_start3A_1707 = arith.constant 0 : i32
      %dma_start3A_1708 = tpu.memref_slice %arg4[%mul3A_1536, %dma_start3A_1707] : memref<100000x128xf32, #tpu.memory_space<hbm>> -> memref<32x128xf32, #tpu.memory_space<hbm>>
      %dma_start3A_1709 = tpu.memref_slice %arg9[%dma_start3A_1702] : memref<7x!tpu.dma_semaphore, #tpu.memory_space<semaphore_mem>> -> memref<1x!tpu.dma_semaphore, #tpu.memory_space<semaphore_mem>>
      %dma_start3A_1710 = tpu.memref_squeeze %dma_start3A_1709 : memref<1x!tpu.dma_semaphore, #tpu.memory_space<semaphore_mem>> -> memref<!tpu.dma_semaphore, #tpu.memory_space<semaphore_mem>>
      %dma_start3A_1711 = arith.constant 0 : i32
      %dma_start3A_1712 = tpu.memref_slice %arg4[%mul3A_1536, %dma_start3A_1711] : memref<100000x128xf32, #tpu.memory_space<hbm>> -> memref<32x128xf32, #tpu.memory_space<hbm>>
      %dma_start3A_1713 = arith.constant 0 : i32
      %dma_start3A_1714 = arith.constant 0 : i32
      %dma_start3A_1715 = tpu.memref_slice %arg6[%dma_start3A_1701, %dma_start3A_1713, %dma_start3A_1714] : memref<7x128x128xf32, #tpu.memory_space<vmem>> -> memref<1x32x128xf32, #tpu.memory_space<vmem>>
      %dma_start3A_1716 = tpu.memref_squeeze %dma_start3A_1715 : memref<1x32x128xf32, #tpu.memory_space<vmem>> -> memref<32x128xf32, #tpu.memory_space<vmem>>
      tpu.enqueue_dma source(%dma_start3A_1716 : memref<32x128xf32, #tpu.memory_space<vmem>>) target(%dma_start3A_1712 : memref<32x128xf32, #tpu.memory_space<hbm>>) target_semaphore(%dma_start3A_1710 : memref<!tpu.dma_semaphore, #tpu.memory_space<semaphore_mem>>)
    } else {
    }
    %add3A_1554 = arith.constant 18 : i32
    %add3A_1555 = arith.addi %mul3A_4, %add3A_1554 : i32
    %mul3A_1556 = arith.constant 128 : i32
    %mul3A_1557 = arith.muli %add3A_1555, %mul3A_1556 : i32
    %add3A_1558 = arith.constant 128 : i32
    %add3A_1559 = arith.addi %mul3A_1557, %add3A_1558 : i32
    %le3A_1560 = arith.constant 100000 : i32
    %le3A_1561 = arith.cmpi sle, %add3A_1559, %le3A_1560 : i32
    %convert_element_type3A_1562 = arith.extui %le3A_1561 : i1 to i32
    %cond3A_1563 = arith.constant 0 : i32
    %cond3A_1564 = arith.cmpi ne, %convert_element_type3A_1562, %cond3A_1563 : i32
    scf.if %cond3A_1564 {
      %dma_wait3A_1701 = arith.constant 4 : i32
      %dma_wait3A_1702 = arith.constant 4 : i32
      %dma_wait3A_1703 = arith.constant 0 : i32
      %dma_wait3A_1704 = arith.constant 0 : i32
      %dma_wait3A_1705 = tpu.memref_slice %arg6[%dma_wait3A_1701, %dma_wait3A_1703, %dma_wait3A_1704] : memref<7x128x128xf32, #tpu.memory_space<vmem>> -> memref<1x128x128xf32, #tpu.memory_space<vmem>>
      %dma_wait3A_1706 = tpu.memref_squeeze %dma_wait3A_1705 : memref<1x128x128xf32, #tpu.memory_space<vmem>> -> memref<128x128xf32, #tpu.memory_space<vmem>>
      %dma_wait3A_1707 = arith.constant 0 : i32
      %dma_wait3A_1708 = tpu.memref_slice %arg4[%mul3A_1557, %dma_wait3A_1707] : memref<100000x128xf32, #tpu.memory_space<hbm>> -> memref<128x128xf32, #tpu.memory_space<hbm>>
      %dma_wait3A_1709 = tpu.memref_slice %arg9[%dma_wait3A_1702] : memref<7x!tpu.dma_semaphore, #tpu.memory_space<semaphore_mem>> -> memref<1x!tpu.dma_semaphore, #tpu.memory_space<semaphore_mem>>
      %dma_wait3A_1710 = tpu.memref_squeeze %dma_wait3A_1709 : memref<1x!tpu.dma_semaphore, #tpu.memory_space<semaphore_mem>> -> memref<!tpu.dma_semaphore, #tpu.memory_space<semaphore_mem>>
      %dma_wait3A_1711 = arith.constant 0 : i32
      %dma_wait3A_1712 = tpu.memref_slice %arg4[%mul3A_1557, %dma_wait3A_1711] : memref<100000x128xf32, #tpu.memory_space<hbm>> -> memref<128x128xf32, #tpu.memory_space<hbm>>
      %dma_wait3A_1713 = arith.constant 0 : i32
      %dma_wait3A_1714 = arith.constant 0 : i32
      %dma_wait3A_1715 = tpu.memref_slice %arg6[%dma_wait3A_1701, %dma_wait3A_1713, %dma_wait3A_1714] : memref<7x128x128xf32, #tpu.memory_space<vmem>> -> memref<1x128x128xf32, #tpu.memory_space<vmem>>
      %dma_wait3A_1716 = tpu.memref_squeeze %dma_wait3A_1715 : memref<1x128x128xf32, #tpu.memory_space<vmem>> -> memref<128x128xf32, #tpu.memory_space<vmem>>
      tpu.wait_dma2 semaphore(%dma_wait3A_1710 : memref<!tpu.dma_semaphore, #tpu.memory_space<semaphore_mem>>) src(%dma_wait3A_1716 : memref<128x128xf32, #tpu.memory_space<vmem>>) dst(%dma_wait3A_1712 : memref<128x128xf32, #tpu.memory_space<hbm>>)
    } else {
    }
    %lt3A_1565 = arith.constant 100000 : i32
    %lt3A_1566 = arith.cmpi slt, %mul3A_1557, %lt3A_1565 : i32
    %add3A_1567 = arith.constant 128 : i32
    %add3A_1568 = arith.addi %mul3A_1557, %add3A_1567 : i32
    %gt3A_1569 = arith.constant 100000 : i32
    %gt3A_1570 = arith.cmpi sgt, %add3A_1568, %gt3A_1569 : i32
    %and3A_1571 = arith.andi %lt3A_1566, %gt3A_1570 : i1
    %convert_element_type3A_1572 = arith.extui %and3A_1571 : i1 to i32
    %cond3A_1573 = arith.constant 0 : i32
    %cond3A_1574 = arith.cmpi ne, %convert_element_type3A_1572, %cond3A_1573 : i32
    scf.if %cond3A_1574 {
      %dma_wait3A_1701 = arith.constant 4 : i32
      %dma_wait3A_1702 = arith.constant 4 : i32
      %dma_wait3A_1703 = arith.constant 0 : i32
      %dma_wait3A_1704 = arith.constant 0 : i32
      %dma_wait3A_1705 = tpu.memref_slice %arg6[%dma_wait3A_1701, %dma_wait3A_1703, %dma_wait3A_1704] : memref<7x128x128xf32, #tpu.memory_space<vmem>> -> memref<1x32x128xf32, #tpu.memory_space<vmem>>
      %dma_wait3A_1706 = tpu.memref_squeeze %dma_wait3A_1705 : memref<1x32x128xf32, #tpu.memory_space<vmem>> -> memref<32x128xf32, #tpu.memory_space<vmem>>
      %dma_wait3A_1707 = arith.constant 0 : i32
      %dma_wait3A_1708 = tpu.memref_slice %arg4[%mul3A_1557, %dma_wait3A_1707] : memref<100000x128xf32, #tpu.memory_space<hbm>> -> memref<32x128xf32, #tpu.memory_space<hbm>>
      %dma_wait3A_1709 = tpu.memref_slice %arg9[%dma_wait3A_1702] : memref<7x!tpu.dma_semaphore, #tpu.memory_space<semaphore_mem>> -> memref<1x!tpu.dma_semaphore, #tpu.memory_space<semaphore_mem>>
      %dma_wait3A_1710 = tpu.memref_squeeze %dma_wait3A_1709 : memref<1x!tpu.dma_semaphore, #tpu.memory_space<semaphore_mem>> -> memref<!tpu.dma_semaphore, #tpu.memory_space<semaphore_mem>>
      %dma_wait3A_1711 = arith.constant 0 : i32
      %dma_wait3A_1712 = tpu.memref_slice %arg4[%mul3A_1557, %dma_wait3A_1711] : memref<100000x128xf32, #tpu.memory_space<hbm>> -> memref<32x128xf32, #tpu.memory_space<hbm>>
      %dma_wait3A_1713 = arith.constant 0 : i32
      %dma_wait3A_1714 = arith.constant 0 : i32
      %dma_wait3A_1715 = tpu.memref_slice %arg6[%dma_wait3A_1701, %dma_wait3A_1713, %dma_wait3A_1714] : memref<7x128x128xf32, #tpu.memory_space<vmem>> -> memref<1x32x128xf32, #tpu.memory_space<vmem>>
      %dma_wait3A_1716 = tpu.memref_squeeze %dma_wait3A_1715 : memref<1x32x128xf32, #tpu.memory_space<vmem>> -> memref<32x128xf32, #tpu.memory_space<vmem>>
      tpu.wait_dma2 semaphore(%dma_wait3A_1710 : memref<!tpu.dma_semaphore, #tpu.memory_space<semaphore_mem>>) src(%dma_wait3A_1716 : memref<32x128xf32, #tpu.memory_space<vmem>>) dst(%dma_wait3A_1712 : memref<32x128xf32, #tpu.memory_space<hbm>>)
    } else {
    }
    %add3A_1575 = arith.constant 19 : i32
    %add3A_1576 = arith.addi %mul3A_4, %add3A_1575 : i32
    %mul3A_1577 = arith.constant 128 : i32
    %mul3A_1578 = arith.muli %add3A_1576, %mul3A_1577 : i32
    %add3A_1579 = arith.constant 128 : i32
    %add3A_1580 = arith.addi %mul3A_1578, %add3A_1579 : i32
    %le3A_1581 = arith.constant 100000 : i32
    %le3A_1582 = arith.cmpi sle, %add3A_1580, %le3A_1581 : i32
    %convert_element_type3A_1583 = arith.extui %le3A_1582 : i1 to i32
    %cond3A_1584 = arith.constant 0 : i32
    %cond3A_1585 = arith.cmpi ne, %convert_element_type3A_1583, %cond3A_1584 : i32
    scf.if %cond3A_1585 {
      %dma_wait3A_1701 = arith.constant 5 : i32
      %dma_wait3A_1702 = arith.constant 5 : i32
      %dma_wait3A_1703 = arith.constant 0 : i32
      %dma_wait3A_1704 = arith.constant 0 : i32
      %dma_wait3A_1705 = tpu.memref_slice %arg6[%dma_wait3A_1701, %dma_wait3A_1703, %dma_wait3A_1704] : memref<7x128x128xf32, #tpu.memory_space<vmem>> -> memref<1x128x128xf32, #tpu.memory_space<vmem>>
      %dma_wait3A_1706 = tpu.memref_squeeze %dma_wait3A_1705 : memref<1x128x128xf32, #tpu.memory_space<vmem>> -> memref<128x128xf32, #tpu.memory_space<vmem>>
      %dma_wait3A_1707 = arith.constant 0 : i32
      %dma_wait3A_1708 = tpu.memref_slice %arg4[%mul3A_1578, %dma_wait3A_1707] : memref<100000x128xf32, #tpu.memory_space<hbm>> -> memref<128x128xf32, #tpu.memory_space<hbm>>
      %dma_wait3A_1709 = tpu.memref_slice %arg9[%dma_wait3A_1702] : memref<7x!tpu.dma_semaphore, #tpu.memory_space<semaphore_mem>> -> memref<1x!tpu.dma_semaphore, #tpu.memory_space<semaphore_mem>>
      %dma_wait3A_1710 = tpu.memref_squeeze %dma_wait3A_1709 : memref<1x!tpu.dma_semaphore, #tpu.memory_space<semaphore_mem>> -> memref<!tpu.dma_semaphore, #tpu.memory_space<semaphore_mem>>
      %dma_wait3A_1711 = arith.constant 0 : i32
      %dma_wait3A_1712 = tpu.memref_slice %arg4[%mul3A_1578, %dma_wait3A_1711] : memref<100000x128xf32, #tpu.memory_space<hbm>> -> memref<128x128xf32, #tpu.memory_space<hbm>>
      %dma_wait3A_1713 = arith.constant 0 : i32
      %dma_wait3A_1714 = arith.constant 0 : i32
      %dma_wait3A_1715 = tpu.memref_slice %arg6[%dma_wait3A_1701, %dma_wait3A_1713, %dma_wait3A_1714] : memref<7x128x128xf32, #tpu.memory_space<vmem>> -> memref<1x128x128xf32, #tpu.memory_space<vmem>>
      %dma_wait3A_1716 = tpu.memref_squeeze %dma_wait3A_1715 : memref<1x128x128xf32, #tpu.memory_space<vmem>> -> memref<128x128xf32, #tpu.memory_space<vmem>>
      tpu.wait_dma2 semaphore(%dma_wait3A_1710 : memref<!tpu.dma_semaphore, #tpu.memory_space<semaphore_mem>>) src(%dma_wait3A_1716 : memref<128x128xf32, #tpu.memory_space<vmem>>) dst(%dma_wait3A_1712 : memref<128x128xf32, #tpu.memory_space<hbm>>)
    } else {
    }
    %lt3A_1586 = arith.constant 100000 : i32
    %lt3A_1587 = arith.cmpi slt, %mul3A_1578, %lt3A_1586 : i32
    %add3A_1588 = arith.constant 128 : i32
    %add3A_1589 = arith.addi %mul3A_1578, %add3A_1588 : i32
    %gt3A_1590 = arith.constant 100000 : i32
    %gt3A_1591 = arith.cmpi sgt, %add3A_1589, %gt3A_1590 : i32
    %and3A_1592 = arith.andi %lt3A_1587, %gt3A_1591 : i1
    %convert_element_type3A_1593 = arith.extui %and3A_1592 : i1 to i32
    %cond3A_1594 = arith.constant 0 : i32
    %cond3A_1595 = arith.cmpi ne, %convert_element_type3A_1593, %cond3A_1594 : i32
    scf.if %cond3A_1595 {
      %dma_wait3A_1701 = arith.constant 5 : i32
      %dma_wait3A_1702 = arith.constant 5 : i32
      %dma_wait3A_1703 = arith.constant 0 : i32
      %dma_wait3A_1704 = arith.constant 0 : i32
      %dma_wait3A_1705 = tpu.memref_slice %arg6[%dma_wait3A_1701, %dma_wait3A_1703, %dma_wait3A_1704] : memref<7x128x128xf32, #tpu.memory_space<vmem>> -> memref<1x32x128xf32, #tpu.memory_space<vmem>>
      %dma_wait3A_1706 = tpu.memref_squeeze %dma_wait3A_1705 : memref<1x32x128xf32, #tpu.memory_space<vmem>> -> memref<32x128xf32, #tpu.memory_space<vmem>>
      %dma_wait3A_1707 = arith.constant 0 : i32
      %dma_wait3A_1708 = tpu.memref_slice %arg4[%mul3A_1578, %dma_wait3A_1707] : memref<100000x128xf32, #tpu.memory_space<hbm>> -> memref<32x128xf32, #tpu.memory_space<hbm>>
      %dma_wait3A_1709 = tpu.memref_slice %arg9[%dma_wait3A_1702] : memref<7x!tpu.dma_semaphore, #tpu.memory_space<semaphore_mem>> -> memref<1x!tpu.dma_semaphore, #tpu.memory_space<semaphore_mem>>
      %dma_wait3A_1710 = tpu.memref_squeeze %dma_wait3A_1709 : memref<1x!tpu.dma_semaphore, #tpu.memory_space<semaphore_mem>> -> memref<!tpu.dma_semaphore, #tpu.memory_space<semaphore_mem>>
      %dma_wait3A_1711 = arith.constant 0 : i32
      %dma_wait3A_1712 = tpu.memref_slice %arg4[%mul3A_1578, %dma_wait3A_1711] : memref<100000x128xf32, #tpu.memory_space<hbm>> -> memref<32x128xf32, #tpu.memory_space<hbm>>
      %dma_wait3A_1713 = arith.constant 0 : i32
      %dma_wait3A_1714 = arith.constant 0 : i32
      %dma_wait3A_1715 = tpu.memref_slice %arg6[%dma_wait3A_1701, %dma_wait3A_1713, %dma_wait3A_1714] : memref<7x128x128xf32, #tpu.memory_space<vmem>> -> memref<1x32x128xf32, #tpu.memory_space<vmem>>
      %dma_wait3A_1716 = tpu.memref_squeeze %dma_wait3A_1715 : memref<1x32x128xf32, #tpu.memory_space<vmem>> -> memref<32x128xf32, #tpu.memory_space<vmem>>
      tpu.wait_dma2 semaphore(%dma_wait3A_1710 : memref<!tpu.dma_semaphore, #tpu.memory_space<semaphore_mem>>) src(%dma_wait3A_1716 : memref<32x128xf32, #tpu.memory_space<vmem>>) dst(%dma_wait3A_1712 : memref<32x128xf32, #tpu.memory_space<hbm>>)
    } else {
    }
    %add3A_1596 = arith.constant 20 : i32
    %add3A_1597 = arith.addi %mul3A_4, %add3A_1596 : i32
    %mul3A_1598 = arith.constant 128 : i32
    %mul3A_1599 = arith.muli %add3A_1597, %mul3A_1598 : i32
    %add3A_1600 = arith.constant 128 : i32
    %add3A_1601 = arith.addi %mul3A_1599, %add3A_1600 : i32
    %le3A_1602 = arith.constant 100000 : i32
    %le3A_1603 = arith.cmpi sle, %add3A_1601, %le3A_1602 : i32
    %convert_element_type3A_1604 = arith.extui %le3A_1603 : i1 to i32
    %cond3A_1605 = arith.constant 0 : i32
    %cond3A_1606 = arith.cmpi ne, %convert_element_type3A_1604, %cond3A_1605 : i32
    scf.if %cond3A_1606 {
      %dma_wait3A_1701 = arith.constant 6 : i32
      %dma_wait3A_1702 = arith.constant 6 : i32
      %dma_wait3A_1703 = arith.constant 0 : i32
      %dma_wait3A_1704 = arith.constant 0 : i32
      %dma_wait3A_1705 = tpu.memref_slice %arg6[%dma_wait3A_1701, %dma_wait3A_1703, %dma_wait3A_1704] : memref<7x128x128xf32, #tpu.memory_space<vmem>> -> memref<1x128x128xf32, #tpu.memory_space<vmem>>
      %dma_wait3A_1706 = tpu.memref_squeeze %dma_wait3A_1705 : memref<1x128x128xf32, #tpu.memory_space<vmem>> -> memref<128x128xf32, #tpu.memory_space<vmem>>
      %dma_wait3A_1707 = arith.constant 0 : i32
      %dma_wait3A_1708 = tpu.memref_slice %arg4[%mul3A_1599, %dma_wait3A_1707] : memref<100000x128xf32, #tpu.memory_space<hbm>> -> memref<128x128xf32, #tpu.memory_space<hbm>>
      %dma_wait3A_1709 = tpu.memref_slice %arg9[%dma_wait3A_1702] : memref<7x!tpu.dma_semaphore, #tpu.memory_space<semaphore_mem>> -> memref<1x!tpu.dma_semaphore, #tpu.memory_space<semaphore_mem>>
      %dma_wait3A_1710 = tpu.memref_squeeze %dma_wait3A_1709 : memref<1x!tpu.dma_semaphore, #tpu.memory_space<semaphore_mem>> -> memref<!tpu.dma_semaphore, #tpu.memory_space<semaphore_mem>>
      %dma_wait3A_1711 = arith.constant 0 : i32
      %dma_wait3A_1712 = tpu.memref_slice %arg4[%mul3A_1599, %dma_wait3A_1711] : memref<100000x128xf32, #tpu.memory_space<hbm>> -> memref<128x128xf32, #tpu.memory_space<hbm>>
      %dma_wait3A_1713 = arith.constant 0 : i32
      %dma_wait3A_1714 = arith.constant 0 : i32
      %dma_wait3A_1715 = tpu.memref_slice %arg6[%dma_wait3A_1701, %dma_wait3A_1713, %dma_wait3A_1714] : memref<7x128x128xf32, #tpu.memory_space<vmem>> -> memref<1x128x128xf32, #tpu.memory_space<vmem>>
      %dma_wait3A_1716 = tpu.memref_squeeze %dma_wait3A_1715 : memref<1x128x128xf32, #tpu.memory_space<vmem>> -> memref<128x128xf32, #tpu.memory_space<vmem>>
      tpu.wait_dma2 semaphore(%dma_wait3A_1710 : memref<!tpu.dma_semaphore, #tpu.memory_space<semaphore_mem>>) src(%dma_wait3A_1716 : memref<128x128xf32, #tpu.memory_space<vmem>>) dst(%dma_wait3A_1712 : memref<128x128xf32, #tpu.memory_space<hbm>>)
    } else {
    }
    %lt3A_1607 = arith.constant 100000 : i32
    %lt3A_1608 = arith.cmpi slt, %mul3A_1599, %lt3A_1607 : i32
    %add3A_1609 = arith.constant 128 : i32
    %add3A_1610 = arith.addi %mul3A_1599, %add3A_1609 : i32
    %gt3A_1611 = arith.constant 100000 : i32
    %gt3A_1612 = arith.cmpi sgt, %add3A_1610, %gt3A_1611 : i32
    %and3A_1613 = arith.andi %lt3A_1608, %gt3A_1612 : i1
    %convert_element_type3A_1614 = arith.extui %and3A_1613 : i1 to i32
    %cond3A_1615 = arith.constant 0 : i32
    %cond3A_1616 = arith.cmpi ne, %convert_element_type3A_1614, %cond3A_1615 : i32
    scf.if %cond3A_1616 {
      %dma_wait3A_1701 = arith.constant 6 : i32
      %dma_wait3A_1702 = arith.constant 6 : i32
      %dma_wait3A_1703 = arith.constant 0 : i32
      %dma_wait3A_1704 = arith.constant 0 : i32
      %dma_wait3A_1705 = tpu.memref_slice %arg6[%dma_wait3A_1701, %dma_wait3A_1703, %dma_wait3A_1704] : memref<7x128x128xf32, #tpu.memory_space<vmem>> -> memref<1x32x128xf32, #tpu.memory_space<vmem>>
      %dma_wait3A_1706 = tpu.memref_squeeze %dma_wait3A_1705 : memref<1x32x128xf32, #tpu.memory_space<vmem>> -> memref<32x128xf32, #tpu.memory_space<vmem>>
      %dma_wait3A_1707 = arith.constant 0 : i32
      %dma_wait3A_1708 = tpu.memref_slice %arg4[%mul3A_1599, %dma_wait3A_1707] : memref<100000x128xf32, #tpu.memory_space<hbm>> -> memref<32x128xf32, #tpu.memory_space<hbm>>
      %dma_wait3A_1709 = tpu.memref_slice %arg9[%dma_wait3A_1702] : memref<7x!tpu.dma_semaphore, #tpu.memory_space<semaphore_mem>> -> memref<1x!tpu.dma_semaphore, #tpu.memory_space<semaphore_mem>>
      %dma_wait3A_1710 = tpu.memref_squeeze %dma_wait3A_1709 : memref<1x!tpu.dma_semaphore, #tpu.memory_space<semaphore_mem>> -> memref<!tpu.dma_semaphore, #tpu.memory_space<semaphore_mem>>
      %dma_wait3A_1711 = arith.constant 0 : i32
      %dma_wait3A_1712 = tpu.memref_slice %arg4[%mul3A_1599, %dma_wait3A_1711] : memref<100000x128xf32, #tpu.memory_space<hbm>> -> memref<32x128xf32, #tpu.memory_space<hbm>>
      %dma_wait3A_1713 = arith.constant 0 : i32
      %dma_wait3A_1714 = arith.constant 0 : i32
      %dma_wait3A_1715 = tpu.memref_slice %arg6[%dma_wait3A_1701, %dma_wait3A_1713, %dma_wait3A_1714] : memref<7x128x128xf32, #tpu.memory_space<vmem>> -> memref<1x32x128xf32, #tpu.memory_space<vmem>>
      %dma_wait3A_1716 = tpu.memref_squeeze %dma_wait3A_1715 : memref<1x32x128xf32, #tpu.memory_space<vmem>> -> memref<32x128xf32, #tpu.memory_space<vmem>>
      tpu.wait_dma2 semaphore(%dma_wait3A_1710 : memref<!tpu.dma_semaphore, #tpu.memory_space<semaphore_mem>>) src(%dma_wait3A_1716 : memref<32x128xf32, #tpu.memory_space<vmem>>) dst(%dma_wait3A_1712 : memref<32x128xf32, #tpu.memory_space<hbm>>)
    } else {
    }
    %add3A_1617 = arith.constant 21 : i32
    %add3A_1618 = arith.addi %mul3A_4, %add3A_1617 : i32
    %mul3A_1619 = arith.constant 128 : i32
    %mul3A_1620 = arith.muli %add3A_1618, %mul3A_1619 : i32
    %add3A_1621 = arith.constant 128 : i32
    %add3A_1622 = arith.addi %mul3A_1620, %add3A_1621 : i32
    %le3A_1623 = arith.constant 100000 : i32
    %le3A_1624 = arith.cmpi sle, %add3A_1622, %le3A_1623 : i32
    %convert_element_type3A_1625 = arith.extui %le3A_1624 : i1 to i32
    %cond3A_1626 = arith.constant 0 : i32
    %cond3A_1627 = arith.cmpi ne, %convert_element_type3A_1625, %cond3A_1626 : i32
    scf.if %cond3A_1627 {
      %dma_wait3A_1701 = arith.constant 0 : i32
      %dma_wait3A_1702 = arith.constant 0 : i32
      %dma_wait3A_1703 = arith.constant 0 : i32
      %dma_wait3A_1704 = arith.constant 0 : i32
      %dma_wait3A_1705 = tpu.memref_slice %arg6[%dma_wait3A_1701, %dma_wait3A_1703, %dma_wait3A_1704] : memref<7x128x128xf32, #tpu.memory_space<vmem>> -> memref<1x128x128xf32, #tpu.memory_space<vmem>>
      %dma_wait3A_1706 = tpu.memref_squeeze %dma_wait3A_1705 : memref<1x128x128xf32, #tpu.memory_space<vmem>> -> memref<128x128xf32, #tpu.memory_space<vmem>>
      %dma_wait3A_1707 = arith.constant 0 : i32
      %dma_wait3A_1708 = tpu.memref_slice %arg4[%mul3A_1620, %dma_wait3A_1707] : memref<100000x128xf32, #tpu.memory_space<hbm>> -> memref<128x128xf32, #tpu.memory_space<hbm>>
      %dma_wait3A_1709 = tpu.memref_slice %arg9[%dma_wait3A_1702] : memref<7x!tpu.dma_semaphore, #tpu.memory_space<semaphore_mem>> -> memref<1x!tpu.dma_semaphore, #tpu.memory_space<semaphore_mem>>
      %dma_wait3A_1710 = tpu.memref_squeeze %dma_wait3A_1709 : memref<1x!tpu.dma_semaphore, #tpu.memory_space<semaphore_mem>> -> memref<!tpu.dma_semaphore, #tpu.memory_space<semaphore_mem>>
      %dma_wait3A_1711 = arith.constant 0 : i32
      %dma_wait3A_1712 = tpu.memref_slice %arg4[%mul3A_1620, %dma_wait3A_1711] : memref<100000x128xf32, #tpu.memory_space<hbm>> -> memref<128x128xf32, #tpu.memory_space<hbm>>
      %dma_wait3A_1713 = arith.constant 0 : i32
      %dma_wait3A_1714 = arith.constant 0 : i32
      %dma_wait3A_1715 = tpu.memref_slice %arg6[%dma_wait3A_1701, %dma_wait3A_1713, %dma_wait3A_1714] : memref<7x128x128xf32, #tpu.memory_space<vmem>> -> memref<1x128x128xf32, #tpu.memory_space<vmem>>
      %dma_wait3A_1716 = tpu.memref_squeeze %dma_wait3A_1715 : memref<1x128x128xf32, #tpu.memory_space<vmem>> -> memref<128x128xf32, #tpu.memory_space<vmem>>
      tpu.wait_dma2 semaphore(%dma_wait3A_1710 : memref<!tpu.dma_semaphore, #tpu.memory_space<semaphore_mem>>) src(%dma_wait3A_1716 : memref<128x128xf32, #tpu.memory_space<vmem>>) dst(%dma_wait3A_1712 : memref<128x128xf32, #tpu.memory_space<hbm>>)
    } else {
    }
    %lt3A_1628 = arith.constant 100000 : i32
    %lt3A_1629 = arith.cmpi slt, %mul3A_1620, %lt3A_1628 : i32
    %add3A_1630 = arith.constant 128 : i32
    %add3A_1631 = arith.addi %mul3A_1620, %add3A_1630 : i32
    %gt3A_1632 = arith.constant 100000 : i32
    %gt3A_1633 = arith.cmpi sgt, %add3A_1631, %gt3A_1632 : i32
    %and3A_1634 = arith.andi %lt3A_1629, %gt3A_1633 : i1
    %convert_element_type3A_1635 = arith.extui %and3A_1634 : i1 to i32
    %cond3A_1636 = arith.constant 0 : i32
    %cond3A_1637 = arith.cmpi ne, %convert_element_type3A_1635, %cond3A_1636 : i32
    scf.if %cond3A_1637 {
      %dma_wait3A_1701 = arith.constant 0 : i32
      %dma_wait3A_1702 = arith.constant 0 : i32
      %dma_wait3A_1703 = arith.constant 0 : i32
      %dma_wait3A_1704 = arith.constant 0 : i32
      %dma_wait3A_1705 = tpu.memref_slice %arg6[%dma_wait3A_1701, %dma_wait3A_1703, %dma_wait3A_1704] : memref<7x128x128xf32, #tpu.memory_space<vmem>> -> memref<1x32x128xf32, #tpu.memory_space<vmem>>
      %dma_wait3A_1706 = tpu.memref_squeeze %dma_wait3A_1705 : memref<1x32x128xf32, #tpu.memory_space<vmem>> -> memref<32x128xf32, #tpu.memory_space<vmem>>
      %dma_wait3A_1707 = arith.constant 0 : i32
      %dma_wait3A_1708 = tpu.memref_slice %arg4[%mul3A_1620, %dma_wait3A_1707] : memref<100000x128xf32, #tpu.memory_space<hbm>> -> memref<32x128xf32, #tpu.memory_space<hbm>>
      %dma_wait3A_1709 = tpu.memref_slice %arg9[%dma_wait3A_1702] : memref<7x!tpu.dma_semaphore, #tpu.memory_space<semaphore_mem>> -> memref<1x!tpu.dma_semaphore, #tpu.memory_space<semaphore_mem>>
      %dma_wait3A_1710 = tpu.memref_squeeze %dma_wait3A_1709 : memref<1x!tpu.dma_semaphore, #tpu.memory_space<semaphore_mem>> -> memref<!tpu.dma_semaphore, #tpu.memory_space<semaphore_mem>>
      %dma_wait3A_1711 = arith.constant 0 : i32
      %dma_wait3A_1712 = tpu.memref_slice %arg4[%mul3A_1620, %dma_wait3A_1711] : memref<100000x128xf32, #tpu.memory_space<hbm>> -> memref<32x128xf32, #tpu.memory_space<hbm>>
      %dma_wait3A_1713 = arith.constant 0 : i32
      %dma_wait3A_1714 = arith.constant 0 : i32
      %dma_wait3A_1715 = tpu.memref_slice %arg6[%dma_wait3A_1701, %dma_wait3A_1713, %dma_wait3A_1714] : memref<7x128x128xf32, #tpu.memory_space<vmem>> -> memref<1x32x128xf32, #tpu.memory_space<vmem>>
      %dma_wait3A_1716 = tpu.memref_squeeze %dma_wait3A_1715 : memref<1x32x128xf32, #tpu.memory_space<vmem>> -> memref<32x128xf32, #tpu.memory_space<vmem>>
      tpu.wait_dma2 semaphore(%dma_wait3A_1710 : memref<!tpu.dma_semaphore, #tpu.memory_space<semaphore_mem>>) src(%dma_wait3A_1716 : memref<32x128xf32, #tpu.memory_space<vmem>>) dst(%dma_wait3A_1712 : memref<32x128xf32, #tpu.memory_space<hbm>>)
    } else {
    }
    %add3A_1638 = arith.constant 22 : i32
    %add3A_1639 = arith.addi %mul3A_4, %add3A_1638 : i32
    %mul3A_1640 = arith.constant 128 : i32
    %mul3A_1641 = arith.muli %add3A_1639, %mul3A_1640 : i32
    %add3A_1642 = arith.constant 128 : i32
    %add3A_1643 = arith.addi %mul3A_1641, %add3A_1642 : i32
    %le3A_1644 = arith.constant 100000 : i32
    %le3A_1645 = arith.cmpi sle, %add3A_1643, %le3A_1644 : i32
    %convert_element_type3A_1646 = arith.extui %le3A_1645 : i1 to i32
    %cond3A_1647 = arith.constant 0 : i32
    %cond3A_1648 = arith.cmpi ne, %convert_element_type3A_1646, %cond3A_1647 : i32
    scf.if %cond3A_1648 {
      %dma_wait3A_1701 = arith.constant 1 : i32
      %dma_wait3A_1702 = arith.constant 1 : i32
      %dma_wait3A_1703 = arith.constant 0 : i32
      %dma_wait3A_1704 = arith.constant 0 : i32
      %dma_wait3A_1705 = tpu.memref_slice %arg6[%dma_wait3A_1701, %dma_wait3A_1703, %dma_wait3A_1704] : memref<7x128x128xf32, #tpu.memory_space<vmem>> -> memref<1x128x128xf32, #tpu.memory_space<vmem>>
      %dma_wait3A_1706 = tpu.memref_squeeze %dma_wait3A_1705 : memref<1x128x128xf32, #tpu.memory_space<vmem>> -> memref<128x128xf32, #tpu.memory_space<vmem>>
      %dma_wait3A_1707 = arith.constant 0 : i32
      %dma_wait3A_1708 = tpu.memref_slice %arg4[%mul3A_1641, %dma_wait3A_1707] : memref<100000x128xf32, #tpu.memory_space<hbm>> -> memref<128x128xf32, #tpu.memory_space<hbm>>
      %dma_wait3A_1709 = tpu.memref_slice %arg9[%dma_wait3A_1702] : memref<7x!tpu.dma_semaphore, #tpu.memory_space<semaphore_mem>> -> memref<1x!tpu.dma_semaphore, #tpu.memory_space<semaphore_mem>>
      %dma_wait3A_1710 = tpu.memref_squeeze %dma_wait3A_1709 : memref<1x!tpu.dma_semaphore, #tpu.memory_space<semaphore_mem>> -> memref<!tpu.dma_semaphore, #tpu.memory_space<semaphore_mem>>
      %dma_wait3A_1711 = arith.constant 0 : i32
      %dma_wait3A_1712 = tpu.memref_slice %arg4[%mul3A_1641, %dma_wait3A_1711] : memref<100000x128xf32, #tpu.memory_space<hbm>> -> memref<128x128xf32, #tpu.memory_space<hbm>>
      %dma_wait3A_1713 = arith.constant 0 : i32
      %dma_wait3A_1714 = arith.constant 0 : i32
      %dma_wait3A_1715 = tpu.memref_slice %arg6[%dma_wait3A_1701, %dma_wait3A_1713, %dma_wait3A_1714] : memref<7x128x128xf32, #tpu.memory_space<vmem>> -> memref<1x128x128xf32, #tpu.memory_space<vmem>>
      %dma_wait3A_1716 = tpu.memref_squeeze %dma_wait3A_1715 : memref<1x128x128xf32, #tpu.memory_space<vmem>> -> memref<128x128xf32, #tpu.memory_space<vmem>>
      tpu.wait_dma2 semaphore(%dma_wait3A_1710 : memref<!tpu.dma_semaphore, #tpu.memory_space<semaphore_mem>>) src(%dma_wait3A_1716 : memref<128x128xf32, #tpu.memory_space<vmem>>) dst(%dma_wait3A_1712 : memref<128x128xf32, #tpu.memory_space<hbm>>)
    } else {
    }
    %lt3A_1649 = arith.constant 100000 : i32
    %lt3A_1650 = arith.cmpi slt, %mul3A_1641, %lt3A_1649 : i32
    %add3A_1651 = arith.constant 128 : i32
    %add3A_1652 = arith.addi %mul3A_1641, %add3A_1651 : i32
    %gt3A_1653 = arith.constant 100000 : i32
    %gt3A_1654 = arith.cmpi sgt, %add3A_1652, %gt3A_1653 : i32
    %and3A_1655 = arith.andi %lt3A_1650, %gt3A_1654 : i1
    %convert_element_type3A_1656 = arith.extui %and3A_1655 : i1 to i32
    %cond3A_1657 = arith.constant 0 : i32
    %cond3A_1658 = arith.cmpi ne, %convert_element_type3A_1656, %cond3A_1657 : i32
    scf.if %cond3A_1658 {
      %dma_wait3A_1701 = arith.constant 1 : i32
      %dma_wait3A_1702 = arith.constant 1 : i32
      %dma_wait3A_1703 = arith.constant 0 : i32
      %dma_wait3A_1704 = arith.constant 0 : i32
      %dma_wait3A_1705 = tpu.memref_slice %arg6[%dma_wait3A_1701, %dma_wait3A_1703, %dma_wait3A_1704] : memref<7x128x128xf32, #tpu.memory_space<vmem>> -> memref<1x32x128xf32, #tpu.memory_space<vmem>>
      %dma_wait3A_1706 = tpu.memref_squeeze %dma_wait3A_1705 : memref<1x32x128xf32, #tpu.memory_space<vmem>> -> memref<32x128xf32, #tpu.memory_space<vmem>>
      %dma_wait3A_1707 = arith.constant 0 : i32
      %dma_wait3A_1708 = tpu.memref_slice %arg4[%mul3A_1641, %dma_wait3A_1707] : memref<100000x128xf32, #tpu.memory_space<hbm>> -> memref<32x128xf32, #tpu.memory_space<hbm>>
      %dma_wait3A_1709 = tpu.memref_slice %arg9[%dma_wait3A_1702] : memref<7x!tpu.dma_semaphore, #tpu.memory_space<semaphore_mem>> -> memref<1x!tpu.dma_semaphore, #tpu.memory_space<semaphore_mem>>
      %dma_wait3A_1710 = tpu.memref_squeeze %dma_wait3A_1709 : memref<1x!tpu.dma_semaphore, #tpu.memory_space<semaphore_mem>> -> memref<!tpu.dma_semaphore, #tpu.memory_space<semaphore_mem>>
      %dma_wait3A_1711 = arith.constant 0 : i32
      %dma_wait3A_1712 = tpu.memref_slice %arg4[%mul3A_1641, %dma_wait3A_1711] : memref<100000x128xf32, #tpu.memory_space<hbm>> -> memref<32x128xf32, #tpu.memory_space<hbm>>
      %dma_wait3A_1713 = arith.constant 0 : i32
      %dma_wait3A_1714 = arith.constant 0 : i32
      %dma_wait3A_1715 = tpu.memref_slice %arg6[%dma_wait3A_1701, %dma_wait3A_1713, %dma_wait3A_1714] : memref<7x128x128xf32, #tpu.memory_space<vmem>> -> memref<1x32x128xf32, #tpu.memory_space<vmem>>
      %dma_wait3A_1716 = tpu.memref_squeeze %dma_wait3A_1715 : memref<1x32x128xf32, #tpu.memory_space<vmem>> -> memref<32x128xf32, #tpu.memory_space<vmem>>
      tpu.wait_dma2 semaphore(%dma_wait3A_1710 : memref<!tpu.dma_semaphore, #tpu.memory_space<semaphore_mem>>) src(%dma_wait3A_1716 : memref<32x128xf32, #tpu.memory_space<vmem>>) dst(%dma_wait3A_1712 : memref<32x128xf32, #tpu.memory_space<hbm>>)
    } else {
    }
    %add3A_1659 = arith.constant 23 : i32
    %add3A_1660 = arith.addi %mul3A_4, %add3A_1659 : i32
    %mul3A_1661 = arith.constant 128 : i32
    %mul3A_1662 = arith.muli %add3A_1660, %mul3A_1661 : i32
    %add3A_1663 = arith.constant 128 : i32
    %add3A_1664 = arith.addi %mul3A_1662, %add3A_1663 : i32
    %le3A_1665 = arith.constant 100000 : i32
    %le3A_1666 = arith.cmpi sle, %add3A_1664, %le3A_1665 : i32
    %convert_element_type3A_1667 = arith.extui %le3A_1666 : i1 to i32
    %cond3A_1668 = arith.constant 0 : i32
    %cond3A_1669 = arith.cmpi ne, %convert_element_type3A_1667, %cond3A_1668 : i32
    scf.if %cond3A_1669 {
      %dma_wait3A_1701 = arith.constant 2 : i32
      %dma_wait3A_1702 = arith.constant 2 : i32
      %dma_wait3A_1703 = arith.constant 0 : i32
      %dma_wait3A_1704 = arith.constant 0 : i32
      %dma_wait3A_1705 = tpu.memref_slice %arg6[%dma_wait3A_1701, %dma_wait3A_1703, %dma_wait3A_1704] : memref<7x128x128xf32, #tpu.memory_space<vmem>> -> memref<1x128x128xf32, #tpu.memory_space<vmem>>
      %dma_wait3A_1706 = tpu.memref_squeeze %dma_wait3A_1705 : memref<1x128x128xf32, #tpu.memory_space<vmem>> -> memref<128x128xf32, #tpu.memory_space<vmem>>
      %dma_wait3A_1707 = arith.constant 0 : i32
      %dma_wait3A_1708 = tpu.memref_slice %arg4[%mul3A_1662, %dma_wait3A_1707] : memref<100000x128xf32, #tpu.memory_space<hbm>> -> memref<128x128xf32, #tpu.memory_space<hbm>>
      %dma_wait3A_1709 = tpu.memref_slice %arg9[%dma_wait3A_1702] : memref<7x!tpu.dma_semaphore, #tpu.memory_space<semaphore_mem>> -> memref<1x!tpu.dma_semaphore, #tpu.memory_space<semaphore_mem>>
      %dma_wait3A_1710 = tpu.memref_squeeze %dma_wait3A_1709 : memref<1x!tpu.dma_semaphore, #tpu.memory_space<semaphore_mem>> -> memref<!tpu.dma_semaphore, #tpu.memory_space<semaphore_mem>>
      %dma_wait3A_1711 = arith.constant 0 : i32
      %dma_wait3A_1712 = tpu.memref_slice %arg4[%mul3A_1662, %dma_wait3A_1711] : memref<100000x128xf32, #tpu.memory_space<hbm>> -> memref<128x128xf32, #tpu.memory_space<hbm>>
      %dma_wait3A_1713 = arith.constant 0 : i32
      %dma_wait3A_1714 = arith.constant 0 : i32
      %dma_wait3A_1715 = tpu.memref_slice %arg6[%dma_wait3A_1701, %dma_wait3A_1713, %dma_wait3A_1714] : memref<7x128x128xf32, #tpu.memory_space<vmem>> -> memref<1x128x128xf32, #tpu.memory_space<vmem>>
      %dma_wait3A_1716 = tpu.memref_squeeze %dma_wait3A_1715 : memref<1x128x128xf32, #tpu.memory_space<vmem>> -> memref<128x128xf32, #tpu.memory_space<vmem>>
      tpu.wait_dma2 semaphore(%dma_wait3A_1710 : memref<!tpu.dma_semaphore, #tpu.memory_space<semaphore_mem>>) src(%dma_wait3A_1716 : memref<128x128xf32, #tpu.memory_space<vmem>>) dst(%dma_wait3A_1712 : memref<128x128xf32, #tpu.memory_space<hbm>>)
    } else {
    }
    %lt3A_1670 = arith.constant 100000 : i32
    %lt3A_1671 = arith.cmpi slt, %mul3A_1662, %lt3A_1670 : i32
    %add3A_1672 = arith.constant 128 : i32
    %add3A_1673 = arith.addi %mul3A_1662, %add3A_1672 : i32
    %gt3A_1674 = arith.constant 100000 : i32
    %gt3A_1675 = arith.cmpi sgt, %add3A_1673, %gt3A_1674 : i32
    %and3A_1676 = arith.andi %lt3A_1671, %gt3A_1675 : i1
    %convert_element_type3A_1677 = arith.extui %and3A_1676 : i1 to i32
    %cond3A_1678 = arith.constant 0 : i32
    %cond3A_1679 = arith.cmpi ne, %convert_element_type3A_1677, %cond3A_1678 : i32
    scf.if %cond3A_1679 {
      %dma_wait3A_1701 = arith.constant 2 : i32
      %dma_wait3A_1702 = arith.constant 2 : i32
      %dma_wait3A_1703 = arith.constant 0 : i32
      %dma_wait3A_1704 = arith.constant 0 : i32
      %dma_wait3A_1705 = tpu.memref_slice %arg6[%dma_wait3A_1701, %dma_wait3A_1703, %dma_wait3A_1704] : memref<7x128x128xf32, #tpu.memory_space<vmem>> -> memref<1x32x128xf32, #tpu.memory_space<vmem>>
      %dma_wait3A_1706 = tpu.memref_squeeze %dma_wait3A_1705 : memref<1x32x128xf32, #tpu.memory_space<vmem>> -> memref<32x128xf32, #tpu.memory_space<vmem>>
      %dma_wait3A_1707 = arith.constant 0 : i32
      %dma_wait3A_1708 = tpu.memref_slice %arg4[%mul3A_1662, %dma_wait3A_1707] : memref<100000x128xf32, #tpu.memory_space<hbm>> -> memref<32x128xf32, #tpu.memory_space<hbm>>
      %dma_wait3A_1709 = tpu.memref_slice %arg9[%dma_wait3A_1702] : memref<7x!tpu.dma_semaphore, #tpu.memory_space<semaphore_mem>> -> memref<1x!tpu.dma_semaphore, #tpu.memory_space<semaphore_mem>>
      %dma_wait3A_1710 = tpu.memref_squeeze %dma_wait3A_1709 : memref<1x!tpu.dma_semaphore, #tpu.memory_space<semaphore_mem>> -> memref<!tpu.dma_semaphore, #tpu.memory_space<semaphore_mem>>
      %dma_wait3A_1711 = arith.constant 0 : i32
      %dma_wait3A_1712 = tpu.memref_slice %arg4[%mul3A_1662, %dma_wait3A_1711] : memref<100000x128xf32, #tpu.memory_space<hbm>> -> memref<32x128xf32, #tpu.memory_space<hbm>>
      %dma_wait3A_1713 = arith.constant 0 : i32
      %dma_wait3A_1714 = arith.constant 0 : i32
      %dma_wait3A_1715 = tpu.memref_slice %arg6[%dma_wait3A_1701, %dma_wait3A_1713, %dma_wait3A_1714] : memref<7x128x128xf32, #tpu.memory_space<vmem>> -> memref<1x32x128xf32, #tpu.memory_space<vmem>>
      %dma_wait3A_1716 = tpu.memref_squeeze %dma_wait3A_1715 : memref<1x32x128xf32, #tpu.memory_space<vmem>> -> memref<32x128xf32, #tpu.memory_space<vmem>>
      tpu.wait_dma2 semaphore(%dma_wait3A_1710 : memref<!tpu.dma_semaphore, #tpu.memory_space<semaphore_mem>>) src(%dma_wait3A_1716 : memref<32x128xf32, #tpu.memory_space<vmem>>) dst(%dma_wait3A_1712 : memref<32x128xf32, #tpu.memory_space<hbm>>)
    } else {
    }
    %add3A_1680 = arith.constant 24 : i32
    %add3A_1681 = arith.addi %mul3A_4, %add3A_1680 : i32
    %mul3A_1682 = arith.constant 128 : i32
    %mul3A_1683 = arith.muli %add3A_1681, %mul3A_1682 : i32
    %add3A_1684 = arith.constant 128 : i32
    %add3A_1685 = arith.addi %mul3A_1683, %add3A_1684 : i32
    %le3A_1686 = arith.constant 100000 : i32
    %le3A_1687 = arith.cmpi sle, %add3A_1685, %le3A_1686 : i32
    %convert_element_type3A_1688 = arith.extui %le3A_1687 : i1 to i32
    %cond3A_1689 = arith.constant 0 : i32
    %cond3A_1690 = arith.cmpi ne, %convert_element_type3A_1688, %cond3A_1689 : i32
    scf.if %cond3A_1690 {
      %dma_wait3A_1701 = arith.constant 3 : i32
      %dma_wait3A_1702 = arith.constant 3 : i32
      %dma_wait3A_1703 = arith.constant 0 : i32
      %dma_wait3A_1704 = arith.constant 0 : i32
      %dma_wait3A_1705 = tpu.memref_slice %arg6[%dma_wait3A_1701, %dma_wait3A_1703, %dma_wait3A_1704] : memref<7x128x128xf32, #tpu.memory_space<vmem>> -> memref<1x128x128xf32, #tpu.memory_space<vmem>>
      %dma_wait3A_1706 = tpu.memref_squeeze %dma_wait3A_1705 : memref<1x128x128xf32, #tpu.memory_space<vmem>> -> memref<128x128xf32, #tpu.memory_space<vmem>>
      %dma_wait3A_1707 = arith.constant 0 : i32
      %dma_wait3A_1708 = tpu.memref_slice %arg4[%mul3A_1683, %dma_wait3A_1707] : memref<100000x128xf32, #tpu.memory_space<hbm>> -> memref<128x128xf32, #tpu.memory_space<hbm>>
      %dma_wait3A_1709 = tpu.memref_slice %arg9[%dma_wait3A_1702] : memref<7x!tpu.dma_semaphore, #tpu.memory_space<semaphore_mem>> -> memref<1x!tpu.dma_semaphore, #tpu.memory_space<semaphore_mem>>
      %dma_wait3A_1710 = tpu.memref_squeeze %dma_wait3A_1709 : memref<1x!tpu.dma_semaphore, #tpu.memory_space<semaphore_mem>> -> memref<!tpu.dma_semaphore, #tpu.memory_space<semaphore_mem>>
      %dma_wait3A_1711 = arith.constant 0 : i32
      %dma_wait3A_1712 = tpu.memref_slice %arg4[%mul3A_1683, %dma_wait3A_1711] : memref<100000x128xf32, #tpu.memory_space<hbm>> -> memref<128x128xf32, #tpu.memory_space<hbm>>
      %dma_wait3A_1713 = arith.constant 0 : i32
      %dma_wait3A_1714 = arith.constant 0 : i32
      %dma_wait3A_1715 = tpu.memref_slice %arg6[%dma_wait3A_1701, %dma_wait3A_1713, %dma_wait3A_1714] : memref<7x128x128xf32, #tpu.memory_space<vmem>> -> memref<1x128x128xf32, #tpu.memory_space<vmem>>
      %dma_wait3A_1716 = tpu.memref_squeeze %dma_wait3A_1715 : memref<1x128x128xf32, #tpu.memory_space<vmem>> -> memref<128x128xf32, #tpu.memory_space<vmem>>
      tpu.wait_dma2 semaphore(%dma_wait3A_1710 : memref<!tpu.dma_semaphore, #tpu.memory_space<semaphore_mem>>) src(%dma_wait3A_1716 : memref<128x128xf32, #tpu.memory_space<vmem>>) dst(%dma_wait3A_1712 : memref<128x128xf32, #tpu.memory_space<hbm>>)
    } else {
    }
    %lt3A_1691 = arith.constant 100000 : i32
    %lt3A_1692 = arith.cmpi slt, %mul3A_1683, %lt3A_1691 : i32
    %add3A_1693 = arith.constant 128 : i32
    %add3A_1694 = arith.addi %mul3A_1683, %add3A_1693 : i32
    %gt3A_1695 = arith.constant 100000 : i32
    %gt3A_1696 = arith.cmpi sgt, %add3A_1694, %gt3A_1695 : i32
    %and3A_1697 = arith.andi %lt3A_1692, %gt3A_1696 : i1
    %convert_element_type3A_1698 = arith.extui %and3A_1697 : i1 to i32
    %cond3A_1699 = arith.constant 0 : i32
    %cond3A_1700 = arith.cmpi ne, %convert_element_type3A_1698, %cond3A_1699 : i32
    scf.if %cond3A_1700 {
      %dma_wait3A_1701 = arith.constant 3 : i32
      %dma_wait3A_1702 = arith.constant 3 : i32
      %dma_wait3A_1703 = arith.constant 0 : i32
      %dma_wait3A_1704 = arith.constant 0 : i32
      %dma_wait3A_1705 = tpu.memref_slice %arg6[%dma_wait3A_1701, %dma_wait3A_1703, %dma_wait3A_1704] : memref<7x128x128xf32, #tpu.memory_space<vmem>> -> memref<1x32x128xf32, #tpu.memory_space<vmem>>
      %dma_wait3A_1706 = tpu.memref_squeeze %dma_wait3A_1705 : memref<1x32x128xf32, #tpu.memory_space<vmem>> -> memref<32x128xf32, #tpu.memory_space<vmem>>
      %dma_wait3A_1707 = arith.constant 0 : i32
      %dma_wait3A_1708 = tpu.memref_slice %arg4[%mul3A_1683, %dma_wait3A_1707] : memref<100000x128xf32, #tpu.memory_space<hbm>> -> memref<32x128xf32, #tpu.memory_space<hbm>>
      %dma_wait3A_1709 = tpu.memref_slice %arg9[%dma_wait3A_1702] : memref<7x!tpu.dma_semaphore, #tpu.memory_space<semaphore_mem>> -> memref<1x!tpu.dma_semaphore, #tpu.memory_space<semaphore_mem>>
      %dma_wait3A_1710 = tpu.memref_squeeze %dma_wait3A_1709 : memref<1x!tpu.dma_semaphore, #tpu.memory_space<semaphore_mem>> -> memref<!tpu.dma_semaphore, #tpu.memory_space<semaphore_mem>>
      %dma_wait3A_1711 = arith.constant 0 : i32
      %dma_wait3A_1712 = tpu.memref_slice %arg4[%mul3A_1683, %dma_wait3A_1711] : memref<100000x128xf32, #tpu.memory_space<hbm>> -> memref<32x128xf32, #tpu.memory_space<hbm>>
      %dma_wait3A_1713 = arith.constant 0 : i32
      %dma_wait3A_1714 = arith.constant 0 : i32
      %dma_wait3A_1715 = tpu.memref_slice %arg6[%dma_wait3A_1701, %dma_wait3A_1713, %dma_wait3A_1714] : memref<7x128x128xf32, #tpu.memory_space<vmem>> -> memref<1x32x128xf32, #tpu.memory_space<vmem>>
      %dma_wait3A_1716 = tpu.memref_squeeze %dma_wait3A_1715 : memref<1x32x128xf32, #tpu.memory_space<vmem>> -> memref<32x128xf32, #tpu.memory_space<vmem>>
      tpu.wait_dma2 semaphore(%dma_wait3A_1710 : memref<!tpu.dma_semaphore, #tpu.memory_space<semaphore_mem>>) src(%dma_wait3A_1716 : memref<32x128xf32, #tpu.memory_space<vmem>>) dst(%dma_wait3A_1712 : memref<32x128xf32, #tpu.memory_space<hbm>>)
    } else {
    }
    return
  }
}

</mosaic_0001>

<sc_bundles>
// kernel: kernel.3.cloned.1.call-start
scs
__scs_entry_jumppad:
0x0: {  	(pc) =	sbr.rel $0x88, $3  }
0x1: {  	(tag) =	ssettag $0x0;
	lr =	simm.s32 $0x1  }
0x2: {  	[smem:$0x3F9F] =	sst lr;
	_ =	strace $0xD0000000  }
0x3: {  	_ = 	snop  }
0x4: {  	_ = 	snop  }
0x5: {  	_ = 	snop  }
0x6: {  	_ = 	snop  }
0x7: {  	_ = 	snop  }
__scs_overlays_trampoline_lowered:
0x8: {  	[smem:$0x3FAE] =	sst s0  }
0x9: {  	[smem:$0x3FAF] =	sst s1  }
0xa: {  	[smem:$0x3FB0] =	sst s2  }
0xb: {  	[smem:$0x3FB1] =	sst s3  }
0xc: {  	[smem:$0x3FB2] =	sst s4  }
0xd: {  	[smem:$0x3FB3] =	sst s5  }
0xe: {  	[smem:$0x3FB4] =	sst s6  }
0xf: {  	[smem:$0x3FB5] =	sst s7  }
0x10: {  	[smem:$0x3FB6] =	sst s8  }
0x11: {  	[smem:$0x3FB7] =	sst s9;
	s0 =	simm.s32 @!p0 $0x0  }
0x12: {  	s1 =	sld [smem:$0x3F9D];
	s0 =	simm.s32 @p0 $0x1  }
0x13: {  	[smem:$0x3FB8] =	sst s0;
	s0 =	simm.s32 @!p1 $0x0  }
0x14: {  	s2 =	sld [smem:$0x3F9C];
	s0 =	simm.s32 @p1 $0x1  }
0x15: {  	[smem:$0x3FB9] =	sst s0;
	s0 =	simm.s32 @!p2 $0x0  }
0x16: {  	s3 =	sld [smem:$0x3FDB];
	s0 =	simm.s32 @p2 $0x1  }
0x17: {  	s4 =	simm.s32 $0x1BF5;
	[smem:$0x3FBB] =	sst s0  }
0x18: {  	s0 =	sld [smem:$0x3F9E];
	_ =	swait.ge [sflag:s4], $0x0  }
0x19: {  	s7 =	sld [smem:$0x3F9F]  }
0x1a: {  	s8 =	sadd.s32 $0xFFFFE003, lr  }
0x1b: {  	s9 =	sadd.s32 $0xFFFFFEF7, lr;
	s5 =	simm.s32 $0xFFFFFFFF;
	p2 =	slt.u32 s8, $0xFFFFF086  }
0x1c: {  	p1 =	slt.u32 s9, $0xF7A;
	s5 =	simm.s32 @!p2 $0x0  }
0x1d: {  	s5 =	simm.s32 @p1 $0x1;
	p0 =	seq.s32 s7, s2  }
0x1e: {  	s7 =	smul.u32 @!p0 $0xF7A, s2;
	p2 =	seq.s32 @!p0 s5, $0x0  }
0x1f: {  	s9 =	smul.u32 $0xF7A, s1;
	s8 =	simm.s32 @!p0 $0x1BF5;
	p2 =	por !p2, p0  }
0x20: {  	[sflag:s8] =	ssyncset.s32 @!p0 $0xFFFFF086;
	s6 =	sadd.s32 @!p0 s3, s7;
	s7 =	simm.s32 @!p0 $0x108  }
0x21: {  	s3 =	sadd.s32 s3, s9;
	s6 =	sadd.s32 @!p0 $0x88, s6;
	s7 =	simm.s32 @p2 $0x1082  }
0x22: {  	[simem:s7], [sflag:s8] =	dma.local @!p0 [hbm:s6], $0xF7A  }
0x23: {  	s9 =	sor.u32 $0xD0000000, s2;
	s6 =	simm.s32 $0x108;
	_ =	swait.ge @!p0 [sflag:s8], $0x0  }
0x24: {  	s3 =	sadd.s32 $0x88, s3;
	s6 =	simm.s32 @!p1 $0x1082;
	[sflag:s4] =	ssyncset.s32 $0xFFFFF086  }
0x25: {  	[simem:s6], [sflag:s4] =	dma.local [hbm:s3], $0xF7A  }
0x26: {  	[smem:$0x3F9F] =	sst s1;
	(tag) =	ssettag s2;
	_ =	strace s9  }
0x27: {  	s1 =	sld [smem:$0x3FAF]  }
0x28: {  	s2 =	sld [smem:$0x3FB0]  }
0x29: {  	s4 =	sld [smem:$0x3FB2]  }
0x2a: {  	p0 =	seq.s32 s5, $0x0;
	s5 =	sld [smem:$0x3FB3]  }
0x2b: {  	s6 =	sld [smem:$0x3FB4]  }
0x2c: {  	s7 =	sld [smem:$0x3FB5]  }
0x2d: {  	s3 =	simm.s32 $0x108;
	s8 =	sld [smem:$0x3FB6]  }
0x2e: {  	s3 =	simm.s32 @!p0 $0x1082;
	s9 =	sld [smem:$0x3FB7]  }
0x2f: {  	lr =	sadd.s32 s0, s3;
	s0 =	sld [smem:$0x3FAE]  }
0x30: {  	s3 =	sld [smem:$0x3FB1]  }
0x31: {  	[smem:$0x3FBA] =	sst s10  }
0x32: {  	s10 =	sld [smem:$0x3FB8];
	_ =	sdelay $0x3  }
0x33: {  	p0 =	seq.s32 s10, $0x1;
	s10 =	sld [smem:$0x3FBA];
	_ =	sdelay $0x3  }
0x34: {  	[smem:$0x3FBA] =	sst s10  }
0x35: {  	s10 =	sld [smem:$0x3FB9];
	_ =	sdelay $0x3  }
0x36: {  	p1 =	seq.s32 s10, $0x1;
	s10 =	sld [smem:$0x3FBA];
	_ =	sdelay $0x3  }
0x37: {  	[smem:$0x3FBA] =	sst s10  }
0x38: {  	s10 =	sld [smem:$0x3FBB]  }
0x39: {  	_ = 	snop;
	(pc) =	sbr.ind lr, $3  }
0x3a: {  	_ = 	snop  }
0x3b: {  	_ = 	snop  }
0x3c: {  	p2 =	seq.s32 s10, $0x1;
	s10 =	sld [smem:$0x3FBA]  }
0x3d: {  	_ =	shalt  }
0x3e: {  	_ =	shalt  }
0x3f: {  	_ =	shalt  }
0x40: {  	_ =	shalt  }
0x41: {  	_ =	shalt  }
0x42: {  	_ =	shalt  }
0x43: {  	_ =	shalt  }
0x44: {  	_ =	shalt  }
0x45: {  	_ =	shalt  }
0x46: {  	_ =	shalt  }
0x47: {  	_ =	shalt  }
0x48: {  	_ =	shalt  }
0x49: {  	_ =	shalt  }
0x4a: {  	_ =	shalt  }
0x4b: {  	_ =	shalt  }
0x4c: {  	_ =	shalt  }
0x4d: {  	_ =	shalt  }
0x4e: {  	_ =	shalt  }
0x4f: {  	_ =	shalt  }
0x50: {  	_ =	shalt  }
0x51: {  	_ =	shalt  }
0x52: {  	_ =	shalt  }
0x53: {  	_ =	shalt  }
0x54: {  	_ =	shalt  }
0x55: {  	_ =	shalt  }
0x56: {  	_ =	shalt  }
0x57: {  	_ =	shalt  }
0x58: {  	_ =	shalt  }
0x59: {  	_ =	shalt  }
0x5a: {  	_ =	shalt  }
0x5b: {  	_ =	shalt  }
0x5c: {  	_ =	shalt  }
0x5d: {  	_ =	shalt  }
0x5e: {  	_ =	shalt  }
0x5f: {  	_ =	shalt  }
0x60: {  	_ =	shalt  }
0x61: {  	_ =	shalt  }
0x62: {  	_ =	shalt  }
0x63: {  	_ =	shalt  }
0x64: {  	_ =	shalt  }
0x65: {  	_ =	shalt  }
0x66: {  	_ =	shalt  }
0x67: {  	_ =	shalt  }
0x68: {  	_ =	shalt  }
0x69: {  	_ =	shalt  }
0x6a: {  	_ =	shalt  }
0x6b: {  	_ =	shalt  }
0x6c: {  	_ =	shalt  }
0x6d: {  	_ =	shalt  }
0x6e: {  	_ =	shalt  }
0x6f: {  	_ =	shalt  }
0x70: {  	_ =	shalt  }
0x71: {  	_ =	shalt  }
0x72: {  	_ =	shalt  }
0x73: {  	_ =	shalt  }
0x74: {  	_ =	shalt  }
0x75: {  	_ =	shalt  }
0x76: {  	_ =	shalt  }
0x77: {  	_ =	shalt  }
0x78: {  	_ =	shalt  }
0x79: {  	_ =	shalt  }
0x7a: {  	_ =	shalt  }
0x7b: {  	_ =	shalt  }
0x7c: {  	_ =	shalt  }
0x7d: {  	_ =	shalt  }
0x7e: {  	_ =	shalt  }
0x7f: {  	_ =	shalt  }
0x80: {  	_ =	shalt  }
0x81: {  	_ =	shalt  }
0x82: {  	_ =	shalt  }
0x83: {  	_ =	shalt  }
0x84: {  	_ =	shalt  }
0x85: {  	_ =	shalt  }
0x86: {  	_ =	shalt  }
0x87: {  	_ =	shalt  }
.Lfunc_end0:
.L_simem_size_0:
called_computation_lowered:
.L_overlay_start_0:
0x88: {  	s2 =	sld [smem:$0x3FD9]  }
0x89: {  	s3 =	sld [smem:$0x3FFE];
	_ =	sdelay $0x1  }
0x8a: {  	s1 =	srdreg.scid  }
0x8b: {  	s0 =	sand.u32 $0x1, s1  }
0x8c: {  	s17 =	sshll.u32 s0, $0xA;
	s2 =	sadd.s32 s3, s2  }
0x8d: {  	s2 =	sadd.s32 s2, s17  }
0x8e: {  	[smem:$0x3FC6] =	sst s2  }
0x8f: {  	_ = 	snop  }
0x90: {  	s2 =	sld [smem:$0x3FC8]  }
0x91: {  	s18 =	sld [smem:$0x3FD0];
	(tm) =	ssettm $0x1  }
0x92: {  	s4 =	sld [smem:$0x3FFB];
	_ =	sdelay $0x3  }
0x93: {  	_ =	strace s4  }
0x94: {  	s4 =	sld [smem:$0x3FFC];
	_ =	sdelay $0x3  }
0x95: {  	_ =	strace s4  }
0x96: {  	s4 =	sld [smem:$0x3FFD];
	_ =	sdelay $0x3  }
0x97: {  	_ =	strace s4  }
0x98: {  	_ =	strace $0x8FFFFFFF  }
0x99: {  	s19 =	sld [smem:$0x3FDB];
	_ =	sdelay $0x1  }
0x9a: {  	s5 =	simm.s32 $_scs_section_size  }
0x9b: {  	s6 =	simm.s32 $_size__tile_overlayer_lowered;
	s7 =	simm.s32 $_tile_overlayer_lowered  }
0x9c: {  	s22 =	simm.s32 $0x1BFF;
	s21 =	sshll.u32 s7, $0x1;
	s4 =	sadd.s32 s5, s19  }
0x9d: {  	s8 =	simm.s32 $0x0;
	s20 =	sshll.u32 s6, $0x1;
	s6 =	sadd.s32 s21, s4  }
0x9e: {  	[timem:s8], [sflag:s22] =	dma.local [hbm:s6], s20  }
0x9f: {  	_ =	swait.ge [sflag:s22], s20  }
0xa0: {  	s5 =	ssub.s32 $0x0, s20;
	[sflag:s22] =	ssyncset.done $0x0  }
0xa1: {  	[sflag:s22] =	ssyncadd.s32 s5;
	_ =	sdelay $0x1  }
0xa2: {  	s23 =	simm.s32 $0x1B8B  }
0xa3: {  	_ =	swait.ge [sflag:s23], $0x1  }
0xa4: {  	[sflag:s23] =	ssyncset.done $0x0  }
0xa5: {  	s25 =	simm.s32 $0x1B8E;
	s24 =	sld [smem:$0x3FFE];
	[sflag:s23] =	ssyncadd.s32 $0xFFFFFFFF  }
0xa6: {  	s26 =	simm.s32 $execute0_lowered;
	[smem:$0x3FD2] =	sst s25  }
0xa7: {  	s6 =	sshll.u32 s26, $0x1;
	_ =	strace $0x80000046;
	[dreg:$0x1] =	wrdreg $0xFFFFFFFF  }
0xa8: {  	s28 =	simm.s32 $_size_execute0_lowered;
	s4 =	sadd.s32 s4, s6;
	[dreg:$0x0] =	wrdreg $0x0  }
0xa9: {  	s6 =	sshll.u32 s28, $0x1;
	[dreg:$0x2] =	wrdreg s4  }
0xaa: {  	[dreg:$0x3] =	wrdreg s6  }
0xab: {  	[dreg:$0x4] =	wrdreg $0xC0  }
0xac: {  	_ =	task [dreg:s8], $0x5FFFF  }
0xad: {  	[dreg:$0x1] =	wrdreg $0xFFFFFFFF  }
0xae: {  	[dreg:$0x0] =	wrdreg $0x60  }
0xaf: {  	[dreg:$0x2] =	wrdreg s24  }
0xb0: {  	[dreg:$0x3] =	wrdreg s2  }
0xb1: {  	[dreg:$0x4] =	wrdreg s18  }
0xb2: {  	[dreg:$0x5] =	wrdreg $0x1CC800  }
0xb3: {  	[dreg:$0x6] =	wrdreg $0x9  }
0xb4: {  	_ =	task.clear_ibuf [dreg:s8], $0x7FFFF;
	_ =	strace $0x90000046  }
0xb5: {  	s29 =	simm.s32 $0x9;
	_ =	strace $0x80000048  }
0xb6: {  	_ =	swait.ge [sflag:s29], $0x1  }
0xb7: {  	[sflag:s29] =	ssyncadd.s32 $0xFFFFFFFF  }
0xb8: {  	_ =	strace $0x90000048  }
0xb9: {  	_ =	sfence  }
0xba: {  	s30 =	sld [smem:$0x0];
	_ =	sdelay $0x2  }
0xbb: {  	s31 =	sshll.u32 s1, $0xD;
	s1 =	sshrl.u32 s1, $0x2  }
0xbc: {  	s3 =	sand.u32 $0x4000, s31;
	s1 =	sadd.s32 s1, s30  }
0xbd: {  	s0 =	sor.u32 s3, s0;
	s1 =	sshll.u32 s1, $0x11  }
0xbe: {  	s0 =	sor.u32 s1, s0  }
0xbf: {  	s0 =	sadd.s32 $0x8F2B, s0  }
0xc0: {  	[sflag:s0] =	ssyncadd.remote.s32 $0x1  }
0xc1: {  	_ =	sfence.sel $0xFFFF  }
0xc2: {  	[dreg:$0x0] =	wrdreg $0xFFFFFFFF;
	(pc) =	sbr.abs _section_cstart, $3  }
0xc3: {  	[dreg:$0x1] =	wrdreg $0xFFFFFFFF  }
0xc4: {  	_ =	task.clear_ibuf [dreg:s8], $0x2FFFF;
	_ =	strace $0x9FFFFFFF  }
0xc5: {  	(tm) =	ssettm $0x7FFFFFFF  }
tec
execute0_lowered:
.L_overlay_start_1:
0x0: {  	(tag) =	ssettag $0x1  }
0x1: {  	s0 =	rddreg [dreg:$0x0];
	s1 =	srdreg.scid  }
0x2: {  	s4 =	stileid.u32;
	s5 =	rddreg [dreg:$0x2]  }
0x3: {  	s2 =	rddreg [dreg:$0x3];
	s1 =	sand.u32 $0x1, s1;
	s3 =	sshll.u32 s4, $0x1  }
0x4: {  	s29 =	simm.s32 $0x0;
	p0 =	sne.s32 s4, $0x0;
	s6 =	sor.u32 s1, s3  }
0x5: {  	[smem:$0x7FF] =	sst s29;
	s3 =	simm.s32 @!p0 $0x0;
	s8 =	smul.u32 $0xC800, s6  }
0x6: {  	_ =	strace $0x80000047;
	s18 =	smul.u32 $0xC80, s6;
	s3 =	simm.s32 @p0 $0x1  }
0x7: {  	[smem:$0x7D8] =	sst s3;
	s12 =	sadd.s32 s5, s8;
	s5 =	sadd.s32 $0x186800, s5  }
0x8: {  	s13 =	sadd.s32 $0xFFFE805F, s18;
	[dreg:$0xd] =	wrdreg s5  }
0x9: {  	s21 =	sadd.s32 $0xFFFE81DF, s18;
	[dreg:$0xe] =	wrdreg s13  }
0xa: {  	p5 =	por $0x0, $0x0;
	s22 =	sadd.s32 $0xFFFE825F, s18;
	[dreg:$0x11] =	wrdreg s21  }
0xb: {  	p6 =	por $0x0, $0x0;
	s23 =	sadd.s32 $0xFFFE82DF, s18;
	[dreg:$0x12] =	wrdreg s22  }
0xc: {  	s4 =	simm.s32 $0x5;
	s24 =	sadd.s32 $0xFFFE835F, s18;
	[dreg:$0x13] =	wrdreg s23  }
0xd: {  	s1 =	ssub.s32 $0x2, s1;
	s26 =	sadd.s32 $0xFFFE83DF, s18;
	[dreg:$0x14] =	wrdreg s24  }
0xe: {  	s7 =	smul.u32 $0x190, s6;
	s28 =	sadd.s32 $0xFFFE845F, s18;
	[dreg:$0x15] =	wrdreg s26  }
0xf: {  	s9 =	sshrl.u32 s1, $0x1;
	s30 =	sadd.s32 $0xFFFE84DF, s18;
	[dreg:$0x16] =	wrdreg s28  }
0x10: {  	p1 =	seq.s32 s6, $0x1F;
	s31 =	sadd.s32 $0xFFFE855F, s18;
	[dreg:$0x17] =	wrdreg s30  }
0x11: {  	s1 =	ssub.s32 s1, s9;
	s0 =	sadd.s32 s7, s0;
	[dreg:$0x18] =	wrdreg s31  }
0x12: {  	s7 =	sadd.s32 $0xFFFE7DDF, s18;
	s0 =	sadd.s32 $0x400, s0;
	[dreg:$0x5] =	wrdreg s12  }
0x13: {  	s8 =	sadd.s32 $0xFFFE7E5F, s18;
	s14 =	sadd.s32 $0x800, s12;
	[dreg:$0x6] =	wrdreg s0  }
0x14: {  	s9 =	sadd.s32 $0xFFFE7EDF, s18;
	s15 =	sadd.s32 $0x1000, s12;
	[dreg:$0x7] =	wrdreg s14  }
0x15: {  	s10 =	sadd.s32 $0xFFFE7F5F, s18;
	s16 =	sadd.s32 $0x1800, s12;
	[dreg:$0x8] =	wrdreg s15  }
0x16: {  	s11 =	sadd.s32 $0xFFFE7FDF, s18;
	s17 =	sadd.s32 $0x2000, s12;
	[dreg:$0x9] =	wrdreg s16  }
0x17: {  	s25 =	smax.u32 s1, $0x1;
	s19 =	sadd.s32 $0x2800, s12;
	[dreg:$0xa] =	wrdreg s17  }
0x18: {  	s20 =	sadd.s32 $0x3000, s12;
	p3 =	slt.u32 s10, $0x7F;
	[dreg:$0xb] =	wrdreg s19  }
0x19: {  	p0 =	sgt.u32 @!p1 s10, $0x7E;
	s10 =	sadd.s32 $0x3800, s12;
	[dreg:$0xc] =	wrdreg s20  }
0x1a: {  	s5 =	sadd.s32 $0xFFFE7D5F, s18;
	s0 =	sadd.s32 $0xFFFE85DF, s18;
	[dreg:$0x1a] =	wrdreg s10  }
0x1b: {  	p4 =	slt.u32 s11, $0x7F;
	s14 =	sadd.s32 $0xFFFE80DF, s18;
	[dreg:$0x19] =	wrdreg s0  }
0x1c: {  	s15 =	sadd.s32 $0xFFFE815F, s18;
	p2 =	sgt.u32 @!p1 s5, $0x7E;
	[dreg:$0xf] =	wrdreg s14  }
0x1d: {  	p5 =	por @!p1 p3, p3;
	s16 =	sadd.s32 $0x6000, s12;
	[dreg:$0x10] =	wrdreg s15  }
0x1e: {  	p3 =	sgt.u32 @!p1 s7, $0x7E;
	s17 =	sadd.s32 $0x6800, s12;
	[dreg:$0x1f] =	wrdreg s16  }
0x1f: {  	p6 =	por @!p1 p4, p4;
	s18 =	sadd.s32 $0x7000, s12;
	[smem:$0x7F2] =	sst s17  }
0x20: {  	p4 =	slt.u32 s9, $0x7F;
	s19 =	sadd.s32 $0x7800, s12;
	[smem:$0x7F3] =	sst s18  }
0x21: {  	s20 =	sadd.s32 $0x8000, s12;
	s3 =	simm.s32 @!p5 $0x0;
	[smem:$0x7F4] =	sst s19  }
0x22: {  	s7 =	simm.s32 $0x4C80;
	[smem:$0x7F5] =	sst s20;
	s3 =	simm.s32 @p5 $0x1  }
0x23: {  	s10 =	simm.s32 $0x3;
	[smem:$0x7D9] =	sst s3;
	s3 =	simm.s32 @!p6 $0x0  }
0x24: {  	s18 =	simm.s32 $0x1;
	s20 =	simm.s32 $0x2;
	s3 =	simm.s32 @p6 $0x1  }
0x25: {  	s16 =	simm.s32 $0xC80;
	[smem:$0x7DA] =	sst s3;
	s3 =	simm.s32 @!p4 $0x0  }
0x26: {  	s17 =	simm.s32 $0x18C80;
	s3 =	simm.s32 @p4 $0x1;
	p4 =	por p2, p1  }
0x27: {  	p5 =	sgt.u32 @!p1 s8, $0x7E;
	p2 =	por !p2, p1;
	s0 =	simm.s32 @!p4 $0x0  }
0x28: {  	[smem:$0x7DB] =	sst s3;
	s3 =	simm.s32 @!p0 $0x0;
	s0 =	simm.s32 @p4 $0x1  }
0x29: {  	s3 =	simm.s32 @p0 $0x1;
	[smem:$0x7DC] =	sst s0;
	s0 =	simm.s32 @!p2 $0x0  }
0x2a: {  	[smem:$0x7E3] =	sst s3;
	s0 =	simm.s32 @p2 $0x1;
	p2 =	por p3, p1  }
0x2b: {  	p0 =	sgt.u32 @!p1 s11, $0x7E;
	[smem:$0x7DD] =	sst s0;
	s0 =	simm.s32 @!p2 $0x0  }
0x2c: {  	s3 =	simm.s32 @!p0 $0x0;
	s0 =	simm.s32 @p2 $0x1;
	p2 =	por !p3, p1  }
0x2d: {  	s3 =	simm.s32 @p0 $0x1;
	[smem:$0x7DE] =	sst s0;
	s0 =	simm.s32 @!p2 $0x0  }
0x2e: {  	p0 =	por p5, p1;
	s1 =	sld [smem:$0x7E3];
	s0 =	simm.s32 @p2 $0x1  }
0x2f: {  	s8 =	simm.s32 $0x8C80;
	[smem:$0x7DF] =	sst s0;
	s0 =	simm.s32 @!p0 $0x0  }
0x30: {  	[smem:$0x7E5] =	sst s3;
	s0 =	simm.s32 @p0 $0x1;
	p0 =	por !p5, p1  }
0x31: {  	p6 =	sgt.u32 @!p1 s9, $0x7E;
	[smem:$0x7E0] =	sst s0;
	s0 =	simm.s32 @!p0 $0x0  }
0x32: {  	s3 =	sld [smem:$0x7E5];
	s0 =	simm.s32 @p0 $0x1;
	p0 =	por p6, p1  }
0x33: {  	p5 =	seq.s32 s1, $0x1;
	[smem:$0x7E1] =	sst s0;
	s0 =	simm.s32 @!p0 $0x0  }
0x34: {  	s11 =	sadd.s32 $0x4000, s12;
	s0 =	simm.s32 @p0 $0x1;
	p0 =	por p5, p1  }
0x35: {  	p6 =	seq.s32 s3, $0x1;
	[smem:$0x7E2] =	sst s0;
	s0 =	simm.s32 @!p0 $0x0  }
0x36: {  	[dreg:$0x1b] =	wrdreg s11;
	s0 =	simm.s32 @p0 $0x1;
	p0 =	por p6, p1  }
0x37: {  	s11 =	simm.s32 $0x10C80;
	[smem:$0x7E4] =	sst s0;
	s0 =	simm.s32 @!p0 $0x0  }
0x38: {  	s3 =	simm.s32 $0xCC80;
	s0 =	simm.s32 @p0 $0x1;
	p0 =	slt.u32 s13, $0x7F  }
0x39: {  	s13 =	sadd.s32 $0x4800, s12;
	[smem:$0x7E6] =	sst s0;
	s0 =	simm.s32 @!p0 $0x0  }
0x3a: {  	[dreg:$0x1c] =	wrdreg s13;
	s0 =	simm.s32 @p0 $0x1;
	p0 =	slt.u32 s14, $0x7F  }
0x3b: {  	s14 =	sadd.s32 $0x5000, s12;
	[smem:$0x7E7] =	sst s0;
	s0 =	simm.s32 @!p0 $0x0  }
0x3c: {  	[dreg:$0x1d] =	wrdreg s14;
	s0 =	simm.s32 @p0 $0x1;
	p0 =	slt.u32 s15, $0x7F  }
0x3d: {  	s15 =	sadd.s32 $0x5800, s12;
	[smem:$0x7E8] =	sst s0;
	s0 =	simm.s32 @!p0 $0x0  }
0x3e: {  	[dreg:$0x1e] =	wrdreg s15;
	s0 =	simm.s32 @p0 $0x1;
	p0 =	slt.u32 s21, $0x7F  }
0x3f: {  	s21 =	sadd.s32 $0x8800, s12;
	[smem:$0x7E9] =	sst s0;
	s0 =	simm.s32 @!p0 $0x0  }
0x40: {  	[smem:$0x7F6] =	sst s21;
	s0 =	simm.s32 @p0 $0x1;
	p0 =	slt.u32 s22, $0x7F  }
0x41: {  	s22 =	sadd.s32 $0x9000, s12;
	[smem:$0x7EA] =	sst s0;
	s0 =	simm.s32 @!p0 $0x0  }
0x42: {  	[smem:$0x7F7] =	sst s22;
	s0 =	simm.s32 @p0 $0x1;
	p0 =	slt.u32 s23, $0x7F  }
0x43: {  	s23 =	sadd.s32 $0x9800, s12;
	[smem:$0x7EB] =	sst s0;
	s0 =	simm.s32 @!p0 $0x0  }
0x44: {  	[smem:$0x7F8] =	sst s23;
	s0 =	simm.s32 @p0 $0x1;
	p0 =	slt.u32 s24, $0x7F  }
0x45: {  	s24 =	sadd.s32 $0xA000, s12;
	[smem:$0x7EC] =	sst s0;
	s0 =	simm.s32 @!p0 $0x0  }
0x46: {  	[smem:$0x7F9] =	sst s24;
	s0 =	simm.s32 @p0 $0x1;
	p0 =	slt.u32 s26, $0x7F  }
0x47: {  	s26 =	sadd.s32 $0xA800, s12;
	[smem:$0x7ED] =	sst s0;
	s0 =	simm.s32 @!p0 $0x0  }
0x48: {  	s13 =	simm.s32 $0x6;
	[smem:$0x7FA] =	sst s26;
	s0 =	simm.s32 @p0 $0x1  }
0x49: {  	p0 =	slt.u32 s28, $0x7F;
	s28 =	sadd.s32 $0xB000, s12;
	[smem:$0x7EE] =	sst s0  }
0x4a: {  	s14 =	simm.s32 $0x80;
	s0 =	simm.s32 @!p0 $0x0;
	[smem:$0x7FB] =	sst s28  }
0x4b: {  	s0 =	simm.s32 @p0 $0x1;
	p0 =	slt.u32 s30, $0x7F;
	s30 =	sadd.s32 $0xB800, s12  }
.Ltmp0:
0x4c: {  	[smem:$0x7EF] =	sst s0;
	s0 =	simm.s32 @!p0 $0x0;
	(pc) =	sbr.rel .LBB2_1-.Ltmp0, $4  }
0x4d: {  	[smem:$0x7FC] =	sst s30;
	s0 =	simm.s32 @p0 $0x1;
	p0 =	slt.u32 s31, $0x7F  }
0x4e: {  	s31 =	sadd.s32 $0xC000, s12;
	[smem:$0x7F0] =	sst s0;
	s0 =	simm.s32 @!p0 $0x0  }
0x4f: {  	s15 =	simm.s32 $0x14C80;
	[smem:$0x7FD] =	sst s31;
	s0 =	simm.s32 @p0 $0x1  }
0x50: {  	s26 =	simm.s32 $0x7;
	s12 =	simm.s32 $0x4;
	[smem:$0x7F1] =	sst s0  }
.LBB2_2:
0x51: {  	s5 =	sld [smem:$0x7FB]  }
0x52: {  	s0 =	rddreg [dreg:$0x17]  }
0x53: {  	p2 =	sgt.u32 s0, $0x7E  }
0x54: {  	[hbm4b:s5+s29] =	stream.linear.scatter [tilespmem:s7], [sflag:$0x9], $0x4000, $0x38;
	[tilespmem:$0x1CFA0] =	vst v63  }
0x55: {  	s0 =	simm.s32 @!p2 $0x0;
	s1 =	simm.s32 @!p2 $0x4C80  }
0x56: {  	[hbm4b:s5+s0] =	stream.linear.scatter @!p2 [tilespmem:s1], [sflag:$0x9], $0x1000, $0x38;
	[tilespmem:$0x1CFA0] =	vst v63  }
0x57: {  	_ =	swait.ge [sflag:s10], $0x4000  }
0x58: {  	s5 =	sld [smem:$0x7FC]  }
0x59: {  	[sflag:s10] =	ssyncset.done $0x0;
	s24 =	rddreg [dreg:$0x18]  }
0x5a: {  	p2 =	sgt.u32 s24, $0x7E;
	[sflag:s10] =	ssyncadd.s32 $0xFFFFC000  }
0x5b: {  	[hbm4b:s5+s29] =	stream.linear.scatter [tilespmem:s8], [sflag:$0xA], $0x4000, $0x38;
	[tilespmem:$0x1CFA0] =	vst v63  }
0x5c: {  	s0 =	simm.s32 @!p2 $0x0;
	s1 =	simm.s32 @!p2 $0x8C80  }
0x5d: {  	[hbm4b:s5+s0] =	stream.linear.scatter @!p2 [tilespmem:s1], [sflag:$0xA], $0x1000, $0x38;
	[tilespmem:$0x1CFA0] =	vst v63  }
0x5e: {  	_ =	swait.ge [sflag:s12], $0x4000  }
0x5f: {  	s28 =	rddreg [dreg:$0x19]  }
0x60: {  	s5 =	sld [smem:$0x7FD]  }
0x61: {  	p2 =	por $0x0, $0x0;
	[sflag:s12] =	ssyncset.done $0x0;
	s30 =	sld [smem:$0x7F1]  }
0x62: {  	s31 =	sld [smem:$0x7F0];
	p3 =	sgt.u32 s28, $0x7E;
	[sflag:s12] =	ssyncadd.s32 $0xFFFFC000  }
0x63: {  	[hbm4b:s5+s29] =	stream.linear.scatter [tilespmem:s6], [sflag:$0xB], $0x4000, $0x38;
	[tilespmem:$0x1CFA0] =	vst v63  }
0x64: {  	s0 =	simm.s32 @!p3 $0x0;
	s1 =	simm.s32 @!p3 $0xCC80;
	p5 =	por @!p3 $0x1, $0x1  }
0x65: {  	[hbm4b:s5+s0] =	stream.linear.scatter @!p3 [tilespmem:s1], [sflag:$0xB], $0x1000, $0x38;
	[tilespmem:$0x1CFA0] =	vst v63  }
0x66: {  	p2 =	por @!p3 p5, p5;
	s0 =	simm.s32 @!p3 $0xC  }
0x67: {  	p5 =	seq.s32 s31, $0x1;
	s0 =	simm.s32 @p3 $0xC;
	p3 =	seq.s32 s30, $0x1  }
.LBB2_3:
0x68: {  	_ =	swait.ge [sflag:s0], $0x4000  }
0x69: {  	s1 =	sld [smem:$0x7EC];
	_ =	sdelay $0x2  }
0x6a: {  	p4 =	por $0x0, $0x0;
	p0 =	seq.s32 s1, $0x1  }
0x6b: {  	[sflag:s0] =	ssyncset.done $0x0;
	p4 =	por @!p1 p0, p0  }
0x6c: {  	[sflag:s0] =	ssyncadd.s32 $0xFFFFC000;
	s0 =	simm.s32 @p4 $0xC  }
0x6d: {  	_ =	swait.ge @p4 [sflag:s0], $0x1000  }
0x6e: {  	[sflag:s0] =	ssyncset.done @p4 $0x0  }
0x6f: {  	[sflag:s0] =	ssyncadd.s32 @p4 $0xFFFFF000;
	s0 =	simm.s32 @!p1 $0xD  }
0x70: {  	_ =	swait.ge @!p1 [sflag:s0], $0x4000  }
0x71: {  	s28 =	sld [smem:$0x7ED];
	_ =	sdelay $0x2  }
0x72: {  	p4 =	por $0x0, $0x0;
	p0 =	seq.s32 s28, $0x1  }
0x73: {  	[sflag:s0] =	ssyncset.done @!p1 $0x0;
	p4 =	por @!p1 p0, p0  }
0x74: {  	[sflag:s0] =	ssyncadd.s32 @!p1 $0xFFFFC000;
	s0 =	simm.s32 @p4 $0xD  }
0x75: {  	_ =	swait.ge @p4 [sflag:s0], $0x1000  }
0x76: {  	[sflag:s0] =	ssyncset.done @p4 $0x0  }
0x77: {  	[sflag:s0] =	ssyncadd.s32 @p4 $0xFFFFF000;
	s0 =	simm.s32 @!p1 $0xE  }
0x78: {  	_ =	swait.ge @!p1 [sflag:s0], $0x4000  }
0x79: {  	s30 =	sld [smem:$0x7EE];
	_ =	sdelay $0x2  }
0x7a: {  	p4 =	por $0x0, $0x0;
	p0 =	seq.s32 s30, $0x1  }
0x7b: {  	[sflag:s0] =	ssyncset.done @!p1 $0x0;
	p4 =	por @!p1 p0, p0  }
0x7c: {  	[sflag:s0] =	ssyncadd.s32 @!p1 $0xFFFFC000;
	s0 =	simm.s32 @p4 $0xE  }
0x7d: {  	_ =	swait.ge @p4 [sflag:s0], $0x1000  }
0x7e: {  	[sflag:s0] =	ssyncset.done @p4 $0x0  }
0x7f: {  	[sflag:s0] =	ssyncadd.s32 @p4 $0xFFFFF000;
	s0 =	simm.s32 @!p1 $0x8  }
0x80: {  	_ =	swait.ge @!p1 [sflag:s0], $0x4000  }
0x81: {  	s31 =	sld [smem:$0x7EF];
	_ =	sdelay $0x2  }
0x82: {  	p4 =	por $0x0, $0x0;
	p0 =	seq.s32 s31, $0x1  }
0x83: {  	[sflag:s0] =	ssyncset.done @!p1 $0x0;
	p4 =	por @!p1 p0, p0  }
0x84: {  	[sflag:s0] =	ssyncadd.s32 @!p1 $0xFFFFC000;
	s0 =	simm.s32 @p4 $0x8  }
0x85: {  	_ =	swait.ge @p4 [sflag:s0], $0x1000  }
0x86: {  	[sflag:s0] =	ssyncset.done @p4 $0x0  }
0x87: {  	[sflag:s0] =	ssyncadd.s32 @p4 $0xFFFFF000;
	s0 =	simm.s32 @!p1 $0x9  }
0x88: {  	_ =	swait.ge @!p1 [sflag:s0], $0x4000  }
0x89: {  	[sflag:s0] =	ssyncset.done @!p1 $0x0  }
0x8a: {  	[sflag:s0] =	ssyncadd.s32 @!p1 $0xFFFFC000;
	s0 =	simm.s32 @p5 $0x9  }
0x8b: {  	_ =	swait.ge @p5 [sflag:s0], $0x1000  }
0x8c: {  	[sflag:s0] =	ssyncset.done @p5 $0x0  }
0x8d: {  	[sflag:s0] =	ssyncadd.s32 @p5 $0xFFFFF000;
	s0 =	simm.s32 @!p1 $0xA  }
0x8e: {  	_ =	swait.ge @!p1 [sflag:s0], $0x4000  }
0x8f: {  	[sflag:s0] =	ssyncset.done @!p1 $0x0  }
0x90: {  	[sflag:s0] =	ssyncadd.s32 @!p1 $0xFFFFC000;
	s0 =	simm.s32 @p3 $0xA  }
0x91: {  	_ =	swait.ge @p3 [sflag:s0], $0x1000  }
0x92: {  	[sflag:s0] =	ssyncset.done @p3 $0x0  }
0x93: {  	s25 =	sadd.s32 $0xFFFFFFFF, s25;
	[sflag:s0] =	ssyncadd.s32 @p3 $0xFFFFF000;
	s0 =	simm.s32 @!p1 $0xB  }
0x94: {  	p3 =	sne.s32 s25, $0x0;
	_ =	swait.ge @!p1 [sflag:s0], $0x4000  }
.Ltmp1:
0x95: {  	[sflag:s0] =	ssyncset.done @!p1 $0x0;
	(pc) =	sbr.rel @!p3 .LBB2_4-.Ltmp1, $4  }
0x96: {  	[sflag:s0] =	ssyncadd.s32 @!p1 $0xFFFFC000;
	s0 =	simm.s32 @p2 $0xB  }
0x97: {  	_ =	swait.ge @p2 [sflag:s0], $0x1000  }
0x98: {  	[sflag:s0] =	ssyncset.done @p2 $0x0  }
0x99: {  	[sflag:s0] =	ssyncadd.s32 @p2 $0xFFFFF000  }
.LBB2_1:
0x9a: {  	s0 =	sld [smem:$0x7D8];
	_ =	sdelay $0x2  }
0x9b: {  	p0 =	seq.s32 s0, $0x1  }
0x9c: {  	s5 =	rddreg [dreg:$0x1];
	s0 =	sshrl.u32 @!p0 s2, $0x3;
	s1 =	simm.s32 @!p0 $0x1C0F  }
0x9d: {  	[spmem:s0], [sflag:s1] =	dma.local @!p0 [hbm:s5], $0x640  }
0x9e: {  	s0 =	simm.s32 @!p0 $0xF  }
0x9f: {  	_ =	swait.ge @!p0 [sflag:s0], $0x640  }
0xa0: {  	[sflag:s0] =	ssyncset.done @!p0 $0x0  }
0xa1: {  	[sflag:s0] =	ssyncadd.s32 @!p0 $0xFFFFF9C0  }
0xa2: {  	[bflag:$0x0] =	sbarrier.arrive $0xFFFF  }
0xa3: {  	s19 =	simm.s32 $0xF;
	s9 =	rddreg [dreg:$0x6]  }
0xa4: {  	[tilespmem:s29], [sflag:$0xF] =	stream.linear.gather [hbm4b:s9+s29], $0xC80, $0x38;
	[tilespmem:$0x1CFA0] =	vst v63  }
0xa5: {  	_ =	swait.ge [sflag:s19], $0xC80  }
0xa6: {  	[sflag:s19] =	ssyncset.done $0x0  }
0xa7: {  	[sflag:s19] =	ssyncadd.s32 $0xFFFFF380  }
0xa8: {  	[tilespmem:s16], [sflag:$0x1] =	stream.indirect.gather [spmem:s2], $0x80, s29, s14, $0xb8;
	[tilespmem:$0x1CFA0] =	vst v63  }
0xa9: {  	_ = 	snop  }
0xaa: {  	[tilespmem:s7], [sflag:$0x2] =	stream.indirect.gather [spmem:s2], $0x80, s14, s14, $0xb8;
	[tilespmem:$0x1CFA0] =	vst v63  }
0xab: {  	s21 =	simm.s32 $0x100  }
0xac: {  	[tilespmem:s8], [sflag:$0x3] =	stream.indirect.gather [spmem:s2], $0x80, s21, s14, $0xb8;
	[tilespmem:$0x1CFA0] =	vst v63  }
0xad: {  	_ =	swait.ge [sflag:s18], $0x4000  }
0xae: {  	[sflag:s18] =	ssyncset.done $0x0  }
0xaf: {  	s22 =	rddreg [dreg:$0x5];
	[sflag:s18] =	ssyncadd.s32 $0xFFFFC000  }
0xb0: {  	[hbm4b:s22+s29] =	stream.linear.scatter [tilespmem:s16], [sflag:$0x8], $0x4000, $0x38;
	[tilespmem:$0x1CFA0] =	vst v63  }
0xb1: {  	s23 =	simm.s32 $0x180  }
0xb2: {  	[tilespmem:s3], [sflag:$0x4] =	stream.indirect.gather [spmem:s2], $0x80, s23, s14, $0xb8;
	[tilespmem:$0x1CFA0] =	vst v63  }
0xb3: {  	_ =	swait.ge [sflag:s20], $0x4000  }
0xb4: {  	[sflag:s20] =	ssyncset.done $0x0  }
0xb5: {  	s24 =	rddreg [dreg:$0x7];
	[sflag:s20] =	ssyncadd.s32 $0xFFFFC000  }
0xb6: {  	[hbm4b:s24+s29] =	stream.linear.scatter [tilespmem:s7], [sflag:$0x9], $0x4000, $0x38;
	[tilespmem:$0x1CFA0] =	vst v63  }
0xb7: {  	s28 =	simm.s32 $0x200  }
0xb8: {  	[tilespmem:s11], [sflag:$0x5] =	stream.indirect.gather [spmem:s2], $0x80, s28, s14, $0xb8;
	[tilespmem:$0x1CFA0] =	vst v63  }
0xb9: {  	_ =	swait.ge [sflag:s10], $0x4000  }
0xba: {  	[sflag:s10] =	ssyncset.done $0x0  }
0xbb: {  	s30 =	rddreg [dreg:$0x8];
	[sflag:s10] =	ssyncadd.s32 $0xFFFFC000  }
0xbc: {  	[hbm4b:s30+s29] =	stream.linear.scatter [tilespmem:s8], [sflag:$0xA], $0x4000, $0x38;
	[tilespmem:$0x1CFA0] =	vst v63  }
0xbd: {  	s31 =	simm.s32 $0x280  }
0xbe: {  	[tilespmem:s15], [sflag:$0x6] =	stream.indirect.gather [spmem:s2], $0x80, s31, s14, $0xb8;
	[tilespmem:$0x1CFA0] =	vst v63  }
0xbf: {  	_ =	swait.ge [sflag:s12], $0x4000  }
0xc0: {  	[sflag:s12] =	ssyncset.done $0x0  }
0xc1: {  	s1 =	rddreg [dreg:$0x9];
	[sflag:s12] =	ssyncadd.s32 $0xFFFFC000  }
0xc2: {  	[hbm4b:s1+s29] =	stream.linear.scatter [tilespmem:s3], [sflag:$0xB], $0x4000, $0x38;
	[tilespmem:$0x1CFA0] =	vst v63  }
0xc3: {  	s5 =	simm.s32 $0x300  }
0xc4: {  	[tilespmem:s17], [sflag:$0x7] =	stream.indirect.gather [spmem:s2], $0x80, s5, s14, $0xb8;
	[tilespmem:$0x1CFA0] =	vst v63  }
0xc5: {  	_ =	swait.ge [sflag:s4], $0x4000  }
0xc6: {  	[sflag:s4] =	ssyncset.done $0x0  }
0xc7: {  	s9 =	simm.s32 $0x8;
	s6 =	rddreg [dreg:$0xa];
	[sflag:s4] =	ssyncadd.s32 $0xFFFFC000  }
0xc8: {  	[hbm4b:s6+s29] =	stream.linear.scatter [tilespmem:s11], [sflag:$0xC], $0x4000, $0x38;
	[tilespmem:$0x1CFA0] =	vst v63  }
0xc9: {  	_ =	swait.ge [sflag:s9], $0x4000  }
0xca: {  	[sflag:s9] =	ssyncset.done $0x0  }
0xcb: {  	s19 =	simm.s32 $0x380;
	[sflag:s9] =	ssyncadd.s32 $0xFFFFC000  }
0xcc: {  	[tilespmem:s16], [sflag:$0x1] =	stream.indirect.gather [spmem:s2], $0x80, s19, s14, $0xb8;
	[tilespmem:$0x1CFA0] =	vst v63  }
0xcd: {  	_ =	swait.ge [sflag:s13], $0x4000  }
0xce: {  	[sflag:s13] =	ssyncset.done $0x0  }
0xcf: {  	s22 =	simm.s32 $0x9;
	s21 =	rddreg [dreg:$0xb];
	[sflag:s13] =	ssyncadd.s32 $0xFFFFC000  }
0xd0: {  	[hbm4b:s21+s29] =	stream.linear.scatter [tilespmem:s15], [sflag:$0xD], $0x4000, $0x38;
	[tilespmem:$0x1CFA0] =	vst v63  }
0xd1: {  	_ =	swait.ge [sflag:s22], $0x4000  }
0xd2: {  	[sflag:s22] =	ssyncset.done $0x0  }
0xd3: {  	s23 =	simm.s32 $0x400;
	[sflag:s22] =	ssyncadd.s32 $0xFFFFC000  }
0xd4: {  	[tilespmem:s7], [sflag:$0x2] =	stream.indirect.gather [spmem:s2], $0x80, s23, s14, $0xb8;
	[tilespmem:$0x1CFA0] =	vst v63  }
0xd5: {  	_ =	swait.ge [sflag:s26], $0x4000  }
0xd6: {  	s0 =	simm.s32 @p1 $0x0;
	s24 =	simm.s32 $0xA;
	[sflag:s26] =	ssyncset.done $0x0  }
0xd7: {  	s1 =	simm.s32 @p1 $0x18C80;
	s5 =	rddreg [dreg:$0xd];
	[sflag:s26] =	ssyncadd.s32 $0xFFFFC000  }
0xd8: {  	[hbm4b:s5+s0] =	stream.linear.scatter @p1 [tilespmem:s1], [sflag:$0xE], $0x1000, $0x38;
	[tilespmem:$0x1CFA0] =	vst v63  }
0xd9: {  	s28 =	simm.s32 @!p1 $0x0;
	s30 =	simm.s32 @!p1 $0x18C80;
	s0 =	rddreg [dreg:$0xc]  }
0xda: {  	[hbm4b:s0+s28] =	stream.linear.scatter @!p1 [tilespmem:s30], [sflag:$0xE], $0x4000, $0x38;
	[tilespmem:$0x1CFA0] =	vst v63  }
0xdb: {  	_ =	swait.ge [sflag:s24], $0x4000  }
0xdc: {  	[sflag:s24] =	ssyncset.done $0x0  }
0xdd: {  	s31 =	simm.s32 $0x480;
	[sflag:s24] =	ssyncadd.s32 $0xFFFFC000  }
0xde: {  	[tilespmem:s8], [sflag:$0x3] =	stream.indirect.gather [spmem:s2], $0x80, s31, s14, $0xb8;
	[tilespmem:$0x1CFA0] =	vst v63  }
0xdf: {  	_ =	swait.ge [sflag:s18], $0x4000  }
0xe0: {  	[sflag:s18] =	ssyncset.done $0x0;
	s1 =	sld [smem:$0x7DC]  }
0xe1: {  	s0 =	simm.s32 @!p1 $0xC80;
	s5 =	rddreg [dreg:$0x1a];
	[sflag:s18] =	ssyncadd.s32 $0xFFFFC000  }
0xe2: {  	[hbm4b:s5+s28] =	stream.linear.scatter @!p1 [tilespmem:s0], [sflag:$0x8], $0x4000, $0x38;
	[tilespmem:$0x1CFA0] =	vst v63  }
0xe3: {  	p3 =	seq.s32 s1, $0x1  }
0xe4: {  	s0 =	simm.s32 @!p3 $0x0;
	s1 =	simm.s32 @!p3 $0xC80  }
0xe5: {  	[hbm4b:s5+s0] =	stream.linear.scatter @!p3 [tilespmem:s1], [sflag:$0x8], $0x1000, $0x38;
	[tilespmem:$0x1CFA0] =	vst v63  }
0xe6: {  	s5 =	simm.s32 $0xB  }
0xe7: {  	_ =	swait.ge [sflag:s5], $0x4000  }
0xe8: {  	[sflag:s5] =	ssyncset.done $0x0  }
0xe9: {  	s6 =	simm.s32 $0x500;
	[sflag:s5] =	ssyncadd.s32 $0xFFFFC000  }
0xea: {  	[tilespmem:s3], [sflag:$0x4] =	stream.indirect.gather [spmem:s2], $0x80, s6, s14, $0xb8;
	[tilespmem:$0x1CFA0] =	vst v63  }
0xeb: {  	_ =	swait.ge [sflag:s20], $0x4000  }
0xec: {  	[sflag:s20] =	ssyncset.done $0x0;
	s7 =	sld [smem:$0x7DE]  }
0xed: {  	s8 =	simm.s32 @!p1 $0x4C80;
	s5 =	rddreg [dreg:$0x1b];
	[sflag:s20] =	ssyncadd.s32 $0xFFFFC000  }
0xee: {  	[hbm4b:s5+s28] =	stream.linear.scatter @!p1 [tilespmem:s8], [sflag:$0x9], $0x4000, $0x38;
	[tilespmem:$0x1CFA0] =	vst v63  }
0xef: {  	p6 =	seq.s32 s7, $0x1  }
0xf0: {  	s9 =	simm.s32 $0xC;
	s0 =	simm.s32 @!p6 $0x0;
	s1 =	simm.s32 @!p6 $0x4C80  }
0xf1: {  	[hbm4b:s5+s0] =	stream.linear.scatter @!p6 [tilespmem:s1], [sflag:$0x9], $0x1000, $0x38;
	[tilespmem:$0x1CFA0] =	vst v63  }
0xf2: {  	_ =	swait.ge [sflag:s9], $0x4000  }
0xf3: {  	[sflag:s9] =	ssyncset.done $0x0  }
0xf4: {  	s21 =	simm.s32 $0x580;
	[sflag:s9] =	ssyncadd.s32 $0xFFFFC000  }
0xf5: {  	[tilespmem:s11], [sflag:$0x5] =	stream.indirect.gather [spmem:s2], $0x80, s21, s14, $0xb8;
	[tilespmem:$0x1CFA0] =	vst v63  }
0xf6: {  	_ =	swait.ge [sflag:s10], $0x4000  }
0xf7: {  	[sflag:s10] =	ssyncset.done $0x0;
	s22 =	sld [smem:$0x7E0]  }
0xf8: {  	s7 =	simm.s32 @!p1 $0x8C80;
	s5 =	rddreg [dreg:$0x1c];
	[sflag:s10] =	ssyncadd.s32 $0xFFFFC000  }
0xf9: {  	[hbm4b:s5+s28] =	stream.linear.scatter @!p1 [tilespmem:s7], [sflag:$0xA], $0x4000, $0x38;
	[tilespmem:$0x1CFA0] =	vst v63  }
0xfa: {  	p0 =	seq.s32 s22, $0x1  }
0xfb: {  	s23 =	simm.s32 $0xD;
	s0 =	simm.s32 @!p0 $0x0;
	s1 =	simm.s32 @!p0 $0x8C80  }
0xfc: {  	[hbm4b:s5+s0] =	stream.linear.scatter @!p0 [tilespmem:s1], [sflag:$0xA], $0x1000, $0x38;
	[tilespmem:$0x1CFA0] =	vst v63  }
0xfd: {  	_ =	swait.ge [sflag:s23], $0x4000  }
0xfe: {  	[sflag:s23] =	ssyncset.done $0x0  }
0xff: {  	s24 =	simm.s32 $0x600;
	[sflag:s23] =	ssyncadd.s32 $0xFFFFC000  }
0x100: {  	[tilespmem:s15], [sflag:$0x6] =	stream.indirect.gather [spmem:s2], $0x80, s24, s14, $0xb8;
	[tilespmem:$0x1CFA0] =	vst v63  }
0x101: {  	_ =	swait.ge [sflag:s12], $0x4000  }
0x102: {  	[sflag:s12] =	ssyncset.done $0x0  }
0x103: {  	s0 =	simm.s32 @p1 $0xE;
	[sflag:s12] =	ssyncadd.s32 $0xFFFFC000  }
0x104: {  	_ =	swait.ge @p1 [sflag:s0], $0x1000  }
0x105: {  	[sflag:s0] =	ssyncset.done @p1 $0x0;
	s31 =	sld [smem:$0x7E2]  }
0x106: {  	s6 =	simm.s32 @!p1 $0xCC80;
	s5 =	rddreg [dreg:$0x1d];
	[sflag:s0] =	ssyncadd.s32 @p1 $0xFFFFF000  }
0x107: {  	[hbm4b:s5+s28] =	stream.linear.scatter @!p1 [tilespmem:s6], [sflag:$0xB], $0x4000, $0x38;
	[tilespmem:$0x1CFA0] =	vst v63  }
0x108: {  	p2 =	seq.s32 s31, $0x1  }
0x109: {  	s24 =	simm.s32 @!p1 $0xE;
	s0 =	simm.s32 @!p2 $0x0;
	s1 =	simm.s32 @!p2 $0xCC80  }
0x10a: {  	[hbm4b:s5+s0] =	stream.linear.scatter @!p2 [tilespmem:s1], [sflag:$0xB], $0x1000, $0x38;
	[tilespmem:$0x1CFA0] =	vst v63  }
0x10b: {  	_ =	swait.ge @!p1 [sflag:s24], $0x4000  }
0x10c: {  	[sflag:s24] =	ssyncset.done @!p1 $0x0  }
0x10d: {  	s1 =	simm.s32 $0x680;
	[sflag:s24] =	ssyncadd.s32 @!p1 $0xFFFFC000  }
0x10e: {  	[tilespmem:s17], [sflag:$0x7] =	stream.indirect.gather [spmem:s2], $0x80, s1, s14, $0xb8;
	[tilespmem:$0x1CFA0] =	vst v63  }
0x10f: {  	_ =	swait.ge [sflag:s4], $0x4000  }
0x110: {  	[sflag:s4] =	ssyncset.done $0x0;
	s5 =	sld [smem:$0x7E4]  }
0x111: {  	s1 =	simm.s32 @!p1 $0x10C80;
	s9 =	rddreg [dreg:$0x1e];
	[sflag:s4] =	ssyncadd.s32 $0xFFFFC000  }
0x112: {  	[hbm4b:s9+s28] =	stream.linear.scatter @!p1 [tilespmem:s1], [sflag:$0xC], $0x4000, $0x38;
	[tilespmem:$0x1CFA0] =	vst v63  }
0x113: {  	s22 =	sld [smem:$0x7DD];
	p2 =	seq.s32 s5, $0x1  }
0x114: {  	p3 =	por @!p3 $0x1, $0x1;
	s0 =	simm.s32 @!p2 $0x0;
	s5 =	simm.s32 @!p2 $0x10C80  }
0x115: {  	[hbm4b:s9+s0] =	stream.linear.scatter @!p2 [tilespmem:s5], [sflag:$0xC], $0x1000, $0x38;
	[tilespmem:$0x1CFA0] =	vst v63  }
0x116: {  	s31 =	simm.s32 @!p1 $0x8;
	p4 =	seq.s32 s22, $0x1;
	p2 =	por @!p1 $0x0, $0x0  }
0x117: {  	p5 =	por $0x0, $0x0;
	p3 =	por @!p4 p2, p2;
	_ =	swait.ge @!p1 [sflag:s31], $0x4000  }
0x118: {  	p5 =	por @!p1 p3, p3;
	[sflag:s31] =	ssyncset.done @!p1 $0x0  }
0x119: {  	[sflag:s31] =	ssyncadd.s32 @!p1 $0xFFFFC000;
	s0 =	simm.s32 @p5 $0x8  }
0x11a: {  	_ =	swait.ge @p5 [sflag:s0], $0x1000  }
0x11b: {  	[sflag:s0] =	ssyncset.done @p5 $0x0  }
0x11c: {  	s23 =	simm.s32 $0x700;
	[sflag:s0] =	ssyncadd.s32 @p5 $0xFFFFF000  }
0x11d: {  	[tilespmem:s16], [sflag:$0x1] =	stream.indirect.gather [spmem:s2], $0x80, s23, s14, $0xb8;
	[tilespmem:$0x1CFA0] =	vst v63  }
0x11e: {  	_ =	swait.ge [sflag:s13], $0x4000  }
0x11f: {  	[sflag:s13] =	ssyncset.done $0x0;
	s5 =	sld [smem:$0x7E6]  }
0x120: {  	s22 =	simm.s32 @!p1 $0x14C80;
	s9 =	rddreg [dreg:$0x1f];
	[sflag:s13] =	ssyncadd.s32 $0xFFFFC000  }
0x121: {  	[hbm4b:s9+s28] =	stream.linear.scatter @!p1 [tilespmem:s22], [sflag:$0xD], $0x4000, $0x38;
	[tilespmem:$0x1CFA0] =	vst v63  }
0x122: {  	s23 =	sld [smem:$0x7DF];
	p3 =	seq.s32 s5, $0x1  }
0x123: {  	s0 =	simm.s32 @!p3 $0x0;
	s5 =	simm.s32 @!p3 $0x14C80  }
0x124: {  	[hbm4b:s9+s0] =	stream.linear.scatter @!p3 [tilespmem:s5], [sflag:$0xD], $0x1000, $0x38;
	[tilespmem:$0x1CFA0] =	vst v63  }
0x125: {  	p4 =	seq.s32 s23, $0x1;
	p3 =	por @!p6 $0x1, $0x1;
	s0 =	simm.s32 @!p1 $0x9  }
0x126: {  	p5 =	por $0x0, $0x0;
	p3 =	por @!p4 p2, p2;
	_ =	swait.ge @!p1 [sflag:s0], $0x4000  }
0x127: {  	p5 =	por @!p1 p3, p3;
	[sflag:s0] =	ssyncset.done @!p1 $0x0  }
0x128: {  	[sflag:s0] =	ssyncadd.s32 @!p1 $0xFFFFC000;
	s5 =	simm.s32 @p5 $0x9  }
0x129: {  	_ =	swait.ge @p5 [sflag:s5], $0x1000  }
0x12a: {  	[sflag:s5] =	ssyncset.done @p5 $0x0  }
0x12b: {  	s21 =	simm.s32 $0x4C80;
	s9 =	simm.s32 $0x780;
	[sflag:s5] =	ssyncadd.s32 @p5 $0xFFFFF000  }
0x12c: {  	[tilespmem:s21], [sflag:$0x2] =	stream.indirect.gather [spmem:s2], $0x80, s9, s14, $0xb8;
	[tilespmem:$0x1CFA0] =	vst v63  }
0x12d: {  	_ =	swait.ge [sflag:s26], $0x4000  }
0x12e: {  	s5 =	rddreg [dreg:$0xe]  }
0x12f: {  	s9 =	sld [smem:$0x7F2]  }
0x130: {  	[sflag:s26] =	ssyncset.done $0x0;
	p3 =	sgt.u32 @!p1 s5, $0x7E  }
0x131: {  	s21 =	sld [smem:$0x7E1];
	[sflag:s26] =	ssyncadd.s32 $0xFFFFC000;
	p3 =	por p3, p1  }
0x132: {  	[hbm4b:s9+s28] =	stream.linear.scatter @!p1 [tilespmem:s30], [sflag:$0xE], $0x4000, $0x38;
	[tilespmem:$0x1CFA0] =	vst v63  }
0x133: {  	s5 =	simm.s32 @!p3 $0x0;
	s23 =	simm.s32 @!p3 $0x18C80  }
0x134: {  	[hbm4b:s9+s5] =	stream.linear.scatter @!p3 [tilespmem:s23], [sflag:$0xE], $0x1000, $0x38;
	[tilespmem:$0x1CFA0] =	vst v63  }
0x135: {  	p3 =	por @!p0 $0x1, $0x1;
	s23 =	simm.s32 @!p1 $0xA;
	p0 =	seq.s32 s21, $0x1  }
0x136: {  	p3 =	por @!p0 p2, p2;
	p2 =	por $0x0, $0x0;
	_ =	swait.ge @!p1 [sflag:s23], $0x4000  }
0x137: {  	p2 =	por @!p1 p3, p3;
	[sflag:s23] =	ssyncset.done @!p1 $0x0  }
0x138: {  	[sflag:s23] =	ssyncadd.s32 @!p1 $0xFFFFC000;
	s5 =	simm.s32 @p2 $0xA  }
0x139: {  	_ =	swait.ge @p2 [sflag:s5], $0x1000  }
0x13a: {  	[sflag:s5] =	ssyncset.done @p2 $0x0  }
0x13b: {  	s19 =	simm.s32 $0x8C80;
	s9 =	simm.s32 $0x800;
	[sflag:s5] =	ssyncadd.s32 @p2 $0xFFFFF000  }
0x13c: {  	[tilespmem:s19], [sflag:$0x3] =	stream.indirect.gather [spmem:s2], $0x80, s9, s14, $0xb8;
	[tilespmem:$0x1CFA0] =	vst v63  }
0x13d: {  	_ =	swait.ge [sflag:s18], $0x4000  }
0x13e: {  	s5 =	rddreg [dreg:$0xf]  }
0x13f: {  	s21 =	sld [smem:$0x7F3]  }
0x140: {  	[sflag:s18] =	ssyncset.done $0x0;
	p2 =	sgt.u32 @!p1 s5, $0x7E  }
0x141: {  	[sflag:s18] =	ssyncadd.s32 $0xFFFFC000;
	s5 =	simm.s32 @!p1 $0xC80;
	p2 =	por p2, p1  }
0x142: {  	[hbm4b:s21+s28] =	stream.linear.scatter @!p1 [tilespmem:s5], [sflag:$0x8], $0x4000, $0x38;
	[tilespmem:$0x1CFA0] =	vst v63  }
0x143: {  	s5 =	simm.s32 @!p2 $0x0;
	s9 =	simm.s32 @!p2 $0xC80  }
0x144: {  	[hbm4b:s21+s5] =	stream.linear.scatter @!p2 [tilespmem:s9], [sflag:$0x8], $0x1000, $0x38;
	[tilespmem:$0x1CFA0] =	vst v63  }
0x145: {  	s5 =	simm.s32 @!p1 $0xB  }
0x146: {  	_ =	swait.ge @!p1 [sflag:s5], $0x4000  }
0x147: {  	s21 =	sld [smem:$0x7DB];
	_ =	sdelay $0x2  }
0x148: {  	p2 =	por @p1 $0x0, $0x0;
	p3 =	seq.s32 s21, $0x1  }
0x149: {  	[sflag:s5] =	ssyncset.done @!p1 $0x0;
	p2 =	por @!p1 p3, p3  }
0x14a: {  	[sflag:s5] =	ssyncadd.s32 @!p1 $0xFFFFC000;
	s9 =	simm.s32 @p2 $0xB  }
0x14b: {  	_ =	swait.ge @p2 [sflag:s9], $0x1000  }
0x14c: {  	[sflag:s9] =	ssyncset.done @p2 $0x0  }
0x14d: {  	s21 =	simm.s32 $0x880;
	[sflag:s9] =	ssyncadd.s32 @p2 $0xFFFFF000  }
0x14e: {  	[tilespmem:s3], [sflag:$0x4] =	stream.indirect.gather [spmem:s2], $0x80, s21, s14, $0xb8;
	[tilespmem:$0x1CFA0] =	vst v63  }
0x14f: {  	_ =	swait.ge [sflag:s20], $0x4000  }
0x150: {  	s9 =	rddreg [dreg:$0x10]  }
0x151: {  	s21 =	sld [smem:$0x7F4]  }
0x152: {  	[sflag:s20] =	ssyncset.done $0x0;
	p2 =	sgt.u32 @!p1 s9, $0x7E  }
0x153: {  	[sflag:s20] =	ssyncadd.s32 $0xFFFFC000;
	p2 =	por p2, p1  }
0x154: {  	[hbm4b:s21+s28] =	stream.linear.scatter @!p1 [tilespmem:s8], [sflag:$0x9], $0x4000, $0x38;
	[tilespmem:$0x1CFA0] =	vst v63  }
0x155: {  	s8 =	simm.s32 @!p2 $0x0;
	s9 =	simm.s32 @!p2 $0x4C80  }
0x156: {  	[hbm4b:s21+s8] =	stream.linear.scatter @!p2 [tilespmem:s9], [sflag:$0x9], $0x1000, $0x38;
	[tilespmem:$0x1CFA0] =	vst v63  }
0x157: {  	s8 =	simm.s32 @!p1 $0xC  }
0x158: {  	_ =	swait.ge @!p1 [sflag:s8], $0x4000  }
0x159: {  	s9 =	sld [smem:$0x7D9];
	_ =	sdelay $0x2  }
0x15a: {  	[sflag:s8] =	ssyncset.done @!p1 $0x0;
	p2 =	seq.s32 s9, $0x1  }
0x15b: {  	[sflag:s8] =	ssyncadd.s32 @!p1 $0xFFFFC000;
	s8 =	simm.s32 @p2 $0xC  }
0x15c: {  	_ =	swait.ge @p2 [sflag:s8], $0x1000  }
0x15d: {  	[sflag:s8] =	ssyncset.done @p2 $0x0  }
0x15e: {  	s21 =	simm.s32 $0x900;
	[sflag:s8] =	ssyncadd.s32 @p2 $0xFFFFF000  }
0x15f: {  	[tilespmem:s11], [sflag:$0x5] =	stream.indirect.gather [spmem:s2], $0x80, s21, s14, $0xb8;
	[tilespmem:$0x1CFA0] =	vst v63  }
0x160: {  	_ =	swait.ge [sflag:s10], $0x4000  }
0x161: {  	s8 =	rddreg [dreg:$0x11]  }
0x162: {  	s9 =	sld [smem:$0x7F5]  }
0x163: {  	[sflag:s10] =	ssyncset.done $0x0;
	p2 =	sgt.u32 @!p1 s8, $0x7E  }
0x164: {  	[sflag:s10] =	ssyncadd.s32 $0xFFFFC000;
	p2 =	por p2, p1  }
0x165: {  	[hbm4b:s9+s28] =	stream.linear.scatter @!p1 [tilespmem:s7], [sflag:$0xA], $0x4000, $0x38;
	[tilespmem:$0x1CFA0] =	vst v63  }
0x166: {  	s7 =	simm.s32 @!p2 $0x0;
	s8 =	simm.s32 @!p2 $0x8C80  }
0x167: {  	[hbm4b:s9+s7] =	stream.linear.scatter @!p2 [tilespmem:s8], [sflag:$0xA], $0x1000, $0x38;
	[tilespmem:$0x1CFA0] =	vst v63  }
0x168: {  	s7 =	simm.s32 @!p1 $0xD  }
0x169: {  	_ =	swait.ge @!p1 [sflag:s7], $0x4000  }
0x16a: {  	s8 =	sld [smem:$0x7DA];
	_ =	sdelay $0x2  }
0x16b: {  	[sflag:s7] =	ssyncset.done @!p1 $0x0;
	p2 =	seq.s32 s8, $0x1  }
0x16c: {  	[sflag:s7] =	ssyncadd.s32 @!p1 $0xFFFFC000;
	s7 =	simm.s32 @p2 $0xD  }
0x16d: {  	_ =	swait.ge @p2 [sflag:s7], $0x1000  }
0x16e: {  	[sflag:s7] =	ssyncset.done @p2 $0x0  }
0x16f: {  	s9 =	simm.s32 $0x980;
	[sflag:s7] =	ssyncadd.s32 @p2 $0xFFFFF000  }
0x170: {  	[tilespmem:s15], [sflag:$0x6] =	stream.indirect.gather [spmem:s2], $0x80, s9, s14, $0xb8;
	[tilespmem:$0x1CFA0] =	vst v63  }
0x171: {  	_ =	swait.ge [sflag:s12], $0x4000  }
0x172: {  	s7 =	rddreg [dreg:$0x12]  }
0x173: {  	s8 =	sld [smem:$0x7F6]  }
0x174: {  	[sflag:s12] =	ssyncset.done $0x0;
	p2 =	sgt.u32 @!p1 s7, $0x7E  }
0x175: {  	[sflag:s12] =	ssyncadd.s32 $0xFFFFC000;
	p2 =	por p2, p1  }
0x176: {  	[hbm4b:s8+s28] =	stream.linear.scatter @!p1 [tilespmem:s6], [sflag:$0xB], $0x4000, $0x38;
	[tilespmem:$0x1CFA0] =	vst v63  }
0x177: {  	s6 =	simm.s32 @!p2 $0x0;
	s7 =	simm.s32 @!p2 $0xCC80  }
0x178: {  	[hbm4b:s8+s6] =	stream.linear.scatter @!p2 [tilespmem:s7], [sflag:$0xB], $0x1000, $0x38;
	[tilespmem:$0x1CFA0] =	vst v63  }
0x179: {  	_ =	swait.ge @!p1 [sflag:s24], $0x4000  }
0x17a: {  	s21 =	sld [smem:$0x7E7];
	_ =	sdelay $0x2  }
0x17b: {  	p2 =	por $0x0, $0x0;
	p0 =	seq.s32 s21, $0x1  }
0x17c: {  	[sflag:s24] =	ssyncset.done @!p1 $0x0;
	p2 =	por @!p1 p0, p0  }
0x17d: {  	[sflag:s24] =	ssyncadd.s32 @!p1 $0xFFFFC000;
	s6 =	simm.s32 @p2 $0xE  }
0x17e: {  	_ =	swait.ge @p2 [sflag:s6], $0x1000  }
0x17f: {  	[sflag:s6] =	ssyncset.done @p2 $0x0  }
0x180: {  	s24 =	simm.s32 $0xA00;
	[sflag:s6] =	ssyncadd.s32 @p2 $0xFFFFF000  }
0x181: {  	[tilespmem:s17], [sflag:$0x7] =	stream.indirect.gather [spmem:s2], $0x80, s24, s14, $0xb8;
	[tilespmem:$0x1CFA0] =	vst v63  }
0x182: {  	_ =	swait.ge [sflag:s4], $0x4000  }
0x183: {  	s6 =	rddreg [dreg:$0x13]  }
0x184: {  	s7 =	sld [smem:$0x7F7]  }
0x185: {  	[sflag:s4] =	ssyncset.done $0x0;
	p2 =	sgt.u32 @!p1 s6, $0x7E  }
0x186: {  	[sflag:s4] =	ssyncadd.s32 $0xFFFFC000;
	p2 =	por p2, p1  }
0x187: {  	[hbm4b:s7+s28] =	stream.linear.scatter @!p1 [tilespmem:s1], [sflag:$0xC], $0x4000, $0x38;
	[tilespmem:$0x1CFA0] =	vst v63  }
0x188: {  	s1 =	simm.s32 @!p2 $0x0;
	s6 =	simm.s32 @!p2 $0x10C80  }
0x189: {  	[hbm4b:s7+s1] =	stream.linear.scatter @!p2 [tilespmem:s6], [sflag:$0xC], $0x1000, $0x38;
	[tilespmem:$0x1CFA0] =	vst v63  }
0x18a: {  	_ =	swait.ge @!p1 [sflag:s31], $0x4000  }
0x18b: {  	s6 =	sld [smem:$0x7E8];
	_ =	sdelay $0x2  }
0x18c: {  	p2 =	por $0x0, $0x0;
	p0 =	seq.s32 s6, $0x1  }
0x18d: {  	[sflag:s31] =	ssyncset.done @!p1 $0x0;
	p2 =	por @!p1 p0, p0  }
0x18e: {  	[sflag:s31] =	ssyncadd.s32 @!p1 $0xFFFFC000;
	s1 =	simm.s32 @p2 $0x8  }
0x18f: {  	_ =	swait.ge @p2 [sflag:s1], $0x1000  }
0x190: {  	[sflag:s1] =	ssyncset.done @p2 $0x0  }
0x191: {  	s7 =	simm.s32 $0xA80;
	[sflag:s1] =	ssyncadd.s32 @p2 $0xFFFFF000  }
0x192: {  	[tilespmem:s16], [sflag:$0x1] =	stream.indirect.gather [spmem:s2], $0x80, s7, s14, $0xb8;
	[tilespmem:$0x1CFA0] =	vst v63  }
0x193: {  	_ =	swait.ge [sflag:s13], $0x4000  }
0x194: {  	s1 =	rddreg [dreg:$0x14]  }
0x195: {  	s7 =	sld [smem:$0x7F8]  }
0x196: {  	[sflag:s13] =	ssyncset.done $0x0;
	p2 =	sgt.u32 @!p1 s1, $0x7E  }
0x197: {  	[sflag:s13] =	ssyncadd.s32 $0xFFFFC000;
	p2 =	por p2, p1  }
0x198: {  	[hbm4b:s7+s28] =	stream.linear.scatter @!p1 [tilespmem:s22], [sflag:$0xD], $0x4000, $0x38;
	[tilespmem:$0x1CFA0] =	vst v63  }
0x199: {  	s1 =	simm.s32 @!p2 $0x0;
	s6 =	simm.s32 @!p2 $0x14C80  }
0x19a: {  	[hbm4b:s7+s1] =	stream.linear.scatter @!p2 [tilespmem:s6], [sflag:$0xD], $0x1000, $0x38;
	[tilespmem:$0x1CFA0] =	vst v63  }
0x19b: {  	_ =	swait.ge @!p1 [sflag:s0], $0x4000  }
0x19c: {  	s9 =	sld [smem:$0x7E9];
	_ =	sdelay $0x2  }
0x19d: {  	p2 =	por $0x0, $0x0;
	p0 =	seq.s32 s9, $0x1  }
0x19e: {  	[sflag:s0] =	ssyncset.done @!p1 $0x0;
	p2 =	por @!p1 p0, p0  }
0x19f: {  	[sflag:s0] =	ssyncadd.s32 @!p1 $0xFFFFC000;
	s0 =	simm.s32 @p2 $0x9  }
0x1a0: {  	_ =	swait.ge @p2 [sflag:s0], $0x1000  }
0x1a1: {  	[sflag:s0] =	ssyncset.done @p2 $0x0  }
0x1a2: {  	s21 =	simm.s32 $0xB00;
	s7 =	simm.s32 $0x4C80;
	[sflag:s0] =	ssyncadd.s32 @p2 $0xFFFFF000  }
0x1a3: {  	[tilespmem:s7], [sflag:$0x2] =	stream.indirect.gather [spmem:s2], $0x80, s21, s14, $0xb8;
	[tilespmem:$0x1CFA0] =	vst v63  }
0x1a4: {  	_ =	swait.ge [sflag:s26], $0x4000  }
0x1a5: {  	s0 =	rddreg [dreg:$0x15]  }
0x1a6: {  	s6 =	sld [smem:$0x7F9]  }
0x1a7: {  	[sflag:s26] =	ssyncset.done $0x0;
	p2 =	sgt.u32 @!p1 s0, $0x7E  }
0x1a8: {  	[sflag:s26] =	ssyncadd.s32 $0xFFFFC000;
	p2 =	por p2, p1  }
0x1a9: {  	[hbm4b:s6+s28] =	stream.linear.scatter @!p1 [tilespmem:s30], [sflag:$0xE], $0x4000, $0x38;
	[tilespmem:$0x1CFA0] =	vst v63  }
0x1aa: {  	s0 =	simm.s32 @!p2 $0x0;
	s1 =	simm.s32 @!p2 $0x18C80  }
0x1ab: {  	[hbm4b:s6+s0] =	stream.linear.scatter @!p2 [tilespmem:s1], [sflag:$0xE], $0x1000, $0x38;
	[tilespmem:$0x1CFA0] =	vst v63  }
0x1ac: {  	_ =	swait.ge @!p1 [sflag:s23], $0x4000  }
0x1ad: {  	s22 =	sld [smem:$0x7EA];
	_ =	sdelay $0x2  }
0x1ae: {  	p2 =	por $0x0, $0x0;
	p0 =	seq.s32 s22, $0x1  }
0x1af: {  	[sflag:s23] =	ssyncset.done @!p1 $0x0;
	p2 =	por @!p1 p0, p0  }
0x1b0: {  	[sflag:s23] =	ssyncadd.s32 @!p1 $0xFFFFC000;
	s0 =	simm.s32 @p2 $0xA  }
0x1b1: {  	_ =	swait.ge @p2 [sflag:s0], $0x1000  }
0x1b2: {  	[sflag:s0] =	ssyncset.done @p2 $0x0  }
0x1b3: {  	s8 =	simm.s32 $0x8C80;
	s24 =	simm.s32 $0xB80;
	[sflag:s0] =	ssyncadd.s32 @p2 $0xFFFFF000  }
0x1b4: {  	[tilespmem:s8], [sflag:$0x3] =	stream.indirect.gather [spmem:s2], $0x80, s24, s14, $0xb8;
	[tilespmem:$0x1CFA0] =	vst v63  }
0x1b5: {  	_ =	swait.ge [sflag:s18], $0x4000  }
0x1b6: {  	s0 =	rddreg [dreg:$0x16]  }
0x1b7: {  	s6 =	sld [smem:$0x7FA]  }
0x1b8: {  	[sflag:s18] =	ssyncset.done $0x0;
	p2 =	sgt.u32 @!p1 s0, $0x7E  }
0x1b9: {  	s19 =	simm.s32 @!p1 $0xC80;
	[sflag:s18] =	ssyncadd.s32 $0xFFFFC000;
	p2 =	por p2, p1  }
0x1ba: {  	[hbm4b:s6+s28] =	stream.linear.scatter @!p1 [tilespmem:s19], [sflag:$0x8], $0x4000, $0x38;
	[tilespmem:$0x1CFA0] =	vst v63  }
0x1bb: {  	s0 =	simm.s32 @!p2 $0x0;
	s1 =	simm.s32 @!p2 $0xC80  }
0x1bc: {  	[hbm4b:s6+s0] =	stream.linear.scatter @!p2 [tilespmem:s1], [sflag:$0x8], $0x1000, $0x38;
	[tilespmem:$0x1CFA0] =	vst v63  }
0x1bd: {  	_ =	swait.ge @!p1 [sflag:s5], $0x4000  }
0x1be: {  	s30 =	sld [smem:$0x7EB];
	_ =	sdelay $0x2  }
0x1bf: {  	p2 =	por $0x0, $0x0;
	p0 =	seq.s32 s30, $0x1  }
0x1c0: {  	[sflag:s5] =	ssyncset.done @!p1 $0x0;
	p2 =	por @!p1 p0, p0  }
0x1c1: {  	[sflag:s5] =	ssyncadd.s32 @!p1 $0xFFFFC000;
	s0 =	simm.s32 @p2 $0xB  }
0x1c2: {  	_ =	swait.ge @p2 [sflag:s0], $0x1000  }
0x1c3: {  	[sflag:s0] =	ssyncset.done @p2 $0x0  }
.Ltmp2:
0x1c4: {  	s31 =	simm.s32 $0xC00;
	[sflag:s0] =	ssyncadd.s32 @p2 $0xFFFFF000;
	(pc) =	sbr.rel @!p1 .LBB2_2-.Ltmp2, $4  }
0x1c5: {  	[tilespmem:s3], [sflag:$0x4] =	stream.indirect.gather [spmem:s2], $0x80, s31, s14, $0xb8;
	[tilespmem:$0x1CFA0] =	vst v63  }
0x1c6: {  	_ =	swait.ge [sflag:s20], $0x4000  }
0x1c7: {  	[sflag:s20] =	ssyncset.done $0x0  }
0x1c8: {  	s6 =	simm.s32 $0xCC80;
	[sflag:s20] =	ssyncadd.s32 $0xFFFFC000  }
.Ltmp3:
0x1c9: {  	(pc) =	sbr.rel .LBB2_3-.Ltmp3, $4  }
0x1ca: {  	_ = 	snop  }
0x1cb: {  	_ =	swait.ge [sflag:s10], $0x4000  }
0x1cc: {  	p3 =	por $0x0, $0x0;
	s0 =	simm.s32 $0x4;
	[sflag:s10] =	ssyncset.done $0x0  }
0x1cd: {  	p5 =	por $0x0, $0x0;
	p2 =	por $0x0, $0x0;
	[sflag:s10] =	ssyncadd.s32 $0xFFFFC000  }
.LBB2_4:
0x1ce: {  	_ =	sfence.sel $0x180000  }
0x1cf: {  	[bflag:$0x0] =	sbarrier.arrive $0xFFFF  }
0x1d0: {  	_ =	strace $0x90000047  }
0x1d1: {  	[bflag:$0x2] =	sbarrier.arrive $0xFFFF  }
0x1d2: {  	s1 =	sld [smem:$0x7D8];
	_ =	sdelay $0x2  }
0x1d3: {  	s0 =	rddreg [dreg:$0x4];
	p0 =	seq.s32 s1, $0x1  }
0x1d4: {  	s0 =	sadd.s32 @!p0 $0x100000, s0  }
0x1d5: {  	[sflag:s0] =	ssyncadd.tile.s32 @!p0 $0x1;
	_ =	shalt  }
.Lfunc_end2:
_tile_overlayer_lowered:
.L_overlay_start_2:
0x1d6: {  	(tag) =	ssettag $0x2  }
0x1d7: {  	s0 =	rddreg [dreg:$0x0];
	s2 =	stileid.u32  }
0x1d8: {  	s1 =	rddreg [dreg:$0x1];
	p0 =	sne.s32 s2, $0x0  }
0x1d9: {  	s3 =	rddreg [dreg:$0x2];
	[bflag:$0x3] =	sbarrier.arrive $0xFFFF;
	s2 =	simm.s32 @!p0 $0x1C0F  }
0x1da: {  	[timem:s3], [sflag:s2] =	dma.local @!p0 [hbm:s0], s1  }
0x1db: {  	s0 =	simm.s32 @!p0 $0xF  }
0x1dc: {  	_ =	swait.ge @!p0 [sflag:s0], s1  }
0x1dd: {  	s1 =	ssub.s32 @!p0 $0x0, s1;
	[sflag:s0] =	ssyncset.done @!p0 $0x0  }
0x1de: {  	[sflag:s0] =	ssyncadd.s32 @!p0 s1  }
0x1df: {  	[bflag:$0x3] =	sbarrier.arrive $0xFFFF  }
0x1e0: {  	_ =	shalt  }

</sc_bundles>
